<compile_context>
chip_gen: v7x
topology: tpu7x:2x2x1
jax: 0.10.2.dev20260603
libtpu: 0.0.44.dev20260713+nightly
codegen_flags: <defaults>
</compile_context>

<pallas_src>
import functools

import jax
import jax.numpy as jnp
from jax import lax
from jax.experimental import pallas as pl
from jax.experimental.pallas import tpu as pltpu
from jax.experimental.pallas import tpu_sc as plsc

_ROWS = 64
_COLS = 32768
_N = _ROWS * _COLS
_K = max(50, _N // 100)

_NW = 32
_B = 2048
_B2 = _B + 16
_RB = 8
_CB = 8192
_MASK31 = 0x7FFFFFFF

_mesh = plsc.VectorSubcoreMesh(
    core_axis_name="c", subcore_axis_name="s", num_cores=2, num_subcores=16
)


def _to_key(v):
    s = lax.bitcast_convert_type(v, jnp.int32)
    return jnp.where(s < 0, s ^ jnp.int32(_MASK31), s)


@functools.partial(
    pl.kernel,
    mesh=_mesh,
    out_type=jax.ShapeDtypeStruct((2, _B), jnp.int32),
    scratch_types=[
        pltpu.VMEM((2, _CB), jnp.float32),
        pltpu.VMEM((2, _CB), jnp.float32),
        pltpu.VMEM((16 * _B,), jnp.int32),
        pltpu.VMEM((_B,), jnp.int32),
        pltpu.VMEM((16, 128), jnp.int32),
        pltpu.VMEM((128,), jnp.int32),
        pltpu.VMEM_SHARED((16, _B), jnp.int32),
        pltpu.SemaphoreType.DMA,
        pltpu.SemaphoreType.DMA,
    ],
    compiler_params=pltpu.CompilerParams(needs_layout_passes=False),
)
def _sc_hist1(data_hbm, out_h1, buf0, buf1, hist2d, hist, tmp, seg, shared,
              sem0, sem1):
    scid = lax.axis_index("c")
    sid = lax.axis_index("s")
    wid = scid * 16 + sid
    rb = wid // 4
    cb = wid % 4
    bufs = (buf0, buf1)
    sems = (sem0, sem1)

    def _start(q, buf, sem):
        return pltpu.async_copy(
            data_hbm.at[pl.ds(rb * _RB + q * 2, 2), pl.ds(cb * _CB, _CB)],
            buf,
            sem,
        )

    cp0 = _start(0, buf0, sem0)

    zero16 = jnp.zeros((16,), jnp.int32)
    ones16 = jnp.ones((16,), jnp.int32)
    lane_base = lax.iota(jnp.int32, 16) * _B + jnp.int32(1024)

    @plsc.parallel_loop(0, 16 * _B // 16, unroll=8)
    def _(i):
        hist2d[pl.ds(i * 16, 16)] = zero16

    cps = [cp0, None]
    for q in range(4):
        if q < 3:
            cps[(q + 1) % 2] = _start(q + 1, bufs[(q + 1) % 2], sems[(q + 1) % 2])
        cps[q % 2].wait()
        buf = bufs[q % 2]
        for r in range(2):

            @plsc.parallel_loop(0, _CB // 16, unroll=8)
            def _(i):
                key = _to_key(buf[r, pl.ds(i * 16, 16)])
                b = lax.shift_right_arithmetic(key, 21)
                plsc.addupdate_scatter(hist2d, [lane_base + b], ones16)

    @plsc.parallel_loop(0, _B // 16, unroll=4)
    def _(i):
        acc = hist2d[pl.ds(i * 16, 16)]
        for j in range(1, 16):
            acc = acc + hist2d[pl.ds(j * _B + i * 16, 16)]
        hist[pl.ds(i * 16, 16)] = acc

    pltpu.sync_copy(hist, shared.at[sid])
    plsc.subcore_barrier()
    pltpu.sync_copy(shared.at[:, pl.ds(sid * 128, 128)], tmp)

    @plsc.parallel_loop(0, 8, unroll=4)
    def _(c):
        acc = tmp[0, pl.ds(c * 16, 16)]
        for j in range(1, 16):
            acc = acc + tmp[j, pl.ds(c * 16, 16)]
        seg[pl.ds(c * 16, 16)] = acc

    pltpu.sync_copy(seg, out_h1.at[scid, pl.ds(sid * 128, 128)])


@functools.partial(
    pl.kernel,
    mesh=_mesh,
    out_type=(
        jax.ShapeDtypeStruct((_NW, _B), jnp.int32),
        jax.ShapeDtypeStruct((_NW, _B), jnp.float32),
        jax.ShapeDtypeStruct((_NW, 16), jnp.float32),
    ),
    scratch_types=[
        pltpu.VMEM((2, _CB), jnp.float32),
        pltpu.VMEM((2, _CB), jnp.float32),
        pltpu.VMEM((16 * _B2,), jnp.int32),
        pltpu.VMEM((16 * _B2,), jnp.float32),
        pltpu.VMEM((_B,), jnp.int32),
        pltpu.VMEM((_B,), jnp.float32),
        pltpu.VMEM((2, _B), jnp.int32),
        pltpu.VMEM((16,), jnp.float32),
        pltpu.SemaphoreType.DMA,
        pltpu.SemaphoreType.DMA,
    ],
    compiler_params=pltpu.CompilerParams(needs_layout_passes=False),
)
def _sc_hist2(data_hbm, h1_hbm, out_ch, out_sh, out_sacc,
              buf0, buf1, hist2d, histf2d, hist, histf, h1v, svec,
              sem0, sem1):
    scid = lax.axis_index("c")
    sid = lax.axis_index("s")
    wid = scid * 16 + sid
    rb = wid // 4
    cb = wid % 4
    bufs = (buf0, buf1)
    sems = (sem0, sem1)

    def _start(q, buf, sem):
        return pltpu.async_copy(
            data_hbm.at[pl.ds(rb * _RB + q * 2, 2), pl.ds(cb * _CB, _CB)],
            buf,
            sem,
        )

    cp0 = _start(0, buf0, sem0)
    pltpu.sync_copy(h1_hbm, h1v)

    zero16 = jnp.zeros((16,), jnp.int32)
    zero16f = jnp.zeros((16,), jnp.float32)
    ones16 = jnp.ones((16,), jnp.int32)
    lane_base = lax.iota(jnp.int32, 16) * _B2

    @plsc.parallel_loop(0, 16 * _B2 // 16, unroll=8)
    def _(i):
        hist2d[pl.ds(i * 16, 16)] = zero16
        histf2d[pl.ds(i * 16, 16)] = zero16f

    def scan_step(i, st):
        cstar, sprime, run = st
        c = 127 - i
        chunk = h1v[0, pl.ds(c * 16, 16)] + h1v[1, pl.ds(c * 16, 16)]
        t = lax.reduce_sum_p.bind(chunk, axes=(0,))
        run2 = run + t
        found = jnp.logical_and(run2 >= _K, cstar < 0)
        cstar = jnp.where(found, c, cstar)
        sprime = jnp.where(found, run, sprime)
        return cstar, sprime, run2

    cstar, sprime, _ = lax.fori_loop(
        0, 128, scan_step, (jnp.int32(-1), jnp.int32(0), jnp.int32(0))
    )
    chunk = (
        h1v[0, pl.ds(cstar * 16, 16)] + h1v[1, pl.ds(cstar * 16, 16)]
    )
    cs = plsc.cumsum(lax.rev(chunk, (0,)))
    istar = plsc.all_reduce_ffs(cs + sprime >= _K)
    b1v = cstar * 16 + 15 - istar - jnp.int32(1024)

    cps = [cp0, None]
    for q in range(4):
        if q < 3:
            cps[(q + 1) % 2] = _start(q + 1, bufs[(q + 1) % 2], sems[(q + 1) % 2])
        cps[q % 2].wait()
        buf = bufs[q % 2]
        for r in range(2):

            @plsc.parallel_loop(0, _CB // 16, unroll=8)
            def _(i):
                v = buf[r, pl.ds(i * 16, 16)]
                key = _to_key(v)
                bsig = lax.shift_right_arithmetic(key, 21)
                keep = bsig >= b1v
                inb = bsig == b1v
                b2 = lax.shift_right_arithmetic(key, 10) & jnp.int32(0x7FF)
                idx = lane_base + jnp.where(inb, b2, jnp.int32(_B))
                plsc.addupdate_scatter(hist2d, [idx], ones16, mask=keep)
                plsc.addupdate_scatter(histf2d, [idx], v, mask=keep)

    svec[...] = plsc.load_gather(
        histf2d, [lax.iota(jnp.int32, 16) * _B2 + jnp.int32(_B)]
    )

    @plsc.parallel_loop(0, _B // 16, unroll=4)
    def _(i):
        acc = hist2d[pl.ds(i * 16, 16)]
        accf = histf2d[pl.ds(i * 16, 16)]
        for j in range(1, 16):
            acc = acc + hist2d[pl.ds(j * _B2 + i * 16, 16)]
            accf = accf + histf2d[pl.ds(j * _B2 + i * 16, 16)]
        hist[pl.ds(i * 16, 16)] = acc
        histf[pl.ds(i * 16, 16)] = accf

    pltpu.sync_copy(hist, out_ch.at[wid])
    pltpu.sync_copy(histf, out_sh.at[wid])
    pltpu.sync_copy(svec, out_sacc.at[wid])


def _bisect_high(h, bid, base_count):
    p = jnp.int32(0)
    for i in range(11):
        q = p + (jnp.int32(1) << (10 - i))
        f = base_count + jnp.sum(jnp.where(bid >= q, h, 0))
        p = jnp.where(f >= _K, q, p)
    return p


def _tc_final_body(h1_ref, ch_ref, sh_ref, sacc_ref, out_ref):
    h1 = jnp.sum(h1_ref[...], axis=0, keepdims=True)
    h = jnp.sum(ch_ref[...], axis=0, keepdims=True)
    f = jnp.sum(sh_ref[...], axis=0, keepdims=True)
    s_above1 = jnp.sum(sacc_ref[...])
    bid = lax.broadcasted_iota(jnp.int32, (1, _B), 1)
    p1 = _bisect_high(h1, bid, jnp.int32(0))
    c_above1 = jnp.sum(jnp.where(bid > p1, h1, 0))
    b1s = p1 - jnp.int32(1024)
    p = _bisect_high(h, bid, c_above1)
    c_above2 = c_above1 + jnp.sum(jnp.where(bid > p, h, 0))
    s_above2 = s_above1 + jnp.sum(jnp.where(bid > p, f, jnp.float32(0.0)))
    key_mid = (b1s * jnp.int32(2048) + p) * jnp.int32(1024) + jnp.int32(512)
    t_bits = jnp.where(key_mid < 0, key_mid ^ jnp.int32(_MASK31), key_mid)
    t = lax.bitcast_convert_type(t_bits, jnp.float32)
    out_ref[0, 0] = s_above2 + (jnp.int32(_K) - c_above2).astype(jnp.float32) * t


def kernel(data):
    h1 = _sc_hist1(data)
    ch2, sh2, sacc = _sc_hist2(data, h1)
    out = pl.pallas_call(
        _tc_final_body,
        out_shape=jax.ShapeDtypeStruct((1, 1), jnp.float32),
        in_specs=[
            pl.BlockSpec(memory_space=pltpu.VMEM),
            pl.BlockSpec(memory_space=pltpu.VMEM),
            pl.BlockSpec(memory_space=pltpu.VMEM),
            pl.BlockSpec(memory_space=pltpu.VMEM),
        ],
        out_specs=pl.BlockSpec(memory_space=pltpu.SMEM),
    )(h1, ch2, sh2, sacc)
    return out[0, 0]

# --- scband reference (transcript-rebuilt; emitter-appended) ---
"""Pipeline reference for scband-yolo-target-68341519614142 (READ-ONLY COPY).

The authoritative reference and input builder live on the scoring server;
editing this copy changes nothing except your own understanding.
"""

import jax, jax.numpy as jnp
import numpy as np


def setup_inputs(seed: int = 0) -> dict:
    key = jax.random.key(seed)
    data = jax.random.normal(key, (64, 32768), dtype=jnp.float32)
    return {"data": data}


def reference(data):
    # Faithful translation of YoloTarget.forward for a single tensor input.
    # k is a static function of the (static) shape, so it is a Python int
    # computed at trace time, matching the torch semantics.
    n = int(np.prod(data.shape))
    k = max(50, int(n * 0.01))
    k = min(k, n)
    flat = data.reshape(-1)
    top_values, _ = jax.lax.top_k(flat, k)
    return jnp.sum(top_values)

if __name__ == "__main__":
    import jax
    _d = setup_inputs()
    print(jax.jit(kernel)(*tuple(_d.values())))

</pallas_src>

<mosaic_0001>
#map = affine_map<(d0, d1) -> (0, 0)>
module attributes {stable_mosaic.version = 14 : i64} {
  func.func @_sc_hist1(%arg0: i32, %arg1: i32, %arg2: memref<64x32768xf32, #tpu.memory_space<hbm>>, %arg3: memref<2x2048xi32, #tpu.memory_space<hbm>>, %arg4: memref<2x8192xf32, #tpu.memory_space<vmem>>, %arg5: memref<2x8192xf32, #tpu.memory_space<vmem>>, %arg6: memref<32768xi32, #tpu.memory_space<vmem>>, %arg7: memref<2048xi32, #tpu.memory_space<vmem>>, %arg8: memref<16x128xi32, #tpu.memory_space<vmem>>, %arg9: memref<128xi32, #tpu.memory_space<vmem>>, %arg10: memref<16x2048xi32, #tpu.memory_space<vmem_shared>>, %arg11: memref<!tpu.dma_semaphore, #tpu.memory_space<semaphore_mem>>, %arg12: memref<!tpu.dma_semaphore, #tpu.memory_space<semaphore_mem>>) attributes {dimension_semantics = [#tpu.dimension_semantics<core_parallel>, #tpu.dimension_semantics<subcore_parallel>], iteration_bounds = array<i64: 2, 16>, scalar_prefetch = 0 : i64, scratch_operands = 9 : i64, tpu.core_type = #tpu.core_type<sc_vector_subcore>, window_params = [{transform_indices = #map}, {transform_indices = #map}]} {
    %mul3A = arith.constant 16 : i32
    %mul3A_0 = arith.muli %arg0, %mul3A : i32
    %add3A = arith.addi %mul3A_0, %arg1 : i32
    %jit3A = arith.constant 4 : i32
    %div3A = arith.divsi %add3A, %jit3A : i32
    %sign3A = arith.constant 0 : i32
    %sign3A_1 = arith.cmpi sgt, %add3A, %sign3A : i32
    %sign3A_2 = arith.extui %sign3A_1 : i1 to i32
    %sign3A_3 = arith.constant 0 : i32
    %sign3A_4 = arith.cmpi slt, %add3A, %sign3A_3 : i32
    %sign3A_5 = arith.extui %sign3A_4 : i1 to i32
    %sign3A_6 = arith.subi %sign3A_2, %sign3A_5 : i32
    %sign3A_7 = arith.constant 0 : i32
    %sign3A_8 = arith.cmpi sgt, %jit3A, %sign3A_7 : i32
    %sign3A_9 = arith.extui %sign3A_8 : i1 to i32
    %sign3A_10 = arith.constant 0 : i32
    %sign3A_11 = arith.cmpi slt, %jit3A, %sign3A_10 : i32
    %sign3A_12 = arith.extui %sign3A_11 : i1 to i32
    %sign3A_13 = arith.subi %sign3A_9, %sign3A_12 : i32
    %ne3A = arith.cmpi ne, %sign3A_6, %sign3A_13 : i32
    %rem3A = arith.remsi %add3A, %jit3A : i32
    %ne3A_14 = arith.constant 0 : i32
    %ne3A_15 = arith.cmpi ne, %rem3A, %ne3A_14 : i32
    %and3A = arith.andi %ne3A, %ne3A_15 : i1
    %sub3A = arith.constant 1 : i32
    %sub3A_16 = arith.subi %div3A, %sub3A : i32
    %select_n3A = arith.select %and3A, %sub3A_16, %div3A : i32
    %jit3A_17 = arith.constant 4 : i32
    %eq3A = arith.constant 0 : i32
    %eq3A_18 = arith.cmpi eq, %jit3A_17, %eq3A : i32
    %jit3A_19 = arith.constant 1 : i32
    %select_n3A_20 = arith.select %eq3A_18, %jit3A_19, %jit3A_17 : i32
    %rem3A_21 = arith.remsi %add3A, %select_n3A_20 : i32
    %ne3A_22 = arith.constant 0 : i32
    %ne3A_23 = arith.cmpi ne, %rem3A_21, %ne3A_22 : i32
    %lt3A = arith.constant 0 : i32
    %lt3A_24 = arith.cmpi slt, %rem3A_21, %lt3A : i32
    %lt3A_25 = arith.constant 0 : i32
    %lt3A_26 = arith.cmpi slt, %select_n3A_20, %lt3A_25 : i32
    %ne3A_27 = arith.xori %lt3A_24, %lt3A_26 : i1
    %and3A_28 = arith.andi %ne3A_27, %ne3A_23 : i1
    %add3A_29 = arith.addi %rem3A_21, %select_n3A_20 : i32
    %select_n3A_30 = arith.select %and3A_28, %add3A_29, %rem3A_21 : i32
    %mul3A_31 = arith.constant 8 : i32
    %mul3A_32 = arith.muli %select_n3A, %mul3A_31 : i32
    %add3A_33 = arith.constant 0 : i32
    %add3A_34 = arith.addi %mul3A_32, %add3A_33 : i32
    %mul3A_35 = arith.constant 8192 : i32
    %mul3A_36 = arith.muli %select_n3A_30, %mul3A_35 : i32
    %dma_start3A = tpu.memref_slice %arg2[%add3A_34, %mul3A_36] : memref<64x32768xf32, #tpu.memory_space<hbm>> -> memref<2x8192xf32, #tpu.memory_space<hbm>>
    %dma_start3A_37 = tpu.memref_slice %arg2[%add3A_34, %mul3A_36] : memref<64x32768xf32, #tpu.memory_space<hbm>> -> memref<2x8192xf32, #tpu.memory_space<hbm>>
    tpu.enqueue_dma source(%dma_start3A_37 : memref<2x8192xf32, #tpu.memory_space<hbm>>) target(%arg4 : memref<2x8192xf32, #tpu.memory_space<vmem>>) target_semaphore(%arg11 : memref<!tpu.dma_semaphore, #tpu.memory_space<semaphore_mem>>)
    %broadcast_in_dim3A = arith.constant 0 : i32
    %broadcast_in_dim3A_38 = vector.broadcast %broadcast_in_dim3A : i32 to vector<16xi32>
    %broadcast_in_dim3A_39 = arith.constant 1 : i32
    %broadcast_in_dim3A_40 = vector.broadcast %broadcast_in_dim3A_39 : i32 to vector<16xi32>
    %iota3A = tpu.iota {dimensions = array<i32: 0>} : vector<16xi32>
    %mul3A_41 = arith.constant 2048 : i32
    %mul3A_42 = vector.broadcast %mul3A_41 : i32 to vector<16xi32>
    %mul3A_43 = arith.muli %iota3A, %mul3A_42 : vector<16xi32>
    %add3A_44 = arith.constant 1024 : i32
    %add3A_45 = vector.broadcast %add3A_44 : i32 to vector<16xi32>
    %add3A_46 = arith.addi %mul3A_43, %add3A_45 : vector<16xi32>
    %parallel_loop3A = arith.constant 0 : i32
    %parallel_loop3A_47 = arith.constant 2048 : i32
    %parallel_loop3A_48 = arith.constant 1 : i32
    scf.for %parallel_loop3A_114 = %parallel_loop3A to %parallel_loop3A_47 step %parallel_loop3A_48  : i32 {
      %parallel_loop3A_115 = arith.constant 16 : i32
      %parallel_loop3A_116 = arith.muli %parallel_loop3A_114, %parallel_loop3A_115 : i32
      %parallel_loop3A_117 = arith.index_cast %parallel_loop3A_116 : i32 to index
      %parallel_loop3A_118 = tpu.vector_load %arg6[%parallel_loop3A_117] {strides = array<i32>} : memref<32768xi32, #tpu.memory_space<vmem>>, vector<16xi32>,
      tpu.vector_store %arg6[%parallel_loop3A_117], %broadcast_in_dim3A_38 {strides = array<i32>} : memref<32768xi32, #tpu.memory_space<vmem>>, vector<16xi32>,
    } {sc.loop_unroll_factor = 8 : i64, sc.parallel_access}
    %mul3A_49 = arith.constant 8 : i32
    %mul3A_50 = arith.muli %select_n3A, %mul3A_49 : i32
    %add3A_51 = arith.constant 2 : i32
    %add3A_52 = arith.addi %mul3A_50, %add3A_51 : i32
    %mul3A_53 = arith.constant 8192 : i32
    %mul3A_54 = arith.muli %select_n3A_30, %mul3A_53 : i32
    %dma_start3A_55 = tpu.memref_slice %arg2[%add3A_52, %mul3A_54] : memref<64x32768xf32, #tpu.memory_space<hbm>> -> memref<2x8192xf32, #tpu.memory_space<hbm>>
    %dma_start3A_56 = tpu.memref_slice %arg2[%add3A_52, %mul3A_54] : memref<64x32768xf32, #tpu.memory_space<hbm>> -> memref<2x8192xf32, #tpu.memory_space<hbm>>
    tpu.enqueue_dma source(%dma_start3A_56 : memref<2x8192xf32, #tpu.memory_space<hbm>>) target(%arg5 : memref<2x8192xf32, #tpu.memory_space<vmem>>) target_semaphore(%arg12 : memref<!tpu.dma_semaphore, #tpu.memory_space<semaphore_mem>>)
    %dma_wait3A = tpu.memref_slice %arg2[%add3A_34, %mul3A_36] : memref<64x32768xf32, #tpu.memory_space<hbm>> -> memref<2x8192xf32, #tpu.memory_space<hbm>>
    %dma_wait3A_57 = tpu.memref_slice %arg2[%add3A_34, %mul3A_36] : memref<64x32768xf32, #tpu.memory_space<hbm>> -> memref<2x8192xf32, #tpu.memory_space<hbm>>
    tpu.wait_dma2 semaphore(%arg11 : memref<!tpu.dma_semaphore, #tpu.memory_space<semaphore_mem>>) src(%dma_wait3A_57 : memref<2x8192xf32, #tpu.memory_space<hbm>>) dst(%arg4 : memref<2x8192xf32, #tpu.memory_space<vmem>>)
    %parallel_loop3A_58 = arith.constant 0 : i32
    %parallel_loop3A_59 = arith.constant 512 : i32
    %parallel_loop3A_60 = arith.constant 1 : i32
    scf.for %parallel_loop3A_114 = %parallel_loop3A_58 to %parallel_loop3A_59 step %parallel_loop3A_60  : i32 {
      %parallel_loop3A_115 = arith.constant 16 : i32
      %parallel_loop3A_116 = arith.muli %parallel_loop3A_114, %parallel_loop3A_115 : i32
      %parallel_loop3A_117 = arith.constant 0 : i32
      %parallel_loop3A_118 = arith.index_cast %parallel_loop3A_117 : i32 to index
      %parallel_loop3A_119 = arith.index_cast %parallel_loop3A_116 : i32 to index
      %parallel_loop3A_120 = tpu.vector_load %arg4[%parallel_loop3A_118, %parallel_loop3A_119] {strides = array<i32>} : memref<2x8192xf32, #tpu.memory_space<vmem>>, vector<16xf32>,
      %parallel_loop3A_121 = tpu.bitcast %parallel_loop3A_120 : vector<16xf32> -> vector<16xi32>
      %parallel_loop3A_122 = arith.constant 0 : i32
      %parallel_loop3A_123 = vector.broadcast %parallel_loop3A_122 : i32 to vector<16xi32>
      %parallel_loop3A_124 = arith.cmpi slt, %parallel_loop3A_121, %parallel_loop3A_123 : vector<16xi32>
      %parallel_loop3A_125 = arith.constant 2147483647 : i32
      %parallel_loop3A_126 = vector.broadcast %parallel_loop3A_125 : i32 to vector<16xi32>
      %parallel_loop3A_127 = arith.xori %parallel_loop3A_121, %parallel_loop3A_126 : vector<16xi32>
      %parallel_loop3A_128 = arith.select %parallel_loop3A_124, %parallel_loop3A_127, %parallel_loop3A_121 : vector<16xi1>, vector<16xi32>
      %parallel_loop3A_129 = arith.constant 21 : i32
      %parallel_loop3A_130 = vector.broadcast %parallel_loop3A_129 : i32 to vector<16xi32>
      %parallel_loop3A_131 = arith.shrsi %parallel_loop3A_128, %parallel_loop3A_130 : vector<16xi32>
      %parallel_loop3A_132 = arith.addi %add3A_46, %parallel_loop3A_131 : vector<16xi32>
      tpu.vector_store_idx %arg6[%parallel_loop3A_132], %broadcast_in_dim3A_40 {add = true} : memref<32768xi32, #tpu.memory_space<vmem>>[vector<16xi32>], vector<16xi32>,
    } {sc.loop_unroll_factor = 8 : i64, sc.parallel_access}
    %parallel_loop3A_61 = arith.constant 0 : i32
    %parallel_loop3A_62 = arith.constant 512 : i32
    %parallel_loop3A_63 = arith.constant 1 : i32
    scf.for %parallel_loop3A_114 = %parallel_loop3A_61 to %parallel_loop3A_62 step %parallel_loop3A_63  : i32 {
      %parallel_loop3A_115 = arith.constant 16 : i32
      %parallel_loop3A_116 = arith.muli %parallel_loop3A_114, %parallel_loop3A_115 : i32
      %parallel_loop3A_117 = arith.constant 1 : i32
      %parallel_loop3A_118 = arith.index_cast %parallel_loop3A_117 : i32 to index
      %parallel_loop3A_119 = arith.index_cast %parallel_loop3A_116 : i32 to index
      %parallel_loop3A_120 = tpu.vector_load %arg4[%parallel_loop3A_118, %parallel_loop3A_119] {strides = array<i32>} : memref<2x8192xf32, #tpu.memory_space<vmem>>, vector<16xf32>,
      %parallel_loop3A_121 = tpu.bitcast %parallel_loop3A_120 : vector<16xf32> -> vector<16xi32>
      %parallel_loop3A_122 = arith.constant 0 : i32
      %parallel_loop3A_123 = vector.broadcast %parallel_loop3A_122 : i32 to vector<16xi32>
      %parallel_loop3A_124 = arith.cmpi slt, %parallel_loop3A_121, %parallel_loop3A_123 : vector<16xi32>
      %parallel_loop3A_125 = arith.constant 2147483647 : i32
      %parallel_loop3A_126 = vector.broadcast %parallel_loop3A_125 : i32 to vector<16xi32>
      %parallel_loop3A_127 = arith.xori %parallel_loop3A_121, %parallel_loop3A_126 : vector<16xi32>
      %parallel_loop3A_128 = arith.select %parallel_loop3A_124, %parallel_loop3A_127, %parallel_loop3A_121 : vector<16xi1>, vector<16xi32>
      %parallel_loop3A_129 = arith.constant 21 : i32
      %parallel_loop3A_130 = vector.broadcast %parallel_loop3A_129 : i32 to vector<16xi32>
      %parallel_loop3A_131 = arith.shrsi %parallel_loop3A_128, %parallel_loop3A_130 : vector<16xi32>
      %parallel_loop3A_132 = arith.addi %add3A_46, %parallel_loop3A_131 : vector<16xi32>
      tpu.vector_store_idx %arg6[%parallel_loop3A_132], %broadcast_in_dim3A_40 {add = true} : memref<32768xi32, #tpu.memory_space<vmem>>[vector<16xi32>], vector<16xi32>,
    } {sc.loop_unroll_factor = 8 : i64, sc.parallel_access}
    %mul3A_64 = arith.constant 8 : i32
    %mul3A_65 = arith.muli %select_n3A, %mul3A_64 : i32
    %add3A_66 = arith.constant 4 : i32
    %add3A_67 = arith.addi %mul3A_65, %add3A_66 : i32
    %mul3A_68 = arith.constant 8192 : i32
    %mul3A_69 = arith.muli %select_n3A_30, %mul3A_68 : i32
    %dma_start3A_70 = tpu.memref_slice %arg2[%add3A_67, %mul3A_69] : memref<64x32768xf32, #tpu.memory_space<hbm>> -> memref<2x8192xf32, #tpu.memory_space<hbm>>
    %dma_start3A_71 = tpu.memref_slice %arg2[%add3A_67, %mul3A_69] : memref<64x32768xf32, #tpu.memory_space<hbm>> -> memref<2x8192xf32, #tpu.memory_space<hbm>>
    tpu.enqueue_dma source(%dma_start3A_71 : memref<2x8192xf32, #tpu.memory_space<hbm>>) target(%arg4 : memref<2x8192xf32, #tpu.memory_space<vmem>>) target_semaphore(%arg11 : memref<!tpu.dma_semaphore, #tpu.memory_space<semaphore_mem>>)
    %dma_wait3A_72 = tpu.memref_slice %arg2[%add3A_52, %mul3A_54] : memref<64x32768xf32, #tpu.memory_space<hbm>> -> memref<2x8192xf32, #tpu.memory_space<hbm>>
    %dma_wait3A_73 = tpu.memref_slice %arg2[%add3A_52, %mul3A_54] : memref<64x32768xf32, #tpu.memory_space<hbm>> -> memref<2x8192xf32, #tpu.memory_space<hbm>>
    tpu.wait_dma2 semaphore(%arg12 : memref<!tpu.dma_semaphore, #tpu.memory_space<semaphore_mem>>) src(%dma_wait3A_73 : memref<2x8192xf32, #tpu.memory_space<hbm>>) dst(%arg5 : memref<2x8192xf32, #tpu.memory_space<vmem>>)
    %parallel_loop3A_74 = arith.constant 0 : i32
    %parallel_loop3A_75 = arith.constant 512 : i32
    %parallel_loop3A_76 = arith.constant 1 : i32
    scf.for %parallel_loop3A_114 = %parallel_loop3A_74 to %parallel_loop3A_75 step %parallel_loop3A_76  : i32 {
      %parallel_loop3A_115 = arith.constant 16 : i32
      %parallel_loop3A_116 = arith.muli %parallel_loop3A_114, %parallel_loop3A_115 : i32
      %parallel_loop3A_117 = arith.constant 0 : i32
      %parallel_loop3A_118 = arith.index_cast %parallel_loop3A_117 : i32 to index
      %parallel_loop3A_119 = arith.index_cast %parallel_loop3A_116 : i32 to index
      %parallel_loop3A_120 = tpu.vector_load %arg5[%parallel_loop3A_118, %parallel_loop3A_119] {strides = array<i32>} : memref<2x8192xf32, #tpu.memory_space<vmem>>, vector<16xf32>,
      %parallel_loop3A_121 = tpu.bitcast %parallel_loop3A_120 : vector<16xf32> -> vector<16xi32>
      %parallel_loop3A_122 = arith.constant 0 : i32
      %parallel_loop3A_123 = vector.broadcast %parallel_loop3A_122 : i32 to vector<16xi32>
      %parallel_loop3A_124 = arith.cmpi slt, %parallel_loop3A_121, %parallel_loop3A_123 : vector<16xi32>
      %parallel_loop3A_125 = arith.constant 2147483647 : i32
      %parallel_loop3A_126 = vector.broadcast %parallel_loop3A_125 : i32 to vector<16xi32>
      %parallel_loop3A_127 = arith.xori %parallel_loop3A_121, %parallel_loop3A_126 : vector<16xi32>
      %parallel_loop3A_128 = arith.select %parallel_loop3A_124, %parallel_loop3A_127, %parallel_loop3A_121 : vector<16xi1>, vector<16xi32>
      %parallel_loop3A_129 = arith.constant 21 : i32
      %parallel_loop3A_130 = vector.broadcast %parallel_loop3A_129 : i32 to vector<16xi32>
      %parallel_loop3A_131 = arith.shrsi %parallel_loop3A_128, %parallel_loop3A_130 : vector<16xi32>
      %parallel_loop3A_132 = arith.addi %add3A_46, %parallel_loop3A_131 : vector<16xi32>
      tpu.vector_store_idx %arg6[%parallel_loop3A_132], %broadcast_in_dim3A_40 {add = true} : memref<32768xi32, #tpu.memory_space<vmem>>[vector<16xi32>], vector<16xi32>,
    } {sc.loop_unroll_factor = 8 : i64, sc.parallel_access}
    %parallel_loop3A_77 = arith.constant 0 : i32
    %parallel_loop3A_78 = arith.constant 512 : i32
    %parallel_loop3A_79 = arith.constant 1 : i32
    scf.for %parallel_loop3A_114 = %parallel_loop3A_77 to %parallel_loop3A_78 step %parallel_loop3A_79  : i32 {
      %parallel_loop3A_115 = arith.constant 16 : i32
      %parallel_loop3A_116 = arith.muli %parallel_loop3A_114, %parallel_loop3A_115 : i32
      %parallel_loop3A_117 = arith.constant 1 : i32
      %parallel_loop3A_118 = arith.index_cast %parallel_loop3A_117 : i32 to index
      %parallel_loop3A_119 = arith.index_cast %parallel_loop3A_116 : i32 to index
      %parallel_loop3A_120 = tpu.vector_load %arg5[%parallel_loop3A_118, %parallel_loop3A_119] {strides = array<i32>} : memref<2x8192xf32, #tpu.memory_space<vmem>>, vector<16xf32>,
      %parallel_loop3A_121 = tpu.bitcast %parallel_loop3A_120 : vector<16xf32> -> vector<16xi32>
      %parallel_loop3A_122 = arith.constant 0 : i32
      %parallel_loop3A_123 = vector.broadcast %parallel_loop3A_122 : i32 to vector<16xi32>
      %parallel_loop3A_124 = arith.cmpi slt, %parallel_loop3A_121, %parallel_loop3A_123 : vector<16xi32>
      %parallel_loop3A_125 = arith.constant 2147483647 : i32
      %parallel_loop3A_126 = vector.broadcast %parallel_loop3A_125 : i32 to vector<16xi32>
      %parallel_loop3A_127 = arith.xori %parallel_loop3A_121, %parallel_loop3A_126 : vector<16xi32>
      %parallel_loop3A_128 = arith.select %parallel_loop3A_124, %parallel_loop3A_127, %parallel_loop3A_121 : vector<16xi1>, vector<16xi32>
      %parallel_loop3A_129 = arith.constant 21 : i32
      %parallel_loop3A_130 = vector.broadcast %parallel_loop3A_129 : i32 to vector<16xi32>
      %parallel_loop3A_131 = arith.shrsi %parallel_loop3A_128, %parallel_loop3A_130 : vector<16xi32>
      %parallel_loop3A_132 = arith.addi %add3A_46, %parallel_loop3A_131 : vector<16xi32>
      tpu.vector_store_idx %arg6[%parallel_loop3A_132], %broadcast_in_dim3A_40 {add = true} : memref<32768xi32, #tpu.memory_space<vmem>>[vector<16xi32>], vector<16xi32>,
    } {sc.loop_unroll_factor = 8 : i64, sc.parallel_access}
    %mul3A_80 = arith.constant 8 : i32
    %mul3A_81 = arith.muli %select_n3A, %mul3A_80 : i32
    %add3A_82 = arith.constant 6 : i32
    %add3A_83 = arith.addi %mul3A_81, %add3A_82 : i32
    %mul3A_84 = arith.constant 8192 : i32
    %mul3A_85 = arith.muli %select_n3A_30, %mul3A_84 : i32
    %dma_start3A_86 = tpu.memref_slice %arg2[%add3A_83, %mul3A_85] : memref<64x32768xf32, #tpu.memory_space<hbm>> -> memref<2x8192xf32, #tpu.memory_space<hbm>>
    %dma_start3A_87 = tpu.memref_slice %arg2[%add3A_83, %mul3A_85] : memref<64x32768xf32, #tpu.memory_space<hbm>> -> memref<2x8192xf32, #tpu.memory_space<hbm>>
    tpu.enqueue_dma source(%dma_start3A_87 : memref<2x8192xf32, #tpu.memory_space<hbm>>) target(%arg5 : memref<2x8192xf32, #tpu.memory_space<vmem>>) target_semaphore(%arg12 : memref<!tpu.dma_semaphore, #tpu.memory_space<semaphore_mem>>)
    %dma_wait3A_88 = tpu.memref_slice %arg2[%add3A_67, %mul3A_69] : memref<64x32768xf32, #tpu.memory_space<hbm>> -> memref<2x8192xf32, #tpu.memory_space<hbm>>
    %dma_wait3A_89 = tpu.memref_slice %arg2[%add3A_67, %mul3A_69] : memref<64x32768xf32, #tpu.memory_space<hbm>> -> memref<2x8192xf32, #tpu.memory_space<hbm>>
    tpu.wait_dma2 semaphore(%arg11 : memref<!tpu.dma_semaphore, #tpu.memory_space<semaphore_mem>>) src(%dma_wait3A_89 : memref<2x8192xf32, #tpu.memory_space<hbm>>) dst(%arg4 : memref<2x8192xf32, #tpu.memory_space<vmem>>)
    %parallel_loop3A_90 = arith.constant 0 : i32
    %parallel_loop3A_91 = arith.constant 512 : i32
    %parallel_loop3A_92 = arith.constant 1 : i32
    scf.for %parallel_loop3A_114 = %parallel_loop3A_90 to %parallel_loop3A_91 step %parallel_loop3A_92  : i32 {
      %parallel_loop3A_115 = arith.constant 16 : i32
      %parallel_loop3A_116 = arith.muli %parallel_loop3A_114, %parallel_loop3A_115 : i32
      %parallel_loop3A_117 = arith.constant 0 : i32
      %parallel_loop3A_118 = arith.index_cast %parallel_loop3A_117 : i32 to index
      %parallel_loop3A_119 = arith.index_cast %parallel_loop3A_116 : i32 to index
      %parallel_loop3A_120 = tpu.vector_load %arg4[%parallel_loop3A_118, %parallel_loop3A_119] {strides = array<i32>} : memref<2x8192xf32, #tpu.memory_space<vmem>>, vector<16xf32>,
      %parallel_loop3A_121 = tpu.bitcast %parallel_loop3A_120 : vector<16xf32> -> vector<16xi32>
      %parallel_loop3A_122 = arith.constant 0 : i32
      %parallel_loop3A_123 = vector.broadcast %parallel_loop3A_122 : i32 to vector<16xi32>
      %parallel_loop3A_124 = arith.cmpi slt, %parallel_loop3A_121, %parallel_loop3A_123 : vector<16xi32>
      %parallel_loop3A_125 = arith.constant 2147483647 : i32
      %parallel_loop3A_126 = vector.broadcast %parallel_loop3A_125 : i32 to vector<16xi32>
      %parallel_loop3A_127 = arith.xori %parallel_loop3A_121, %parallel_loop3A_126 : vector<16xi32>
      %parallel_loop3A_128 = arith.select %parallel_loop3A_124, %parallel_loop3A_127, %parallel_loop3A_121 : vector<16xi1>, vector<16xi32>
      %parallel_loop3A_129 = arith.constant 21 : i32
      %parallel_loop3A_130 = vector.broadcast %parallel_loop3A_129 : i32 to vector<16xi32>
      %parallel_loop3A_131 = arith.shrsi %parallel_loop3A_128, %parallel_loop3A_130 : vector<16xi32>
      %parallel_loop3A_132 = arith.addi %add3A_46, %parallel_loop3A_131 : vector<16xi32>
      tpu.vector_store_idx %arg6[%parallel_loop3A_132], %broadcast_in_dim3A_40 {add = true} : memref<32768xi32, #tpu.memory_space<vmem>>[vector<16xi32>], vector<16xi32>,
    } {sc.loop_unroll_factor = 8 : i64, sc.parallel_access}
    %parallel_loop3A_93 = arith.constant 0 : i32
    %parallel_loop3A_94 = arith.constant 512 : i32
    %parallel_loop3A_95 = arith.constant 1 : i32
    scf.for %parallel_loop3A_114 = %parallel_loop3A_93 to %parallel_loop3A_94 step %parallel_loop3A_95  : i32 {
      %parallel_loop3A_115 = arith.constant 16 : i32
      %parallel_loop3A_116 = arith.muli %parallel_loop3A_114, %parallel_loop3A_115 : i32
      %parallel_loop3A_117 = arith.constant 1 : i32
      %parallel_loop3A_118 = arith.index_cast %parallel_loop3A_117 : i32 to index
      %parallel_loop3A_119 = arith.index_cast %parallel_loop3A_116 : i32 to index
      %parallel_loop3A_120 = tpu.vector_load %arg4[%parallel_loop3A_118, %parallel_loop3A_119] {strides = array<i32>} : memref<2x8192xf32, #tpu.memory_space<vmem>>, vector<16xf32>,
      %parallel_loop3A_121 = tpu.bitcast %parallel_loop3A_120 : vector<16xf32> -> vector<16xi32>
      %parallel_loop3A_122 = arith.constant 0 : i32
      %parallel_loop3A_123 = vector.broadcast %parallel_loop3A_122 : i32 to vector<16xi32>
      %parallel_loop3A_124 = arith.cmpi slt, %parallel_loop3A_121, %parallel_loop3A_123 : vector<16xi32>
      %parallel_loop3A_125 = arith.constant 2147483647 : i32
      %parallel_loop3A_126 = vector.broadcast %parallel_loop3A_125 : i32 to vector<16xi32>
      %parallel_loop3A_127 = arith.xori %parallel_loop3A_121, %parallel_loop3A_126 : vector<16xi32>
      %parallel_loop3A_128 = arith.select %parallel_loop3A_124, %parallel_loop3A_127, %parallel_loop3A_121 : vector<16xi1>, vector<16xi32>
      %parallel_loop3A_129 = arith.constant 21 : i32
      %parallel_loop3A_130 = vector.broadcast %parallel_loop3A_129 : i32 to vector<16xi32>
      %parallel_loop3A_131 = arith.shrsi %parallel_loop3A_128, %parallel_loop3A_130 : vector<16xi32>
      %parallel_loop3A_132 = arith.addi %add3A_46, %parallel_loop3A_131 : vector<16xi32>
      tpu.vector_store_idx %arg6[%parallel_loop3A_132], %broadcast_in_dim3A_40 {add = true} : memref<32768xi32, #tpu.memory_space<vmem>>[vector<16xi32>], vector<16xi32>,
    } {sc.loop_unroll_factor = 8 : i64, sc.parallel_access}
    %dma_wait3A_96 = tpu.memref_slice %arg2[%add3A_83, %mul3A_85] : memref<64x32768xf32, #tpu.memory_space<hbm>> -> memref<2x8192xf32, #tpu.memory_space<hbm>>
    %dma_wait3A_97 = tpu.memref_slice %arg2[%add3A_83, %mul3A_85] : memref<64x32768xf32, #tpu.memory_space<hbm>> -> memref<2x8192xf32, #tpu.memory_space<hbm>>
    tpu.wait_dma2 semaphore(%arg12 : memref<!tpu.dma_semaphore, #tpu.memory_space<semaphore_mem>>) src(%dma_wait3A_97 : memref<2x8192xf32, #tpu.memory_space<hbm>>) dst(%arg5 : memref<2x8192xf32, #tpu.memory_space<vmem>>)
    %parallel_loop3A_98 = arith.constant 0 : i32
    %parallel_loop3A_99 = arith.constant 512 : i32
    %parallel_loop3A_100 = arith.constant 1 : i32
    scf.for %parallel_loop3A_114 = %parallel_loop3A_98 to %parallel_loop3A_99 step %parallel_loop3A_100  : i32 {
      %parallel_loop3A_115 = arith.constant 16 : i32
      %parallel_loop3A_116 = arith.muli %parallel_loop3A_114, %parallel_loop3A_115 : i32
      %parallel_loop3A_117 = arith.constant 0 : i32
      %parallel_loop3A_118 = arith.index_cast %parallel_loop3A_117 : i32 to index
      %parallel_loop3A_119 = arith.index_cast %parallel_loop3A_116 : i32 to index
      %parallel_loop3A_120 = tpu.vector_load %arg5[%parallel_loop3A_118, %parallel_loop3A_119] {strides = array<i32>} : memref<2x8192xf32, #tpu.memory_space<vmem>>, vector<16xf32>,
      %parallel_loop3A_121 = tpu.bitcast %parallel_loop3A_120 : vector<16xf32> -> vector<16xi32>
      %parallel_loop3A_122 = arith.constant 0 : i32
      %parallel_loop3A_123 = vector.broadcast %parallel_loop3A_122 : i32 to vector<16xi32>
      %parallel_loop3A_124 = arith.cmpi slt, %parallel_loop3A_121, %parallel_loop3A_123 : vector<16xi32>
      %parallel_loop3A_125 = arith.constant 2147483647 : i32
      %parallel_loop3A_126 = vector.broadcast %parallel_loop3A_125 : i32 to vector<16xi32>
      %parallel_loop3A_127 = arith.xori %parallel_loop3A_121, %parallel_loop3A_126 : vector<16xi32>
      %parallel_loop3A_128 = arith.select %parallel_loop3A_124, %parallel_loop3A_127, %parallel_loop3A_121 : vector<16xi1>, vector<16xi32>
      %parallel_loop3A_129 = arith.constant 21 : i32
      %parallel_loop3A_130 = vector.broadcast %parallel_loop3A_129 : i32 to vector<16xi32>
      %parallel_loop3A_131 = arith.shrsi %parallel_loop3A_128, %parallel_loop3A_130 : vector<16xi32>
      %parallel_loop3A_132 = arith.addi %add3A_46, %parallel_loop3A_131 : vector<16xi32>
      tpu.vector_store_idx %arg6[%parallel_loop3A_132], %broadcast_in_dim3A_40 {add = true} : memref<32768xi32, #tpu.memory_space<vmem>>[vector<16xi32>], vector<16xi32>,
    } {sc.loop_unroll_factor = 8 : i64, sc.parallel_access}
    %parallel_loop3A_101 = arith.constant 0 : i32
    %parallel_loop3A_102 = arith.constant 512 : i32
    %parallel_loop3A_103 = arith.constant 1 : i32
    scf.for %parallel_loop3A_114 = %parallel_loop3A_101 to %parallel_loop3A_102 step %parallel_loop3A_103  : i32 {
      %parallel_loop3A_115 = arith.constant 16 : i32
      %parallel_loop3A_116 = arith.muli %parallel_loop3A_114, %parallel_loop3A_115 : i32
      %parallel_loop3A_117 = arith.constant 1 : i32
      %parallel_loop3A_118 = arith.index_cast %parallel_loop3A_117 : i32 to index
      %parallel_loop3A_119 = arith.index_cast %parallel_loop3A_116 : i32 to index
      %parallel_loop3A_120 = tpu.vector_load %arg5[%parallel_loop3A_118, %parallel_loop3A_119] {strides = array<i32>} : memref<2x8192xf32, #tpu.memory_space<vmem>>, vector<16xf32>,
      %parallel_loop3A_121 = tpu.bitcast %parallel_loop3A_120 : vector<16xf32> -> vector<16xi32>
      %parallel_loop3A_122 = arith.constant 0 : i32
      %parallel_loop3A_123 = vector.broadcast %parallel_loop3A_122 : i32 to vector<16xi32>
      %parallel_loop3A_124 = arith.cmpi slt, %parallel_loop3A_121, %parallel_loop3A_123 : vector<16xi32>
      %parallel_loop3A_125 = arith.constant 2147483647 : i32
      %parallel_loop3A_126 = vector.broadcast %parallel_loop3A_125 : i32 to vector<16xi32>
      %parallel_loop3A_127 = arith.xori %parallel_loop3A_121, %parallel_loop3A_126 : vector<16xi32>
      %parallel_loop3A_128 = arith.select %parallel_loop3A_124, %parallel_loop3A_127, %parallel_loop3A_121 : vector<16xi1>, vector<16xi32>
      %parallel_loop3A_129 = arith.constant 21 : i32
      %parallel_loop3A_130 = vector.broadcast %parallel_loop3A_129 : i32 to vector<16xi32>
      %parallel_loop3A_131 = arith.shrsi %parallel_loop3A_128, %parallel_loop3A_130 : vector<16xi32>
      %parallel_loop3A_132 = arith.addi %add3A_46, %parallel_loop3A_131 : vector<16xi32>
      tpu.vector_store_idx %arg6[%parallel_loop3A_132], %broadcast_in_dim3A_40 {add = true} : memref<32768xi32, #tpu.memory_space<vmem>>[vector<16xi32>], vector<16xi32>,
    } {sc.loop_unroll_factor = 8 : i64, sc.parallel_access}
    %parallel_loop3A_104 = arith.constant 0 : i32
    %parallel_loop3A_105 = arith.constant 128 : i32
    %parallel_loop3A_106 = arith.constant 1 : i32
    scf.for %parallel_loop3A_114 = %parallel_loop3A_104 to %parallel_loop3A_105 step %parallel_loop3A_106  : i32 {
      %parallel_loop3A_115 = arith.constant 16 : i32
      %parallel_loop3A_116 = arith.muli %parallel_loop3A_114, %parallel_loop3A_115 : i32
      %parallel_loop3A_117 = arith.index_cast %parallel_loop3A_116 : i32 to index
      %parallel_loop3A_118 = tpu.vector_load %arg6[%parallel_loop3A_117] {strides = array<i32>} : memref<32768xi32, #tpu.memory_space<vmem>>, vector<16xi32>,
      %parallel_loop3A_119 = arith.constant 16 : i32
      %parallel_loop3A_120 = arith.muli %parallel_loop3A_114, %parallel_loop3A_119 : i32
      %parallel_loop3A_121 = arith.constant 2048 : i32
      %parallel_loop3A_122 = arith.addi %parallel_loop3A_121, %parallel_loop3A_120 : i32
      %parallel_loop3A_123 = arith.index_cast %parallel_loop3A_122 : i32 to index
      %parallel_loop3A_124 = tpu.vector_load %arg6[%parallel_loop3A_123] {strides = array<i32>} : memref<32768xi32, #tpu.memory_space<vmem>>, vector<16xi32>,
      %parallel_loop3A_125 = arith.addi %parallel_loop3A_118, %parallel_loop3A_124 : vector<16xi32>
      %parallel_loop3A_126 = arith.constant 16 : i32
      %parallel_loop3A_127 = arith.muli %parallel_loop3A_114, %parallel_loop3A_126 : i32
      %parallel_loop3A_128 = arith.constant 4096 : i32
      %parallel_loop3A_129 = arith.addi %parallel_loop3A_128, %parallel_loop3A_127 : i32
      %parallel_loop3A_130 = arith.index_cast %parallel_loop3A_129 : i32 to index
      %parallel_loop3A_131 = tpu.vector_load %arg6[%parallel_loop3A_130] {strides = array<i32>} : memref<32768xi32, #tpu.memory_space<vmem>>, vector<16xi32>,
      %parallel_loop3A_132 = arith.addi %parallel_loop3A_125, %parallel_loop3A_131 : vector<16xi32>
      %parallel_loop3A_133 = arith.constant 16 : i32
      %parallel_loop3A_134 = arith.muli %parallel_loop3A_114, %parallel_loop3A_133 : i32
      %parallel_loop3A_135 = arith.constant 6144 : i32
      %parallel_loop3A_136 = arith.addi %parallel_loop3A_135, %parallel_loop3A_134 : i32
      %parallel_loop3A_137 = arith.index_cast %parallel_loop3A_136 : i32 to index
      %parallel_loop3A_138 = tpu.vector_load %arg6[%parallel_loop3A_137] {strides = array<i32>} : memref<32768xi32, #tpu.memory_space<vmem>>, vector<16xi32>,
      %parallel_loop3A_139 = arith.addi %parallel_loop3A_132, %parallel_loop3A_138 : vector<16xi32>
      %parallel_loop3A_140 = arith.constant 16 : i32
      %parallel_loop3A_141 = arith.muli %parallel_loop3A_114, %parallel_loop3A_140 : i32
      %parallel_loop3A_142 = arith.constant 8192 : i32
      %parallel_loop3A_143 = arith.addi %parallel_loop3A_142, %parallel_loop3A_141 : i32
      %parallel_loop3A_144 = arith.index_cast %parallel_loop3A_143 : i32 to index
      %parallel_loop3A_145 = tpu.vector_load %arg6[%parallel_loop3A_144] {strides = array<i32>} : memref<32768xi32, #tpu.memory_space<vmem>>, vector<16xi32>,
      %parallel_loop3A_146 = arith.addi %parallel_loop3A_139, %parallel_loop3A_145 : vector<16xi32>
      %parallel_loop3A_147 = arith.constant 16 : i32
      %parallel_loop3A_148 = arith.muli %parallel_loop3A_114, %parallel_loop3A_147 : i32
      %parallel_loop3A_149 = arith.constant 10240 : i32
      %parallel_loop3A_150 = arith.addi %parallel_loop3A_149, %parallel_loop3A_148 : i32
      %parallel_loop3A_151 = arith.index_cast %parallel_loop3A_150 : i32 to index
      %parallel_loop3A_152 = tpu.vector_load %arg6[%parallel_loop3A_151] {strides = array<i32>} : memref<32768xi32, #tpu.memory_space<vmem>>, vector<16xi32>,
      %parallel_loop3A_153 = arith.addi %parallel_loop3A_146, %parallel_loop3A_152 : vector<16xi32>
      %parallel_loop3A_154 = arith.constant 16 : i32
      %parallel_loop3A_155 = arith.muli %parallel_loop3A_114, %parallel_loop3A_154 : i32
      %parallel_loop3A_156 = arith.constant 12288 : i32
      %parallel_loop3A_157 = arith.addi %parallel_loop3A_156, %parallel_loop3A_155 : i32
      %parallel_loop3A_158 = arith.index_cast %parallel_loop3A_157 : i32 to index
      %parallel_loop3A_159 = tpu.vector_load %arg6[%parallel_loop3A_158] {strides = array<i32>} : memref<32768xi32, #tpu.memory_space<vmem>>, vector<16xi32>,
      %parallel_loop3A_160 = arith.addi %parallel_loop3A_153, %parallel_loop3A_159 : vector<16xi32>
      %parallel_loop3A_161 = arith.constant 16 : i32
      %parallel_loop3A_162 = arith.muli %parallel_loop3A_114, %parallel_loop3A_161 : i32
      %parallel_loop3A_163 = arith.constant 14336 : i32
      %parallel_loop3A_164 = arith.addi %parallel_loop3A_163, %parallel_loop3A_162 : i32
      %parallel_loop3A_165 = arith.index_cast %parallel_loop3A_164 : i32 to index
      %parallel_loop3A_166 = tpu.vector_load %arg6[%parallel_loop3A_165] {strides = array<i32>} : memref<32768xi32, #tpu.memory_space<vmem>>, vector<16xi32>,
      %parallel_loop3A_167 = arith.addi %parallel_loop3A_160, %parallel_loop3A_166 : vector<16xi32>
      %parallel_loop3A_168 = arith.constant 16 : i32
      %parallel_loop3A_169 = arith.muli %parallel_loop3A_114, %parallel_loop3A_168 : i32
      %parallel_loop3A_170 = arith.constant 16384 : i32
      %parallel_loop3A_171 = arith.addi %parallel_loop3A_170, %parallel_loop3A_169 : i32
      %parallel_loop3A_172 = arith.index_cast %parallel_loop3A_171 : i32 to index
      %parallel_loop3A_173 = tpu.vector_load %arg6[%parallel_loop3A_172] {strides = array<i32>} : memref<32768xi32, #tpu.memory_space<vmem>>, vector<16xi32>,
      %parallel_loop3A_174 = arith.addi %parallel_loop3A_167, %parallel_loop3A_173 : vector<16xi32>
      %parallel_loop3A_175 = arith.constant 16 : i32
      %parallel_loop3A_176 = arith.muli %parallel_loop3A_114, %parallel_loop3A_175 : i32
      %parallel_loop3A_177 = arith.constant 18432 : i32
      %parallel_loop3A_178 = arith.addi %parallel_loop3A_177, %parallel_loop3A_176 : i32
      %parallel_loop3A_179 = arith.index_cast %parallel_loop3A_178 : i32 to index
      %parallel_loop3A_180 = tpu.vector_load %arg6[%parallel_loop3A_179] {strides = array<i32>} : memref<32768xi32, #tpu.memory_space<vmem>>, vector<16xi32>,
      %parallel_loop3A_181 = arith.addi %parallel_loop3A_174, %parallel_loop3A_180 : vector<16xi32>
      %parallel_loop3A_182 = arith.constant 16 : i32
      %parallel_loop3A_183 = arith.muli %parallel_loop3A_114, %parallel_loop3A_182 : i32
      %parallel_loop3A_184 = arith.constant 20480 : i32
      %parallel_loop3A_185 = arith.addi %parallel_loop3A_184, %parallel_loop3A_183 : i32
      %parallel_loop3A_186 = arith.index_cast %parallel_loop3A_185 : i32 to index
      %parallel_loop3A_187 = tpu.vector_load %arg6[%parallel_loop3A_186] {strides = array<i32>} : memref<32768xi32, #tpu.memory_space<vmem>>, vector<16xi32>,
      %parallel_loop3A_188 = arith.addi %parallel_loop3A_181, %parallel_loop3A_187 : vector<16xi32>
      %parallel_loop3A_189 = arith.constant 16 : i32
      %parallel_loop3A_190 = arith.muli %parallel_loop3A_114, %parallel_loop3A_189 : i32
      %parallel_loop3A_191 = arith.constant 22528 : i32
      %parallel_loop3A_192 = arith.addi %parallel_loop3A_191, %parallel_loop3A_190 : i32
      %parallel_loop3A_193 = arith.index_cast %parallel_loop3A_192 : i32 to index
      %parallel_loop3A_194 = tpu.vector_load %arg6[%parallel_loop3A_193] {strides = array<i32>} : memref<32768xi32, #tpu.memory_space<vmem>>, vector<16xi32>,
      %parallel_loop3A_195 = arith.addi %parallel_loop3A_188, %parallel_loop3A_194 : vector<16xi32>
      %parallel_loop3A_196 = arith.constant 16 : i32
      %parallel_loop3A_197 = arith.muli %parallel_loop3A_114, %parallel_loop3A_196 : i32
      %parallel_loop3A_198 = arith.constant 24576 : i32
      %parallel_loop3A_199 = arith.addi %parallel_loop3A_198, %parallel_loop3A_197 : i32
      %parallel_loop3A_200 = arith.index_cast %parallel_loop3A_199 : i32 to index
      %parallel_loop3A_201 = tpu.vector_load %arg6[%parallel_loop3A_200] {strides = array<i32>} : memref<32768xi32, #tpu.memory_space<vmem>>, vector<16xi32>,
      %parallel_loop3A_202 = arith.addi %parallel_loop3A_195, %parallel_loop3A_201 : vector<16xi32>
      %parallel_loop3A_203 = arith.constant 16 : i32
      %parallel_loop3A_204 = arith.muli %parallel_loop3A_114, %parallel_loop3A_203 : i32
      %parallel_loop3A_205 = arith.constant 26624 : i32
      %parallel_loop3A_206 = arith.addi %parallel_loop3A_205, %parallel_loop3A_204 : i32
      %parallel_loop3A_207 = arith.index_cast %parallel_loop3A_206 : i32 to index
      %parallel_loop3A_208 = tpu.vector_load %arg6[%parallel_loop3A_207] {strides = array<i32>} : memref<32768xi32, #tpu.memory_space<vmem>>, vector<16xi32>,
      %parallel_loop3A_209 = arith.addi %parallel_loop3A_202, %parallel_loop3A_208 : vector<16xi32>
      %parallel_loop3A_210 = arith.constant 16 : i32
      %parallel_loop3A_211 = arith.muli %parallel_loop3A_114, %parallel_loop3A_210 : i32
      %parallel_loop3A_212 = arith.constant 28672 : i32
      %parallel_loop3A_213 = arith.addi %parallel_loop3A_212, %parallel_loop3A_211 : i32
      %parallel_loop3A_214 = arith.index_cast %parallel_loop3A_213 : i32 to index
      %parallel_loop3A_215 = tpu.vector_load %arg6[%parallel_loop3A_214] {strides = array<i32>} : memref<32768xi32, #tpu.memory_space<vmem>>, vector<16xi32>,
      %parallel_loop3A_216 = arith.addi %parallel_loop3A_209, %parallel_loop3A_215 : vector<16xi32>
      %parallel_loop3A_217 = arith.constant 16 : i32
      %parallel_loop3A_218 = arith.muli %parallel_loop3A_114, %parallel_loop3A_217 : i32
      %parallel_loop3A_219 = arith.constant 30720 : i32
      %parallel_loop3A_220 = arith.addi %parallel_loop3A_219, %parallel_loop3A_218 : i32
      %parallel_loop3A_221 = arith.index_cast %parallel_loop3A_220 : i32 to index
      %parallel_loop3A_222 = tpu.vector_load %arg6[%parallel_loop3A_221] {strides = array<i32>} : memref<32768xi32, #tpu.memory_space<vmem>>, vector<16xi32>,
      %parallel_loop3A_223 = arith.addi %parallel_loop3A_216, %parallel_loop3A_222 : vector<16xi32>
      %parallel_loop3A_224 = arith.constant 16 : i32
      %parallel_loop3A_225 = arith.muli %parallel_loop3A_114, %parallel_loop3A_224 : i32
      %parallel_loop3A_226 = arith.index_cast %parallel_loop3A_225 : i32 to index
      %parallel_loop3A_227 = tpu.vector_load %arg7[%parallel_loop3A_226] {strides = array<i32>} : memref<2048xi32, #tpu.memory_space<vmem>>, vector<16xi32>,
      tpu.vector_store %arg7[%parallel_loop3A_226], %parallel_loop3A_223 {strides = array<i32>} : memref<2048xi32, #tpu.memory_space<vmem>>, vector<16xi32>,
    } {sc.loop_unroll_factor = 4 : i64, sc.parallel_access}
    "tpu.region"() ({
      %run_scoped3A = tpu.sem_alloc : memref<!tpu.dma_semaphore, #tpu.memory_space<semaphore_mem>>
      %dma_start3A_114 = arith.constant 0 : i32
      %dma_start3A_115 = tpu.memref_slice %arg10[%arg1, %dma_start3A_114] : memref<16x2048xi32, #tpu.memory_space<vmem_shared>> -> memref<1x2048xi32, #tpu.memory_space<vmem_shared>>
      %dma_start3A_116 = tpu.memref_squeeze %dma_start3A_115 : memref<1x2048xi32, #tpu.memory_space<vmem_shared>> -> memref<2048xi32, #tpu.memory_space<vmem_shared>>
      %dma_start3A_117 = arith.constant 0 : i32
      %dma_start3A_118 = tpu.memref_slice %arg10[%arg1, %dma_start3A_117] : memref<16x2048xi32, #tpu.memory_space<vmem_shared>> -> memref<1x2048xi32, #tpu.memory_space<vmem_shared>>
      %dma_start3A_119 = tpu.memref_squeeze %dma_start3A_118 : memref<1x2048xi32, #tpu.memory_space<vmem_shared>> -> memref<2048xi32, #tpu.memory_space<vmem_shared>>
      tpu.enqueue_dma source(%arg7 : memref<2048xi32, #tpu.memory_space<vmem>>) target(%dma_start3A_119 : memref<2048xi32, #tpu.memory_space<vmem_shared>>) target_semaphore(%run_scoped3A : memref<!tpu.dma_semaphore, #tpu.memory_space<semaphore_mem>>)
      %dma_wait3A_120 = arith.constant 0 : i32
      %dma_wait3A_121 = tpu.memref_slice %arg10[%arg1, %dma_wait3A_120] : memref<16x2048xi32, #tpu.memory_space<vmem_shared>> -> memref<1x2048xi32, #tpu.memory_space<vmem_shared>>
      %dma_wait3A_122 = tpu.memref_squeeze %dma_wait3A_121 : memref<1x2048xi32, #tpu.memory_space<vmem_shared>> -> memref<2048xi32, #tpu.memory_space<vmem_shared>>
      %dma_wait3A_123 = arith.constant 0 : i32
      %dma_wait3A_124 = tpu.memref_slice %arg10[%arg1, %dma_wait3A_123] : memref<16x2048xi32, #tpu.memory_space<vmem_shared>> -> memref<1x2048xi32, #tpu.memory_space<vmem_shared>>
      %dma_wait3A_125 = tpu.memref_squeeze %dma_wait3A_124 : memref<1x2048xi32, #tpu.memory_space<vmem_shared>> -> memref<2048xi32, #tpu.memory_space<vmem_shared>>
      tpu.wait_dma2 semaphore(%run_scoped3A : memref<!tpu.dma_semaphore, #tpu.memory_space<semaphore_mem>>) src(%arg7 : memref<2048xi32, #tpu.memory_space<vmem>>) dst(%dma_wait3A_125 : memref<2048xi32, #tpu.memory_space<vmem_shared>>)
      tpu.yield
    }) : () -> ()
    %barrier3A = arith.constant 0 : index
    tpu.barrier barrier_id(%barrier3A)
    %mul3A_107 = arith.constant 128 : i32
    %mul3A_108 = arith.muli %arg1, %mul3A_107 : i32
    "tpu.region"() ({
      %run_scoped3A = tpu.sem_alloc : memref<!tpu.dma_semaphore, #tpu.memory_space<semaphore_mem>>
      %dma_start3A_114 = arith.constant 0 : i32
      %dma_start3A_115 = tpu.memref_slice %arg10[%dma_start3A_114, %mul3A_108] : memref<16x2048xi32, #tpu.memory_space<vmem_shared>> -> memref<16x128xi32, #tpu.memory_space<vmem_shared>>
      %dma_start3A_116 = arith.constant 0 : i32
      %dma_start3A_117 = tpu.memref_slice %arg10[%dma_start3A_116, %mul3A_108] : memref<16x2048xi32, #tpu.memory_space<vmem_shared>> -> memref<16x128xi32, #tpu.memory_space<vmem_shared>>
      tpu.enqueue_dma source(%dma_start3A_117 : memref<16x128xi32, #tpu.memory_space<vmem_shared>>) target(%arg8 : memref<16x128xi32, #tpu.memory_space<vmem>>) target_semaphore(%run_scoped3A : memref<!tpu.dma_semaphore, #tpu.memory_space<semaphore_mem>>)
      %dma_wait3A_118 = arith.constant 0 : i32
      %dma_wait3A_119 = tpu.memref_slice %arg10[%dma_wait3A_118, %mul3A_108] : memref<16x2048xi32, #tpu.memory_space<vmem_shared>> -> memref<16x128xi32, #tpu.memory_space<vmem_shared>>
      %dma_wait3A_120 = arith.constant 0 : i32
      %dma_wait3A_121 = tpu.memref_slice %arg10[%dma_wait3A_120, %mul3A_108] : memref<16x2048xi32, #tpu.memory_space<vmem_shared>> -> memref<16x128xi32, #tpu.memory_space<vmem_shared>>
      tpu.wait_dma2 semaphore(%run_scoped3A : memref<!tpu.dma_semaphore, #tpu.memory_space<semaphore_mem>>) src(%dma_wait3A_121 : memref<16x128xi32, #tpu.memory_space<vmem_shared>>) dst(%arg8 : memref<16x128xi32, #tpu.memory_space<vmem>>)
      tpu.yield
    }) : () -> ()
    %parallel_loop3A_109 = arith.constant 0 : i32
    %parallel_loop3A_110 = arith.constant 8 : i32
    %parallel_loop3A_111 = arith.constant 1 : i32
    scf.for %parallel_loop3A_114 = %parallel_loop3A_109 to %parallel_loop3A_110 step %parallel_loop3A_111  : i32 {
      %parallel_loop3A_115 = arith.constant 16 : i32
      %parallel_loop3A_116 = arith.muli %parallel_loop3A_114, %parallel_loop3A_115 : i32
      %parallel_loop3A_117 = arith.constant 0 : i32
      %parallel_loop3A_118 = arith.index_cast %parallel_loop3A_117 : i32 to index
      %parallel_loop3A_119 = arith.index_cast %parallel_loop3A_116 : i32 to index
      %parallel_loop3A_120 = tpu.vector_load %arg8[%parallel_loop3A_118, %parallel_loop3A_119] {strides = array<i32>} : memref<16x128xi32, #tpu.memory_space<vmem>>, vector<16xi32>,
      %parallel_loop3A_121 = arith.constant 16 : i32
      %parallel_loop3A_122 = arith.muli %parallel_loop3A_114, %parallel_loop3A_121 : i32
      %parallel_loop3A_123 = arith.constant 1 : i32
      %parallel_loop3A_124 = arith.index_cast %parallel_loop3A_123 : i32 to index
      %parallel_loop3A_125 = arith.index_cast %parallel_loop3A_122 : i32 to index
      %parallel_loop3A_126 = tpu.vector_load %arg8[%parallel_loop3A_124, %parallel_loop3A_125] {strides = array<i32>} : memref<16x128xi32, #tpu.memory_space<vmem>>, vector<16xi32>,
      %parallel_loop3A_127 = arith.addi %parallel_loop3A_120, %parallel_loop3A_126 : vector<16xi32>
      %parallel_loop3A_128 = arith.constant 16 : i32
      %parallel_loop3A_129 = arith.muli %parallel_loop3A_114, %parallel_loop3A_128 : i32
      %parallel_loop3A_130 = arith.constant 2 : i32
      %parallel_loop3A_131 = arith.index_cast %parallel_loop3A_130 : i32 to index
      %parallel_loop3A_132 = arith.index_cast %parallel_loop3A_129 : i32 to index
      %parallel_loop3A_133 = tpu.vector_load %arg8[%parallel_loop3A_131, %parallel_loop3A_132] {strides = array<i32>} : memref<16x128xi32, #tpu.memory_space<vmem>>, vector<16xi32>,
      %parallel_loop3A_134 = arith.addi %parallel_loop3A_127, %parallel_loop3A_133 : vector<16xi32>
      %parallel_loop3A_135 = arith.constant 16 : i32
      %parallel_loop3A_136 = arith.muli %parallel_loop3A_114, %parallel_loop3A_135 : i32
      %parallel_loop3A_137 = arith.constant 3 : i32
      %parallel_loop3A_138 = arith.index_cast %parallel_loop3A_137 : i32 to index
      %parallel_loop3A_139 = arith.index_cast %parallel_loop3A_136 : i32 to index
      %parallel_loop3A_140 = tpu.vector_load %arg8[%parallel_loop3A_138, %parallel_loop3A_139] {strides = array<i32>} : memref<16x128xi32, #tpu.memory_space<vmem>>, vector<16xi32>,
      %parallel_loop3A_141 = arith.addi %parallel_loop3A_134, %parallel_loop3A_140 : vector<16xi32>
      %parallel_loop3A_142 = arith.constant 16 : i32
      %parallel_loop3A_143 = arith.muli %parallel_loop3A_114, %parallel_loop3A_142 : i32
      %parallel_loop3A_144 = arith.constant 4 : i32
      %parallel_loop3A_145 = arith.index_cast %parallel_loop3A_144 : i32 to index
      %parallel_loop3A_146 = arith.index_cast %parallel_loop3A_143 : i32 to index
      %parallel_loop3A_147 = tpu.vector_load %arg8[%parallel_loop3A_145, %parallel_loop3A_146] {strides = array<i32>} : memref<16x128xi32, #tpu.memory_space<vmem>>, vector<16xi32>,
      %parallel_loop3A_148 = arith.addi %parallel_loop3A_141, %parallel_loop3A_147 : vector<16xi32>
      %parallel_loop3A_149 = arith.constant 16 : i32
      %parallel_loop3A_150 = arith.muli %parallel_loop3A_114, %parallel_loop3A_149 : i32
      %parallel_loop3A_151 = arith.constant 5 : i32
      %parallel_loop3A_152 = arith.index_cast %parallel_loop3A_151 : i32 to index
      %parallel_loop3A_153 = arith.index_cast %parallel_loop3A_150 : i32 to index
      %parallel_loop3A_154 = tpu.vector_load %arg8[%parallel_loop3A_152, %parallel_loop3A_153] {strides = array<i32>} : memref<16x128xi32, #tpu.memory_space<vmem>>, vector<16xi32>,
      %parallel_loop3A_155 = arith.addi %parallel_loop3A_148, %parallel_loop3A_154 : vector<16xi32>
      %parallel_loop3A_156 = arith.constant 16 : i32
      %parallel_loop3A_157 = arith.muli %parallel_loop3A_114, %parallel_loop3A_156 : i32
      %parallel_loop3A_158 = arith.constant 6 : i32
      %parallel_loop3A_159 = arith.index_cast %parallel_loop3A_158 : i32 to index
      %parallel_loop3A_160 = arith.index_cast %parallel_loop3A_157 : i32 to index
      %parallel_loop3A_161 = tpu.vector_load %arg8[%parallel_loop3A_159, %parallel_loop3A_160] {strides = array<i32>} : memref<16x128xi32, #tpu.memory_space<vmem>>, vector<16xi32>,
      %parallel_loop3A_162 = arith.addi %parallel_loop3A_155, %parallel_loop3A_161 : vector<16xi32>
      %parallel_loop3A_163 = arith.constant 16 : i32
      %parallel_loop3A_164 = arith.muli %parallel_loop3A_114, %parallel_loop3A_163 : i32
      %parallel_loop3A_165 = arith.constant 7 : i32
      %parallel_loop3A_166 = arith.index_cast %parallel_loop3A_165 : i32 to index
      %parallel_loop3A_167 = arith.index_cast %parallel_loop3A_164 : i32 to index
      %parallel_loop3A_168 = tpu.vector_load %arg8[%parallel_loop3A_166, %parallel_loop3A_167] {strides = array<i32>} : memref<16x128xi32, #tpu.memory_space<vmem>>, vector<16xi32>,
      %parallel_loop3A_169 = arith.addi %parallel_loop3A_162, %parallel_loop3A_168 : vector<16xi32>
      %parallel_loop3A_170 = arith.constant 16 : i32
      %parallel_loop3A_171 = arith.muli %parallel_loop3A_114, %parallel_loop3A_170 : i32
      %parallel_loop3A_172 = arith.constant 8 : i32
      %parallel_loop3A_173 = arith.index_cast %parallel_loop3A_172 : i32 to index
      %parallel_loop3A_174 = arith.index_cast %parallel_loop3A_171 : i32 to index
      %parallel_loop3A_175 = tpu.vector_load %arg8[%parallel_loop3A_173, %parallel_loop3A_174] {strides = array<i32>} : memref<16x128xi32, #tpu.memory_space<vmem>>, vector<16xi32>,
      %parallel_loop3A_176 = arith.addi %parallel_loop3A_169, %parallel_loop3A_175 : vector<16xi32>
      %parallel_loop3A_177 = arith.constant 16 : i32
      %parallel_loop3A_178 = arith.muli %parallel_loop3A_114, %parallel_loop3A_177 : i32
      %parallel_loop3A_179 = arith.constant 9 : i32
      %parallel_loop3A_180 = arith.index_cast %parallel_loop3A_179 : i32 to index
      %parallel_loop3A_181 = arith.index_cast %parallel_loop3A_178 : i32 to index
      %parallel_loop3A_182 = tpu.vector_load %arg8[%parallel_loop3A_180, %parallel_loop3A_181] {strides = array<i32>} : memref<16x128xi32, #tpu.memory_space<vmem>>, vector<16xi32>,
      %parallel_loop3A_183 = arith.addi %parallel_loop3A_176, %parallel_loop3A_182 : vector<16xi32>
      %parallel_loop3A_184 = arith.constant 16 : i32
      %parallel_loop3A_185 = arith.muli %parallel_loop3A_114, %parallel_loop3A_184 : i32
      %parallel_loop3A_186 = arith.constant 10 : i32
      %parallel_loop3A_187 = arith.index_cast %parallel_loop3A_186 : i32 to index
      %parallel_loop3A_188 = arith.index_cast %parallel_loop3A_185 : i32 to index
      %parallel_loop3A_189 = tpu.vector_load %arg8[%parallel_loop3A_187, %parallel_loop3A_188] {strides = array<i32>} : memref<16x128xi32, #tpu.memory_space<vmem>>, vector<16xi32>,
      %parallel_loop3A_190 = arith.addi %parallel_loop3A_183, %parallel_loop3A_189 : vector<16xi32>
      %parallel_loop3A_191 = arith.constant 16 : i32
      %parallel_loop3A_192 = arith.muli %parallel_loop3A_114, %parallel_loop3A_191 : i32
      %parallel_loop3A_193 = arith.constant 11 : i32
      %parallel_loop3A_194 = arith.index_cast %parallel_loop3A_193 : i32 to index
      %parallel_loop3A_195 = arith.index_cast %parallel_loop3A_192 : i32 to index
      %parallel_loop3A_196 = tpu.vector_load %arg8[%parallel_loop3A_194, %parallel_loop3A_195] {strides = array<i32>} : memref<16x128xi32, #tpu.memory_space<vmem>>, vector<16xi32>,
      %parallel_loop3A_197 = arith.addi %parallel_loop3A_190, %parallel_loop3A_196 : vector<16xi32>
      %parallel_loop3A_198 = arith.constant 16 : i32
      %parallel_loop3A_199 = arith.muli %parallel_loop3A_114, %parallel_loop3A_198 : i32
      %parallel_loop3A_200 = arith.constant 12 : i32
      %parallel_loop3A_201 = arith.index_cast %parallel_loop3A_200 : i32 to index
      %parallel_loop3A_202 = arith.index_cast %parallel_loop3A_199 : i32 to index
      %parallel_loop3A_203 = tpu.vector_load %arg8[%parallel_loop3A_201, %parallel_loop3A_202] {strides = array<i32>} : memref<16x128xi32, #tpu.memory_space<vmem>>, vector<16xi32>,
      %parallel_loop3A_204 = arith.addi %parallel_loop3A_197, %parallel_loop3A_203 : vector<16xi32>
      %parallel_loop3A_205 = arith.constant 16 : i32
      %parallel_loop3A_206 = arith.muli %parallel_loop3A_114, %parallel_loop3A_205 : i32
      %parallel_loop3A_207 = arith.constant 13 : i32
      %parallel_loop3A_208 = arith.index_cast %parallel_loop3A_207 : i32 to index
      %parallel_loop3A_209 = arith.index_cast %parallel_loop3A_206 : i32 to index
      %parallel_loop3A_210 = tpu.vector_load %arg8[%parallel_loop3A_208, %parallel_loop3A_209] {strides = array<i32>} : memref<16x128xi32, #tpu.memory_space<vmem>>, vector<16xi32>,
      %parallel_loop3A_211 = arith.addi %parallel_loop3A_204, %parallel_loop3A_210 : vector<16xi32>
      %parallel_loop3A_212 = arith.constant 16 : i32
      %parallel_loop3A_213 = arith.muli %parallel_loop3A_114, %parallel_loop3A_212 : i32
      %parallel_loop3A_214 = arith.constant 14 : i32
      %parallel_loop3A_215 = arith.index_cast %parallel_loop3A_214 : i32 to index
      %parallel_loop3A_216 = arith.index_cast %parallel_loop3A_213 : i32 to index
      %parallel_loop3A_217 = tpu.vector_load %arg8[%parallel_loop3A_215, %parallel_loop3A_216] {strides = array<i32>} : memref<16x128xi32, #tpu.memory_space<vmem>>, vector<16xi32>,
      %parallel_loop3A_218 = arith.addi %parallel_loop3A_211, %parallel_loop3A_217 : vector<16xi32>
      %parallel_loop3A_219 = arith.constant 16 : i32
      %parallel_loop3A_220 = arith.muli %parallel_loop3A_114, %parallel_loop3A_219 : i32
      %parallel_loop3A_221 = arith.constant 15 : i32
      %parallel_loop3A_222 = arith.index_cast %parallel_loop3A_221 : i32 to index
      %parallel_loop3A_223 = arith.index_cast %parallel_loop3A_220 : i32 to index
      %parallel_loop3A_224 = tpu.vector_load %arg8[%parallel_loop3A_222, %parallel_loop3A_223] {strides = array<i32>} : memref<16x128xi32, #tpu.memory_space<vmem>>, vector<16xi32>,
      %parallel_loop3A_225 = arith.addi %parallel_loop3A_218, %parallel_loop3A_224 : vector<16xi32>
      %parallel_loop3A_226 = arith.constant 16 : i32
      %parallel_loop3A_227 = arith.muli %parallel_loop3A_114, %parallel_loop3A_226 : i32
      %parallel_loop3A_228 = arith.index_cast %parallel_loop3A_227 : i32 to index
      %parallel_loop3A_229 = tpu.vector_load %arg9[%parallel_loop3A_228] {strides = array<i32>} : memref<128xi32, #tpu.memory_space<vmem>>, vector<16xi32>,
      tpu.vector_store %arg9[%parallel_loop3A_228], %parallel_loop3A_225 {strides = array<i32>} : memref<128xi32, #tpu.memory_space<vmem>>, vector<16xi32>,
    } {sc.loop_unroll_factor = 4 : i64, sc.parallel_access}
    %mul3A_112 = arith.constant 128 : i32
    %mul3A_113 = arith.muli %arg1, %mul3A_112 : i32
    "tpu.region"() ({
      %run_scoped3A = tpu.sem_alloc : memref<!tpu.dma_semaphore, #tpu.memory_space<semaphore_mem>>
      %dma_start3A_114 = tpu.memref_slice %arg3[%arg0, %mul3A_113] : memref<2x2048xi32, #tpu.memory_space<hbm>> -> memref<1x128xi32, #tpu.memory_space<hbm>>
      %dma_start3A_115 = tpu.memref_squeeze %dma_start3A_114 : memref<1x128xi32, #tpu.memory_space<hbm>> -> memref<128xi32, #tpu.memory_space<hbm>>
      %dma_start3A_116 = tpu.memref_slice %arg3[%arg0, %mul3A_113] : memref<2x2048xi32, #tpu.memory_space<hbm>> -> memref<1x128xi32, #tpu.memory_space<hbm>>
      %dma_start3A_117 = tpu.memref_squeeze %dma_start3A_116 : memref<1x128xi32, #tpu.memory_space<hbm>> -> memref<128xi32, #tpu.memory_space<hbm>>
      tpu.enqueue_dma source(%arg9 : memref<128xi32, #tpu.memory_space<vmem>>) target(%dma_start3A_117 : memref<128xi32, #tpu.memory_space<hbm>>) target_semaphore(%run_scoped3A : memref<!tpu.dma_semaphore, #tpu.memory_space<semaphore_mem>>)
      %dma_wait3A_118 = tpu.memref_slice %arg3[%arg0, %mul3A_113] : memref<2x2048xi32, #tpu.memory_space<hbm>> -> memref<1x128xi32, #tpu.memory_space<hbm>>
      %dma_wait3A_119 = tpu.memref_squeeze %dma_wait3A_118 : memref<1x128xi32, #tpu.memory_space<hbm>> -> memref<128xi32, #tpu.memory_space<hbm>>
      %dma_wait3A_120 = tpu.memref_slice %arg3[%arg0, %mul3A_113] : memref<2x2048xi32, #tpu.memory_space<hbm>> -> memref<1x128xi32, #tpu.memory_space<hbm>>
      %dma_wait3A_121 = tpu.memref_squeeze %dma_wait3A_120 : memref<1x128xi32, #tpu.memory_space<hbm>> -> memref<128xi32, #tpu.memory_space<hbm>>
      tpu.wait_dma2 semaphore(%run_scoped3A : memref<!tpu.dma_semaphore, #tpu.memory_space<semaphore_mem>>) src(%arg9 : memref<128xi32, #tpu.memory_space<vmem>>) dst(%dma_wait3A_121 : memref<128xi32, #tpu.memory_space<hbm>>)
      tpu.yield
    }) : () -> ()
    return
  }
}

#map = affine_map<(d0, d1) -> (0, 0)>
module attributes {stable_mosaic.version = 14 : i64} {
  func.func @_sc_hist2(%arg0: i32, %arg1: i32, %arg2: memref<64x32768xf32, #tpu.memory_space<hbm>>, %arg3: memref<2x2048xi32, #tpu.memory_space<hbm>>, %arg4: memref<32x2048xi32, #tpu.memory_space<hbm>>, %arg5: memref<32x2048xf32, #tpu.memory_space<hbm>>, %arg6: memref<32x16xf32, #tpu.memory_space<hbm>>, %arg7: memref<2x8192xf32, #tpu.memory_space<vmem>>, %arg8: memref<2x8192xf32, #tpu.memory_space<vmem>>, %arg9: memref<33024xi32, #tpu.memory_space<vmem>>, %arg10: memref<33024xf32, #tpu.memory_space<vmem>>, %arg11: memref<2048xi32, #tpu.memory_space<vmem>>, %arg12: memref<2048xf32, #tpu.memory_space<vmem>>, %arg13: memref<2x2048xi32, #tpu.memory_space<vmem>>, %arg14: memref<16xf32, #tpu.memory_space<vmem>>, %arg15: memref<!tpu.dma_semaphore, #tpu.memory_space<semaphore_mem>>, %arg16: memref<!tpu.dma_semaphore, #tpu.memory_space<semaphore_mem>>) attributes {dimension_semantics = [#tpu.dimension_semantics<core_parallel>, #tpu.dimension_semantics<subcore_parallel>], iteration_bounds = array<i64: 2, 16>, scalar_prefetch = 0 : i64, scratch_operands = 10 : i64, tpu.core_type = #tpu.core_type<sc_vector_subcore>, window_params = [{transform_indices = #map}, {transform_indices = #map}, {transform_indices = #map}, {transform_indices = #map}, {transform_indices = #map}]} {
    %mul3A = arith.constant 16 : i32
    %mul3A_0 = arith.muli %arg0, %mul3A : i32
    %add3A = arith.addi %mul3A_0, %arg1 : i32
    %jit3A = arith.constant 4 : i32
    %div3A = arith.divsi %add3A, %jit3A : i32
    %sign3A = arith.constant 0 : i32
    %sign3A_1 = arith.cmpi sgt, %add3A, %sign3A : i32
    %sign3A_2 = arith.extui %sign3A_1 : i1 to i32
    %sign3A_3 = arith.constant 0 : i32
    %sign3A_4 = arith.cmpi slt, %add3A, %sign3A_3 : i32
    %sign3A_5 = arith.extui %sign3A_4 : i1 to i32
    %sign3A_6 = arith.subi %sign3A_2, %sign3A_5 : i32
    %sign3A_7 = arith.constant 0 : i32
    %sign3A_8 = arith.cmpi sgt, %jit3A, %sign3A_7 : i32
    %sign3A_9 = arith.extui %sign3A_8 : i1 to i32
    %sign3A_10 = arith.constant 0 : i32
    %sign3A_11 = arith.cmpi slt, %jit3A, %sign3A_10 : i32
    %sign3A_12 = arith.extui %sign3A_11 : i1 to i32
    %sign3A_13 = arith.subi %sign3A_9, %sign3A_12 : i32
    %ne3A = arith.cmpi ne, %sign3A_6, %sign3A_13 : i32
    %rem3A = arith.remsi %add3A, %jit3A : i32
    %ne3A_14 = arith.constant 0 : i32
    %ne3A_15 = arith.cmpi ne, %rem3A, %ne3A_14 : i32
    %and3A = arith.andi %ne3A, %ne3A_15 : i1
    %sub3A = arith.constant 1 : i32
    %sub3A_16 = arith.subi %div3A, %sub3A : i32
    %select_n3A = arith.select %and3A, %sub3A_16, %div3A : i32
    %jit3A_17 = arith.constant 4 : i32
    %eq3A = arith.constant 0 : i32
    %eq3A_18 = arith.cmpi eq, %jit3A_17, %eq3A : i32
    %jit3A_19 = arith.constant 1 : i32
    %select_n3A_20 = arith.select %eq3A_18, %jit3A_19, %jit3A_17 : i32
    %rem3A_21 = arith.remsi %add3A, %select_n3A_20 : i32
    %ne3A_22 = arith.constant 0 : i32
    %ne3A_23 = arith.cmpi ne, %rem3A_21, %ne3A_22 : i32
    %lt3A = arith.constant 0 : i32
    %lt3A_24 = arith.cmpi slt, %rem3A_21, %lt3A : i32
    %lt3A_25 = arith.constant 0 : i32
    %lt3A_26 = arith.cmpi slt, %select_n3A_20, %lt3A_25 : i32
    %ne3A_27 = arith.xori %lt3A_24, %lt3A_26 : i1
    %and3A_28 = arith.andi %ne3A_27, %ne3A_23 : i1
    %add3A_29 = arith.addi %rem3A_21, %select_n3A_20 : i32
    %select_n3A_30 = arith.select %and3A_28, %add3A_29, %rem3A_21 : i32
    %mul3A_31 = arith.constant 8 : i32
    %mul3A_32 = arith.muli %select_n3A, %mul3A_31 : i32
    %add3A_33 = arith.constant 0 : i32
    %add3A_34 = arith.addi %mul3A_32, %add3A_33 : i32
    %mul3A_35 = arith.constant 8192 : i32
    %mul3A_36 = arith.muli %select_n3A_30, %mul3A_35 : i32
    %dma_start3A = tpu.memref_slice %arg2[%add3A_34, %mul3A_36] : memref<64x32768xf32, #tpu.memory_space<hbm>> -> memref<2x8192xf32, #tpu.memory_space<hbm>>
    %dma_start3A_37 = tpu.memref_slice %arg2[%add3A_34, %mul3A_36] : memref<64x32768xf32, #tpu.memory_space<hbm>> -> memref<2x8192xf32, #tpu.memory_space<hbm>>
    tpu.enqueue_dma source(%dma_start3A_37 : memref<2x8192xf32, #tpu.memory_space<hbm>>) target(%arg7 : memref<2x8192xf32, #tpu.memory_space<vmem>>) target_semaphore(%arg15 : memref<!tpu.dma_semaphore, #tpu.memory_space<semaphore_mem>>)
    "tpu.region"() ({
      %run_scoped3A = tpu.sem_alloc : memref<!tpu.dma_semaphore, #tpu.memory_space<semaphore_mem>>
      tpu.enqueue_dma source(%arg3 : memref<2x2048xi32, #tpu.memory_space<hbm>>) target(%arg13 : memref<2x2048xi32, #tpu.memory_space<vmem>>) target_semaphore(%run_scoped3A : memref<!tpu.dma_semaphore, #tpu.memory_space<semaphore_mem>>)
      tpu.wait_dma2 semaphore(%run_scoped3A : memref<!tpu.dma_semaphore, #tpu.memory_space<semaphore_mem>>) src(%arg3 : memref<2x2048xi32, #tpu.memory_space<hbm>>) dst(%arg13 : memref<2x2048xi32, #tpu.memory_space<vmem>>)
      tpu.yield
    }) : () -> ()
    %broadcast_in_dim3A = arith.constant 0 : i32
    %broadcast_in_dim3A_38 = vector.broadcast %broadcast_in_dim3A : i32 to vector<16xi32>
    %broadcast_in_dim3A_39 = arith.constant 0.000000e+00 : f32
    %broadcast_in_dim3A_40 = vector.broadcast %broadcast_in_dim3A_39 : f32 to vector<16xf32>
    %broadcast_in_dim3A_41 = arith.constant 1 : i32
    %broadcast_in_dim3A_42 = vector.broadcast %broadcast_in_dim3A_41 : i32 to vector<16xi32>
    %iota3A = tpu.iota {dimensions = array<i32: 0>} : vector<16xi32>
    %mul3A_43 = arith.constant 2064 : i32
    %mul3A_44 = vector.broadcast %mul3A_43 : i32 to vector<16xi32>
    %mul3A_45 = arith.muli %iota3A, %mul3A_44 : vector<16xi32>
    %parallel_loop3A = arith.constant 0 : i32
    %parallel_loop3A_46 = arith.constant 2064 : i32
    %parallel_loop3A_47 = arith.constant 1 : i32
    scf.for %parallel_loop3A_153 = %parallel_loop3A to %parallel_loop3A_46 step %parallel_loop3A_47  : i32 {
      %parallel_loop3A_154 = arith.constant 16 : i32
      %parallel_loop3A_155 = arith.muli %parallel_loop3A_153, %parallel_loop3A_154 : i32
      %parallel_loop3A_156 = arith.index_cast %parallel_loop3A_155 : i32 to index
      %parallel_loop3A_157 = tpu.vector_load %arg9[%parallel_loop3A_156] {strides = array<i32>} : memref<33024xi32, #tpu.memory_space<vmem>>, vector<16xi32>,
      tpu.vector_store %arg9[%parallel_loop3A_156], %broadcast_in_dim3A_38 {strides = array<i32>} : memref<33024xi32, #tpu.memory_space<vmem>>, vector<16xi32>,
      %parallel_loop3A_158 = arith.constant 16 : i32
      %parallel_loop3A_159 = arith.muli %parallel_loop3A_153, %parallel_loop3A_158 : i32
      %parallel_loop3A_160 = arith.index_cast %parallel_loop3A_159 : i32 to index
      %parallel_loop3A_161 = tpu.vector_load %arg10[%parallel_loop3A_160] {strides = array<i32>} : memref<33024xf32, #tpu.memory_space<vmem>>, vector<16xf32>,
      tpu.vector_store %arg10[%parallel_loop3A_160], %broadcast_in_dim3A_40 {strides = array<i32>} : memref<33024xf32, #tpu.memory_space<vmem>>, vector<16xf32>,
    } {sc.loop_unroll_factor = 8 : i64, sc.parallel_access}
    %scan3A = arith.constant -1 : i32
    %scan3A_48 = arith.constant 0 : i32
    %scan3A_49 = arith.constant 0 : i32
    %scan3A_50 = arith.constant 0 : i32
    %scan3A_51 = arith.constant 128 : i32
    %scan3A_52 = arith.addi %scan3A_50, %scan3A_51 : i32
    %scan3A_53 = arith.constant 1 : i32
    %scan3A_54:3 = scf.for %scan3A_153 = %scan3A_50 to %scan3A_52 step %scan3A_53 iter_args(%scan3A_154 = %scan3A, %scan3A_155 = %scan3A_48, %scan3A_156 = %scan3A_49) -> (i32, i32, i32)  : i32 {
      %sub3A_157 = arith.constant 127 : i32
      %sub3A_158 = arith.subi %sub3A_157, %scan3A_153 : i32
      %mul3A_159 = arith.constant 16 : i32
      %mul3A_160 = arith.muli %sub3A_158, %mul3A_159 : i32
      %get3A_161 = arith.constant 0 : i32
      %get3A_162 = arith.index_cast %get3A_161 : i32 to index
      %get3A_163 = arith.index_cast %mul3A_160 : i32 to index
      %get3A_164 = tpu.vector_load %arg13[%get3A_162, %get3A_163] {strides = array<i32>} : memref<2x2048xi32, #tpu.memory_space<vmem>>, vector<16xi32>,
      %mul3A_165 = arith.constant 16 : i32
      %mul3A_166 = arith.muli %sub3A_158, %mul3A_165 : i32
      %get3A_167 = arith.constant 1 : i32
      %get3A_168 = arith.index_cast %get3A_167 : i32 to index
      %get3A_169 = arith.index_cast %mul3A_166 : i32 to index
      %get3A_170 = tpu.vector_load %arg13[%get3A_168, %get3A_169] {strides = array<i32>} : memref<2x2048xi32, #tpu.memory_space<vmem>>, vector<16xi32>,
      %add3A_171 = arith.addi %get3A_164, %get3A_170 : vector<16xi32>
      %reduce_sum3A = arith.constant true
      %reduce_sum3A_172 = vector.broadcast %reduce_sum3A : i1 to vector<16xi1>
      %reduce_sum3A_173 = tpu.scan <sum>, %add3A_171 masked %reduce_sum3A_172 : vector<16xi32>, vector<16xi1> -> vector<16xi32>
      %reduce_sum3A_174 = vector.extract %reduce_sum3A_173[15] : i32 from vector<16xi32>
      %add3A_175 = arith.addi %scan3A_156, %reduce_sum3A_174 : i32
      %ge3A_176 = arith.constant 20971 : i32
      %ge3A_177 = arith.cmpi sge, %add3A_175, %ge3A_176 : i32
      %lt3A_178 = arith.constant 0 : i32
      %lt3A_179 = arith.cmpi slt, %scan3A_154, %lt3A_178 : i32
      %and3A_180 = arith.andi %ge3A_177, %lt3A_179 : i1
      %select_n3A_181 = arith.select %and3A_180, %sub3A_158, %scan3A_154 : i32
      %select_n3A_182 = arith.select %and3A_180, %scan3A_156, %scan3A_155 : i32
      scf.yield %select_n3A_181, %select_n3A_182, %add3A_175 : i32, i32, i32
    }
    %scan3A_55 = arith.constant 128 : i32
    %mul3A_56 = arith.constant 16 : i32
    %mul3A_57 = arith.muli %scan3A_54#0, %mul3A_56 : i32
    %get3A = arith.constant 0 : i32
    %get3A_58 = arith.index_cast %get3A : i32 to index
    %get3A_59 = arith.index_cast %mul3A_57 : i32 to index
    %get3A_60 = tpu.vector_load %arg13[%get3A_58, %get3A_59] {strides = array<i32>} : memref<2x2048xi32, #tpu.memory_space<vmem>>, vector<16xi32>,
    %mul3A_61 = arith.constant 16 : i32
    %mul3A_62 = arith.muli %scan3A_54#0, %mul3A_61 : i32
    %get3A_63 = arith.constant 1 : i32
    %get3A_64 = arith.index_cast %get3A_63 : i32 to index
    %get3A_65 = arith.index_cast %mul3A_62 : i32 to index
    %get3A_66 = tpu.vector_load %arg13[%get3A_64, %get3A_65] {strides = array<i32>} : memref<2x2048xi32, #tpu.memory_space<vmem>>, vector<16xi32>,
    %add3A_67 = arith.addi %get3A_60, %get3A_66 : vector<16xi32>
    %rev3A = arith.constant 15 : i32
    %rev3A_68 = vector.broadcast %rev3A : i32 to vector<16xi32>
    %rev3A_69 = tpu.iota {dimensions = array<i32: 0>} : vector<16xi32>
    %rev3A_70 = arith.subi %rev3A_68, %rev3A_69 : vector<16xi32>
    %rev3A_71 = tpu.dynamic_gather %add3A_67[%rev3A_70] in [0] : vector<16xi32>, vector<16xi32> -> vector<16xi32>
    %broadcast_in_dim3A_72 = arith.constant true
    %broadcast_in_dim3A_73 = vector.broadcast %broadcast_in_dim3A_72 : i1 to vector<16xi1>
    %masked_cumsum3A = tpu.scan <sum>, %rev3A_71 masked %broadcast_in_dim3A_73 : vector<16xi32>, vector<16xi1> -> vector<16xi32>
    %add3A_74 = vector.broadcast %scan3A_54#1 : i32 to vector<16xi32>
    %add3A_75 = arith.addi %masked_cumsum3A, %add3A_74 : vector<16xi32>
    %ge3A = arith.constant 20971 : i32
    %ge3A_76 = vector.broadcast %ge3A : i32 to vector<16xi32>
    %ge3A_77 = arith.cmpi sge, %add3A_75, %ge3A_76 : vector<16xi32>
    %all_reduce_ffs3A = tpu.all_reduce %ge3A_77 {dim = 0 : i64, kind = #tpu.reduction_kind<find_first_set>} : vector<16xi1> -> vector<16xi32>
    %mul3A_78 = arith.constant 16 : i32
    %mul3A_79 = arith.muli %scan3A_54#0, %mul3A_78 : i32
    %add3A_80 = arith.constant 15 : i32
    %add3A_81 = arith.addi %mul3A_79, %add3A_80 : i32
    %sub3A_82 = vector.broadcast %add3A_81 : i32 to vector<16xi32>
    %sub3A_83 = arith.subi %sub3A_82, %all_reduce_ffs3A : vector<16xi32>
    %sub3A_84 = arith.constant 1024 : i32
    %sub3A_85 = vector.broadcast %sub3A_84 : i32 to vector<16xi32>
    %sub3A_86 = arith.subi %sub3A_83, %sub3A_85 : vector<16xi32>
    %mul3A_87 = arith.constant 8 : i32
    %mul3A_88 = arith.muli %select_n3A, %mul3A_87 : i32
    %add3A_89 = arith.constant 2 : i32
    %add3A_90 = arith.addi %mul3A_88, %add3A_89 : i32
    %mul3A_91 = arith.constant 8192 : i32
    %mul3A_92 = arith.muli %select_n3A_30, %mul3A_91 : i32
    %dma_start3A_93 = tpu.memref_slice %arg2[%add3A_90, %mul3A_92] : memref<64x32768xf32, #tpu.memory_space<hbm>> -> memref<2x8192xf32, #tpu.memory_space<hbm>>
    %dma_start3A_94 = tpu.memref_slice %arg2[%add3A_90, %mul3A_92] : memref<64x32768xf32, #tpu.memory_space<hbm>> -> memref<2x8192xf32, #tpu.memory_space<hbm>>
    tpu.enqueue_dma source(%dma_start3A_94 : memref<2x8192xf32, #tpu.memory_space<hbm>>) target(%arg8 : memref<2x8192xf32, #tpu.memory_space<vmem>>) target_semaphore(%arg16 : memref<!tpu.dma_semaphore, #tpu.memory_space<semaphore_mem>>)
    %dma_wait3A = tpu.memref_slice %arg2[%add3A_34, %mul3A_36] : memref<64x32768xf32, #tpu.memory_space<hbm>> -> memref<2x8192xf32, #tpu.memory_space<hbm>>
    %dma_wait3A_95 = tpu.memref_slice %arg2[%add3A_34, %mul3A_36] : memref<64x32768xf32, #tpu.memory_space<hbm>> -> memref<2x8192xf32, #tpu.memory_space<hbm>>
    tpu.wait_dma2 semaphore(%arg15 : memref<!tpu.dma_semaphore, #tpu.memory_space<semaphore_mem>>) src(%dma_wait3A_95 : memref<2x8192xf32, #tpu.memory_space<hbm>>) dst(%arg7 : memref<2x8192xf32, #tpu.memory_space<vmem>>)
    %parallel_loop3A_96 = arith.constant 0 : i32
    %parallel_loop3A_97 = arith.constant 512 : i32
    %parallel_loop3A_98 = arith.constant 1 : i32
    scf.for %parallel_loop3A_153 = %parallel_loop3A_96 to %parallel_loop3A_97 step %parallel_loop3A_98  : i32 {
      %parallel_loop3A_154 = arith.constant 16 : i32
      %parallel_loop3A_155 = arith.muli %parallel_loop3A_153, %parallel_loop3A_154 : i32
      %parallel_loop3A_156 = arith.constant 0 : i32
      %parallel_loop3A_157 = arith.index_cast %parallel_loop3A_156 : i32 to index
      %parallel_loop3A_158 = arith.index_cast %parallel_loop3A_155 : i32 to index
      %parallel_loop3A_159 = tpu.vector_load %arg7[%parallel_loop3A_157, %parallel_loop3A_158] {strides = array<i32>} : memref<2x8192xf32, #tpu.memory_space<vmem>>, vector<16xf32>,
      %parallel_loop3A_160 = tpu.bitcast %parallel_loop3A_159 : vector<16xf32> -> vector<16xi32>
      %parallel_loop3A_161 = arith.constant 0 : i32
      %parallel_loop3A_162 = vector.broadcast %parallel_loop3A_161 : i32 to vector<16xi32>
      %parallel_loop3A_163 = arith.cmpi slt, %parallel_loop3A_160, %parallel_loop3A_162 : vector<16xi32>
      %parallel_loop3A_164 = arith.constant 2147483647 : i32
      %parallel_loop3A_165 = vector.broadcast %parallel_loop3A_164 : i32 to vector<16xi32>
      %parallel_loop3A_166 = arith.xori %parallel_loop3A_160, %parallel_loop3A_165 : vector<16xi32>
      %parallel_loop3A_167 = arith.select %parallel_loop3A_163, %parallel_loop3A_166, %parallel_loop3A_160 : vector<16xi1>, vector<16xi32>
      %parallel_loop3A_168 = arith.constant 21 : i32
      %parallel_loop3A_169 = vector.broadcast %parallel_loop3A_168 : i32 to vector<16xi32>
      %parallel_loop3A_170 = arith.shrsi %parallel_loop3A_167, %parallel_loop3A_169 : vector<16xi32>
      %parallel_loop3A_171 = arith.cmpi sge, %parallel_loop3A_170, %sub3A_86 : vector<16xi32>
      %parallel_loop3A_172 = arith.cmpi eq, %parallel_loop3A_170, %sub3A_86 : vector<16xi32>
      %parallel_loop3A_173 = arith.constant 10 : i32
      %parallel_loop3A_174 = vector.broadcast %parallel_loop3A_173 : i32 to vector<16xi32>
      %parallel_loop3A_175 = arith.shrsi %parallel_loop3A_167, %parallel_loop3A_174 : vector<16xi32>
      %parallel_loop3A_176 = arith.constant 2047 : i32
      %parallel_loop3A_177 = vector.broadcast %parallel_loop3A_176 : i32 to vector<16xi32>
      %parallel_loop3A_178 = arith.andi %parallel_loop3A_175, %parallel_loop3A_177 : vector<16xi32>
      %parallel_loop3A_179 = arith.constant 2048 : i32
      %parallel_loop3A_180 = vector.broadcast %parallel_loop3A_179 : i32 to vector<16xi32>
      %parallel_loop3A_181 = arith.select %parallel_loop3A_172, %parallel_loop3A_178, %parallel_loop3A_180 : vector<16xi1>, vector<16xi32>
      %parallel_loop3A_182 = arith.addi %mul3A_45, %parallel_loop3A_181 : vector<16xi32>
      tpu.vector_store_idx %arg9[%parallel_loop3A_182], %broadcast_in_dim3A_42 masked %parallel_loop3A_171 {add = true} : memref<33024xi32, #tpu.memory_space<vmem>>[vector<16xi32>], vector<16xi32>, vector<16xi1>
      tpu.vector_store_idx %arg10[%parallel_loop3A_182], %parallel_loop3A_159 masked %parallel_loop3A_171 {add = true} : memref<33024xf32, #tpu.memory_space<vmem>>[vector<16xi32>], vector<16xf32>, vector<16xi1>
    } {sc.loop_unroll_factor = 8 : i64, sc.parallel_access}
    %parallel_loop3A_99 = arith.constant 0 : i32
    %parallel_loop3A_100 = arith.constant 512 : i32
    %parallel_loop3A_101 = arith.constant 1 : i32
    scf.for %parallel_loop3A_153 = %parallel_loop3A_99 to %parallel_loop3A_100 step %parallel_loop3A_101  : i32 {
      %parallel_loop3A_154 = arith.constant 16 : i32
      %parallel_loop3A_155 = arith.muli %parallel_loop3A_153, %parallel_loop3A_154 : i32
      %parallel_loop3A_156 = arith.constant 1 : i32
      %parallel_loop3A_157 = arith.index_cast %parallel_loop3A_156 : i32 to index
      %parallel_loop3A_158 = arith.index_cast %parallel_loop3A_155 : i32 to index
      %parallel_loop3A_159 = tpu.vector_load %arg7[%parallel_loop3A_157, %parallel_loop3A_158] {strides = array<i32>} : memref<2x8192xf32, #tpu.memory_space<vmem>>, vector<16xf32>,
      %parallel_loop3A_160 = tpu.bitcast %parallel_loop3A_159 : vector<16xf32> -> vector<16xi32>
      %parallel_loop3A_161 = arith.constant 0 : i32
      %parallel_loop3A_162 = vector.broadcast %parallel_loop3A_161 : i32 to vector<16xi32>
      %parallel_loop3A_163 = arith.cmpi slt, %parallel_loop3A_160, %parallel_loop3A_162 : vector<16xi32>
      %parallel_loop3A_164 = arith.constant 2147483647 : i32
      %parallel_loop3A_165 = vector.broadcast %parallel_loop3A_164 : i32 to vector<16xi32>
      %parallel_loop3A_166 = arith.xori %parallel_loop3A_160, %parallel_loop3A_165 : vector<16xi32>
      %parallel_loop3A_167 = arith.select %parallel_loop3A_163, %parallel_loop3A_166, %parallel_loop3A_160 : vector<16xi1>, vector<16xi32>
      %parallel_loop3A_168 = arith.constant 21 : i32
      %parallel_loop3A_169 = vector.broadcast %parallel_loop3A_168 : i32 to vector<16xi32>
      %parallel_loop3A_170 = arith.shrsi %parallel_loop3A_167, %parallel_loop3A_169 : vector<16xi32>
      %parallel_loop3A_171 = arith.cmpi sge, %parallel_loop3A_170, %sub3A_86 : vector<16xi32>
      %parallel_loop3A_172 = arith.cmpi eq, %parallel_loop3A_170, %sub3A_86 : vector<16xi32>
      %parallel_loop3A_173 = arith.constant 10 : i32
      %parallel_loop3A_174 = vector.broadcast %parallel_loop3A_173 : i32 to vector<16xi32>
      %parallel_loop3A_175 = arith.shrsi %parallel_loop3A_167, %parallel_loop3A_174 : vector<16xi32>
      %parallel_loop3A_176 = arith.constant 2047 : i32
      %parallel_loop3A_177 = vector.broadcast %parallel_loop3A_176 : i32 to vector<16xi32>
      %parallel_loop3A_178 = arith.andi %parallel_loop3A_175, %parallel_loop3A_177 : vector<16xi32>
      %parallel_loop3A_179 = arith.constant 2048 : i32
      %parallel_loop3A_180 = vector.broadcast %parallel_loop3A_179 : i32 to vector<16xi32>
      %parallel_loop3A_181 = arith.select %parallel_loop3A_172, %parallel_loop3A_178, %parallel_loop3A_180 : vector<16xi1>, vector<16xi32>
      %parallel_loop3A_182 = arith.addi %mul3A_45, %parallel_loop3A_181 : vector<16xi32>
      tpu.vector_store_idx %arg9[%parallel_loop3A_182], %broadcast_in_dim3A_42 masked %parallel_loop3A_171 {add = true} : memref<33024xi32, #tpu.memory_space<vmem>>[vector<16xi32>], vector<16xi32>, vector<16xi1>
      tpu.vector_store_idx %arg10[%parallel_loop3A_182], %parallel_loop3A_159 masked %parallel_loop3A_171 {add = true} : memref<33024xf32, #tpu.memory_space<vmem>>[vector<16xi32>], vector<16xf32>, vector<16xi1>
    } {sc.loop_unroll_factor = 8 : i64, sc.parallel_access}
    %mul3A_102 = arith.constant 8 : i32
    %mul3A_103 = arith.muli %select_n3A, %mul3A_102 : i32
    %add3A_104 = arith.constant 4 : i32
    %add3A_105 = arith.addi %mul3A_103, %add3A_104 : i32
    %mul3A_106 = arith.constant 8192 : i32
    %mul3A_107 = arith.muli %select_n3A_30, %mul3A_106 : i32
    %dma_start3A_108 = tpu.memref_slice %arg2[%add3A_105, %mul3A_107] : memref<64x32768xf32, #tpu.memory_space<hbm>> -> memref<2x8192xf32, #tpu.memory_space<hbm>>
    %dma_start3A_109 = tpu.memref_slice %arg2[%add3A_105, %mul3A_107] : memref<64x32768xf32, #tpu.memory_space<hbm>> -> memref<2x8192xf32, #tpu.memory_space<hbm>>
    tpu.enqueue_dma source(%dma_start3A_109 : memref<2x8192xf32, #tpu.memory_space<hbm>>) target(%arg7 : memref<2x8192xf32, #tpu.memory_space<vmem>>) target_semaphore(%arg15 : memref<!tpu.dma_semaphore, #tpu.memory_space<semaphore_mem>>)
    %dma_wait3A_110 = tpu.memref_slice %arg2[%add3A_90, %mul3A_92] : memref<64x32768xf32, #tpu.memory_space<hbm>> -> memref<2x8192xf32, #tpu.memory_space<hbm>>
    %dma_wait3A_111 = tpu.memref_slice %arg2[%add3A_90, %mul3A_92] : memref<64x32768xf32, #tpu.memory_space<hbm>> -> memref<2x8192xf32, #tpu.memory_space<hbm>>
    tpu.wait_dma2 semaphore(%arg16 : memref<!tpu.dma_semaphore, #tpu.memory_space<semaphore_mem>>) src(%dma_wait3A_111 : memref<2x8192xf32, #tpu.memory_space<hbm>>) dst(%arg8 : memref<2x8192xf32, #tpu.memory_space<vmem>>)
    %parallel_loop3A_112 = arith.constant 0 : i32
    %parallel_loop3A_113 = arith.constant 512 : i32
    %parallel_loop3A_114 = arith.constant 1 : i32
    scf.for %parallel_loop3A_153 = %parallel_loop3A_112 to %parallel_loop3A_113 step %parallel_loop3A_114  : i32 {
      %parallel_loop3A_154 = arith.constant 16 : i32
      %parallel_loop3A_155 = arith.muli %parallel_loop3A_153, %parallel_loop3A_154 : i32
      %parallel_loop3A_156 = arith.constant 0 : i32
      %parallel_loop3A_157 = arith.index_cast %parallel_loop3A_156 : i32 to index
      %parallel_loop3A_158 = arith.index_cast %parallel_loop3A_155 : i32 to index
      %parallel_loop3A_159 = tpu.vector_load %arg8[%parallel_loop3A_157, %parallel_loop3A_158] {strides = array<i32>} : memref<2x8192xf32, #tpu.memory_space<vmem>>, vector<16xf32>,
      %parallel_loop3A_160 = tpu.bitcast %parallel_loop3A_159 : vector<16xf32> -> vector<16xi32>
      %parallel_loop3A_161 = arith.constant 0 : i32
      %parallel_loop3A_162 = vector.broadcast %parallel_loop3A_161 : i32 to vector<16xi32>
      %parallel_loop3A_163 = arith.cmpi slt, %parallel_loop3A_160, %parallel_loop3A_162 : vector<16xi32>
      %parallel_loop3A_164 = arith.constant 2147483647 : i32
      %parallel_loop3A_165 = vector.broadcast %parallel_loop3A_164 : i32 to vector<16xi32>
      %parallel_loop3A_166 = arith.xori %parallel_loop3A_160, %parallel_loop3A_165 : vector<16xi32>
      %parallel_loop3A_167 = arith.select %parallel_loop3A_163, %parallel_loop3A_166, %parallel_loop3A_160 : vector<16xi1>, vector<16xi32>
      %parallel_loop3A_168 = arith.constant 21 : i32
      %parallel_loop3A_169 = vector.broadcast %parallel_loop3A_168 : i32 to vector<16xi32>
      %parallel_loop3A_170 = arith.shrsi %parallel_loop3A_167, %parallel_loop3A_169 : vector<16xi32>
      %parallel_loop3A_171 = arith.cmpi sge, %parallel_loop3A_170, %sub3A_86 : vector<16xi32>
      %parallel_loop3A_172 = arith.cmpi eq, %parallel_loop3A_170, %sub3A_86 : vector<16xi32>
      %parallel_loop3A_173 = arith.constant 10 : i32
      %parallel_loop3A_174 = vector.broadcast %parallel_loop3A_173 : i32 to vector<16xi32>
      %parallel_loop3A_175 = arith.shrsi %parallel_loop3A_167, %parallel_loop3A_174 : vector<16xi32>
      %parallel_loop3A_176 = arith.constant 2047 : i32
      %parallel_loop3A_177 = vector.broadcast %parallel_loop3A_176 : i32 to vector<16xi32>
      %parallel_loop3A_178 = arith.andi %parallel_loop3A_175, %parallel_loop3A_177 : vector<16xi32>
      %parallel_loop3A_179 = arith.constant 2048 : i32
      %parallel_loop3A_180 = vector.broadcast %parallel_loop3A_179 : i32 to vector<16xi32>
      %parallel_loop3A_181 = arith.select %parallel_loop3A_172, %parallel_loop3A_178, %parallel_loop3A_180 : vector<16xi1>, vector<16xi32>
      %parallel_loop3A_182 = arith.addi %mul3A_45, %parallel_loop3A_181 : vector<16xi32>
      tpu.vector_store_idx %arg9[%parallel_loop3A_182], %broadcast_in_dim3A_42 masked %parallel_loop3A_171 {add = true} : memref<33024xi32, #tpu.memory_space<vmem>>[vector<16xi32>], vector<16xi32>, vector<16xi1>
      tpu.vector_store_idx %arg10[%parallel_loop3A_182], %parallel_loop3A_159 masked %parallel_loop3A_171 {add = true} : memref<33024xf32, #tpu.memory_space<vmem>>[vector<16xi32>], vector<16xf32>, vector<16xi1>
    } {sc.loop_unroll_factor = 8 : i64, sc.parallel_access}
    %parallel_loop3A_115 = arith.constant 0 : i32
    %parallel_loop3A_116 = arith.constant 512 : i32
    %parallel_loop3A_117 = arith.constant 1 : i32
    scf.for %parallel_loop3A_153 = %parallel_loop3A_115 to %parallel_loop3A_116 step %parallel_loop3A_117  : i32 {
      %parallel_loop3A_154 = arith.constant 16 : i32
      %parallel_loop3A_155 = arith.muli %parallel_loop3A_153, %parallel_loop3A_154 : i32
      %parallel_loop3A_156 = arith.constant 1 : i32
      %parallel_loop3A_157 = arith.index_cast %parallel_loop3A_156 : i32 to index
      %parallel_loop3A_158 = arith.index_cast %parallel_loop3A_155 : i32 to index
      %parallel_loop3A_159 = tpu.vector_load %arg8[%parallel_loop3A_157, %parallel_loop3A_158] {strides = array<i32>} : memref<2x8192xf32, #tpu.memory_space<vmem>>, vector<16xf32>,
      %parallel_loop3A_160 = tpu.bitcast %parallel_loop3A_159 : vector<16xf32> -> vector<16xi32>
      %parallel_loop3A_161 = arith.constant 0 : i32
      %parallel_loop3A_162 = vector.broadcast %parallel_loop3A_161 : i32 to vector<16xi32>
      %parallel_loop3A_163 = arith.cmpi slt, %parallel_loop3A_160, %parallel_loop3A_162 : vector<16xi32>
      %parallel_loop3A_164 = arith.constant 2147483647 : i32
      %parallel_loop3A_165 = vector.broadcast %parallel_loop3A_164 : i32 to vector<16xi32>
      %parallel_loop3A_166 = arith.xori %parallel_loop3A_160, %parallel_loop3A_165 : vector<16xi32>
      %parallel_loop3A_167 = arith.select %parallel_loop3A_163, %parallel_loop3A_166, %parallel_loop3A_160 : vector<16xi1>, vector<16xi32>
      %parallel_loop3A_168 = arith.constant 21 : i32
      %parallel_loop3A_169 = vector.broadcast %parallel_loop3A_168 : i32 to vector<16xi32>
      %parallel_loop3A_170 = arith.shrsi %parallel_loop3A_167, %parallel_loop3A_169 : vector<16xi32>
      %parallel_loop3A_171 = arith.cmpi sge, %parallel_loop3A_170, %sub3A_86 : vector<16xi32>
      %parallel_loop3A_172 = arith.cmpi eq, %parallel_loop3A_170, %sub3A_86 : vector<16xi32>
      %parallel_loop3A_173 = arith.constant 10 : i32
      %parallel_loop3A_174 = vector.broadcast %parallel_loop3A_173 : i32 to vector<16xi32>
      %parallel_loop3A_175 = arith.shrsi %parallel_loop3A_167, %parallel_loop3A_174 : vector<16xi32>
      %parallel_loop3A_176 = arith.constant 2047 : i32
      %parallel_loop3A_177 = vector.broadcast %parallel_loop3A_176 : i32 to vector<16xi32>
      %parallel_loop3A_178 = arith.andi %parallel_loop3A_175, %parallel_loop3A_177 : vector<16xi32>
      %parallel_loop3A_179 = arith.constant 2048 : i32
      %parallel_loop3A_180 = vector.broadcast %parallel_loop3A_179 : i32 to vector<16xi32>
      %parallel_loop3A_181 = arith.select %parallel_loop3A_172, %parallel_loop3A_178, %parallel_loop3A_180 : vector<16xi1>, vector<16xi32>
      %parallel_loop3A_182 = arith.addi %mul3A_45, %parallel_loop3A_181 : vector<16xi32>
      tpu.vector_store_idx %arg9[%parallel_loop3A_182], %broadcast_in_dim3A_42 masked %parallel_loop3A_171 {add = true} : memref<33024xi32, #tpu.memory_space<vmem>>[vector<16xi32>], vector<16xi32>, vector<16xi1>
      tpu.vector_store_idx %arg10[%parallel_loop3A_182], %parallel_loop3A_159 masked %parallel_loop3A_171 {add = true} : memref<33024xf32, #tpu.memory_space<vmem>>[vector<16xi32>], vector<16xf32>, vector<16xi1>
    } {sc.loop_unroll_factor = 8 : i64, sc.parallel_access}
    %mul3A_118 = arith.constant 8 : i32
    %mul3A_119 = arith.muli %select_n3A, %mul3A_118 : i32
    %add3A_120 = arith.constant 6 : i32
    %add3A_121 = arith.addi %mul3A_119, %add3A_120 : i32
    %mul3A_122 = arith.constant 8192 : i32
    %mul3A_123 = arith.muli %select_n3A_30, %mul3A_122 : i32
    %dma_start3A_124 = tpu.memref_slice %arg2[%add3A_121, %mul3A_123] : memref<64x32768xf32, #tpu.memory_space<hbm>> -> memref<2x8192xf32, #tpu.memory_space<hbm>>
    %dma_start3A_125 = tpu.memref_slice %arg2[%add3A_121, %mul3A_123] : memref<64x32768xf32, #tpu.memory_space<hbm>> -> memref<2x8192xf32, #tpu.memory_space<hbm>>
    tpu.enqueue_dma source(%dma_start3A_125 : memref<2x8192xf32, #tpu.memory_space<hbm>>) target(%arg8 : memref<2x8192xf32, #tpu.memory_space<vmem>>) target_semaphore(%arg16 : memref<!tpu.dma_semaphore, #tpu.memory_space<semaphore_mem>>)
    %dma_wait3A_126 = tpu.memref_slice %arg2[%add3A_105, %mul3A_107] : memref<64x32768xf32, #tpu.memory_space<hbm>> -> memref<2x8192xf32, #tpu.memory_space<hbm>>
    %dma_wait3A_127 = tpu.memref_slice %arg2[%add3A_105, %mul3A_107] : memref<64x32768xf32, #tpu.memory_space<hbm>> -> memref<2x8192xf32, #tpu.memory_space<hbm>>
    tpu.wait_dma2 semaphore(%arg15 : memref<!tpu.dma_semaphore, #tpu.memory_space<semaphore_mem>>) src(%dma_wait3A_127 : memref<2x8192xf32, #tpu.memory_space<hbm>>) dst(%arg7 : memref<2x8192xf32, #tpu.memory_space<vmem>>)
    %parallel_loop3A_128 = arith.constant 0 : i32
    %parallel_loop3A_129 = arith.constant 512 : i32
    %parallel_loop3A_130 = arith.constant 1 : i32
    scf.for %parallel_loop3A_153 = %parallel_loop3A_128 to %parallel_loop3A_129 step %parallel_loop3A_130  : i32 {
      %parallel_loop3A_154 = arith.constant 16 : i32
      %parallel_loop3A_155 = arith.muli %parallel_loop3A_153, %parallel_loop3A_154 : i32
      %parallel_loop3A_156 = arith.constant 0 : i32
      %parallel_loop3A_157 = arith.index_cast %parallel_loop3A_156 : i32 to index
      %parallel_loop3A_158 = arith.index_cast %parallel_loop3A_155 : i32 to index
      %parallel_loop3A_159 = tpu.vector_load %arg7[%parallel_loop3A_157, %parallel_loop3A_158] {strides = array<i32>} : memref<2x8192xf32, #tpu.memory_space<vmem>>, vector<16xf32>,
      %parallel_loop3A_160 = tpu.bitcast %parallel_loop3A_159 : vector<16xf32> -> vector<16xi32>
      %parallel_loop3A_161 = arith.constant 0 : i32
      %parallel_loop3A_162 = vector.broadcast %parallel_loop3A_161 : i32 to vector<16xi32>
      %parallel_loop3A_163 = arith.cmpi slt, %parallel_loop3A_160, %parallel_loop3A_162 : vector<16xi32>
      %parallel_loop3A_164 = arith.constant 2147483647 : i32
      %parallel_loop3A_165 = vector.broadcast %parallel_loop3A_164 : i32 to vector<16xi32>
      %parallel_loop3A_166 = arith.xori %parallel_loop3A_160, %parallel_loop3A_165 : vector<16xi32>
      %parallel_loop3A_167 = arith.select %parallel_loop3A_163, %parallel_loop3A_166, %parallel_loop3A_160 : vector<16xi1>, vector<16xi32>
      %parallel_loop3A_168 = arith.constant 21 : i32
      %parallel_loop3A_169 = vector.broadcast %parallel_loop3A_168 : i32 to vector<16xi32>
      %parallel_loop3A_170 = arith.shrsi %parallel_loop3A_167, %parallel_loop3A_169 : vector<16xi32>
      %parallel_loop3A_171 = arith.cmpi sge, %parallel_loop3A_170, %sub3A_86 : vector<16xi32>
      %parallel_loop3A_172 = arith.cmpi eq, %parallel_loop3A_170, %sub3A_86 : vector<16xi32>
      %parallel_loop3A_173 = arith.constant 10 : i32
      %parallel_loop3A_174 = vector.broadcast %parallel_loop3A_173 : i32 to vector<16xi32>
      %parallel_loop3A_175 = arith.shrsi %parallel_loop3A_167, %parallel_loop3A_174 : vector<16xi32>
      %parallel_loop3A_176 = arith.constant 2047 : i32
      %parallel_loop3A_177 = vector.broadcast %parallel_loop3A_176 : i32 to vector<16xi32>
      %parallel_loop3A_178 = arith.andi %parallel_loop3A_175, %parallel_loop3A_177 : vector<16xi32>
      %parallel_loop3A_179 = arith.constant 2048 : i32
      %parallel_loop3A_180 = vector.broadcast %parallel_loop3A_179 : i32 to vector<16xi32>
      %parallel_loop3A_181 = arith.select %parallel_loop3A_172, %parallel_loop3A_178, %parallel_loop3A_180 : vector<16xi1>, vector<16xi32>
      %parallel_loop3A_182 = arith.addi %mul3A_45, %parallel_loop3A_181 : vector<16xi32>
      tpu.vector_store_idx %arg9[%parallel_loop3A_182], %broadcast_in_dim3A_42 masked %parallel_loop3A_171 {add = true} : memref<33024xi32, #tpu.memory_space<vmem>>[vector<16xi32>], vector<16xi32>, vector<16xi1>
      tpu.vector_store_idx %arg10[%parallel_loop3A_182], %parallel_loop3A_159 masked %parallel_loop3A_171 {add = true} : memref<33024xf32, #tpu.memory_space<vmem>>[vector<16xi32>], vector<16xf32>, vector<16xi1>
    } {sc.loop_unroll_factor = 8 : i64, sc.parallel_access}
    %parallel_loop3A_131 = arith.constant 0 : i32
    %parallel_loop3A_132 = arith.constant 512 : i32
    %parallel_loop3A_133 = arith.constant 1 : i32
    scf.for %parallel_loop3A_153 = %parallel_loop3A_131 to %parallel_loop3A_132 step %parallel_loop3A_133  : i32 {
      %parallel_loop3A_154 = arith.constant 16 : i32
      %parallel_loop3A_155 = arith.muli %parallel_loop3A_153, %parallel_loop3A_154 : i32
      %parallel_loop3A_156 = arith.constant 1 : i32
      %parallel_loop3A_157 = arith.index_cast %parallel_loop3A_156 : i32 to index
      %parallel_loop3A_158 = arith.index_cast %parallel_loop3A_155 : i32 to index
      %parallel_loop3A_159 = tpu.vector_load %arg7[%parallel_loop3A_157, %parallel_loop3A_158] {strides = array<i32>} : memref<2x8192xf32, #tpu.memory_space<vmem>>, vector<16xf32>,
      %parallel_loop3A_160 = tpu.bitcast %parallel_loop3A_159 : vector<16xf32> -> vector<16xi32>
      %parallel_loop3A_161 = arith.constant 0 : i32
      %parallel_loop3A_162 = vector.broadcast %parallel_loop3A_161 : i32 to vector<16xi32>
      %parallel_loop3A_163 = arith.cmpi slt, %parallel_loop3A_160, %parallel_loop3A_162 : vector<16xi32>
      %parallel_loop3A_164 = arith.constant 2147483647 : i32
      %parallel_loop3A_165 = vector.broadcast %parallel_loop3A_164 : i32 to vector<16xi32>
      %parallel_loop3A_166 = arith.xori %parallel_loop3A_160, %parallel_loop3A_165 : vector<16xi32>
      %parallel_loop3A_167 = arith.select %parallel_loop3A_163, %parallel_loop3A_166, %parallel_loop3A_160 : vector<16xi1>, vector<16xi32>
      %parallel_loop3A_168 = arith.constant 21 : i32
      %parallel_loop3A_169 = vector.broadcast %parallel_loop3A_168 : i32 to vector<16xi32>
      %parallel_loop3A_170 = arith.shrsi %parallel_loop3A_167, %parallel_loop3A_169 : vector<16xi32>
      %parallel_loop3A_171 = arith.cmpi sge, %parallel_loop3A_170, %sub3A_86 : vector<16xi32>
      %parallel_loop3A_172 = arith.cmpi eq, %parallel_loop3A_170, %sub3A_86 : vector<16xi32>
      %parallel_loop3A_173 = arith.constant 10 : i32
      %parallel_loop3A_174 = vector.broadcast %parallel_loop3A_173 : i32 to vector<16xi32>
      %parallel_loop3A_175 = arith.shrsi %parallel_loop3A_167, %parallel_loop3A_174 : vector<16xi32>
      %parallel_loop3A_176 = arith.constant 2047 : i32
      %parallel_loop3A_177 = vector.broadcast %parallel_loop3A_176 : i32 to vector<16xi32>
      %parallel_loop3A_178 = arith.andi %parallel_loop3A_175, %parallel_loop3A_177 : vector<16xi32>
      %parallel_loop3A_179 = arith.constant 2048 : i32
      %parallel_loop3A_180 = vector.broadcast %parallel_loop3A_179 : i32 to vector<16xi32>
      %parallel_loop3A_181 = arith.select %parallel_loop3A_172, %parallel_loop3A_178, %parallel_loop3A_180 : vector<16xi1>, vector<16xi32>
      %parallel_loop3A_182 = arith.addi %mul3A_45, %parallel_loop3A_181 : vector<16xi32>
      tpu.vector_store_idx %arg9[%parallel_loop3A_182], %broadcast_in_dim3A_42 masked %parallel_loop3A_171 {add = true} : memref<33024xi32, #tpu.memory_space<vmem>>[vector<16xi32>], vector<16xi32>, vector<16xi1>
      tpu.vector_store_idx %arg10[%parallel_loop3A_182], %parallel_loop3A_159 masked %parallel_loop3A_171 {add = true} : memref<33024xf32, #tpu.memory_space<vmem>>[vector<16xi32>], vector<16xf32>, vector<16xi1>
    } {sc.loop_unroll_factor = 8 : i64, sc.parallel_access}
    %dma_wait3A_134 = tpu.memref_slice %arg2[%add3A_121, %mul3A_123] : memref<64x32768xf32, #tpu.memory_space<hbm>> -> memref<2x8192xf32, #tpu.memory_space<hbm>>
    %dma_wait3A_135 = tpu.memref_slice %arg2[%add3A_121, %mul3A_123] : memref<64x32768xf32, #tpu.memory_space<hbm>> -> memref<2x8192xf32, #tpu.memory_space<hbm>>
    tpu.wait_dma2 semaphore(%arg16 : memref<!tpu.dma_semaphore, #tpu.memory_space<semaphore_mem>>) src(%dma_wait3A_135 : memref<2x8192xf32, #tpu.memory_space<hbm>>) dst(%arg8 : memref<2x8192xf32, #tpu.memory_space<vmem>>)
    %parallel_loop3A_136 = arith.constant 0 : i32
    %parallel_loop3A_137 = arith.constant 512 : i32
    %parallel_loop3A_138 = arith.constant 1 : i32
    scf.for %parallel_loop3A_153 = %parallel_loop3A_136 to %parallel_loop3A_137 step %parallel_loop3A_138  : i32 {
      %parallel_loop3A_154 = arith.constant 16 : i32
      %parallel_loop3A_155 = arith.muli %parallel_loop3A_153, %parallel_loop3A_154 : i32
      %parallel_loop3A_156 = arith.constant 0 : i32
      %parallel_loop3A_157 = arith.index_cast %parallel_loop3A_156 : i32 to index
      %parallel_loop3A_158 = arith.index_cast %parallel_loop3A_155 : i32 to index
      %parallel_loop3A_159 = tpu.vector_load %arg8[%parallel_loop3A_157, %parallel_loop3A_158] {strides = array<i32>} : memref<2x8192xf32, #tpu.memory_space<vmem>>, vector<16xf32>,
      %parallel_loop3A_160 = tpu.bitcast %parallel_loop3A_159 : vector<16xf32> -> vector<16xi32>
      %parallel_loop3A_161 = arith.constant 0 : i32
      %parallel_loop3A_162 = vector.broadcast %parallel_loop3A_161 : i32 to vector<16xi32>
      %parallel_loop3A_163 = arith.cmpi slt, %parallel_loop3A_160, %parallel_loop3A_162 : vector<16xi32>
      %parallel_loop3A_164 = arith.constant 2147483647 : i32
      %parallel_loop3A_165 = vector.broadcast %parallel_loop3A_164 : i32 to vector<16xi32>
      %parallel_loop3A_166 = arith.xori %parallel_loop3A_160, %parallel_loop3A_165 : vector<16xi32>
      %parallel_loop3A_167 = arith.select %parallel_loop3A_163, %parallel_loop3A_166, %parallel_loop3A_160 : vector<16xi1>, vector<16xi32>
      %parallel_loop3A_168 = arith.constant 21 : i32
      %parallel_loop3A_169 = vector.broadcast %parallel_loop3A_168 : i32 to vector<16xi32>
      %parallel_loop3A_170 = arith.shrsi %parallel_loop3A_167, %parallel_loop3A_169 : vector<16xi32>
      %parallel_loop3A_171 = arith.cmpi sge, %parallel_loop3A_170, %sub3A_86 : vector<16xi32>
      %parallel_loop3A_172 = arith.cmpi eq, %parallel_loop3A_170, %sub3A_86 : vector<16xi32>
      %parallel_loop3A_173 = arith.constant 10 : i32
      %parallel_loop3A_174 = vector.broadcast %parallel_loop3A_173 : i32 to vector<16xi32>
      %parallel_loop3A_175 = arith.shrsi %parallel_loop3A_167, %parallel_loop3A_174 : vector<16xi32>
      %parallel_loop3A_176 = arith.constant 2047 : i32
      %parallel_loop3A_177 = vector.broadcast %parallel_loop3A_176 : i32 to vector<16xi32>
      %parallel_loop3A_178 = arith.andi %parallel_loop3A_175, %parallel_loop3A_177 : vector<16xi32>
      %parallel_loop3A_179 = arith.constant 2048 : i32
      %parallel_loop3A_180 = vector.broadcast %parallel_loop3A_179 : i32 to vector<16xi32>
      %parallel_loop3A_181 = arith.select %parallel_loop3A_172, %parallel_loop3A_178, %parallel_loop3A_180 : vector<16xi1>, vector<16xi32>
      %parallel_loop3A_182 = arith.addi %mul3A_45, %parallel_loop3A_181 : vector<16xi32>
      tpu.vector_store_idx %arg9[%parallel_loop3A_182], %broadcast_in_dim3A_42 masked %parallel_loop3A_171 {add = true} : memref<33024xi32, #tpu.memory_space<vmem>>[vector<16xi32>], vector<16xi32>, vector<16xi1>
      tpu.vector_store_idx %arg10[%parallel_loop3A_182], %parallel_loop3A_159 masked %parallel_loop3A_171 {add = true} : memref<33024xf32, #tpu.memory_space<vmem>>[vector<16xi32>], vector<16xf32>, vector<16xi1>
    } {sc.loop_unroll_factor = 8 : i64, sc.parallel_access}
    %parallel_loop3A_139 = arith.constant 0 : i32
    %parallel_loop3A_140 = arith.constant 512 : i32
    %parallel_loop3A_141 = arith.constant 1 : i32
    scf.for %parallel_loop3A_153 = %parallel_loop3A_139 to %parallel_loop3A_140 step %parallel_loop3A_141  : i32 {
      %parallel_loop3A_154 = arith.constant 16 : i32
      %parallel_loop3A_155 = arith.muli %parallel_loop3A_153, %parallel_loop3A_154 : i32
      %parallel_loop3A_156 = arith.constant 1 : i32
      %parallel_loop3A_157 = arith.index_cast %parallel_loop3A_156 : i32 to index
      %parallel_loop3A_158 = arith.index_cast %parallel_loop3A_155 : i32 to index
      %parallel_loop3A_159 = tpu.vector_load %arg8[%parallel_loop3A_157, %parallel_loop3A_158] {strides = array<i32>} : memref<2x8192xf32, #tpu.memory_space<vmem>>, vector<16xf32>,
      %parallel_loop3A_160 = tpu.bitcast %parallel_loop3A_159 : vector<16xf32> -> vector<16xi32>
      %parallel_loop3A_161 = arith.constant 0 : i32
      %parallel_loop3A_162 = vector.broadcast %parallel_loop3A_161 : i32 to vector<16xi32>
      %parallel_loop3A_163 = arith.cmpi slt, %parallel_loop3A_160, %parallel_loop3A_162 : vector<16xi32>
      %parallel_loop3A_164 = arith.constant 2147483647 : i32
      %parallel_loop3A_165 = vector.broadcast %parallel_loop3A_164 : i32 to vector<16xi32>
      %parallel_loop3A_166 = arith.xori %parallel_loop3A_160, %parallel_loop3A_165 : vector<16xi32>
      %parallel_loop3A_167 = arith.select %parallel_loop3A_163, %parallel_loop3A_166, %parallel_loop3A_160 : vector<16xi1>, vector<16xi32>
      %parallel_loop3A_168 = arith.constant 21 : i32
      %parallel_loop3A_169 = vector.broadcast %parallel_loop3A_168 : i32 to vector<16xi32>
      %parallel_loop3A_170 = arith.shrsi %parallel_loop3A_167, %parallel_loop3A_169 : vector<16xi32>
      %parallel_loop3A_171 = arith.cmpi sge, %parallel_loop3A_170, %sub3A_86 : vector<16xi32>
      %parallel_loop3A_172 = arith.cmpi eq, %parallel_loop3A_170, %sub3A_86 : vector<16xi32>
      %parallel_loop3A_173 = arith.constant 10 : i32
      %parallel_loop3A_174 = vector.broadcast %parallel_loop3A_173 : i32 to vector<16xi32>
      %parallel_loop3A_175 = arith.shrsi %parallel_loop3A_167, %parallel_loop3A_174 : vector<16xi32>
      %parallel_loop3A_176 = arith.constant 2047 : i32
      %parallel_loop3A_177 = vector.broadcast %parallel_loop3A_176 : i32 to vector<16xi32>
      %parallel_loop3A_178 = arith.andi %parallel_loop3A_175, %parallel_loop3A_177 : vector<16xi32>
      %parallel_loop3A_179 = arith.constant 2048 : i32
      %parallel_loop3A_180 = vector.broadcast %parallel_loop3A_179 : i32 to vector<16xi32>
      %parallel_loop3A_181 = arith.select %parallel_loop3A_172, %parallel_loop3A_178, %parallel_loop3A_180 : vector<16xi1>, vector<16xi32>
      %parallel_loop3A_182 = arith.addi %mul3A_45, %parallel_loop3A_181 : vector<16xi32>
      tpu.vector_store_idx %arg9[%parallel_loop3A_182], %broadcast_in_dim3A_42 masked %parallel_loop3A_171 {add = true} : memref<33024xi32, #tpu.memory_space<vmem>>[vector<16xi32>], vector<16xi32>, vector<16xi1>
      tpu.vector_store_idx %arg10[%parallel_loop3A_182], %parallel_loop3A_159 masked %parallel_loop3A_171 {add = true} : memref<33024xf32, #tpu.memory_space<vmem>>[vector<16xi32>], vector<16xf32>, vector<16xi1>
    } {sc.loop_unroll_factor = 8 : i64, sc.parallel_access}
    %iota3A_142 = tpu.iota {dimensions = array<i32: 0>} : vector<16xi32>
    %mul3A_143 = arith.constant 2064 : i32
    %mul3A_144 = vector.broadcast %mul3A_143 : i32 to vector<16xi32>
    %mul3A_145 = arith.muli %iota3A_142, %mul3A_144 : vector<16xi32>
    %add3A_146 = arith.constant 2048 : i32
    %add3A_147 = vector.broadcast %add3A_146 : i32 to vector<16xi32>
    %add3A_148 = arith.addi %mul3A_145, %add3A_147 : vector<16xi32>
    %gather3A = tpu.vector_load_idx %arg10[%add3A_148] : memref<33024xf32, #tpu.memory_space<vmem>>[vector<16xi32>], vector<16xf32>,
    %swap3A = arith.constant 0 : index
    %swap3A_149 = tpu.vector_load %arg14[%swap3A] {strides = array<i32>} : memref<16xf32, #tpu.memory_space<vmem>>, vector<16xf32>,
    tpu.vector_store %arg14[%swap3A], %gather3A {strides = array<i32>} : memref<16xf32, #tpu.memory_space<vmem>>, vector<16xf32>,
    %parallel_loop3A_150 = arith.constant 0 : i32
    %parallel_loop3A_151 = arith.constant 128 : i32
    %parallel_loop3A_152 = arith.constant 1 : i32
    scf.for %parallel_loop3A_153 = %parallel_loop3A_150 to %parallel_loop3A_151 step %parallel_loop3A_152  : i32 {
      %parallel_loop3A_154 = arith.constant 16 : i32
      %parallel_loop3A_155 = arith.muli %parallel_loop3A_153, %parallel_loop3A_154 : i32
      %parallel_loop3A_156 = arith.index_cast %parallel_loop3A_155 : i32 to index
      %parallel_loop3A_157 = tpu.vector_load %arg9[%parallel_loop3A_156] {strides = array<i32>} : memref<33024xi32, #tpu.memory_space<vmem>>, vector<16xi32>,
      %parallel_loop3A_158 = arith.constant 16 : i32
      %parallel_loop3A_159 = arith.muli %parallel_loop3A_153, %parallel_loop3A_158 : i32
      %parallel_loop3A_160 = arith.index_cast %parallel_loop3A_159 : i32 to index
      %parallel_loop3A_161 = tpu.vector_load %arg10[%parallel_loop3A_160] {strides = array<i32>} : memref<33024xf32, #tpu.memory_space<vmem>>, vector<16xf32>,
      %parallel_loop3A_162 = arith.constant 16 : i32
      %parallel_loop3A_163 = arith.muli %parallel_loop3A_153, %parallel_loop3A_162 : i32
      %parallel_loop3A_164 = arith.constant 2064 : i32
      %parallel_loop3A_165 = arith.addi %parallel_loop3A_164, %parallel_loop3A_163 : i32
      %parallel_loop3A_166 = arith.index_cast %parallel_loop3A_165 : i32 to index
      %parallel_loop3A_167 = tpu.vector_load %arg9[%parallel_loop3A_166] {strides = array<i32>} : memref<33024xi32, #tpu.memory_space<vmem>>, vector<16xi32>,
      %parallel_loop3A_168 = arith.addi %parallel_loop3A_157, %parallel_loop3A_167 : vector<16xi32>
      %parallel_loop3A_169 = arith.constant 16 : i32
      %parallel_loop3A_170 = arith.muli %parallel_loop3A_153, %parallel_loop3A_169 : i32
      %parallel_loop3A_171 = arith.constant 2064 : i32
      %parallel_loop3A_172 = arith.addi %parallel_loop3A_171, %parallel_loop3A_170 : i32
      %parallel_loop3A_173 = arith.index_cast %parallel_loop3A_172 : i32 to index
      %parallel_loop3A_174 = tpu.vector_load %arg10[%parallel_loop3A_173] {strides = array<i32>} : memref<33024xf32, #tpu.memory_space<vmem>>, vector<16xf32>,
      %parallel_loop3A_175 = arith.addf %parallel_loop3A_161, %parallel_loop3A_174 : vector<16xf32>
      %parallel_loop3A_176 = arith.constant 16 : i32
      %parallel_loop3A_177 = arith.muli %parallel_loop3A_153, %parallel_loop3A_176 : i32
      %parallel_loop3A_178 = arith.constant 4128 : i32
      %parallel_loop3A_179 = arith.addi %parallel_loop3A_178, %parallel_loop3A_177 : i32
      %parallel_loop3A_180 = arith.index_cast %parallel_loop3A_179 : i32 to index
      %parallel_loop3A_181 = tpu.vector_load %arg9[%parallel_loop3A_180] {strides = array<i32>} : memref<33024xi32, #tpu.memory_space<vmem>>, vector<16xi32>,
      %parallel_loop3A_182 = arith.addi %parallel_loop3A_168, %parallel_loop3A_181 : vector<16xi32>
      %parallel_loop3A_183 = arith.constant 16 : i32
      %parallel_loop3A_184 = arith.muli %parallel_loop3A_153, %parallel_loop3A_183 : i32
      %parallel_loop3A_185 = arith.constant 4128 : i32
      %parallel_loop3A_186 = arith.addi %parallel_loop3A_185, %parallel_loop3A_184 : i32
      %parallel_loop3A_187 = arith.index_cast %parallel_loop3A_186 : i32 to index
      %parallel_loop3A_188 = tpu.vector_load %arg10[%parallel_loop3A_187] {strides = array<i32>} : memref<33024xf32, #tpu.memory_space<vmem>>, vector<16xf32>,
      %parallel_loop3A_189 = arith.addf %parallel_loop3A_175, %parallel_loop3A_188 : vector<16xf32>
      %parallel_loop3A_190 = arith.constant 16 : i32
      %parallel_loop3A_191 = arith.muli %parallel_loop3A_153, %parallel_loop3A_190 : i32
      %parallel_loop3A_192 = arith.constant 6192 : i32
      %parallel_loop3A_193 = arith.addi %parallel_loop3A_192, %parallel_loop3A_191 : i32
      %parallel_loop3A_194 = arith.index_cast %parallel_loop3A_193 : i32 to index
      %parallel_loop3A_195 = tpu.vector_load %arg9[%parallel_loop3A_194] {strides = array<i32>} : memref<33024xi32, #tpu.memory_space<vmem>>, vector<16xi32>,
      %parallel_loop3A_196 = arith.addi %parallel_loop3A_182, %parallel_loop3A_195 : vector<16xi32>
      %parallel_loop3A_197 = arith.constant 16 : i32
      %parallel_loop3A_198 = arith.muli %parallel_loop3A_153, %parallel_loop3A_197 : i32
      %parallel_loop3A_199 = arith.constant 6192 : i32
      %parallel_loop3A_200 = arith.addi %parallel_loop3A_199, %parallel_loop3A_198 : i32
      %parallel_loop3A_201 = arith.index_cast %parallel_loop3A_200 : i32 to index
      %parallel_loop3A_202 = tpu.vector_load %arg10[%parallel_loop3A_201] {strides = array<i32>} : memref<33024xf32, #tpu.memory_space<vmem>>, vector<16xf32>,
      %parallel_loop3A_203 = arith.addf %parallel_loop3A_189, %parallel_loop3A_202 : vector<16xf32>
      %parallel_loop3A_204 = arith.constant 16 : i32
      %parallel_loop3A_205 = arith.muli %parallel_loop3A_153, %parallel_loop3A_204 : i32
      %parallel_loop3A_206 = arith.constant 8256 : i32
      %parallel_loop3A_207 = arith.addi %parallel_loop3A_206, %parallel_loop3A_205 : i32
      %parallel_loop3A_208 = arith.index_cast %parallel_loop3A_207 : i32 to index
      %parallel_loop3A_209 = tpu.vector_load %arg9[%parallel_loop3A_208] {strides = array<i32>} : memref<33024xi32, #tpu.memory_space<vmem>>, vector<16xi32>,
      %parallel_loop3A_210 = arith.addi %parallel_loop3A_196, %parallel_loop3A_209 : vector<16xi32>
      %parallel_loop3A_211 = arith.constant 16 : i32
      %parallel_loop3A_212 = arith.muli %parallel_loop3A_153, %parallel_loop3A_211 : i32
      %parallel_loop3A_213 = arith.constant 8256 : i32
      %parallel_loop3A_214 = arith.addi %parallel_loop3A_213, %parallel_loop3A_212 : i32
      %parallel_loop3A_215 = arith.index_cast %parallel_loop3A_214 : i32 to index
      %parallel_loop3A_216 = tpu.vector_load %arg10[%parallel_loop3A_215] {strides = array<i32>} : memref<33024xf32, #tpu.memory_space<vmem>>, vector<16xf32>,
      %parallel_loop3A_217 = arith.addf %parallel_loop3A_203, %parallel_loop3A_216 : vector<16xf32>
      %parallel_loop3A_218 = arith.constant 16 : i32
      %parallel_loop3A_219 = arith.muli %parallel_loop3A_153, %parallel_loop3A_218 : i32
      %parallel_loop3A_220 = arith.constant 10320 : i32
      %parallel_loop3A_221 = arith.addi %parallel_loop3A_220, %parallel_loop3A_219 : i32
      %parallel_loop3A_222 = arith.index_cast %parallel_loop3A_221 : i32 to index
      %parallel_loop3A_223 = tpu.vector_load %arg9[%parallel_loop3A_222] {strides = array<i32>} : memref<33024xi32, #tpu.memory_space<vmem>>, vector<16xi32>,
      %parallel_loop3A_224 = arith.addi %parallel_loop3A_210, %parallel_loop3A_223 : vector<16xi32>
      %parallel_loop3A_225 = arith.constant 16 : i32
      %parallel_loop3A_226 = arith.muli %parallel_loop3A_153, %parallel_loop3A_225 : i32
      %parallel_loop3A_227 = arith.constant 10320 : i32
      %parallel_loop3A_228 = arith.addi %parallel_loop3A_227, %parallel_loop3A_226 : i32
      %parallel_loop3A_229 = arith.index_cast %parallel_loop3A_228 : i32 to index
      %parallel_loop3A_230 = tpu.vector_load %arg10[%parallel_loop3A_229] {strides = array<i32>} : memref<33024xf32, #tpu.memory_space<vmem>>, vector<16xf32>,
      %parallel_loop3A_231 = arith.addf %parallel_loop3A_217, %parallel_loop3A_230 : vector<16xf32>
      %parallel_loop3A_232 = arith.constant 16 : i32
      %parallel_loop3A_233 = arith.muli %parallel_loop3A_153, %parallel_loop3A_232 : i32
      %parallel_loop3A_234 = arith.constant 12384 : i32
      %parallel_loop3A_235 = arith.addi %parallel_loop3A_234, %parallel_loop3A_233 : i32
      %parallel_loop3A_236 = arith.index_cast %parallel_loop3A_235 : i32 to index
      %parallel_loop3A_237 = tpu.vector_load %arg9[%parallel_loop3A_236] {strides = array<i32>} : memref<33024xi32, #tpu.memory_space<vmem>>, vector<16xi32>,
      %parallel_loop3A_238 = arith.addi %parallel_loop3A_224, %parallel_loop3A_237 : vector<16xi32>
      %parallel_loop3A_239 = arith.constant 16 : i32
      %parallel_loop3A_240 = arith.muli %parallel_loop3A_153, %parallel_loop3A_239 : i32
      %parallel_loop3A_241 = arith.constant 12384 : i32
      %parallel_loop3A_242 = arith.addi %parallel_loop3A_241, %parallel_loop3A_240 : i32
      %parallel_loop3A_243 = arith.index_cast %parallel_loop3A_242 : i32 to index
      %parallel_loop3A_244 = tpu.vector_load %arg10[%parallel_loop3A_243] {strides = array<i32>} : memref<33024xf32, #tpu.memory_space<vmem>>, vector<16xf32>,
      %parallel_loop3A_245 = arith.addf %parallel_loop3A_231, %parallel_loop3A_244 : vector<16xf32>
      %parallel_loop3A_246 = arith.constant 16 : i32
      %parallel_loop3A_247 = arith.muli %parallel_loop3A_153, %parallel_loop3A_246 : i32
      %parallel_loop3A_248 = arith.constant 14448 : i32
      %parallel_loop3A_249 = arith.addi %parallel_loop3A_248, %parallel_loop3A_247 : i32
      %parallel_loop3A_250 = arith.index_cast %parallel_loop3A_249 : i32 to index
      %parallel_loop3A_251 = tpu.vector_load %arg9[%parallel_loop3A_250] {strides = array<i32>} : memref<33024xi32, #tpu.memory_space<vmem>>, vector<16xi32>,
      %parallel_loop3A_252 = arith.addi %parallel_loop3A_238, %parallel_loop3A_251 : vector<16xi32>
      %parallel_loop3A_253 = arith.constant 16 : i32
      %parallel_loop3A_254 = arith.muli %parallel_loop3A_153, %parallel_loop3A_253 : i32
      %parallel_loop3A_255 = arith.constant 14448 : i32
      %parallel_loop3A_256 = arith.addi %parallel_loop3A_255, %parallel_loop3A_254 : i32
      %parallel_loop3A_257 = arith.index_cast %parallel_loop3A_256 : i32 to index
      %parallel_loop3A_258 = tpu.vector_load %arg10[%parallel_loop3A_257] {strides = array<i32>} : memref<33024xf32, #tpu.memory_space<vmem>>, vector<16xf32>,
      %parallel_loop3A_259 = arith.addf %parallel_loop3A_245, %parallel_loop3A_258 : vector<16xf32>
      %parallel_loop3A_260 = arith.constant 16 : i32
      %parallel_loop3A_261 = arith.muli %parallel_loop3A_153, %parallel_loop3A_260 : i32
      %parallel_loop3A_262 = arith.constant 16512 : i32
      %parallel_loop3A_263 = arith.addi %parallel_loop3A_262, %parallel_loop3A_261 : i32
      %parallel_loop3A_264 = arith.index_cast %parallel_loop3A_263 : i32 to index
      %parallel_loop3A_265 = tpu.vector_load %arg9[%parallel_loop3A_264] {strides = array<i32>} : memref<33024xi32, #tpu.memory_space<vmem>>, vector<16xi32>,
      %parallel_loop3A_266 = arith.addi %parallel_loop3A_252, %parallel_loop3A_265 : vector<16xi32>
      %parallel_loop3A_267 = arith.constant 16 : i32
      %parallel_loop3A_268 = arith.muli %parallel_loop3A_153, %parallel_loop3A_267 : i32
      %parallel_loop3A_269 = arith.constant 16512 : i32
      %parallel_loop3A_270 = arith.addi %parallel_loop3A_269, %parallel_loop3A_268 : i32
      %parallel_loop3A_271 = arith.index_cast %parallel_loop3A_270 : i32 to index
      %parallel_loop3A_272 = tpu.vector_load %arg10[%parallel_loop3A_271] {strides = array<i32>} : memref<33024xf32, #tpu.memory_space<vmem>>, vector<16xf32>,
      %parallel_loop3A_273 = arith.addf %parallel_loop3A_259, %parallel_loop3A_272 : vector<16xf32>
      %parallel_loop3A_274 = arith.constant 16 : i32
      %parallel_loop3A_275 = arith.muli %parallel_loop3A_153, %parallel_loop3A_274 : i32
      %parallel_loop3A_276 = arith.constant 18576 : i32
      %parallel_loop3A_277 = arith.addi %parallel_loop3A_276, %parallel_loop3A_275 : i32
      %parallel_loop3A_278 = arith.index_cast %parallel_loop3A_277 : i32 to index
      %parallel_loop3A_279 = tpu.vector_load %arg9[%parallel_loop3A_278] {strides = array<i32>} : memref<33024xi32, #tpu.memory_space<vmem>>, vector<16xi32>,
      %parallel_loop3A_280 = arith.addi %parallel_loop3A_266, %parallel_loop3A_279 : vector<16xi32>
      %parallel_loop3A_281 = arith.constant 16 : i32
      %parallel_loop3A_282 = arith.muli %parallel_loop3A_153, %parallel_loop3A_281 : i32
      %parallel_loop3A_283 = arith.constant 18576 : i32
      %parallel_loop3A_284 = arith.addi %parallel_loop3A_283, %parallel_loop3A_282 : i32
      %parallel_loop3A_285 = arith.index_cast %parallel_loop3A_284 : i32 to index
      %parallel_loop3A_286 = tpu.vector_load %arg10[%parallel_loop3A_285] {strides = array<i32>} : memref<33024xf32, #tpu.memory_space<vmem>>, vector<16xf32>,
      %parallel_loop3A_287 = arith.addf %parallel_loop3A_273, %parallel_loop3A_286 : vector<16xf32>
      %parallel_loop3A_288 = arith.constant 16 : i32
      %parallel_loop3A_289 = arith.muli %parallel_loop3A_153, %parallel_loop3A_288 : i32
      %parallel_loop3A_290 = arith.constant 20640 : i32
      %parallel_loop3A_291 = arith.addi %parallel_loop3A_290, %parallel_loop3A_289 : i32
      %parallel_loop3A_292 = arith.index_cast %parallel_loop3A_291 : i32 to index
      %parallel_loop3A_293 = tpu.vector_load %arg9[%parallel_loop3A_292] {strides = array<i32>} : memref<33024xi32, #tpu.memory_space<vmem>>, vector<16xi32>,
      %parallel_loop3A_294 = arith.addi %parallel_loop3A_280, %parallel_loop3A_293 : vector<16xi32>
      %parallel_loop3A_295 = arith.constant 16 : i32
      %parallel_loop3A_296 = arith.muli %parallel_loop3A_153, %parallel_loop3A_295 : i32
      %parallel_loop3A_297 = arith.constant 20640 : i32
      %parallel_loop3A_298 = arith.addi %parallel_loop3A_297, %parallel_loop3A_296 : i32
      %parallel_loop3A_299 = arith.index_cast %parallel_loop3A_298 : i32 to index
      %parallel_loop3A_300 = tpu.vector_load %arg10[%parallel_loop3A_299] {strides = array<i32>} : memref<33024xf32, #tpu.memory_space<vmem>>, vector<16xf32>,
      %parallel_loop3A_301 = arith.addf %parallel_loop3A_287, %parallel_loop3A_300 : vector<16xf32>
      %parallel_loop3A_302 = arith.constant 16 : i32
      %parallel_loop3A_303 = arith.muli %parallel_loop3A_153, %parallel_loop3A_302 : i32
      %parallel_loop3A_304 = arith.constant 22704 : i32
      %parallel_loop3A_305 = arith.addi %parallel_loop3A_304, %parallel_loop3A_303 : i32
      %parallel_loop3A_306 = arith.index_cast %parallel_loop3A_305 : i32 to index
      %parallel_loop3A_307 = tpu.vector_load %arg9[%parallel_loop3A_306] {strides = array<i32>} : memref<33024xi32, #tpu.memory_space<vmem>>, vector<16xi32>,
      %parallel_loop3A_308 = arith.addi %parallel_loop3A_294, %parallel_loop3A_307 : vector<16xi32>
      %parallel_loop3A_309 = arith.constant 16 : i32
      %parallel_loop3A_310 = arith.muli %parallel_loop3A_153, %parallel_loop3A_309 : i32
      %parallel_loop3A_311 = arith.constant 22704 : i32
      %parallel_loop3A_312 = arith.addi %parallel_loop3A_311, %parallel_loop3A_310 : i32
      %parallel_loop3A_313 = arith.index_cast %parallel_loop3A_312 : i32 to index
      %parallel_loop3A_314 = tpu.vector_load %arg10[%parallel_loop3A_313] {strides = array<i32>} : memref<33024xf32, #tpu.memory_space<vmem>>, vector<16xf32>,
      %parallel_loop3A_315 = arith.addf %parallel_loop3A_301, %parallel_loop3A_314 : vector<16xf32>
      %parallel_loop3A_316 = arith.constant 16 : i32
      %parallel_loop3A_317 = arith.muli %parallel_loop3A_153, %parallel_loop3A_316 : i32
      %parallel_loop3A_318 = arith.constant 24768 : i32
      %parallel_loop3A_319 = arith.addi %parallel_loop3A_318, %parallel_loop3A_317 : i32
      %parallel_loop3A_320 = arith.index_cast %parallel_loop3A_319 : i32 to index
      %parallel_loop3A_321 = tpu.vector_load %arg9[%parallel_loop3A_320] {strides = array<i32>} : memref<33024xi32, #tpu.memory_space<vmem>>, vector<16xi32>,
      %parallel_loop3A_322 = arith.addi %parallel_loop3A_308, %parallel_loop3A_321 : vector<16xi32>
      %parallel_loop3A_323 = arith.constant 16 : i32
      %parallel_loop3A_324 = arith.muli %parallel_loop3A_153, %parallel_loop3A_323 : i32
      %parallel_loop3A_325 = arith.constant 24768 : i32
      %parallel_loop3A_326 = arith.addi %parallel_loop3A_325, %parallel_loop3A_324 : i32
      %parallel_loop3A_327 = arith.index_cast %parallel_loop3A_326 : i32 to index
      %parallel_loop3A_328 = tpu.vector_load %arg10[%parallel_loop3A_327] {strides = array<i32>} : memref<33024xf32, #tpu.memory_space<vmem>>, vector<16xf32>,
      %parallel_loop3A_329 = arith.addf %parallel_loop3A_315, %parallel_loop3A_328 : vector<16xf32>
      %parallel_loop3A_330 = arith.constant 16 : i32
      %parallel_loop3A_331 = arith.muli %parallel_loop3A_153, %parallel_loop3A_330 : i32
      %parallel_loop3A_332 = arith.constant 26832 : i32
      %parallel_loop3A_333 = arith.addi %parallel_loop3A_332, %parallel_loop3A_331 : i32
      %parallel_loop3A_334 = arith.index_cast %parallel_loop3A_333 : i32 to index
      %parallel_loop3A_335 = tpu.vector_load %arg9[%parallel_loop3A_334] {strides = array<i32>} : memref<33024xi32, #tpu.memory_space<vmem>>, vector<16xi32>,
      %parallel_loop3A_336 = arith.addi %parallel_loop3A_322, %parallel_loop3A_335 : vector<16xi32>
      %parallel_loop3A_337 = arith.constant 16 : i32
      %parallel_loop3A_338 = arith.muli %parallel_loop3A_153, %parallel_loop3A_337 : i32
      %parallel_loop3A_339 = arith.constant 26832 : i32
      %parallel_loop3A_340 = arith.addi %parallel_loop3A_339, %parallel_loop3A_338 : i32
      %parallel_loop3A_341 = arith.index_cast %parallel_loop3A_340 : i32 to index
      %parallel_loop3A_342 = tpu.vector_load %arg10[%parallel_loop3A_341] {strides = array<i32>} : memref<33024xf32, #tpu.memory_space<vmem>>, vector<16xf32>,
      %parallel_loop3A_343 = arith.addf %parallel_loop3A_329, %parallel_loop3A_342 : vector<16xf32>
      %parallel_loop3A_344 = arith.constant 16 : i32
      %parallel_loop3A_345 = arith.muli %parallel_loop3A_153, %parallel_loop3A_344 : i32
      %parallel_loop3A_346 = arith.constant 28896 : i32
      %parallel_loop3A_347 = arith.addi %parallel_loop3A_346, %parallel_loop3A_345 : i32
      %parallel_loop3A_348 = arith.index_cast %parallel_loop3A_347 : i32 to index
      %parallel_loop3A_349 = tpu.vector_load %arg9[%parallel_loop3A_348] {strides = array<i32>} : memref<33024xi32, #tpu.memory_space<vmem>>, vector<16xi32>,
      %parallel_loop3A_350 = arith.addi %parallel_loop3A_336, %parallel_loop3A_349 : vector<16xi32>
      %parallel_loop3A_351 = arith.constant 16 : i32
      %parallel_loop3A_352 = arith.muli %parallel_loop3A_153, %parallel_loop3A_351 : i32
      %parallel_loop3A_353 = arith.constant 28896 : i32
      %parallel_loop3A_354 = arith.addi %parallel_loop3A_353, %parallel_loop3A_352 : i32
      %parallel_loop3A_355 = arith.index_cast %parallel_loop3A_354 : i32 to index
      %parallel_loop3A_356 = tpu.vector_load %arg10[%parallel_loop3A_355] {strides = array<i32>} : memref<33024xf32, #tpu.memory_space<vmem>>, vector<16xf32>,
      %parallel_loop3A_357 = arith.addf %parallel_loop3A_343, %parallel_loop3A_356 : vector<16xf32>
      %parallel_loop3A_358 = arith.constant 16 : i32
      %parallel_loop3A_359 = arith.muli %parallel_loop3A_153, %parallel_loop3A_358 : i32
      %parallel_loop3A_360 = arith.constant 30960 : i32
      %parallel_loop3A_361 = arith.addi %parallel_loop3A_360, %parallel_loop3A_359 : i32
      %parallel_loop3A_362 = arith.index_cast %parallel_loop3A_361 : i32 to index
      %parallel_loop3A_363 = tpu.vector_load %arg9[%parallel_loop3A_362] {strides = array<i32>} : memref<33024xi32, #tpu.memory_space<vmem>>, vector<16xi32>,
      %parallel_loop3A_364 = arith.addi %parallel_loop3A_350, %parallel_loop3A_363 : vector<16xi32>
      %parallel_loop3A_365 = arith.constant 16 : i32
      %parallel_loop3A_366 = arith.muli %parallel_loop3A_153, %parallel_loop3A_365 : i32
      %parallel_loop3A_367 = arith.constant 30960 : i32
      %parallel_loop3A_368 = arith.addi %parallel_loop3A_367, %parallel_loop3A_366 : i32
      %parallel_loop3A_369 = arith.index_cast %parallel_loop3A_368 : i32 to index
      %parallel_loop3A_370 = tpu.vector_load %arg10[%parallel_loop3A_369] {strides = array<i32>} : memref<33024xf32, #tpu.memory_space<vmem>>, vector<16xf32>,
      %parallel_loop3A_371 = arith.addf %parallel_loop3A_357, %parallel_loop3A_370 : vector<16xf32>
      %parallel_loop3A_372 = arith.constant 16 : i32
      %parallel_loop3A_373 = arith.muli %parallel_loop3A_153, %parallel_loop3A_372 : i32
      %parallel_loop3A_374 = arith.index_cast %parallel_loop3A_373 : i32 to index
      %parallel_loop3A_375 = tpu.vector_load %arg11[%parallel_loop3A_374] {strides = array<i32>} : memref<2048xi32, #tpu.memory_space<vmem>>, vector<16xi32>,
      tpu.vector_store %arg11[%parallel_loop3A_374], %parallel_loop3A_364 {strides = array<i32>} : memref<2048xi32, #tpu.memory_space<vmem>>, vector<16xi32>,
      %parallel_loop3A_376 = arith.constant 16 : i32
      %parallel_loop3A_377 = arith.muli %parallel_loop3A_153, %parallel_loop3A_376 : i32
      %parallel_loop3A_378 = arith.index_cast %parallel_loop3A_377 : i32 to index
      %parallel_loop3A_379 = tpu.vector_load %arg12[%parallel_loop3A_378] {strides = array<i32>} : memref<2048xf32, #tpu.memory_space<vmem>>, vector<16xf32>,
      tpu.vector_store %arg12[%parallel_loop3A_378], %parallel_loop3A_371 {strides = array<i32>} : memref<2048xf32, #tpu.memory_space<vmem>>, vector<16xf32>,
    } {sc.loop_unroll_factor = 4 : i64, sc.parallel_access}
    "tpu.region"() ({
      %run_scoped3A = tpu.sem_alloc : memref<!tpu.dma_semaphore, #tpu.memory_space<semaphore_mem>>
      %dma_start3A_153 = arith.constant 0 : i32
      %dma_start3A_154 = tpu.memref_slice %arg4[%add3A, %dma_start3A_153] : memref<32x2048xi32, #tpu.memory_space<hbm>> -> memref<1x2048xi32, #tpu.memory_space<hbm>>
      %dma_start3A_155 = tpu.memref_squeeze %dma_start3A_154 : memref<1x2048xi32, #tpu.memory_space<hbm>> -> memref<2048xi32, #tpu.memory_space<hbm>>
      %dma_start3A_156 = arith.constant 0 : i32
      %dma_start3A_157 = tpu.memref_slice %arg4[%add3A, %dma_start3A_156] : memref<32x2048xi32, #tpu.memory_space<hbm>> -> memref<1x2048xi32, #tpu.memory_space<hbm>>
      %dma_start3A_158 = tpu.memref_squeeze %dma_start3A_157 : memref<1x2048xi32, #tpu.memory_space<hbm>> -> memref<2048xi32, #tpu.memory_space<hbm>>
      tpu.enqueue_dma source(%arg11 : memref<2048xi32, #tpu.memory_space<vmem>>) target(%dma_start3A_158 : memref<2048xi32, #tpu.memory_space<hbm>>) target_semaphore(%run_scoped3A : memref<!tpu.dma_semaphore, #tpu.memory_space<semaphore_mem>>)
      %dma_wait3A_159 = arith.constant 0 : i32
      %dma_wait3A_160 = tpu.memref_slice %arg4[%add3A, %dma_wait3A_159] : memref<32x2048xi32, #tpu.memory_space<hbm>> -> memref<1x2048xi32, #tpu.memory_space<hbm>>
      %dma_wait3A_161 = tpu.memref_squeeze %dma_wait3A_160 : memref<1x2048xi32, #tpu.memory_space<hbm>> -> memref<2048xi32, #tpu.memory_space<hbm>>
      %dma_wait3A_162 = arith.constant 0 : i32
      %dma_wait3A_163 = tpu.memref_slice %arg4[%add3A, %dma_wait3A_162] : memref<32x2048xi32, #tpu.memory_space<hbm>> -> memref<1x2048xi32, #tpu.memory_space<hbm>>
      %dma_wait3A_164 = tpu.memref_squeeze %dma_wait3A_163 : memref<1x2048xi32, #tpu.memory_space<hbm>> -> memref<2048xi32, #tpu.memory_space<hbm>>
      tpu.wait_dma2 semaphore(%run_scoped3A : memref<!tpu.dma_semaphore, #tpu.memory_space<semaphore_mem>>) src(%arg11 : memref<2048xi32, #tpu.memory_space<vmem>>) dst(%dma_wait3A_164 : memref<2048xi32, #tpu.memory_space<hbm>>)
      tpu.yield
    }) : () -> ()
    "tpu.region"() ({
      %run_scoped3A = tpu.sem_alloc : memref<!tpu.dma_semaphore, #tpu.memory_space<semaphore_mem>>
      %dma_start3A_153 = arith.constant 0 : i32
      %dma_start3A_154 = tpu.memref_slice %arg5[%add3A, %dma_start3A_153] : memref<32x2048xf32, #tpu.memory_space<hbm>> -> memref<1x2048xf32, #tpu.memory_space<hbm>>
      %dma_start3A_155 = tpu.memref_squeeze %dma_start3A_154 : memref<1x2048xf32, #tpu.memory_space<hbm>> -> memref<2048xf32, #tpu.memory_space<hbm>>
      %dma_start3A_156 = arith.constant 0 : i32
      %dma_start3A_157 = tpu.memref_slice %arg5[%add3A, %dma_start3A_156] : memref<32x2048xf32, #tpu.memory_space<hbm>> -> memref<1x2048xf32, #tpu.memory_space<hbm>>
      %dma_start3A_158 = tpu.memref_squeeze %dma_start3A_157 : memref<1x2048xf32, #tpu.memory_space<hbm>> -> memref<2048xf32, #tpu.memory_space<hbm>>
      tpu.enqueue_dma source(%arg12 : memref<2048xf32, #tpu.memory_space<vmem>>) target(%dma_start3A_158 : memref<2048xf32, #tpu.memory_space<hbm>>) target_semaphore(%run_scoped3A : memref<!tpu.dma_semaphore, #tpu.memory_space<semaphore_mem>>)
      %dma_wait3A_159 = arith.constant 0 : i32
      %dma_wait3A_160 = tpu.memref_slice %arg5[%add3A, %dma_wait3A_159] : memref<32x2048xf32, #tpu.memory_space<hbm>> -> memref<1x2048xf32, #tpu.memory_space<hbm>>
      %dma_wait3A_161 = tpu.memref_squeeze %dma_wait3A_160 : memref<1x2048xf32, #tpu.memory_space<hbm>> -> memref<2048xf32, #tpu.memory_space<hbm>>
      %dma_wait3A_162 = arith.constant 0 : i32
      %dma_wait3A_163 = tpu.memref_slice %arg5[%add3A, %dma_wait3A_162] : memref<32x2048xf32, #tpu.memory_space<hbm>> -> memref<1x2048xf32, #tpu.memory_space<hbm>>
      %dma_wait3A_164 = tpu.memref_squeeze %dma_wait3A_163 : memref<1x2048xf32, #tpu.memory_space<hbm>> -> memref<2048xf32, #tpu.memory_space<hbm>>
      tpu.wait_dma2 semaphore(%run_scoped3A : memref<!tpu.dma_semaphore, #tpu.memory_space<semaphore_mem>>) src(%arg12 : memref<2048xf32, #tpu.memory_space<vmem>>) dst(%dma_wait3A_164 : memref<2048xf32, #tpu.memory_space<hbm>>)
      tpu.yield
    }) : () -> ()
    "tpu.region"() ({
      %run_scoped3A = tpu.sem_alloc : memref<!tpu.dma_semaphore, #tpu.memory_space<semaphore_mem>>
      %dma_start3A_153 = arith.constant 0 : i32
      %dma_start3A_154 = tpu.memref_slice %arg6[%add3A, %dma_start3A_153] : memref<32x16xf32, #tpu.memory_space<hbm>> -> memref<1x16xf32, #tpu.memory_space<hbm>>
      %dma_start3A_155 = tpu.memref_squeeze %dma_start3A_154 : memref<1x16xf32, #tpu.memory_space<hbm>> -> memref<16xf32, #tpu.memory_space<hbm>>
      %dma_start3A_156 = arith.constant 0 : i32
      %dma_start3A_157 = tpu.memref_slice %arg6[%add3A, %dma_start3A_156] : memref<32x16xf32, #tpu.memory_space<hbm>> -> memref<1x16xf32, #tpu.memory_space<hbm>>
      %dma_start3A_158 = tpu.memref_squeeze %dma_start3A_157 : memref<1x16xf32, #tpu.memory_space<hbm>> -> memref<16xf32, #tpu.memory_space<hbm>>
      tpu.enqueue_dma source(%arg14 : memref<16xf32, #tpu.memory_space<vmem>>) target(%dma_start3A_158 : memref<16xf32, #tpu.memory_space<hbm>>) target_semaphore(%run_scoped3A : memref<!tpu.dma_semaphore, #tpu.memory_space<semaphore_mem>>)
      %dma_wait3A_159 = arith.constant 0 : i32
      %dma_wait3A_160 = tpu.memref_slice %arg6[%add3A, %dma_wait3A_159] : memref<32x16xf32, #tpu.memory_space<hbm>> -> memref<1x16xf32, #tpu.memory_space<hbm>>
      %dma_wait3A_161 = tpu.memref_squeeze %dma_wait3A_160 : memref<1x16xf32, #tpu.memory_space<hbm>> -> memref<16xf32, #tpu.memory_space<hbm>>
      %dma_wait3A_162 = arith.constant 0 : i32
      %dma_wait3A_163 = tpu.memref_slice %arg6[%add3A, %dma_wait3A_162] : memref<32x16xf32, #tpu.memory_space<hbm>> -> memref<1x16xf32, #tpu.memory_space<hbm>>
      %dma_wait3A_164 = tpu.memref_squeeze %dma_wait3A_163 : memref<1x16xf32, #tpu.memory_space<hbm>> -> memref<16xf32, #tpu.memory_space<hbm>>
      tpu.wait_dma2 semaphore(%run_scoped3A : memref<!tpu.dma_semaphore, #tpu.memory_space<semaphore_mem>>) src(%arg14 : memref<16xf32, #tpu.memory_space<vmem>>) dst(%dma_wait3A_164 : memref<16xf32, #tpu.memory_space<hbm>>)
      tpu.yield
    }) : () -> ()
    return
  }
}

module attributes {stable_mosaic.version = 14 : i64} {
  func.func @_tc_final_body(%arg0: memref<2x2048xi32, #tpu.memory_space<vmem>>, %arg1: memref<32x2048xi32, #tpu.memory_space<vmem>>, %arg2: memref<32x2048xf32, #tpu.memory_space<vmem>>, %arg3: memref<32x16xf32, #tpu.memory_space<vmem>>, %arg4: memref<1x1xf32, #tpu.memory_space<smem>>) attributes {dimension_semantics = [], scalar_prefetch = 0 : i64, scratch_operands = 0 : i64, tpu.core_type = #tpu.core_type<tc>} {
    %get3A = arith.constant 0 : index
    %get3A_0 = arith.constant 0 : index
    %get3A_1 = vector.load %arg0[%get3A, %get3A_0] : memref<2x2048xi32, #tpu.memory_space<vmem>>, vector<2x2048xi32>
    %reduce_sum3A = arith.constant dense<0> : vector<2048xi32>
    %reduce_sum3A_2 = vector.multi_reduction <add>, %get3A_1, %reduce_sum3A [0] : vector<2x2048xi32> to vector<2048xi32>
    %broadcast_in_dim3A = vector.shape_cast %reduce_sum3A_2 : vector<2048xi32> to vector<1x2048xi32>
    %get3A_3 = arith.constant 0 : index
    %get3A_4 = arith.constant 0 : index
    %get3A_5 = vector.load %arg1[%get3A_3, %get3A_4] : memref<32x2048xi32, #tpu.memory_space<vmem>>, vector<32x2048xi32>
    %reduce_sum3A_6 = arith.constant dense<0> : vector<2048xi32>
    %reduce_sum3A_7 = vector.multi_reduction <add>, %get3A_5, %reduce_sum3A_6 [0] : vector<32x2048xi32> to vector<2048xi32>
    %broadcast_in_dim3A_8 = vector.shape_cast %reduce_sum3A_7 : vector<2048xi32> to vector<1x2048xi32>
    %get3A_9 = arith.constant 0 : index
    %get3A_10 = arith.constant 0 : index
    %get3A_11 = vector.load %arg2[%get3A_9, %get3A_10] : memref<32x2048xf32, #tpu.memory_space<vmem>>, vector<32x2048xf32>
    %reduce_sum3A_12 = arith.constant dense<0.000000e+00> : vector<2048xf32>
    %reduce_sum3A_13 = vector.multi_reduction <add>, %get3A_11, %reduce_sum3A_12 [0] : vector<32x2048xf32> to vector<2048xf32>
    %broadcast_in_dim3A_14 = vector.shape_cast %reduce_sum3A_13 : vector<2048xf32> to vector<1x2048xf32>
    %get3A_15 = arith.constant 0 : index
    %get3A_16 = arith.constant 0 : index
    %get3A_17 = vector.load %arg3[%get3A_15, %get3A_16] : memref<32x16xf32, #tpu.memory_space<vmem>>, vector<32x16xf32>
    %reduce_sum3A_18 = vector.shape_cast %get3A_17 : vector<32x16xf32> to vector<1x32x16xf32>
    %reduce_sum3A_19 = arith.constant dense<0.000000e+00> : vector<1xf32>
    %reduce_sum3A_20 = vector.multi_reduction <add>, %reduce_sum3A_18, %reduce_sum3A_19 [1, 2] : vector<1x32x16xf32> to vector<1xf32>
    %reduce_sum3A_21 = vector.shape_cast %reduce_sum3A_20 : vector<1xf32> to vector<1x1x1xf32>
    %reduce_sum3A_22 = vector.extract %reduce_sum3A_21[0, 0, 0] : f32 from vector<1x1x1xf32>
    %iota3A = tpu.iota {dimensions = array<i32: 1>} : vector<1x2048xi32>
    %shift_left3A = arith.constant 1 : i32
    %shift_left3A_23 = arith.constant 10 : i32
    %shift_left3A_24 = arith.shli %shift_left3A, %shift_left3A_23 : i32
    %add3A = arith.constant 0 : i32
    %add3A_25 = arith.addi %add3A, %shift_left3A_24 : i32
    %ge3A = vector.broadcast %add3A_25 : i32 to vector<1x2048xi32>
    %ge3A_26 = arith.cmpi sge, %iota3A, %ge3A : vector<1x2048xi32>
    %jit3A = arith.constant 0 : i32
    %broadcast_in_dim3A_27 = vector.broadcast %jit3A : i32 to vector<1x2048xi32>
    %select_n3A = arith.select %ge3A_26, %broadcast_in_dim3A, %broadcast_in_dim3A_27 : vector<1x2048xi1>, vector<1x2048xi32>
    %reduce_sum3A_28 = vector.shape_cast %select_n3A : vector<1x2048xi32> to vector<1x1x2048xi32>
    %reduce_sum3A_29 = arith.constant dense<0> : vector<1xi32>
    %reduce_sum3A_30 = vector.multi_reduction <add>, %reduce_sum3A_28, %reduce_sum3A_29 [1, 2] : vector<1x1x2048xi32> to vector<1xi32>
    %reduce_sum3A_31 = vector.shape_cast %reduce_sum3A_30 : vector<1xi32> to vector<1x1x1xi32>
    %reduce_sum3A_32 = vector.extract %reduce_sum3A_31[0, 0, 0] : i32 from vector<1x1x1xi32>
    %add3A_33 = arith.constant 0 : i32
    %add3A_34 = arith.addi %add3A_33, %reduce_sum3A_32 : i32
    %ge3A_35 = arith.constant 20971 : i32
    %ge3A_36 = arith.cmpi sge, %add3A_34, %ge3A_35 : i32
    %jit3A_37 = arith.constant 0 : i32
    %select_n3A_38 = arith.select %ge3A_36, %add3A_25, %jit3A_37 : i32
    %shift_left3A_39 = arith.constant 1 : i32
    %shift_left3A_40 = arith.constant 9 : i32
    %shift_left3A_41 = arith.shli %shift_left3A_39, %shift_left3A_40 : i32
    %add3A_42 = arith.addi %select_n3A_38, %shift_left3A_41 : i32
    %ge3A_43 = vector.broadcast %add3A_42 : i32 to vector<1x2048xi32>
    %ge3A_44 = arith.cmpi sge, %iota3A, %ge3A_43 : vector<1x2048xi32>
    %jit3A_45 = arith.constant 0 : i32
    %broadcast_in_dim3A_46 = vector.broadcast %jit3A_45 : i32 to vector<1x2048xi32>
    %select_n3A_47 = arith.select %ge3A_44, %broadcast_in_dim3A, %broadcast_in_dim3A_46 : vector<1x2048xi1>, vector<1x2048xi32>
    %reduce_sum3A_48 = vector.shape_cast %select_n3A_47 : vector<1x2048xi32> to vector<1x1x2048xi32>
    %reduce_sum3A_49 = arith.constant dense<0> : vector<1xi32>
    %reduce_sum3A_50 = vector.multi_reduction <add>, %reduce_sum3A_48, %reduce_sum3A_49 [1, 2] : vector<1x1x2048xi32> to vector<1xi32>
    %reduce_sum3A_51 = vector.shape_cast %reduce_sum3A_50 : vector<1xi32> to vector<1x1x1xi32>
    %reduce_sum3A_52 = vector.extract %reduce_sum3A_51[0, 0, 0] : i32 from vector<1x1x1xi32>
    %add3A_53 = arith.constant 0 : i32
    %add3A_54 = arith.addi %add3A_53, %reduce_sum3A_52 : i32
    %ge3A_55 = arith.constant 20971 : i32
    %ge3A_56 = arith.cmpi sge, %add3A_54, %ge3A_55 : i32
    %select_n3A_57 = arith.select %ge3A_56, %add3A_42, %select_n3A_38 : i32
    %shift_left3A_58 = arith.constant 1 : i32
    %shift_left3A_59 = arith.constant 8 : i32
    %shift_left3A_60 = arith.shli %shift_left3A_58, %shift_left3A_59 : i32
    %add3A_61 = arith.addi %select_n3A_57, %shift_left3A_60 : i32
    %ge3A_62 = vector.broadcast %add3A_61 : i32 to vector<1x2048xi32>
    %ge3A_63 = arith.cmpi sge, %iota3A, %ge3A_62 : vector<1x2048xi32>
    %jit3A_64 = arith.constant 0 : i32
    %broadcast_in_dim3A_65 = vector.broadcast %jit3A_64 : i32 to vector<1x2048xi32>
    %select_n3A_66 = arith.select %ge3A_63, %broadcast_in_dim3A, %broadcast_in_dim3A_65 : vector<1x2048xi1>, vector<1x2048xi32>
    %reduce_sum3A_67 = vector.shape_cast %select_n3A_66 : vector<1x2048xi32> to vector<1x1x2048xi32>
    %reduce_sum3A_68 = arith.constant dense<0> : vector<1xi32>
    %reduce_sum3A_69 = vector.multi_reduction <add>, %reduce_sum3A_67, %reduce_sum3A_68 [1, 2] : vector<1x1x2048xi32> to vector<1xi32>
    %reduce_sum3A_70 = vector.shape_cast %reduce_sum3A_69 : vector<1xi32> to vector<1x1x1xi32>
    %reduce_sum3A_71 = vector.extract %reduce_sum3A_70[0, 0, 0] : i32 from vector<1x1x1xi32>
    %add3A_72 = arith.constant 0 : i32
    %add3A_73 = arith.addi %add3A_72, %reduce_sum3A_71 : i32
    %ge3A_74 = arith.constant 20971 : i32
    %ge3A_75 = arith.cmpi sge, %add3A_73, %ge3A_74 : i32
    %select_n3A_76 = arith.select %ge3A_75, %add3A_61, %select_n3A_57 : i32
    %shift_left3A_77 = arith.constant 1 : i32
    %shift_left3A_78 = arith.constant 7 : i32
    %shift_left3A_79 = arith.shli %shift_left3A_77, %shift_left3A_78 : i32
    %add3A_80 = arith.addi %select_n3A_76, %shift_left3A_79 : i32
    %ge3A_81 = vector.broadcast %add3A_80 : i32 to vector<1x2048xi32>
    %ge3A_82 = arith.cmpi sge, %iota3A, %ge3A_81 : vector<1x2048xi32>
    %jit3A_83 = arith.constant 0 : i32
    %broadcast_in_dim3A_84 = vector.broadcast %jit3A_83 : i32 to vector<1x2048xi32>
    %select_n3A_85 = arith.select %ge3A_82, %broadcast_in_dim3A, %broadcast_in_dim3A_84 : vector<1x2048xi1>, vector<1x2048xi32>
    %reduce_sum3A_86 = vector.shape_cast %select_n3A_85 : vector<1x2048xi32> to vector<1x1x2048xi32>
    %reduce_sum3A_87 = arith.constant dense<0> : vector<1xi32>
    %reduce_sum3A_88 = vector.multi_reduction <add>, %reduce_sum3A_86, %reduce_sum3A_87 [1, 2] : vector<1x1x2048xi32> to vector<1xi32>
    %reduce_sum3A_89 = vector.shape_cast %reduce_sum3A_88 : vector<1xi32> to vector<1x1x1xi32>
    %reduce_sum3A_90 = vector.extract %reduce_sum3A_89[0, 0, 0] : i32 from vector<1x1x1xi32>
    %add3A_91 = arith.constant 0 : i32
    %add3A_92 = arith.addi %add3A_91, %reduce_sum3A_90 : i32
    %ge3A_93 = arith.constant 20971 : i32
    %ge3A_94 = arith.cmpi sge, %add3A_92, %ge3A_93 : i32
    %select_n3A_95 = arith.select %ge3A_94, %add3A_80, %select_n3A_76 : i32
    %shift_left3A_96 = arith.constant 1 : i32
    %shift_left3A_97 = arith.constant 6 : i32
    %shift_left3A_98 = arith.shli %shift_left3A_96, %shift_left3A_97 : i32
    %add3A_99 = arith.addi %select_n3A_95, %shift_left3A_98 : i32
    %ge3A_100 = vector.broadcast %add3A_99 : i32 to vector<1x2048xi32>
    %ge3A_101 = arith.cmpi sge, %iota3A, %ge3A_100 : vector<1x2048xi32>
    %jit3A_102 = arith.constant 0 : i32
    %broadcast_in_dim3A_103 = vector.broadcast %jit3A_102 : i32 to vector<1x2048xi32>
    %select_n3A_104 = arith.select %ge3A_101, %broadcast_in_dim3A, %broadcast_in_dim3A_103 : vector<1x2048xi1>, vector<1x2048xi32>
    %reduce_sum3A_105 = vector.shape_cast %select_n3A_104 : vector<1x2048xi32> to vector<1x1x2048xi32>
    %reduce_sum3A_106 = arith.constant dense<0> : vector<1xi32>
    %reduce_sum3A_107 = vector.multi_reduction <add>, %reduce_sum3A_105, %reduce_sum3A_106 [1, 2] : vector<1x1x2048xi32> to vector<1xi32>
    %reduce_sum3A_108 = vector.shape_cast %reduce_sum3A_107 : vector<1xi32> to vector<1x1x1xi32>
    %reduce_sum3A_109 = vector.extract %reduce_sum3A_108[0, 0, 0] : i32 from vector<1x1x1xi32>
    %add3A_110 = arith.constant 0 : i32
    %add3A_111 = arith.addi %add3A_110, %reduce_sum3A_109 : i32
    %ge3A_112 = arith.constant 20971 : i32
    %ge3A_113 = arith.cmpi sge, %add3A_111, %ge3A_112 : i32
    %select_n3A_114 = arith.select %ge3A_113, %add3A_99, %select_n3A_95 : i32
    %shift_left3A_115 = arith.constant 1 : i32
    %shift_left3A_116 = arith.constant 5 : i32
    %shift_left3A_117 = arith.shli %shift_left3A_115, %shift_left3A_116 : i32
    %add3A_118 = arith.addi %select_n3A_114, %shift_left3A_117 : i32
    %ge3A_119 = vector.broadcast %add3A_118 : i32 to vector<1x2048xi32>
    %ge3A_120 = arith.cmpi sge, %iota3A, %ge3A_119 : vector<1x2048xi32>
    %jit3A_121 = arith.constant 0 : i32
    %broadcast_in_dim3A_122 = vector.broadcast %jit3A_121 : i32 to vector<1x2048xi32>
    %select_n3A_123 = arith.select %ge3A_120, %broadcast_in_dim3A, %broadcast_in_dim3A_122 : vector<1x2048xi1>, vector<1x2048xi32>
    %reduce_sum3A_124 = vector.shape_cast %select_n3A_123 : vector<1x2048xi32> to vector<1x1x2048xi32>
    %reduce_sum3A_125 = arith.constant dense<0> : vector<1xi32>
    %reduce_sum3A_126 = vector.multi_reduction <add>, %reduce_sum3A_124, %reduce_sum3A_125 [1, 2] : vector<1x1x2048xi32> to vector<1xi32>
    %reduce_sum3A_127 = vector.shape_cast %reduce_sum3A_126 : vector<1xi32> to vector<1x1x1xi32>
    %reduce_sum3A_128 = vector.extract %reduce_sum3A_127[0, 0, 0] : i32 from vector<1x1x1xi32>
    %add3A_129 = arith.constant 0 : i32
    %add3A_130 = arith.addi %add3A_129, %reduce_sum3A_128 : i32
    %ge3A_131 = arith.constant 20971 : i32
    %ge3A_132 = arith.cmpi sge, %add3A_130, %ge3A_131 : i32
    %select_n3A_133 = arith.select %ge3A_132, %add3A_118, %select_n3A_114 : i32
    %shift_left3A_134 = arith.constant 1 : i32
    %shift_left3A_135 = arith.constant 4 : i32
    %shift_left3A_136 = arith.shli %shift_left3A_134, %shift_left3A_135 : i32
    %add3A_137 = arith.addi %select_n3A_133, %shift_left3A_136 : i32
    %ge3A_138 = vector.broadcast %add3A_137 : i32 to vector<1x2048xi32>
    %ge3A_139 = arith.cmpi sge, %iota3A, %ge3A_138 : vector<1x2048xi32>
    %jit3A_140 = arith.constant 0 : i32
    %broadcast_in_dim3A_141 = vector.broadcast %jit3A_140 : i32 to vector<1x2048xi32>
    %select_n3A_142 = arith.select %ge3A_139, %broadcast_in_dim3A, %broadcast_in_dim3A_141 : vector<1x2048xi1>, vector<1x2048xi32>
    %reduce_sum3A_143 = vector.shape_cast %select_n3A_142 : vector<1x2048xi32> to vector<1x1x2048xi32>
    %reduce_sum3A_144 = arith.constant dense<0> : vector<1xi32>
    %reduce_sum3A_145 = vector.multi_reduction <add>, %reduce_sum3A_143, %reduce_sum3A_144 [1, 2] : vector<1x1x2048xi32> to vector<1xi32>
    %reduce_sum3A_146 = vector.shape_cast %reduce_sum3A_145 : vector<1xi32> to vector<1x1x1xi32>
    %reduce_sum3A_147 = vector.extract %reduce_sum3A_146[0, 0, 0] : i32 from vector<1x1x1xi32>
    %add3A_148 = arith.constant 0 : i32
    %add3A_149 = arith.addi %add3A_148, %reduce_sum3A_147 : i32
    %ge3A_150 = arith.constant 20971 : i32
    %ge3A_151 = arith.cmpi sge, %add3A_149, %ge3A_150 : i32
    %select_n3A_152 = arith.select %ge3A_151, %add3A_137, %select_n3A_133 : i32
    %shift_left3A_153 = arith.constant 1 : i32
    %shift_left3A_154 = arith.constant 3 : i32
    %shift_left3A_155 = arith.shli %shift_left3A_153, %shift_left3A_154 : i32
    %add3A_156 = arith.addi %select_n3A_152, %shift_left3A_155 : i32
    %ge3A_157 = vector.broadcast %add3A_156 : i32 to vector<1x2048xi32>
    %ge3A_158 = arith.cmpi sge, %iota3A, %ge3A_157 : vector<1x2048xi32>
    %jit3A_159 = arith.constant 0 : i32
    %broadcast_in_dim3A_160 = vector.broadcast %jit3A_159 : i32 to vector<1x2048xi32>
    %select_n3A_161 = arith.select %ge3A_158, %broadcast_in_dim3A, %broadcast_in_dim3A_160 : vector<1x2048xi1>, vector<1x2048xi32>
    %reduce_sum3A_162 = vector.shape_cast %select_n3A_161 : vector<1x2048xi32> to vector<1x1x2048xi32>
    %reduce_sum3A_163 = arith.constant dense<0> : vector<1xi32>
    %reduce_sum3A_164 = vector.multi_reduction <add>, %reduce_sum3A_162, %reduce_sum3A_163 [1, 2] : vector<1x1x2048xi32> to vector<1xi32>
    %reduce_sum3A_165 = vector.shape_cast %reduce_sum3A_164 : vector<1xi32> to vector<1x1x1xi32>
    %reduce_sum3A_166 = vector.extract %reduce_sum3A_165[0, 0, 0] : i32 from vector<1x1x1xi32>
    %add3A_167 = arith.constant 0 : i32
    %add3A_168 = arith.addi %add3A_167, %reduce_sum3A_166 : i32
    %ge3A_169 = arith.constant 20971 : i32
    %ge3A_170 = arith.cmpi sge, %add3A_168, %ge3A_169 : i32
    %select_n3A_171 = arith.select %ge3A_170, %add3A_156, %select_n3A_152 : i32
    %shift_left3A_172 = arith.constant 1 : i32
    %shift_left3A_173 = arith.constant 2 : i32
    %shift_left3A_174 = arith.shli %shift_left3A_172, %shift_left3A_173 : i32
    %add3A_175 = arith.addi %select_n3A_171, %shift_left3A_174 : i32
    %ge3A_176 = vector.broadcast %add3A_175 : i32 to vector<1x2048xi32>
    %ge3A_177 = arith.cmpi sge, %iota3A, %ge3A_176 : vector<1x2048xi32>
    %jit3A_178 = arith.constant 0 : i32
    %broadcast_in_dim3A_179 = vector.broadcast %jit3A_178 : i32 to vector<1x2048xi32>
    %select_n3A_180 = arith.select %ge3A_177, %broadcast_in_dim3A, %broadcast_in_dim3A_179 : vector<1x2048xi1>, vector<1x2048xi32>
    %reduce_sum3A_181 = vector.shape_cast %select_n3A_180 : vector<1x2048xi32> to vector<1x1x2048xi32>
    %reduce_sum3A_182 = arith.constant dense<0> : vector<1xi32>
    %reduce_sum3A_183 = vector.multi_reduction <add>, %reduce_sum3A_181, %reduce_sum3A_182 [1, 2] : vector<1x1x2048xi32> to vector<1xi32>
    %reduce_sum3A_184 = vector.shape_cast %reduce_sum3A_183 : vector<1xi32> to vector<1x1x1xi32>
    %reduce_sum3A_185 = vector.extract %reduce_sum3A_184[0, 0, 0] : i32 from vector<1x1x1xi32>
    %add3A_186 = arith.constant 0 : i32
    %add3A_187 = arith.addi %add3A_186, %reduce_sum3A_185 : i32
    %ge3A_188 = arith.constant 20971 : i32
    %ge3A_189 = arith.cmpi sge, %add3A_187, %ge3A_188 : i32
    %select_n3A_190 = arith.select %ge3A_189, %add3A_175, %select_n3A_171 : i32
    %shift_left3A_191 = arith.constant 1 : i32
    %shift_left3A_192 = arith.constant 1 : i32
    %shift_left3A_193 = arith.shli %shift_left3A_191, %shift_left3A_192 : i32
    %add3A_194 = arith.addi %select_n3A_190, %shift_left3A_193 : i32
    %ge3A_195 = vector.broadcast %add3A_194 : i32 to vector<1x2048xi32>
    %ge3A_196 = arith.cmpi sge, %iota3A, %ge3A_195 : vector<1x2048xi32>
    %jit3A_197 = arith.constant 0 : i32
    %broadcast_in_dim3A_198 = vector.broadcast %jit3A_197 : i32 to vector<1x2048xi32>
    %select_n3A_199 = arith.select %ge3A_196, %broadcast_in_dim3A, %broadcast_in_dim3A_198 : vector<1x2048xi1>, vector<1x2048xi32>
    %reduce_sum3A_200 = vector.shape_cast %select_n3A_199 : vector<1x2048xi32> to vector<1x1x2048xi32>
    %reduce_sum3A_201 = arith.constant dense<0> : vector<1xi32>
    %reduce_sum3A_202 = vector.multi_reduction <add>, %reduce_sum3A_200, %reduce_sum3A_201 [1, 2] : vector<1x1x2048xi32> to vector<1xi32>
    %reduce_sum3A_203 = vector.shape_cast %reduce_sum3A_202 : vector<1xi32> to vector<1x1x1xi32>
    %reduce_sum3A_204 = vector.extract %reduce_sum3A_203[0, 0, 0] : i32 from vector<1x1x1xi32>
    %add3A_205 = arith.constant 0 : i32
    %add3A_206 = arith.addi %add3A_205, %reduce_sum3A_204 : i32
    %ge3A_207 = arith.constant 20971 : i32
    %ge3A_208 = arith.cmpi sge, %add3A_206, %ge3A_207 : i32
    %select_n3A_209 = arith.select %ge3A_208, %add3A_194, %select_n3A_190 : i32
    %shift_left3A_210 = arith.constant 1 : i32
    %shift_left3A_211 = arith.constant 0 : i32
    %shift_left3A_212 = arith.shli %shift_left3A_210, %shift_left3A_211 : i32
    %add3A_213 = arith.addi %select_n3A_209, %shift_left3A_212 : i32
    %ge3A_214 = vector.broadcast %add3A_213 : i32 to vector<1x2048xi32>
    %ge3A_215 = arith.cmpi sge, %iota3A, %ge3A_214 : vector<1x2048xi32>
    %jit3A_216 = arith.constant 0 : i32
    %broadcast_in_dim3A_217 = vector.broadcast %jit3A_216 : i32 to vector<1x2048xi32>
    %select_n3A_218 = arith.select %ge3A_215, %broadcast_in_dim3A, %broadcast_in_dim3A_217 : vector<1x2048xi1>, vector<1x2048xi32>
    %reduce_sum3A_219 = vector.shape_cast %select_n3A_218 : vector<1x2048xi32> to vector<1x1x2048xi32>
    %reduce_sum3A_220 = arith.constant dense<0> : vector<1xi32>
    %reduce_sum3A_221 = vector.multi_reduction <add>, %reduce_sum3A_219, %reduce_sum3A_220 [1, 2] : vector<1x1x2048xi32> to vector<1xi32>
    %reduce_sum3A_222 = vector.shape_cast %reduce_sum3A_221 : vector<1xi32> to vector<1x1x1xi32>
    %reduce_sum3A_223 = vector.extract %reduce_sum3A_222[0, 0, 0] : i32 from vector<1x1x1xi32>
    %add3A_224 = arith.constant 0 : i32
    %add3A_225 = arith.addi %add3A_224, %reduce_sum3A_223 : i32
    %ge3A_226 = arith.constant 20971 : i32
    %ge3A_227 = arith.cmpi sge, %add3A_225, %ge3A_226 : i32
    %select_n3A_228 = arith.select %ge3A_227, %add3A_213, %select_n3A_209 : i32
    %gt3A = vector.broadcast %select_n3A_228 : i32 to vector<1x2048xi32>
    %gt3A_229 = arith.cmpi sgt, %iota3A, %gt3A : vector<1x2048xi32>
    %jit3A_230 = arith.constant 0 : i32
    %broadcast_in_dim3A_231 = vector.broadcast %jit3A_230 : i32 to vector<1x2048xi32>
    %select_n3A_232 = arith.select %gt3A_229, %broadcast_in_dim3A, %broadcast_in_dim3A_231 : vector<1x2048xi1>, vector<1x2048xi32>
    %reduce_sum3A_233 = vector.shape_cast %select_n3A_232 : vector<1x2048xi32> to vector<1x1x2048xi32>
    %reduce_sum3A_234 = arith.constant dense<0> : vector<1xi32>
    %reduce_sum3A_235 = vector.multi_reduction <add>, %reduce_sum3A_233, %reduce_sum3A_234 [1, 2] : vector<1x1x2048xi32> to vector<1xi32>
    %reduce_sum3A_236 = vector.shape_cast %reduce_sum3A_235 : vector<1xi32> to vector<1x1x1xi32>
    %reduce_sum3A_237 = vector.extract %reduce_sum3A_236[0, 0, 0] : i32 from vector<1x1x1xi32>
    %sub3A = arith.constant 1024 : i32
    %sub3A_238 = arith.subi %select_n3A_228, %sub3A : i32
    %shift_left3A_239 = arith.constant 1 : i32
    %shift_left3A_240 = arith.constant 10 : i32
    %shift_left3A_241 = arith.shli %shift_left3A_239, %shift_left3A_240 : i32
    %add3A_242 = arith.constant 0 : i32
    %add3A_243 = arith.addi %add3A_242, %shift_left3A_241 : i32
    %ge3A_244 = vector.broadcast %add3A_243 : i32 to vector<1x2048xi32>
    %ge3A_245 = arith.cmpi sge, %iota3A, %ge3A_244 : vector<1x2048xi32>
    %jit3A_246 = arith.constant 0 : i32
    %broadcast_in_dim3A_247 = vector.broadcast %jit3A_246 : i32 to vector<1x2048xi32>
    %select_n3A_248 = arith.select %ge3A_245, %broadcast_in_dim3A_8, %broadcast_in_dim3A_247 : vector<1x2048xi1>, vector<1x2048xi32>
    %reduce_sum3A_249 = vector.shape_cast %select_n3A_248 : vector<1x2048xi32> to vector<1x1x2048xi32>
    %reduce_sum3A_250 = arith.constant dense<0> : vector<1xi32>
    %reduce_sum3A_251 = vector.multi_reduction <add>, %reduce_sum3A_249, %reduce_sum3A_250 [1, 2] : vector<1x1x2048xi32> to vector<1xi32>
    %reduce_sum3A_252 = vector.shape_cast %reduce_sum3A_251 : vector<1xi32> to vector<1x1x1xi32>
    %reduce_sum3A_253 = vector.extract %reduce_sum3A_252[0, 0, 0] : i32 from vector<1x1x1xi32>
    %add3A_254 = arith.addi %reduce_sum3A_237, %reduce_sum3A_253 : i32
    %ge3A_255 = arith.constant 20971 : i32
    %ge3A_256 = arith.cmpi sge, %add3A_254, %ge3A_255 : i32
    %jit3A_257 = arith.constant 0 : i32
    %select_n3A_258 = arith.select %ge3A_256, %add3A_243, %jit3A_257 : i32
    %shift_left3A_259 = arith.constant 1 : i32
    %shift_left3A_260 = arith.constant 9 : i32
    %shift_left3A_261 = arith.shli %shift_left3A_259, %shift_left3A_260 : i32
    %add3A_262 = arith.addi %select_n3A_258, %shift_left3A_261 : i32
    %ge3A_263 = vector.broadcast %add3A_262 : i32 to vector<1x2048xi32>
    %ge3A_264 = arith.cmpi sge, %iota3A, %ge3A_263 : vector<1x2048xi32>
    %jit3A_265 = arith.constant 0 : i32
    %broadcast_in_dim3A_266 = vector.broadcast %jit3A_265 : i32 to vector<1x2048xi32>
    %select_n3A_267 = arith.select %ge3A_264, %broadcast_in_dim3A_8, %broadcast_in_dim3A_266 : vector<1x2048xi1>, vector<1x2048xi32>
    %reduce_sum3A_268 = vector.shape_cast %select_n3A_267 : vector<1x2048xi32> to vector<1x1x2048xi32>
    %reduce_sum3A_269 = arith.constant dense<0> : vector<1xi32>
    %reduce_sum3A_270 = vector.multi_reduction <add>, %reduce_sum3A_268, %reduce_sum3A_269 [1, 2] : vector<1x1x2048xi32> to vector<1xi32>
    %reduce_sum3A_271 = vector.shape_cast %reduce_sum3A_270 : vector<1xi32> to vector<1x1x1xi32>
    %reduce_sum3A_272 = vector.extract %reduce_sum3A_271[0, 0, 0] : i32 from vector<1x1x1xi32>
    %add3A_273 = arith.addi %reduce_sum3A_237, %reduce_sum3A_272 : i32
    %ge3A_274 = arith.constant 20971 : i32
    %ge3A_275 = arith.cmpi sge, %add3A_273, %ge3A_274 : i32
    %select_n3A_276 = arith.select %ge3A_275, %add3A_262, %select_n3A_258 : i32
    %shift_left3A_277 = arith.constant 1 : i32
    %shift_left3A_278 = arith.constant 8 : i32
    %shift_left3A_279 = arith.shli %shift_left3A_277, %shift_left3A_278 : i32
    %add3A_280 = arith.addi %select_n3A_276, %shift_left3A_279 : i32
    %ge3A_281 = vector.broadcast %add3A_280 : i32 to vector<1x2048xi32>
    %ge3A_282 = arith.cmpi sge, %iota3A, %ge3A_281 : vector<1x2048xi32>
    %jit3A_283 = arith.constant 0 : i32
    %broadcast_in_dim3A_284 = vector.broadcast %jit3A_283 : i32 to vector<1x2048xi32>
    %select_n3A_285 = arith.select %ge3A_282, %broadcast_in_dim3A_8, %broadcast_in_dim3A_284 : vector<1x2048xi1>, vector<1x2048xi32>
    %reduce_sum3A_286 = vector.shape_cast %select_n3A_285 : vector<1x2048xi32> to vector<1x1x2048xi32>
    %reduce_sum3A_287 = arith.constant dense<0> : vector<1xi32>
    %reduce_sum3A_288 = vector.multi_reduction <add>, %reduce_sum3A_286, %reduce_sum3A_287 [1, 2] : vector<1x1x2048xi32> to vector<1xi32>
    %reduce_sum3A_289 = vector.shape_cast %reduce_sum3A_288 : vector<1xi32> to vector<1x1x1xi32>
    %reduce_sum3A_290 = vector.extract %reduce_sum3A_289[0, 0, 0] : i32 from vector<1x1x1xi32>
    %add3A_291 = arith.addi %reduce_sum3A_237, %reduce_sum3A_290 : i32
    %ge3A_292 = arith.constant 20971 : i32
    %ge3A_293 = arith.cmpi sge, %add3A_291, %ge3A_292 : i32
    %select_n3A_294 = arith.select %ge3A_293, %add3A_280, %select_n3A_276 : i32
    %shift_left3A_295 = arith.constant 1 : i32
    %shift_left3A_296 = arith.constant 7 : i32
    %shift_left3A_297 = arith.shli %shift_left3A_295, %shift_left3A_296 : i32
    %add3A_298 = arith.addi %select_n3A_294, %shift_left3A_297 : i32
    %ge3A_299 = vector.broadcast %add3A_298 : i32 to vector<1x2048xi32>
    %ge3A_300 = arith.cmpi sge, %iota3A, %ge3A_299 : vector<1x2048xi32>
    %jit3A_301 = arith.constant 0 : i32
    %broadcast_in_dim3A_302 = vector.broadcast %jit3A_301 : i32 to vector<1x2048xi32>
    %select_n3A_303 = arith.select %ge3A_300, %broadcast_in_dim3A_8, %broadcast_in_dim3A_302 : vector<1x2048xi1>, vector<1x2048xi32>
    %reduce_sum3A_304 = vector.shape_cast %select_n3A_303 : vector<1x2048xi32> to vector<1x1x2048xi32>
    %reduce_sum3A_305 = arith.constant dense<0> : vector<1xi32>
    %reduce_sum3A_306 = vector.multi_reduction <add>, %reduce_sum3A_304, %reduce_sum3A_305 [1, 2] : vector<1x1x2048xi32> to vector<1xi32>
    %reduce_sum3A_307 = vector.shape_cast %reduce_sum3A_306 : vector<1xi32> to vector<1x1x1xi32>
    %reduce_sum3A_308 = vector.extract %reduce_sum3A_307[0, 0, 0] : i32 from vector<1x1x1xi32>
    %add3A_309 = arith.addi %reduce_sum3A_237, %reduce_sum3A_308 : i32
    %ge3A_310 = arith.constant 20971 : i32
    %ge3A_311 = arith.cmpi sge, %add3A_309, %ge3A_310 : i32
    %select_n3A_312 = arith.select %ge3A_311, %add3A_298, %select_n3A_294 : i32
    %shift_left3A_313 = arith.constant 1 : i32
    %shift_left3A_314 = arith.constant 6 : i32
    %shift_left3A_315 = arith.shli %shift_left3A_313, %shift_left3A_314 : i32
    %add3A_316 = arith.addi %select_n3A_312, %shift_left3A_315 : i32
    %ge3A_317 = vector.broadcast %add3A_316 : i32 to vector<1x2048xi32>
    %ge3A_318 = arith.cmpi sge, %iota3A, %ge3A_317 : vector<1x2048xi32>
    %jit3A_319 = arith.constant 0 : i32
    %broadcast_in_dim3A_320 = vector.broadcast %jit3A_319 : i32 to vector<1x2048xi32>
    %select_n3A_321 = arith.select %ge3A_318, %broadcast_in_dim3A_8, %broadcast_in_dim3A_320 : vector<1x2048xi1>, vector<1x2048xi32>
    %reduce_sum3A_322 = vector.shape_cast %select_n3A_321 : vector<1x2048xi32> to vector<1x1x2048xi32>
    %reduce_sum3A_323 = arith.constant dense<0> : vector<1xi32>
    %reduce_sum3A_324 = vector.multi_reduction <add>, %reduce_sum3A_322, %reduce_sum3A_323 [1, 2] : vector<1x1x2048xi32> to vector<1xi32>
    %reduce_sum3A_325 = vector.shape_cast %reduce_sum3A_324 : vector<1xi32> to vector<1x1x1xi32>
    %reduce_sum3A_326 = vector.extract %reduce_sum3A_325[0, 0, 0] : i32 from vector<1x1x1xi32>
    %add3A_327 = arith.addi %reduce_sum3A_237, %reduce_sum3A_326 : i32
    %ge3A_328 = arith.constant 20971 : i32
    %ge3A_329 = arith.cmpi sge, %add3A_327, %ge3A_328 : i32
    %select_n3A_330 = arith.select %ge3A_329, %add3A_316, %select_n3A_312 : i32
    %shift_left3A_331 = arith.constant 1 : i32
    %shift_left3A_332 = arith.constant 5 : i32
    %shift_left3A_333 = arith.shli %shift_left3A_331, %shift_left3A_332 : i32
    %add3A_334 = arith.addi %select_n3A_330, %shift_left3A_333 : i32
    %ge3A_335 = vector.broadcast %add3A_334 : i32 to vector<1x2048xi32>
    %ge3A_336 = arith.cmpi sge, %iota3A, %ge3A_335 : vector<1x2048xi32>
    %jit3A_337 = arith.constant 0 : i32
    %broadcast_in_dim3A_338 = vector.broadcast %jit3A_337 : i32 to vector<1x2048xi32>
    %select_n3A_339 = arith.select %ge3A_336, %broadcast_in_dim3A_8, %broadcast_in_dim3A_338 : vector<1x2048xi1>, vector<1x2048xi32>
    %reduce_sum3A_340 = vector.shape_cast %select_n3A_339 : vector<1x2048xi32> to vector<1x1x2048xi32>
    %reduce_sum3A_341 = arith.constant dense<0> : vector<1xi32>
    %reduce_sum3A_342 = vector.multi_reduction <add>, %reduce_sum3A_340, %reduce_sum3A_341 [1, 2] : vector<1x1x2048xi32> to vector<1xi32>
    %reduce_sum3A_343 = vector.shape_cast %reduce_sum3A_342 : vector<1xi32> to vector<1x1x1xi32>
    %reduce_sum3A_344 = vector.extract %reduce_sum3A_343[0, 0, 0] : i32 from vector<1x1x1xi32>
    %add3A_345 = arith.addi %reduce_sum3A_237, %reduce_sum3A_344 : i32
    %ge3A_346 = arith.constant 20971 : i32
    %ge3A_347 = arith.cmpi sge, %add3A_345, %ge3A_346 : i32
    %select_n3A_348 = arith.select %ge3A_347, %add3A_334, %select_n3A_330 : i32
    %shift_left3A_349 = arith.constant 1 : i32
    %shift_left3A_350 = arith.constant 4 : i32
    %shift_left3A_351 = arith.shli %shift_left3A_349, %shift_left3A_350 : i32
    %add3A_352 = arith.addi %select_n3A_348, %shift_left3A_351 : i32
    %ge3A_353 = vector.broadcast %add3A_352 : i32 to vector<1x2048xi32>
    %ge3A_354 = arith.cmpi sge, %iota3A, %ge3A_353 : vector<1x2048xi32>
    %jit3A_355 = arith.constant 0 : i32
    %broadcast_in_dim3A_356 = vector.broadcast %jit3A_355 : i32 to vector<1x2048xi32>
    %select_n3A_357 = arith.select %ge3A_354, %broadcast_in_dim3A_8, %broadcast_in_dim3A_356 : vector<1x2048xi1>, vector<1x2048xi32>
    %reduce_sum3A_358 = vector.shape_cast %select_n3A_357 : vector<1x2048xi32> to vector<1x1x2048xi32>
    %reduce_sum3A_359 = arith.constant dense<0> : vector<1xi32>
    %reduce_sum3A_360 = vector.multi_reduction <add>, %reduce_sum3A_358, %reduce_sum3A_359 [1, 2] : vector<1x1x2048xi32> to vector<1xi32>
    %reduce_sum3A_361 = vector.shape_cast %reduce_sum3A_360 : vector<1xi32> to vector<1x1x1xi32>
    %reduce_sum3A_362 = vector.extract %reduce_sum3A_361[0, 0, 0] : i32 from vector<1x1x1xi32>
    %add3A_363 = arith.addi %reduce_sum3A_237, %reduce_sum3A_362 : i32
    %ge3A_364 = arith.constant 20971 : i32
    %ge3A_365 = arith.cmpi sge, %add3A_363, %ge3A_364 : i32
    %select_n3A_366 = arith.select %ge3A_365, %add3A_352, %select_n3A_348 : i32
    %shift_left3A_367 = arith.constant 1 : i32
    %shift_left3A_368 = arith.constant 3 : i32
    %shift_left3A_369 = arith.shli %shift_left3A_367, %shift_left3A_368 : i32
    %add3A_370 = arith.addi %select_n3A_366, %shift_left3A_369 : i32
    %ge3A_371 = vector.broadcast %add3A_370 : i32 to vector<1x2048xi32>
    %ge3A_372 = arith.cmpi sge, %iota3A, %ge3A_371 : vector<1x2048xi32>
    %jit3A_373 = arith.constant 0 : i32
    %broadcast_in_dim3A_374 = vector.broadcast %jit3A_373 : i32 to vector<1x2048xi32>
    %select_n3A_375 = arith.select %ge3A_372, %broadcast_in_dim3A_8, %broadcast_in_dim3A_374 : vector<1x2048xi1>, vector<1x2048xi32>
    %reduce_sum3A_376 = vector.shape_cast %select_n3A_375 : vector<1x2048xi32> to vector<1x1x2048xi32>
    %reduce_sum3A_377 = arith.constant dense<0> : vector<1xi32>
    %reduce_sum3A_378 = vector.multi_reduction <add>, %reduce_sum3A_376, %reduce_sum3A_377 [1, 2] : vector<1x1x2048xi32> to vector<1xi32>
    %reduce_sum3A_379 = vector.shape_cast %reduce_sum3A_378 : vector<1xi32> to vector<1x1x1xi32>
    %reduce_sum3A_380 = vector.extract %reduce_sum3A_379[0, 0, 0] : i32 from vector<1x1x1xi32>
    %add3A_381 = arith.addi %reduce_sum3A_237, %reduce_sum3A_380 : i32
    %ge3A_382 = arith.constant 20971 : i32
    %ge3A_383 = arith.cmpi sge, %add3A_381, %ge3A_382 : i32
    %select_n3A_384 = arith.select %ge3A_383, %add3A_370, %select_n3A_366 : i32
    %shift_left3A_385 = arith.constant 1 : i32
    %shift_left3A_386 = arith.constant 2 : i32
    %shift_left3A_387 = arith.shli %shift_left3A_385, %shift_left3A_386 : i32
    %add3A_388 = arith.addi %select_n3A_384, %shift_left3A_387 : i32
    %ge3A_389 = vector.broadcast %add3A_388 : i32 to vector<1x2048xi32>
    %ge3A_390 = arith.cmpi sge, %iota3A, %ge3A_389 : vector<1x2048xi32>
    %jit3A_391 = arith.constant 0 : i32
    %broadcast_in_dim3A_392 = vector.broadcast %jit3A_391 : i32 to vector<1x2048xi32>
    %select_n3A_393 = arith.select %ge3A_390, %broadcast_in_dim3A_8, %broadcast_in_dim3A_392 : vector<1x2048xi1>, vector<1x2048xi32>
    %reduce_sum3A_394 = vector.shape_cast %select_n3A_393 : vector<1x2048xi32> to vector<1x1x2048xi32>
    %reduce_sum3A_395 = arith.constant dense<0> : vector<1xi32>
    %reduce_sum3A_396 = vector.multi_reduction <add>, %reduce_sum3A_394, %reduce_sum3A_395 [1, 2] : vector<1x1x2048xi32> to vector<1xi32>
    %reduce_sum3A_397 = vector.shape_cast %reduce_sum3A_396 : vector<1xi32> to vector<1x1x1xi32>
    %reduce_sum3A_398 = vector.extract %reduce_sum3A_397[0, 0, 0] : i32 from vector<1x1x1xi32>
    %add3A_399 = arith.addi %reduce_sum3A_237, %reduce_sum3A_398 : i32
    %ge3A_400 = arith.constant 20971 : i32
    %ge3A_401 = arith.cmpi sge, %add3A_399, %ge3A_400 : i32
    %select_n3A_402 = arith.select %ge3A_401, %add3A_388, %select_n3A_384 : i32
    %shift_left3A_403 = arith.constant 1 : i32
    %shift_left3A_404 = arith.constant 1 : i32
    %shift_left3A_405 = arith.shli %shift_left3A_403, %shift_left3A_404 : i32
    %add3A_406 = arith.addi %select_n3A_402, %shift_left3A_405 : i32
    %ge3A_407 = vector.broadcast %add3A_406 : i32 to vector<1x2048xi32>
    %ge3A_408 = arith.cmpi sge, %iota3A, %ge3A_407 : vector<1x2048xi32>
    %jit3A_409 = arith.constant 0 : i32
    %broadcast_in_dim3A_410 = vector.broadcast %jit3A_409 : i32 to vector<1x2048xi32>
    %select_n3A_411 = arith.select %ge3A_408, %broadcast_in_dim3A_8, %broadcast_in_dim3A_410 : vector<1x2048xi1>, vector<1x2048xi32>
    %reduce_sum3A_412 = vector.shape_cast %select_n3A_411 : vector<1x2048xi32> to vector<1x1x2048xi32>
    %reduce_sum3A_413 = arith.constant dense<0> : vector<1xi32>
    %reduce_sum3A_414 = vector.multi_reduction <add>, %reduce_sum3A_412, %reduce_sum3A_413 [1, 2] : vector<1x1x2048xi32> to vector<1xi32>
    %reduce_sum3A_415 = vector.shape_cast %reduce_sum3A_414 : vector<1xi32> to vector<1x1x1xi32>
    %reduce_sum3A_416 = vector.extract %reduce_sum3A_415[0, 0, 0] : i32 from vector<1x1x1xi32>
    %add3A_417 = arith.addi %reduce_sum3A_237, %reduce_sum3A_416 : i32
    %ge3A_418 = arith.constant 20971 : i32
    %ge3A_419 = arith.cmpi sge, %add3A_417, %ge3A_418 : i32
    %select_n3A_420 = arith.select %ge3A_419, %add3A_406, %select_n3A_402 : i32
    %shift_left3A_421 = arith.constant 1 : i32
    %shift_left3A_422 = arith.constant 0 : i32
    %shift_left3A_423 = arith.shli %shift_left3A_421, %shift_left3A_422 : i32
    %add3A_424 = arith.addi %select_n3A_420, %shift_left3A_423 : i32
    %ge3A_425 = vector.broadcast %add3A_424 : i32 to vector<1x2048xi32>
    %ge3A_426 = arith.cmpi sge, %iota3A, %ge3A_425 : vector<1x2048xi32>
    %jit3A_427 = arith.constant 0 : i32
    %broadcast_in_dim3A_428 = vector.broadcast %jit3A_427 : i32 to vector<1x2048xi32>
    %select_n3A_429 = arith.select %ge3A_426, %broadcast_in_dim3A_8, %broadcast_in_dim3A_428 : vector<1x2048xi1>, vector<1x2048xi32>
    %reduce_sum3A_430 = vector.shape_cast %select_n3A_429 : vector<1x2048xi32> to vector<1x1x2048xi32>
    %reduce_sum3A_431 = arith.constant dense<0> : vector<1xi32>
    %reduce_sum3A_432 = vector.multi_reduction <add>, %reduce_sum3A_430, %reduce_sum3A_431 [1, 2] : vector<1x1x2048xi32> to vector<1xi32>
    %reduce_sum3A_433 = vector.shape_cast %reduce_sum3A_432 : vector<1xi32> to vector<1x1x1xi32>
    %reduce_sum3A_434 = vector.extract %reduce_sum3A_433[0, 0, 0] : i32 from vector<1x1x1xi32>
    %add3A_435 = arith.addi %reduce_sum3A_237, %reduce_sum3A_434 : i32
    %ge3A_436 = arith.constant 20971 : i32
    %ge3A_437 = arith.cmpi sge, %add3A_435, %ge3A_436 : i32
    %select_n3A_438 = arith.select %ge3A_437, %add3A_424, %select_n3A_420 : i32
    %gt3A_439 = vector.broadcast %select_n3A_438 : i32 to vector<1x2048xi32>
    %gt3A_440 = arith.cmpi sgt, %iota3A, %gt3A_439 : vector<1x2048xi32>
    %jit3A_441 = arith.constant 0 : i32
    %broadcast_in_dim3A_442 = vector.broadcast %jit3A_441 : i32 to vector<1x2048xi32>
    %select_n3A_443 = arith.select %gt3A_440, %broadcast_in_dim3A_8, %broadcast_in_dim3A_442 : vector<1x2048xi1>, vector<1x2048xi32>
    %reduce_sum3A_444 = vector.shape_cast %select_n3A_443 : vector<1x2048xi32> to vector<1x1x2048xi32>
    %reduce_sum3A_445 = arith.constant dense<0> : vector<1xi32>
    %reduce_sum3A_446 = vector.multi_reduction <add>, %reduce_sum3A_444, %reduce_sum3A_445 [1, 2] : vector<1x1x2048xi32> to vector<1xi32>
    %reduce_sum3A_447 = vector.shape_cast %reduce_sum3A_446 : vector<1xi32> to vector<1x1x1xi32>
    %reduce_sum3A_448 = vector.extract %reduce_sum3A_447[0, 0, 0] : i32 from vector<1x1x1xi32>
    %add3A_449 = arith.addi %reduce_sum3A_237, %reduce_sum3A_448 : i32
    %gt3A_450 = vector.broadcast %select_n3A_438 : i32 to vector<1x2048xi32>
    %gt3A_451 = arith.cmpi sgt, %iota3A, %gt3A_450 : vector<1x2048xi32>
    %jit3A_452 = arith.constant 0.000000e+00 : f32
    %broadcast_in_dim3A_453 = vector.broadcast %jit3A_452 : f32 to vector<1x2048xf32>
    %select_n3A_454 = arith.select %gt3A_451, %broadcast_in_dim3A_14, %broadcast_in_dim3A_453 : vector<1x2048xi1>, vector<1x2048xf32>
    %reduce_sum3A_455 = vector.shape_cast %select_n3A_454 : vector<1x2048xf32> to vector<1x1x2048xf32>
    %reduce_sum3A_456 = arith.constant dense<0.000000e+00> : vector<1xf32>
    %reduce_sum3A_457 = vector.multi_reduction <add>, %reduce_sum3A_455, %reduce_sum3A_456 [1, 2] : vector<1x1x2048xf32> to vector<1xf32>
    %reduce_sum3A_458 = vector.shape_cast %reduce_sum3A_457 : vector<1xf32> to vector<1x1x1xf32>
    %reduce_sum3A_459 = vector.extract %reduce_sum3A_458[0, 0, 0] : f32 from vector<1x1x1xf32>
    %add3A_460 = arith.addf %reduce_sum3A_22, %reduce_sum3A_459 : f32
    %mul3A = arith.constant 2048 : i32
    %mul3A_461 = arith.muli %sub3A_238, %mul3A : i32
    %add3A_462 = arith.addi %mul3A_461, %select_n3A_438 : i32
    %mul3A_463 = arith.constant 1024 : i32
    %mul3A_464 = arith.muli %add3A_462, %mul3A_463 : i32
    %add3A_465 = arith.constant 512 : i32
    %add3A_466 = arith.addi %mul3A_464, %add3A_465 : i32
    %lt3A = arith.constant 0 : i32
    %lt3A_467 = arith.cmpi slt, %add3A_466, %lt3A : i32
    %xor3A = arith.constant 2147483647 : i32
    %xor3A_468 = arith.xori %add3A_466, %xor3A : i32
    %select_n3A_469 = arith.select %lt3A_467, %xor3A_468, %add3A_466 : i32
    %bitcast_convert_type3A = arith.bitcast %select_n3A_469 : i32 to f32
    %sub3A_470 = arith.constant 20971 : i32
    %sub3A_471 = arith.subi %sub3A_470, %add3A_449 : i32
    %convert_element_type3A = arith.sitofp %sub3A_471 : i32 to f32
    %mul3A_472 = arith.mulf %convert_element_type3A, %bitcast_convert_type3A : f32
    %add3A_473 = arith.addf %add3A_460, %mul3A_472 : f32
    %swap3A = arith.constant 0 : index
    %swap3A_474 = arith.constant 0 : index
    %swap3A_475 = memref.load %arg4[%swap3A, %swap3A_474] : memref<1x1xf32, #tpu.memory_space<smem>>
    memref.store %add3A_473, %arg4[%swap3A, %swap3A_474] : memref<1x1xf32, #tpu.memory_space<smem>>
    return
  }
}

</mosaic_0001>

<sc_bundles>
// kernel: kernel.5.cloned.1.call-start
scs
__scs_entry_jumppad:
0x0: {  	(pc) =	sbr.rel $0x88, $3  }
0x1: {  	(tag) =	ssettag $0x0;
	lr =	simm.s32 $0x1  }
0x2: {  	[smem:$0x3FA0] =	sst lr;
	_ =	strace $0xD0000000  }
0x3: {  	_ = 	snop  }
0x4: {  	_ = 	snop  }
0x5: {  	_ = 	snop  }
0x6: {  	_ = 	snop  }
0x7: {  	_ = 	snop  }
__scs_overlays_trampoline_lowered:
0x8: {  	[smem:$0x3FAF] =	sst s0  }
0x9: {  	[smem:$0x3FB0] =	sst s1  }
0xa: {  	[smem:$0x3FB1] =	sst s2  }
0xb: {  	[smem:$0x3FB2] =	sst s3  }
0xc: {  	[smem:$0x3FB3] =	sst s4  }
0xd: {  	[smem:$0x3FB4] =	sst s5  }
0xe: {  	[smem:$0x3FB5] =	sst s6  }
0xf: {  	[smem:$0x3FB6] =	sst s7  }
0x10: {  	[smem:$0x3FB7] =	sst s8  }
0x11: {  	[smem:$0x3FB8] =	sst s9;
	s0 =	simm.s32 @!p0 $0x0  }
0x12: {  	s1 =	sld [smem:$0x3F9E];
	s0 =	simm.s32 @p0 $0x1  }
0x13: {  	[smem:$0x3FB9] =	sst s0;
	s0 =	simm.s32 @!p1 $0x0  }
0x14: {  	s2 =	sld [smem:$0x3F9D];
	s0 =	simm.s32 @p1 $0x1  }
0x15: {  	[smem:$0x3FBA] =	sst s0;
	s0 =	simm.s32 @!p2 $0x0  }
0x16: {  	s3 =	sld [smem:$0x3FDB];
	s0 =	simm.s32 @p2 $0x1  }
0x17: {  	s4 =	simm.s32 $0x1BF5;
	[smem:$0x3FBC] =	sst s0  }
0x18: {  	s0 =	sld [smem:$0x3F9F];
	_ =	swait.ge [sflag:s4], $0x0  }
0x19: {  	s7 =	sld [smem:$0x3FA0]  }
0x1a: {  	s8 =	sadd.s32 $0xFFFFE003, lr  }
0x1b: {  	s9 =	sadd.s32 $0xFFFFFEF7, lr;
	s5 =	simm.s32 $0xFFFFFFFF;
	p2 =	slt.u32 s8, $0xFFFFF086  }
0x1c: {  	p1 =	slt.u32 s9, $0xF7A;
	s5 =	simm.s32 @!p2 $0x0  }
0x1d: {  	s5 =	simm.s32 @p1 $0x1;
	p0 =	seq.s32 s7, s2  }
0x1e: {  	s7 =	smul.u32 @!p0 $0xF7A, s2;
	p2 =	seq.s32 @!p0 s5, $0x0  }
0x1f: {  	s9 =	smul.u32 $0xF7A, s1;
	s8 =	simm.s32 @!p0 $0x1BF5;
	p2 =	por !p2, p0  }
0x20: {  	[sflag:s8] =	ssyncset.s32 @!p0 $0xFFFFF086;
	s6 =	sadd.s32 @!p0 s3, s7;
	s7 =	simm.s32 @!p0 $0x108  }
0x21: {  	s3 =	sadd.s32 s3, s9;
	s6 =	sadd.s32 @!p0 $0x88, s6;
	s7 =	simm.s32 @p2 $0x1082  }
0x22: {  	[simem:s7], [sflag:s8] =	dma.local @!p0 [hbm:s6], $0xF7A  }
0x23: {  	s9 =	sor.u32 $0xD0000000, s2;
	s6 =	simm.s32 $0x108;
	_ =	swait.ge @!p0 [sflag:s8], $0x0  }
0x24: {  	s3 =	sadd.s32 $0x88, s3;
	s6 =	simm.s32 @!p1 $0x1082;
	[sflag:s4] =	ssyncset.s32 $0xFFFFF086  }
0x25: {  	[simem:s6], [sflag:s4] =	dma.local [hbm:s3], $0xF7A  }
0x26: {  	[smem:$0x3FA0] =	sst s1;
	(tag) =	ssettag s2;
	_ =	strace s9  }
0x27: {  	s1 =	sld [smem:$0x3FB0]  }
0x28: {  	s2 =	sld [smem:$0x3FB1]  }
0x29: {  	s4 =	sld [smem:$0x3FB3]  }
0x2a: {  	p0 =	seq.s32 s5, $0x0;
	s5 =	sld [smem:$0x3FB4]  }
0x2b: {  	s6 =	sld [smem:$0x3FB5]  }
0x2c: {  	s7 =	sld [smem:$0x3FB6]  }
0x2d: {  	s3 =	simm.s32 $0x108;
	s8 =	sld [smem:$0x3FB7]  }
0x2e: {  	s3 =	simm.s32 @!p0 $0x1082;
	s9 =	sld [smem:$0x3FB8]  }
0x2f: {  	lr =	sadd.s32 s0, s3;
	s0 =	sld [smem:$0x3FAF]  }
0x30: {  	s3 =	sld [smem:$0x3FB2]  }
0x31: {  	[smem:$0x3FBB] =	sst s10  }
0x32: {  	s10 =	sld [smem:$0x3FB9];
	_ =	sdelay $0x3  }
0x33: {  	p0 =	seq.s32 s10, $0x1;
	s10 =	sld [smem:$0x3FBB];
	_ =	sdelay $0x3  }
0x34: {  	[smem:$0x3FBB] =	sst s10  }
0x35: {  	s10 =	sld [smem:$0x3FBA];
	_ =	sdelay $0x3  }
0x36: {  	p1 =	seq.s32 s10, $0x1;
	s10 =	sld [smem:$0x3FBB];
	_ =	sdelay $0x3  }
0x37: {  	[smem:$0x3FBB] =	sst s10  }
0x38: {  	s10 =	sld [smem:$0x3FBC]  }
0x39: {  	_ = 	snop;
	(pc) =	sbr.ind lr, $3  }
0x3a: {  	_ = 	snop  }
0x3b: {  	_ = 	snop  }
0x3c: {  	p2 =	seq.s32 s10, $0x1;
	s10 =	sld [smem:$0x3FBB]  }
0x3d: {  	_ =	shalt  }
0x3e: {  	_ =	shalt  }
0x3f: {  	_ =	shalt  }
0x40: {  	_ =	shalt  }
0x41: {  	_ =	shalt  }
0x42: {  	_ =	shalt  }
0x43: {  	_ =	shalt  }
0x44: {  	_ =	shalt  }
0x45: {  	_ =	shalt  }
0x46: {  	_ =	shalt  }
0x47: {  	_ =	shalt  }
0x48: {  	_ =	shalt  }
0x49: {  	_ =	shalt  }
0x4a: {  	_ =	shalt  }
0x4b: {  	_ =	shalt  }
0x4c: {  	_ =	shalt  }
0x4d: {  	_ =	shalt  }
0x4e: {  	_ =	shalt  }
0x4f: {  	_ =	shalt  }
0x50: {  	_ =	shalt  }
0x51: {  	_ =	shalt  }
0x52: {  	_ =	shalt  }
0x53: {  	_ =	shalt  }
0x54: {  	_ =	shalt  }
0x55: {  	_ =	shalt  }
0x56: {  	_ =	shalt  }
0x57: {  	_ =	shalt  }
0x58: {  	_ =	shalt  }
0x59: {  	_ =	shalt  }
0x5a: {  	_ =	shalt  }
0x5b: {  	_ =	shalt  }
0x5c: {  	_ =	shalt  }
0x5d: {  	_ =	shalt  }
0x5e: {  	_ =	shalt  }
0x5f: {  	_ =	shalt  }
0x60: {  	_ =	shalt  }
0x61: {  	_ =	shalt  }
0x62: {  	_ =	shalt  }
0x63: {  	_ =	shalt  }
0x64: {  	_ =	shalt  }
0x65: {  	_ =	shalt  }
0x66: {  	_ =	shalt  }
0x67: {  	_ =	shalt  }
0x68: {  	_ =	shalt  }
0x69: {  	_ =	shalt  }
0x6a: {  	_ =	shalt  }
0x6b: {  	_ =	shalt  }
0x6c: {  	_ =	shalt  }
0x6d: {  	_ =	shalt  }
0x6e: {  	_ =	shalt  }
0x6f: {  	_ =	shalt  }
0x70: {  	_ =	shalt  }
0x71: {  	_ =	shalt  }
0x72: {  	_ =	shalt  }
0x73: {  	_ =	shalt  }
0x74: {  	_ =	shalt  }
0x75: {  	_ =	shalt  }
0x76: {  	_ =	shalt  }
0x77: {  	_ =	shalt  }
0x78: {  	_ =	shalt  }
0x79: {  	_ =	shalt  }
0x7a: {  	_ =	shalt  }
0x7b: {  	_ =	shalt  }
0x7c: {  	_ =	shalt  }
0x7d: {  	_ =	shalt  }
0x7e: {  	_ =	shalt  }
0x7f: {  	_ =	shalt  }
0x80: {  	_ =	shalt  }
0x81: {  	_ =	shalt  }
0x82: {  	_ =	shalt  }
0x83: {  	_ =	shalt  }
0x84: {  	_ =	shalt  }
0x85: {  	_ =	shalt  }
0x86: {  	_ =	shalt  }
0x87: {  	_ =	shalt  }
.Lfunc_end0:
.L_simem_size_0:
called_computation_lowered:
.L_overlay_start_0:
0x88: {  	s2 =	sld [smem:$0x3FD9]  }
0x89: {  	s3 =	sld [smem:$0x3FFE];
	_ =	sdelay $0x1  }
0x8a: {  	s1 =	srdreg.scid  }
0x8b: {  	s0 =	sand.u32 $0x1, s1  }
0x8c: {  	s17 =	sshll.u32 s0, $0xA;
	s2 =	sadd.s32 s3, s2  }
0x8d: {  	s2 =	sadd.s32 s2, s17  }
0x8e: {  	[smem:$0x3FC7] =	sst s2  }
0x8f: {  	_ = 	snop  }
0x90: {  	s2 =	sld [smem:$0x3FC9];
	(tm) =	ssettm $0x1  }
0x91: {  	s18 =	sld [smem:$0x3FFB];
	_ =	sdelay $0x3  }
0x92: {  	_ =	strace s18  }
0x93: {  	s3 =	sld [smem:$0x3FFC];
	_ =	sdelay $0x3  }
0x94: {  	_ =	strace s3  }
0x95: {  	s3 =	sld [smem:$0x3FFD];
	_ =	sdelay $0x3  }
0x96: {  	_ =	strace s3  }
0x97: {  	_ =	strace $0x8FFFFFFF  }
0x98: {  	s19 =	sld [smem:$0x3FDB];
	_ =	sdelay $0x1  }
0x99: {  	s4 =	simm.s32 $_scs_section_size  }
0x9a: {  	s5 =	simm.s32 $_size__tile_overlayer_lowered;
	s6 =	simm.s32 $_tile_overlayer_lowered  }
0x9b: {  	s22 =	simm.s32 $0x1BFF;
	s21 =	sshll.u32 s6, $0x1;
	s3 =	sadd.s32 s4, s19  }
0x9c: {  	s7 =	simm.s32 $0x0;
	s20 =	sshll.u32 s5, $0x1;
	s5 =	sadd.s32 s21, s3  }
0x9d: {  	[timem:s7], [sflag:s22] =	dma.local [hbm:s5], s20  }
0x9e: {  	_ =	swait.ge [sflag:s22], s20  }
0x9f: {  	s4 =	ssub.s32 $0x0, s20;
	[sflag:s22] =	ssyncset.done $0x0  }
0xa0: {  	[sflag:s22] =	ssyncadd.s32 s4;
	_ =	sdelay $0x1  }
0xa1: {  	s23 =	simm.s32 $0x1B8B  }
0xa2: {  	_ =	swait.ge [sflag:s23], $0x1  }
0xa3: {  	[sflag:s23] =	ssyncset.done $0x0  }
0xa4: {  	s25 =	simm.s32 $0x1B8E;
	s24 =	sld [smem:$0x3FFE];
	[sflag:s23] =	ssyncadd.s32 $0xFFFFFFFF  }
0xa5: {  	s26 =	simm.s32 $execute0_lowered;
	[smem:$0x3FD2] =	sst s25  }
0xa6: {  	s5 =	sshll.u32 s26, $0x1;
	_ =	strace $0x80000046;
	[dreg:$0x1] =	wrdreg $0xFFFFFFFF  }
0xa7: {  	s28 =	simm.s32 $_size_execute0_lowered;
	s3 =	sadd.s32 s3, s5;
	[dreg:$0x0] =	wrdreg $0x0  }
0xa8: {  	s5 =	sshll.u32 s28, $0x1;
	[dreg:$0x2] =	wrdreg s3  }
0xa9: {  	[dreg:$0x3] =	wrdreg s5  }
0xaa: {  	[dreg:$0x4] =	wrdreg $0xC0  }
0xab: {  	_ =	task [dreg:s7], $0x5FFFF  }
0xac: {  	[dreg:$0x1] =	wrdreg $0xFFFFFFFF  }
0xad: {  	[dreg:$0x0] =	wrdreg $0x60  }
0xae: {  	[dreg:$0x2] =	wrdreg s2  }
0xaf: {  	[dreg:$0x3] =	wrdreg s24  }
0xb0: {  	[dreg:$0x4] =	wrdreg $0x110800  }
0xb1: {  	[dreg:$0x5] =	wrdreg $0x9  }
0xb2: {  	_ =	task.clear_ibuf [dreg:s7], $0x6FFFF;
	_ =	strace $0x90000046  }
0xb3: {  	s29 =	simm.s32 $0x9;
	_ =	strace $0x80000048  }
0xb4: {  	_ =	swait.ge [sflag:s29], $0x1  }
0xb5: {  	[sflag:s29] =	ssyncadd.s32 $0xFFFFFFFF  }
0xb6: {  	_ =	strace $0x90000048  }
0xb7: {  	_ =	sfence  }
0xb8: {  	s30 =	sld [smem:$0x0];
	_ =	sdelay $0x2  }
0xb9: {  	s31 =	sshll.u32 s1, $0xD;
	s1 =	sshrl.u32 s1, $0x2  }
0xba: {  	s3 =	sand.u32 $0x4000, s31;
	s1 =	sadd.s32 s1, s30  }
0xbb: {  	s0 =	sor.u32 s3, s0;
	s1 =	sshll.u32 s1, $0x11  }
0xbc: {  	s0 =	sor.u32 s1, s0  }
0xbd: {  	s0 =	sadd.s32 $0x8F2B, s0  }
0xbe: {  	[sflag:s0] =	ssyncadd.remote.s32 $0x1  }
0xbf: {  	_ =	sfence.sel $0xFFFF  }
0xc0: {  	[dreg:$0x0] =	wrdreg $0xFFFFFFFF;
	(pc) =	sbr.abs _section_cstart, $3  }
0xc1: {  	[dreg:$0x1] =	wrdreg $0xFFFFFFFF  }
0xc2: {  	_ =	task.clear_ibuf [dreg:s7], $0x2FFFF;
	_ =	strace $0x9FFFFFFF  }
0xc3: {  	(tm) =	ssettm $0x7FFFFFFF  }
tec
execute0_lowered:
.L_overlay_start_1:
0x0: {  	(tag) =	ssettag $0x1  }
0x1: {  	s6 =	rddreg [dreg:$0x0]  }
0x2: {  	s0 =	srdreg.scid;
	s7 =	rddreg [dreg:$0x1]  }
0x3: {  	s2 =	simm.s32 $0x1;
	s9 =	rddreg [dreg:$0x2];
	s15 =	simm.s32 $0x8000  }
0x4: {  	s16 =	simm.s32 $0x2;
	s17 =	simm.s32 $0x80;
	s18 =	simm.s32 $0x10000  }
0x5: {  	s19 =	simm.s32 $0x3;
	s20 =	simm.s32 $0x10800;
	s21 =	simm.s32 $0x11000  }
0x6: {  	s22 =	simm.s32 $0x0;
	s3 =	sand.u32 $0x1, s0;
	s0 =	stileid.u32  }
0x7: {  	s4 =	sshll.u32 s3, $0x4;
	s5 =	sand.u32 $0x3, s0;
	s3 =	ssub.s32 $0x2, s3  }
0x8: {  	s31 =	sshll.u32 s0, $0xB;
	s12 =	sshll.u32 s0, $0x7;
	s13 =	sshll.u32 s0, $0x5  }
0x9: {  	s14 =	sshll.u32 s0, $0xA;
	s1 =	sor.u32 s0, s4;
	p1 =	sne.s32 s5, $0x0  }
0xa: {  	s5 =	sshll.u32 s5, $0x10;
	s30 =	sshrl.u32 s3, $0x1;
	p0 =	seq.s32 s1, $0x0  }
0xb: {  	s10 =	sadd.s32 s4, s7;
	s4 =	simm.s32 $0x1;
	p0 =	por !p1, !p0  }
0xc: {  	s12 =	sand.u32 $0x380, s12;
	s8 =	sshrl.u32 s1, $0x2;
	p0 =	por !p0, !p0  }
0xd: {  	s1 =	rddreg [dreg:$0x3];
	s11 =	ssub.s32 s3, s30;
	s2 =	simm.s32 @!p0 $0x0  }
0xe: {  	s10 =	sadd.s32 s13, s10;
	s13 =	simm.s32 $0x400;
	s8 =	ssub.s32 s8, s2  }
0xf: {  	s10 =	sadd.s32 $0x1400, s10;
	s2 =	simm.s32 $0x0;
	s8 =	sshll.u32 s8, $0x12  }
0x10: {  	s11 =	smax.u32 s11, $0x1;
	[smem:$0x7FF] =	sst s2;
	s5 =	sor.u32 s5, s8  }
0x11: {  	v0 =	vlaneseq.u32;
	_ =	strace $0x80000047;
	s8 =	sand.u32 $0x4000, s31;
	s5 =	sshrl.u32 s5, $0x3  }
0x12: {  	v1 =	vmul.u32 $0x800, v0;
	s8 =	sadd.s32 s8, s9;
	s9 =	sadd.s32 s14, s9;
	s14 =	simm.s32 $0x4000  }
0x13: {  	s3 =	sadd.s32 s6, s5;
	s8 =	sadd.s32 s12, s8;
	s12 =	simm.s32 $0x100  }
0x14: {  	v2 =	vimm.s32 $0x1;
	v0 =	vimm.s32 $0x0;
	v1 =	vor.u32 $0x400, v1;
	s5 =	sadd.s32 $0x20, s3;
	s6 =	sadd.s32 $0x40, s3;
	s7 =	sadd.s32 $0x60, s3  }
.LBB2_1:
0x15: {  	[tilespmem:s2], [sflag:$0x1] =	stream.strided.gather [hbm4b:s3+s12], $0x4000, s13, s12, $0x38;
	[tilespmem:$0x11880] =	vst v63  }
0x16: {  	s23 =	simm.s32 $0x8040  }
0x17: {  	[tilespmem:s23+$0xFFFFFFC0] =	vst v0  }
0x18: {  	[tilespmem:s23+$0x30] =	vst v0  }
0x19: {  	[tilespmem:s23+$0x20] =	vst v0  }
0x1a: {  	[tilespmem:s23+$0x10] =	vst v0  }
0x1b: {  	[tilespmem:s23+$0x0] =	vst v0  }
0x1c: {  	[tilespmem:s23+$0xFFFFFFF0] =	vst v0  }
0x1d: {  	s24 =	simm.s32 $0x0;
	[tilespmem:s23+$0xFFFFFFE0] =	vst v0  }
.LBB2_2:
0x1e: {  	s24 =	sadd.s32 $0x8, s24;
	[tilespmem:s23+$0xFFFFFFD0] =	vst v0;
	s23 =	sadd.s32 $0x80, s23  }
0x1f: {  	[tilespmem:s23+$0xFFFFFFC0] =	vst v0;
	p0 =	slt.u32 s24, $0x7F8  }
0x20: {  	[tilespmem:s23+$0x30] =	vst v0  }
.Ltmp0:
0x21: {  	[tilespmem:s23+$0x20] =	vst v0;
	(pc) =	sbr.rel @p0 .LBB2_2-.Ltmp0, $4  }
0x22: {  	[tilespmem:s23+$0x10] =	vst v0  }
0x23: {  	[tilespmem:s23+$0x0] =	vst v0  }
0x24: {  	[tilespmem:s23+$0xFFFFFFF0] =	vst v0  }
0x25: {  	[tilespmem:s23+$0xFFFFFFE0] =	vst v0  }
0x26: {  	[tilespmem:s23+$0xFFFFFFD0] =	vst v0  }
0x27: {  	[tilespmem:s14], [sflag:$0x2] =	stream.strided.gather [hbm4b:s5+s12], $0x4000, s13, s12, $0x38;
	[tilespmem:$0x11880] =	vst v63  }
0x28: {  	_ =	swait.ge [sflag:s4], $0x4000  }
0x29: {  	[sflag:s4] =	ssyncset.done $0x0  }
0x2a: {  	s31 =	simm.s32 $0x40;
	[sflag:s4] =	ssyncadd.s32 $0xFFFFC000  }
0x2b: {  	v3 =	vld [tilespmem:s31+$0x10];
	_ =	sdelay $0x1  }
0x2c: {  	v4 =	vld [tilespmem:s31+$0xFFFFFFC0];
	_ =	sdelay $0x1  }
0x2d: {  	v5 =	vld [tilespmem:s31+$0x20]  }
0x2e: {  	v6 =	vshra.s32 v3, $0x15  }
0x2f: {  	v8 =	vld [tilespmem:s31+$0xFFFFFFD0];
	vm0 =	vlt.s32 v3, $0x0;
	v3 =	vxor.u32 $0x3FF, v6  }
0x30: {  	v9 =	vld [tilespmem:s31+$0x30];
	v3 =	vsel vm0, v3, v6;
	v6 =	vshra.s32 v4, $0x15  }
0x31: {  	v11 =	vld [tilespmem:s31+$0x0];
	vm0 =	vlt.s32 v4, $0x0;
	v10 =	vadd.s32 v1, v3;
	v3 =	vxor.u32 $0x3FF, v6  }
0x32: {  	v4 =	vshra.s32 v5, $0x15;
	v3 =	vsel vm0, v3, v6  }
0x33: {  	vm1 =	vlt.s32 v5, $0x0;
	v6 =	vxor.u32 $0x3FF, v4;
	v5 =	vadd.s32 v1, v3;
	v3 =	vld [tilespmem:s31+$0xFFFFFFE0]  }
0x34: {  	v4 =	vsel vm1, v6, v4  }
0x35: {  	v7 =	vshra.s32 v8, $0x15;
	v4 =	vadd.s32 v1, v4  }
0x36: {  	vm2 =	vlt.s32 v11, $0x0;
	vm0 =	vlt.s32 v9, $0x0;
	v9 =	vshra.s32 v9, $0x15;
	v6 =	vld [tilespmem:s31+$0xFFFFFFF0]  }
0x37: {  	s24 =	simm.s32 $0x0;
	s25 =	simm.s32 $0x140;
	vm1 =	vlt.s32 v8, $0x0;
	v8 =	vxor.u32 $0x3FF, v7;
	[tilespmem:v10+s15+$0x0] =	vst.idx.add.s32.msk $0xffff, v2;
	v10 =	vshra.s32 v11, $0x15  }
.LBB2_4:
0x38: {  	s24 =	sadd.s32 $0x8, s24;
	[tilespmem:v5+s15+$0x0] =	vst.idx.add.s32.msk $0xffff, v2;
	vm3 =	vlt.s32 v3, $0x0;
	v5 =	vxor.u32 $0x3FF, v10;
	v11 =	vxor.u32 $0x3FF, v9;
	s23 =	simm.s32 $0xF0  }
0x39: {  	v3 =	vshra.s32 v3, $0x15;
	v12 =	vld [tilespmem:s25+$0x10];
	p0 =	slt.u32 s24, $0x1F8;
	v5 =	vsel vm2, v5, v10;
	v9 =	vsel vm0, v11, v9  }
0x3a: {  	v7 =	vsel vm1, v8, v7;
	v8 =	vxor.u32 $0x3FF, v3;
	[tilespmem:v4+s15+$0x0] =	vst.idx.add.s32.msk $0xffff, v2;
	v4 =	vadd.s32 v1, v9  }
0x3b: {  	v3 =	vsel vm3, v8, v3;
	v5 =	vadd.s32 v1, v5;
	v9 =	vld [tilespmem:s25+$0xFFFFFFC0]  }
0x3c: {  	v7 =	vadd.s32 v1, v7;
	v10 =	vadd.s32 v1, v3;
	v8 =	vld [tilespmem:s25+$0xFFFFFFD0];
	v3 =	vshra.s32 v6, $0x15  }
0x3d: {  	vm0 =	vlt.s32 v6, $0x0;
	v11 =	vld [tilespmem:s25+$0x20];
	v6 =	vxor.u32 $0x3FF, v3  }
0x3e: {  	v13 =	vshra.s32 v12, $0x15;
	v14 =	vld [tilespmem:s25+$0x30];
	v6 =	vsel vm0, v6, v3  }
0x3f: {  	vm0 =	vlt.s32 v12, $0x0;
	v3 =	vld [tilespmem:s25+$0xFFFFFFE0];
	v12 =	vxor.u32 $0x3FF, v13;
	v6 =	vadd.s32 v1, v6  }
0x40: {  	v15 =	vshra.s32 v9, $0x15;
	v12 =	vsel vm0, v12, v13;
	[tilespmem:v5+s15+$0x0] =	vst.idx.add.s32.msk $0xffff, v2  }
0x41: {  	vm0 =	vlt.s32 v9, $0x0;
	v5 =	vxor.u32 $0x3FF, v15;
	v9 =	vadd.s32 v1, v12;
	[tilespmem:v4+s15+$0x0] =	vst.idx.add.s32.msk $0xffff, v2  }
0x42: {  	v4 =	vsel vm0, v5, v15;
	v12 =	vld [tilespmem:s25+$0x0];
	vm1 =	vlt.s32 v11, $0x0;
	v11 =	vshra.s32 v11, $0x15  }
.Ltmp1:
0x43: {  	v5 =	vadd.s32 v1, v4;
	v4 =	vxor.u32 $0x3FF, v11;
	vm0 =	vlt.s32 v14, $0x0;
	[tilespmem:v7+s15+$0x0] =	vst.idx.add.s32.msk $0xffff, v2;
	(pc) =	sbr.rel @p0 .LBB2_4-.Ltmp1, $4  }
0x44: {  	v4 =	vsel vm1, v4, v11;
	[tilespmem:v10+s15+$0x0] =	vst.idx.add.s32.msk $0xffff, v2  }
0x45: {  	v7 =	vshra.s32 v8, $0x15;
	v4 =	vadd.s32 v1, v4;
	[tilespmem:v6+s15+$0x0] =	vst.idx.add.s32.msk $0xffff, v2  }
0x46: {  	vm1 =	vlt.s32 v8, $0x0;
	v8 =	vxor.u32 $0x3FF, v7;
	[tilespmem:v9+s15+$0x0] =	vst.idx.add.s32.msk $0xffff, v2  }
0x47: {  	v9 =	vshra.s32 v14, $0x15;
	v6 =	vld [tilespmem:s25+$0xFFFFFFF0];
	vm2 =	vlt.s32 v12, $0x0;
	v10 =	vshra.s32 v12, $0x15;
	s25 =	sadd.s32 $0x100, s25  }
0x48: {  	v11 =	vxor.u32 $0x3FF, v10  }
0x49: {  	v7 =	vsel vm1, v8, v7;
	v10 =	vsel vm2, v11, v10  }
0x4a: {  	v11 =	vxor.u32 $0x3FF, v9;
	vm2 =	vlt.s32 v3, $0x0;
	v3 =	vshra.s32 v3, $0x15  }
0x4b: {  	v7 =	vadd.s32 v1, v7;
	v9 =	vsel vm0, v11, v9;
	v8 =	vxor.u32 $0x3FF, v3  }
0x4c: {  	v10 =	vadd.s32 v1, v10;
	v3 =	vsel vm2, v8, v3;
	v8 =	vshra.s32 v6, $0x15  }
0x4d: {  	v9 =	vadd.s32 v1, v9;
	vm0 =	vlt.s32 v6, $0x0;
	v6 =	vxor.u32 $0x3FF, v8  }
0x4e: {  	[tilespmem:v5+s15+$0x0] =	vst.idx.add.s32.msk $0xffff, v2;
	v3 =	vadd.s32 v1, v3;
	v5 =	vsel vm0, v6, v8  }
0x4f: {  	[tilespmem:v4+s15+$0x0] =	vst.idx.add.s32.msk $0xffff, v2;
	v4 =	vadd.s32 v1, v5  }
0x50: {  	[tilespmem:v7+s15+$0x0] =	vst.idx.add.s32.msk $0xffff, v2  }
0x51: {  	[tilespmem:v10+s15+$0x0] =	vst.idx.add.s32.msk $0xffff, v2  }
0x52: {  	[tilespmem:v9+s15+$0x0] =	vst.idx.add.s32.msk $0xffff, v2  }
0x53: {  	[tilespmem:v3+s15+$0x0] =	vst.idx.add.s32.msk $0xffff, v2  }
0x54: {  	[tilespmem:v4+s15+$0x0] =	vst.idx.add.s32.msk $0xffff, v2  }
0x55: {  	v3 =	vld [tilespmem:s23+$0xFFFFFFE0];
	_ =	sdelay $0x1  }
0x56: {  	v4 =	vld [tilespmem:s23+$0xFFFFFF90];
	_ =	sdelay $0x1  }
0x57: {  	v5 =	vld [tilespmem:s23+$0xFFFFFFF0]  }
0x58: {  	v6 =	vshra.s32 v3, $0x15  }
0x59: {  	v8 =	vld [tilespmem:s23+$0xFFFFFFA0];
	vm0 =	vlt.s32 v3, $0x0;
	v3 =	vxor.u32 $0x3FF, v6  }
0x5a: {  	v9 =	vld [tilespmem:s23+$0x0];
	v3 =	vsel vm0, v3, v6;
	v6 =	vshra.s32 v4, $0x15  }
0x5b: {  	v11 =	vld [tilespmem:s23+$0xFFFFFFD0];
	vm0 =	vlt.s32 v4, $0x0;
	v10 =	vadd.s32 v1, v3;
	v3 =	vxor.u32 $0x3FF, v6  }
0x5c: {  	v4 =	vshra.s32 v5, $0x15;
	v3 =	vsel vm0, v3, v6  }
0x5d: {  	vm1 =	vlt.s32 v5, $0x0;
	v6 =	vxor.u32 $0x3FF, v4;
	v5 =	vadd.s32 v1, v3;
	v3 =	vld [tilespmem:s23+$0xFFFFFFB0]  }
0x5e: {  	v4 =	vsel vm1, v6, v4  }
0x5f: {  	v7 =	vshra.s32 v8, $0x15;
	v4 =	vadd.s32 v1, v4  }
0x60: {  	vm2 =	vlt.s32 v11, $0x0;
	vm0 =	vlt.s32 v9, $0x0;
	v9 =	vshra.s32 v9, $0x15;
	v6 =	vld [tilespmem:s23+$0xFFFFFFC0]  }
0x61: {  	s24 =	simm.s32 $0x0;
	vm1 =	vlt.s32 v8, $0x0;
	v8 =	vxor.u32 $0x3FF, v7;
	s23 =	simm.s32 $0x1F0;
	[tilespmem:v10+s15+$0x0] =	vst.idx.add.s32.msk $0xffff, v2;
	v10 =	vshra.s32 v11, $0x15  }
.LBB2_6:
0x62: {  	s24 =	sadd.s32 $0x8, s24;
	[tilespmem:v5+s15+$0x0] =	vst.idx.add.s32.msk $0xffff, v2;
	vm3 =	vlt.s32 v3, $0x0;
	v5 =	vxor.u32 $0x3FF, v10;
	v11 =	vxor.u32 $0x3FF, v9  }
0x63: {  	v3 =	vshra.s32 v3, $0x15;
	v12 =	vld [tilespmem:s23+$0xFFFFFFE0];
	p0 =	slt.u32 s24, $0x1F8;
	v5 =	vsel vm2, v5, v10;
	v9 =	vsel vm0, v11, v9  }
0x64: {  	v7 =	vsel vm1, v8, v7;
	v8 =	vxor.u32 $0x3FF, v3;
	[tilespmem:v4+s15+$0x0] =	vst.idx.add.s32.msk $0xffff, v2;
	v4 =	vadd.s32 v1, v9  }
0x65: {  	v3 =	vsel vm3, v8, v3;
	v5 =	vadd.s32 v1, v5;
	v9 =	vld [tilespmem:s23+$0xFFFFFF90]  }
0x66: {  	v7 =	vadd.s32 v1, v7;
	v10 =	vadd.s32 v1, v3;
	v8 =	vld [tilespmem:s23+$0xFFFFFFA0];
	v3 =	vshra.s32 v6, $0x15  }
0x67: {  	vm0 =	vlt.s32 v6, $0x0;
	v11 =	vld [tilespmem:s23+$0xFFFFFFF0];
	v6 =	vxor.u32 $0x3FF, v3  }
0x68: {  	v13 =	vshra.s32 v12, $0x15;
	v14 =	vld [tilespmem:s23+$0x0];
	v6 =	vsel vm0, v6, v3  }
0x69: {  	vm0 =	vlt.s32 v12, $0x0;
	v3 =	vld [tilespmem:s23+$0xFFFFFFB0];
	v12 =	vxor.u32 $0x3FF, v13;
	v6 =	vadd.s32 v1, v6  }
0x6a: {  	v15 =	vshra.s32 v9, $0x15;
	v12 =	vsel vm0, v12, v13;
	[tilespmem:v5+s15+$0x0] =	vst.idx.add.s32.msk $0xffff, v2  }
0x6b: {  	vm0 =	vlt.s32 v9, $0x0;
	v5 =	vxor.u32 $0x3FF, v15;
	v9 =	vadd.s32 v1, v12;
	[tilespmem:v4+s15+$0x0] =	vst.idx.add.s32.msk $0xffff, v2  }
0x6c: {  	v4 =	vsel vm0, v5, v15;
	v12 =	vld [tilespmem:s23+$0xFFFFFFD0];
	vm1 =	vlt.s32 v11, $0x0;
	v11 =	vshra.s32 v11, $0x15  }
.Ltmp2:
0x6d: {  	v5 =	vadd.s32 v1, v4;
	v4 =	vxor.u32 $0x3FF, v11;
	vm0 =	vlt.s32 v14, $0x0;
	[tilespmem:v7+s15+$0x0] =	vst.idx.add.s32.msk $0xffff, v2;
	(pc) =	sbr.rel @p0 .LBB2_6-.Ltmp2, $4  }
0x6e: {  	v4 =	vsel vm1, v4, v11;
	[tilespmem:v10+s15+$0x0] =	vst.idx.add.s32.msk $0xffff, v2  }
0x6f: {  	v7 =	vshra.s32 v8, $0x15;
	v4 =	vadd.s32 v1, v4;
	[tilespmem:v6+s15+$0x0] =	vst.idx.add.s32.msk $0xffff, v2  }
0x70: {  	vm1 =	vlt.s32 v8, $0x0;
	v8 =	vxor.u32 $0x3FF, v7;
	[tilespmem:v9+s15+$0x0] =	vst.idx.add.s32.msk $0xffff, v2  }
0x71: {  	v9 =	vshra.s32 v14, $0x15;
	v6 =	vld [tilespmem:s23+$0xFFFFFFC0];
	vm2 =	vlt.s32 v12, $0x0;
	v10 =	vshra.s32 v12, $0x15;
	s23 =	sadd.s32 $0x100, s23  }
0x72: {  	v11 =	vxor.u32 $0x3FF, v10  }
0x73: {  	v7 =	vsel vm1, v8, v7;
	v10 =	vsel vm2, v11, v10  }
0x74: {  	v11 =	vxor.u32 $0x3FF, v9;
	vm2 =	vlt.s32 v3, $0x0;
	v3 =	vshra.s32 v3, $0x15  }
0x75: {  	v7 =	vadd.s32 v1, v7;
	v9 =	vsel vm0, v11, v9;
	v8 =	vxor.u32 $0x3FF, v3  }
0x76: {  	v10 =	vadd.s32 v1, v10;
	v3 =	vsel vm2, v8, v3;
	v8 =	vshra.s32 v6, $0x15  }
0x77: {  	v9 =	vadd.s32 v1, v9;
	vm0 =	vlt.s32 v6, $0x0;
	v6 =	vxor.u32 $0x3FF, v8  }
0x78: {  	[tilespmem:v5+s15+$0x0] =	vst.idx.add.s32.msk $0xffff, v2;
	v3 =	vadd.s32 v1, v3;
	v5 =	vsel vm0, v6, v8  }
0x79: {  	[tilespmem:v4+s15+$0x0] =	vst.idx.add.s32.msk $0xffff, v2;
	v4 =	vadd.s32 v1, v5  }
0x7a: {  	[tilespmem:v7+s15+$0x0] =	vst.idx.add.s32.msk $0xffff, v2  }
0x7b: {  	[tilespmem:v10+s15+$0x0] =	vst.idx.add.s32.msk $0xffff, v2  }
0x7c: {  	[tilespmem:v9+s15+$0x0] =	vst.idx.add.s32.msk $0xffff, v2  }
0x7d: {  	[tilespmem:v3+s15+$0x0] =	vst.idx.add.s32.msk $0xffff, v2  }
0x7e: {  	[tilespmem:v4+s15+$0x0] =	vst.idx.add.s32.msk $0xffff, v2  }
0x7f: {  	[tilespmem:s2], [sflag:$0x1] =	stream.strided.gather [hbm4b:s6+s12], $0x4000, s13, s12, $0x38;
	[tilespmem:$0x11880] =	vst v63  }
0x80: {  	_ =	swait.ge [sflag:s16], $0x4000  }
0x81: {  	[sflag:s16] =	ssyncset.done $0x0  }
0x82: {  	s23 =	simm.s32 $0x4040;
	[sflag:s16] =	ssyncadd.s32 $0xFFFFC000  }
0x83: {  	v3 =	vld [tilespmem:s23+$0x10];
	_ =	sdelay $0x1  }
0x84: {  	v4 =	vld [tilespmem:s23+$0xFFFFFFC0];
	_ =	sdelay $0x1  }
0x85: {  	v5 =	vld [tilespmem:s23+$0x20]  }
0x86: {  	v6 =	vshra.s32 v3, $0x15  }
0x87: {  	v8 =	vld [tilespmem:s23+$0xFFFFFFD0];
	vm0 =	vlt.s32 v3, $0x0;
	v3 =	vxor.u32 $0x3FF, v6  }
0x88: {  	v9 =	vld [tilespmem:s23+$0x30];
	v3 =	vsel vm0, v3, v6;
	v6 =	vshra.s32 v4, $0x15  }
0x89: {  	v11 =	vld [tilespmem:s23+$0x0];
	vm0 =	vlt.s32 v4, $0x0;
	v10 =	vadd.s32 v1, v3;
	v3 =	vxor.u32 $0x3FF, v6  }
0x8a: {  	v4 =	vshra.s32 v5, $0x15;
	v3 =	vsel vm0, v3, v6  }
0x8b: {  	vm1 =	vlt.s32 v5, $0x0;
	v6 =	vxor.u32 $0x3FF, v4;
	v5 =	vadd.s32 v1, v3;
	v3 =	vld [tilespmem:s23+$0xFFFFFFE0]  }
0x8c: {  	v4 =	vsel vm1, v6, v4  }
0x8d: {  	v7 =	vshra.s32 v8, $0x15;
	v4 =	vadd.s32 v1, v4  }
0x8e: {  	vm2 =	vlt.s32 v11, $0x0;
	vm0 =	vlt.s32 v9, $0x0;
	v9 =	vshra.s32 v9, $0x15;
	v6 =	vld [tilespmem:s23+$0xFFFFFFF0]  }
0x8f: {  	s24 =	simm.s32 $0x0;
	s25 =	simm.s32 $0x4140;
	vm1 =	vlt.s32 v8, $0x0;
	v8 =	vxor.u32 $0x3FF, v7;
	[tilespmem:v10+s15+$0x0] =	vst.idx.add.s32.msk $0xffff, v2;
	v10 =	vshra.s32 v11, $0x15  }
.LBB2_8:
0x90: {  	s24 =	sadd.s32 $0x8, s24;
	[tilespmem:v5+s15+$0x0] =	vst.idx.add.s32.msk $0xffff, v2;
	vm3 =	vlt.s32 v3, $0x0;
	v5 =	vxor.u32 $0x3FF, v10;
	v11 =	vxor.u32 $0x3FF, v9;
	s23 =	simm.s32 $0x40F0  }
0x91: {  	v3 =	vshra.s32 v3, $0x15;
	v12 =	vld [tilespmem:s25+$0x10];
	p0 =	slt.u32 s24, $0x1F8;
	v5 =	vsel vm2, v5, v10;
	v9 =	vsel vm0, v11, v9  }
0x92: {  	v7 =	vsel vm1, v8, v7;
	v8 =	vxor.u32 $0x3FF, v3;
	[tilespmem:v4+s15+$0x0] =	vst.idx.add.s32.msk $0xffff, v2;
	v4 =	vadd.s32 v1, v9  }
0x93: {  	v3 =	vsel vm3, v8, v3;
	v5 =	vadd.s32 v1, v5;
	v9 =	vld [tilespmem:s25+$0xFFFFFFC0]  }
0x94: {  	v7 =	vadd.s32 v1, v7;
	v10 =	vadd.s32 v1, v3;
	v8 =	vld [tilespmem:s25+$0xFFFFFFD0];
	v3 =	vshra.s32 v6, $0x15  }
0x95: {  	vm0 =	vlt.s32 v6, $0x0;
	v11 =	vld [tilespmem:s25+$0x20];
	v6 =	vxor.u32 $0x3FF, v3  }
0x96: {  	v13 =	vshra.s32 v12, $0x15;
	v14 =	vld [tilespmem:s25+$0x30];
	v6 =	vsel vm0, v6, v3  }
0x97: {  	vm0 =	vlt.s32 v12, $0x0;
	v3 =	vld [tilespmem:s25+$0xFFFFFFE0];
	v12 =	vxor.u32 $0x3FF, v13;
	v6 =	vadd.s32 v1, v6  }
0x98: {  	v15 =	vshra.s32 v9, $0x15;
	v12 =	vsel vm0, v12, v13;
	[tilespmem:v5+s15+$0x0] =	vst.idx.add.s32.msk $0xffff, v2  }
0x99: {  	vm0 =	vlt.s32 v9, $0x0;
	v5 =	vxor.u32 $0x3FF, v15;
	v9 =	vadd.s32 v1, v12;
	[tilespmem:v4+s15+$0x0] =	vst.idx.add.s32.msk $0xffff, v2  }
0x9a: {  	v4 =	vsel vm0, v5, v15;
	v12 =	vld [tilespmem:s25+$0x0];
	vm1 =	vlt.s32 v11, $0x0;
	v11 =	vshra.s32 v11, $0x15  }
.Ltmp3:
0x9b: {  	v5 =	vadd.s32 v1, v4;
	v4 =	vxor.u32 $0x3FF, v11;
	vm0 =	vlt.s32 v14, $0x0;
	[tilespmem:v7+s15+$0x0] =	vst.idx.add.s32.msk $0xffff, v2;
	(pc) =	sbr.rel @p0 .LBB2_8-.Ltmp3, $4  }
0x9c: {  	v4 =	vsel vm1, v4, v11;
	[tilespmem:v10+s15+$0x0] =	vst.idx.add.s32.msk $0xffff, v2  }
0x9d: {  	v7 =	vshra.s32 v8, $0x15;
	v4 =	vadd.s32 v1, v4;
	[tilespmem:v6+s15+$0x0] =	vst.idx.add.s32.msk $0xffff, v2  }
0x9e: {  	vm1 =	vlt.s32 v8, $0x0;
	v8 =	vxor.u32 $0x3FF, v7;
	[tilespmem:v9+s15+$0x0] =	vst.idx.add.s32.msk $0xffff, v2  }
0x9f: {  	v9 =	vshra.s32 v14, $0x15;
	v6 =	vld [tilespmem:s25+$0xFFFFFFF0];
	vm2 =	vlt.s32 v12, $0x0;
	v10 =	vshra.s32 v12, $0x15;
	s25 =	sadd.s32 $0x100, s25  }
0xa0: {  	v11 =	vxor.u32 $0x3FF, v10  }
0xa1: {  	v7 =	vsel vm1, v8, v7;
	v10 =	vsel vm2, v11, v10  }
0xa2: {  	v11 =	vxor.u32 $0x3FF, v9;
	vm2 =	vlt.s32 v3, $0x0;
	v3 =	vshra.s32 v3, $0x15  }
0xa3: {  	v7 =	vadd.s32 v1, v7;
	v9 =	vsel vm0, v11, v9;
	v8 =	vxor.u32 $0x3FF, v3  }
0xa4: {  	v10 =	vadd.s32 v1, v10;
	v3 =	vsel vm2, v8, v3;
	v8 =	vshra.s32 v6, $0x15  }
0xa5: {  	v9 =	vadd.s32 v1, v9;
	vm0 =	vlt.s32 v6, $0x0;
	v6 =	vxor.u32 $0x3FF, v8  }
0xa6: {  	[tilespmem:v5+s15+$0x0] =	vst.idx.add.s32.msk $0xffff, v2;
	v3 =	vadd.s32 v1, v3;
	v5 =	vsel vm0, v6, v8  }
0xa7: {  	[tilespmem:v4+s15+$0x0] =	vst.idx.add.s32.msk $0xffff, v2;
	v4 =	vadd.s32 v1, v5  }
0xa8: {  	[tilespmem:v7+s15+$0x0] =	vst.idx.add.s32.msk $0xffff, v2  }
0xa9: {  	[tilespmem:v10+s15+$0x0] =	vst.idx.add.s32.msk $0xffff, v2  }
0xaa: {  	[tilespmem:v9+s15+$0x0] =	vst.idx.add.s32.msk $0xffff, v2  }
0xab: {  	[tilespmem:v3+s15+$0x0] =	vst.idx.add.s32.msk $0xffff, v2  }
0xac: {  	[tilespmem:v4+s15+$0x0] =	vst.idx.add.s32.msk $0xffff, v2  }
0xad: {  	v3 =	vld [tilespmem:s23+$0xFFFFFFE0];
	_ =	sdelay $0x1  }
0xae: {  	v4 =	vld [tilespmem:s23+$0xFFFFFF90];
	_ =	sdelay $0x1  }
0xaf: {  	v5 =	vld [tilespmem:s23+$0xFFFFFFF0]  }
0xb0: {  	v6 =	vshra.s32 v3, $0x15  }
0xb1: {  	v8 =	vld [tilespmem:s23+$0xFFFFFFA0];
	vm0 =	vlt.s32 v3, $0x0;
	v3 =	vxor.u32 $0x3FF, v6  }
0xb2: {  	v9 =	vld [tilespmem:s23+$0x0];
	v3 =	vsel vm0, v3, v6;
	v6 =	vshra.s32 v4, $0x15  }
0xb3: {  	v11 =	vld [tilespmem:s23+$0xFFFFFFD0];
	vm0 =	vlt.s32 v4, $0x0;
	v10 =	vadd.s32 v1, v3;
	v3 =	vxor.u32 $0x3FF, v6  }
0xb4: {  	v4 =	vshra.s32 v5, $0x15;
	v3 =	vsel vm0, v3, v6  }
0xb5: {  	vm1 =	vlt.s32 v5, $0x0;
	v6 =	vxor.u32 $0x3FF, v4;
	v5 =	vadd.s32 v1, v3;
	v3 =	vld [tilespmem:s23+$0xFFFFFFB0]  }
0xb6: {  	v4 =	vsel vm1, v6, v4  }
0xb7: {  	v7 =	vshra.s32 v8, $0x15;
	v4 =	vadd.s32 v1, v4  }
0xb8: {  	vm2 =	vlt.s32 v11, $0x0;
	vm0 =	vlt.s32 v9, $0x0;
	v9 =	vshra.s32 v9, $0x15;
	v6 =	vld [tilespmem:s23+$0xFFFFFFC0]  }
0xb9: {  	s24 =	simm.s32 $0x0;
	vm1 =	vlt.s32 v8, $0x0;
	v8 =	vxor.u32 $0x3FF, v7;
	s23 =	simm.s32 $0x41F0;
	[tilespmem:v10+s15+$0x0] =	vst.idx.add.s32.msk $0xffff, v2;
	v10 =	vshra.s32 v11, $0x15  }
.LBB2_10:
0xba: {  	s24 =	sadd.s32 $0x8, s24;
	[tilespmem:v5+s15+$0x0] =	vst.idx.add.s32.msk $0xffff, v2;
	vm3 =	vlt.s32 v3, $0x0;
	v5 =	vxor.u32 $0x3FF, v10;
	v11 =	vxor.u32 $0x3FF, v9  }
0xbb: {  	v3 =	vshra.s32 v3, $0x15;
	v12 =	vld [tilespmem:s23+$0xFFFFFFE0];
	p0 =	slt.u32 s24, $0x1F8;
	v5 =	vsel vm2, v5, v10;
	v9 =	vsel vm0, v11, v9  }
0xbc: {  	v7 =	vsel vm1, v8, v7;
	v8 =	vxor.u32 $0x3FF, v3;
	[tilespmem:v4+s15+$0x0] =	vst.idx.add.s32.msk $0xffff, v2;
	v4 =	vadd.s32 v1, v9  }
0xbd: {  	v3 =	vsel vm3, v8, v3;
	v5 =	vadd.s32 v1, v5;
	v9 =	vld [tilespmem:s23+$0xFFFFFF90]  }
0xbe: {  	v7 =	vadd.s32 v1, v7;
	v10 =	vadd.s32 v1, v3;
	v8 =	vld [tilespmem:s23+$0xFFFFFFA0];
	v3 =	vshra.s32 v6, $0x15  }
0xbf: {  	vm0 =	vlt.s32 v6, $0x0;
	v11 =	vld [tilespmem:s23+$0xFFFFFFF0];
	v6 =	vxor.u32 $0x3FF, v3  }
0xc0: {  	v13 =	vshra.s32 v12, $0x15;
	v14 =	vld [tilespmem:s23+$0x0];
	v6 =	vsel vm0, v6, v3  }
0xc1: {  	vm0 =	vlt.s32 v12, $0x0;
	v3 =	vld [tilespmem:s23+$0xFFFFFFB0];
	v12 =	vxor.u32 $0x3FF, v13;
	v6 =	vadd.s32 v1, v6  }
0xc2: {  	v15 =	vshra.s32 v9, $0x15;
	v12 =	vsel vm0, v12, v13;
	[tilespmem:v5+s15+$0x0] =	vst.idx.add.s32.msk $0xffff, v2  }
0xc3: {  	vm0 =	vlt.s32 v9, $0x0;
	v5 =	vxor.u32 $0x3FF, v15;
	v9 =	vadd.s32 v1, v12;
	[tilespmem:v4+s15+$0x0] =	vst.idx.add.s32.msk $0xffff, v2  }
0xc4: {  	v4 =	vsel vm0, v5, v15;
	v12 =	vld [tilespmem:s23+$0xFFFFFFD0];
	vm1 =	vlt.s32 v11, $0x0;
	v11 =	vshra.s32 v11, $0x15  }
.Ltmp4:
0xc5: {  	v5 =	vadd.s32 v1, v4;
	v4 =	vxor.u32 $0x3FF, v11;
	vm0 =	vlt.s32 v14, $0x0;
	[tilespmem:v7+s15+$0x0] =	vst.idx.add.s32.msk $0xffff, v2;
	(pc) =	sbr.rel @p0 .LBB2_10-.Ltmp4, $4  }
0xc6: {  	v4 =	vsel vm1, v4, v11;
	[tilespmem:v10+s15+$0x0] =	vst.idx.add.s32.msk $0xffff, v2  }
0xc7: {  	v7 =	vshra.s32 v8, $0x15;
	v4 =	vadd.s32 v1, v4;
	[tilespmem:v6+s15+$0x0] =	vst.idx.add.s32.msk $0xffff, v2  }
0xc8: {  	vm1 =	vlt.s32 v8, $0x0;
	v8 =	vxor.u32 $0x3FF, v7;
	[tilespmem:v9+s15+$0x0] =	vst.idx.add.s32.msk $0xffff, v2  }
0xc9: {  	v9 =	vshra.s32 v14, $0x15;
	v6 =	vld [tilespmem:s23+$0xFFFFFFC0];
	vm2 =	vlt.s32 v12, $0x0;
	v10 =	vshra.s32 v12, $0x15;
	s23 =	sadd.s32 $0x100, s23  }
0xca: {  	v11 =	vxor.u32 $0x3FF, v10  }
0xcb: {  	v7 =	vsel vm1, v8, v7;
	v10 =	vsel vm2, v11, v10  }
0xcc: {  	v11 =	vxor.u32 $0x3FF, v9;
	vm2 =	vlt.s32 v3, $0x0;
	v3 =	vshra.s32 v3, $0x15  }
0xcd: {  	v7 =	vadd.s32 v1, v7;
	v9 =	vsel vm0, v11, v9;
	v8 =	vxor.u32 $0x3FF, v3  }
0xce: {  	v10 =	vadd.s32 v1, v10;
	v3 =	vsel vm2, v8, v3;
	v8 =	vshra.s32 v6, $0x15  }
0xcf: {  	v9 =	vadd.s32 v1, v9;
	vm0 =	vlt.s32 v6, $0x0;
	v6 =	vxor.u32 $0x3FF, v8  }
0xd0: {  	[tilespmem:v5+s15+$0x0] =	vst.idx.add.s32.msk $0xffff, v2;
	v3 =	vadd.s32 v1, v3;
	v5 =	vsel vm0, v6, v8  }
0xd1: {  	[tilespmem:v4+s15+$0x0] =	vst.idx.add.s32.msk $0xffff, v2;
	v4 =	vadd.s32 v1, v5  }
0xd2: {  	[tilespmem:v7+s15+$0x0] =	vst.idx.add.s32.msk $0xffff, v2  }
0xd3: {  	[tilespmem:v10+s15+$0x0] =	vst.idx.add.s32.msk $0xffff, v2  }
0xd4: {  	[tilespmem:v9+s15+$0x0] =	vst.idx.add.s32.msk $0xffff, v2  }
0xd5: {  	[tilespmem:v3+s15+$0x0] =	vst.idx.add.s32.msk $0xffff, v2  }
0xd6: {  	[tilespmem:v4+s15+$0x0] =	vst.idx.add.s32.msk $0xffff, v2  }
0xd7: {  	[tilespmem:s14], [sflag:$0x2] =	stream.strided.gather [hbm4b:s7+s12], $0x4000, s13, s12, $0x38;
	[tilespmem:$0x11880] =	vst v63  }
0xd8: {  	_ =	swait.ge [sflag:s4], $0x4000  }
0xd9: {  	[sflag:s4] =	ssyncset.done $0x0  }
0xda: {  	s24 =	simm.s32 $0x40;
	[sflag:s4] =	ssyncadd.s32 $0xFFFFC000  }
0xdb: {  	v3 =	vld [tilespmem:s24+$0x10];
	_ =	sdelay $0x1  }
0xdc: {  	v4 =	vld [tilespmem:s24+$0xFFFFFFC0];
	_ =	sdelay $0x1  }
0xdd: {  	v5 =	vld [tilespmem:s24+$0x20]  }
0xde: {  	v6 =	vshra.s32 v3, $0x15  }
0xdf: {  	v8 =	vld [tilespmem:s24+$0xFFFFFFD0];
	vm0 =	vlt.s32 v3, $0x0;
	v3 =	vxor.u32 $0x3FF, v6  }
0xe0: {  	v9 =	vld [tilespmem:s24+$0x30];
	v3 =	vsel vm0, v3, v6;
	v6 =	vshra.s32 v4, $0x15  }
0xe1: {  	v11 =	vld [tilespmem:s24+$0x0];
	vm0 =	vlt.s32 v4, $0x0;
	v10 =	vadd.s32 v1, v3;
	v3 =	vxor.u32 $0x3FF, v6  }
0xe2: {  	v4 =	vshra.s32 v5, $0x15;
	v3 =	vsel vm0, v3, v6  }
0xe3: {  	vm1 =	vlt.s32 v5, $0x0;
	v6 =	vxor.u32 $0x3FF, v4;
	v5 =	vadd.s32 v1, v3;
	v3 =	vld [tilespmem:s24+$0xFFFFFFE0]  }
0xe4: {  	v4 =	vsel vm1, v6, v4  }
0xe5: {  	v7 =	vshra.s32 v8, $0x15;
	v4 =	vadd.s32 v1, v4  }
0xe6: {  	vm2 =	vlt.s32 v11, $0x0;
	vm0 =	vlt.s32 v9, $0x0;
	v9 =	vshra.s32 v9, $0x15;
	v6 =	vld [tilespmem:s24+$0xFFFFFFF0]  }
0xe7: {  	s23 =	simm.s32 $0x0;
	vm1 =	vlt.s32 v8, $0x0;
	v8 =	vxor.u32 $0x3FF, v7;
	s24 =	simm.s32 $0x140;
	[tilespmem:v10+s15+$0x0] =	vst.idx.add.s32.msk $0xffff, v2;
	v10 =	vshra.s32 v11, $0x15  }
.LBB2_12:
0xe8: {  	s23 =	sadd.s32 $0x8, s23;
	[tilespmem:v5+s15+$0x0] =	vst.idx.add.s32.msk $0xffff, v2;
	vm3 =	vlt.s32 v3, $0x0;
	v5 =	vxor.u32 $0x3FF, v10;
	v11 =	vxor.u32 $0x3FF, v9  }
0xe9: {  	v3 =	vshra.s32 v3, $0x15;
	v12 =	vld [tilespmem:s24+$0x10];
	p0 =	slt.u32 s23, $0x1F8;
	v5 =	vsel vm2, v5, v10;
	v9 =	vsel vm0, v11, v9  }
0xea: {  	v7 =	vsel vm1, v8, v7;
	v8 =	vxor.u32 $0x3FF, v3;
	[tilespmem:v4+s15+$0x0] =	vst.idx.add.s32.msk $0xffff, v2;
	v4 =	vadd.s32 v1, v9  }
0xeb: {  	v3 =	vsel vm3, v8, v3;
	v5 =	vadd.s32 v1, v5;
	v9 =	vld [tilespmem:s24+$0xFFFFFFC0]  }
0xec: {  	v7 =	vadd.s32 v1, v7;
	v10 =	vadd.s32 v1, v3;
	v8 =	vld [tilespmem:s24+$0xFFFFFFD0];
	v3 =	vshra.s32 v6, $0x15  }
0xed: {  	vm0 =	vlt.s32 v6, $0x0;
	v11 =	vld [tilespmem:s24+$0x20];
	v6 =	vxor.u32 $0x3FF, v3  }
0xee: {  	v13 =	vshra.s32 v12, $0x15;
	v14 =	vld [tilespmem:s24+$0x30];
	v6 =	vsel vm0, v6, v3  }
0xef: {  	vm0 =	vlt.s32 v12, $0x0;
	v3 =	vld [tilespmem:s24+$0xFFFFFFE0];
	v12 =	vxor.u32 $0x3FF, v13;
	v6 =	vadd.s32 v1, v6  }
0xf0: {  	v15 =	vshra.s32 v9, $0x15;
	v12 =	vsel vm0, v12, v13;
	[tilespmem:v5+s15+$0x0] =	vst.idx.add.s32.msk $0xffff, v2  }
0xf1: {  	vm0 =	vlt.s32 v9, $0x0;
	v5 =	vxor.u32 $0x3FF, v15;
	v9 =	vadd.s32 v1, v12;
	[tilespmem:v4+s15+$0x0] =	vst.idx.add.s32.msk $0xffff, v2  }
0xf2: {  	v4 =	vsel vm0, v5, v15;
	v12 =	vld [tilespmem:s24+$0x0];
	vm1 =	vlt.s32 v11, $0x0;
	v11 =	vshra.s32 v11, $0x15  }
.Ltmp5:
0xf3: {  	v5 =	vadd.s32 v1, v4;
	v4 =	vxor.u32 $0x3FF, v11;
	vm0 =	vlt.s32 v14, $0x0;
	[tilespmem:v7+s15+$0x0] =	vst.idx.add.s32.msk $0xffff, v2;
	(pc) =	sbr.rel @p0 .LBB2_12-.Ltmp5, $4  }
0xf4: {  	v4 =	vsel vm1, v4, v11;
	[tilespmem:v10+s15+$0x0] =	vst.idx.add.s32.msk $0xffff, v2  }
0xf5: {  	v7 =	vshra.s32 v8, $0x15;
	v4 =	vadd.s32 v1, v4;
	[tilespmem:v6+s15+$0x0] =	vst.idx.add.s32.msk $0xffff, v2  }
0xf6: {  	vm1 =	vlt.s32 v8, $0x0;
	v8 =	vxor.u32 $0x3FF, v7;
	[tilespmem:v9+s15+$0x0] =	vst.idx.add.s32.msk $0xffff, v2  }
0xf7: {  	v9 =	vshra.s32 v14, $0x15;
	v6 =	vld [tilespmem:s24+$0xFFFFFFF0];
	vm2 =	vlt.s32 v12, $0x0;
	v10 =	vshra.s32 v12, $0x15;
	s24 =	sadd.s32 $0x100, s24  }
0xf8: {  	v11 =	vxor.u32 $0x3FF, v10  }
0xf9: {  	v7 =	vsel vm1, v8, v7;
	v10 =	vsel vm2, v11, v10  }
0xfa: {  	v11 =	vxor.u32 $0x3FF, v9;
	vm2 =	vlt.s32 v3, $0x0;
	v3 =	vshra.s32 v3, $0x15  }
0xfb: {  	v7 =	vadd.s32 v1, v7;
	v9 =	vsel vm0, v11, v9;
	v8 =	vxor.u32 $0x3FF, v3  }
0xfc: {  	v10 =	vadd.s32 v1, v10;
	v3 =	vsel vm2, v8, v3;
	v8 =	vshra.s32 v6, $0x15  }
0xfd: {  	v9 =	vadd.s32 v1, v9;
	vm0 =	vlt.s32 v6, $0x0;
	v6 =	vxor.u32 $0x3FF, v8  }
0xfe: {  	[tilespmem:v5+s15+$0x0] =	vst.idx.add.s32.msk $0xffff, v2;
	v3 =	vadd.s32 v1, v3;
	v5 =	vsel vm0, v6, v8  }
0xff: {  	[tilespmem:v4+s15+$0x0] =	vst.idx.add.s32.msk $0xffff, v2;
	v4 =	vadd.s32 v1, v5  }
0x100: {  	[tilespmem:v7+s15+$0x0] =	vst.idx.add.s32.msk $0xffff, v2  }
0x101: {  	[tilespmem:v10+s15+$0x0] =	vst.idx.add.s32.msk $0xffff, v2  }
0x102: {  	[tilespmem:v9+s15+$0x0] =	vst.idx.add.s32.msk $0xffff, v2  }
0x103: {  	[tilespmem:v3+s15+$0x0] =	vst.idx.add.s32.msk $0xffff, v2  }
0x104: {  	s24 =	simm.s32 $0xF0;
	[tilespmem:v4+s15+$0x0] =	vst.idx.add.s32.msk $0xffff, v2  }
0x105: {  	v3 =	vld [tilespmem:s24+$0xFFFFFFE0];
	_ =	sdelay $0x1  }
0x106: {  	v4 =	vld [tilespmem:s24+$0xFFFFFF90];
	_ =	sdelay $0x1  }
0x107: {  	v5 =	vld [tilespmem:s24+$0xFFFFFFF0]  }
0x108: {  	v6 =	vshra.s32 v3, $0x15  }
0x109: {  	v8 =	vld [tilespmem:s24+$0xFFFFFFA0];
	vm0 =	vlt.s32 v3, $0x0;
	v3 =	vxor.u32 $0x3FF, v6  }
0x10a: {  	v9 =	vld [tilespmem:s24+$0x0];
	v3 =	vsel vm0, v3, v6;
	v6 =	vshra.s32 v4, $0x15  }
0x10b: {  	v11 =	vld [tilespmem:s24+$0xFFFFFFD0];
	vm0 =	vlt.s32 v4, $0x0;
	v10 =	vadd.s32 v1, v3;
	v3 =	vxor.u32 $0x3FF, v6  }
0x10c: {  	v4 =	vshra.s32 v5, $0x15;
	v3 =	vsel vm0, v3, v6  }
0x10d: {  	vm1 =	vlt.s32 v5, $0x0;
	v6 =	vxor.u32 $0x3FF, v4;
	v5 =	vadd.s32 v1, v3;
	v3 =	vld [tilespmem:s24+$0xFFFFFFB0]  }
0x10e: {  	v4 =	vsel vm1, v6, v4  }
0x10f: {  	v7 =	vshra.s32 v8, $0x15;
	v4 =	vadd.s32 v1, v4  }
0x110: {  	vm2 =	vlt.s32 v11, $0x0;
	vm0 =	vlt.s32 v9, $0x0;
	v9 =	vshra.s32 v9, $0x15;
	v6 =	vld [tilespmem:s24+$0xFFFFFFC0]  }
0x111: {  	s23 =	simm.s32 $0x0;
	vm1 =	vlt.s32 v8, $0x0;
	v8 =	vxor.u32 $0x3FF, v7;
	s24 =	simm.s32 $0x1F0;
	[tilespmem:v10+s15+$0x0] =	vst.idx.add.s32.msk $0xffff, v2;
	v10 =	vshra.s32 v11, $0x15  }
.LBB2_14:
0x112: {  	s23 =	sadd.s32 $0x8, s23;
	[tilespmem:v5+s15+$0x0] =	vst.idx.add.s32.msk $0xffff, v2;
	vm3 =	vlt.s32 v3, $0x0;
	v5 =	vxor.u32 $0x3FF, v10;
	v11 =	vxor.u32 $0x3FF, v9  }
0x113: {  	v3 =	vshra.s32 v3, $0x15;
	v12 =	vld [tilespmem:s24+$0xFFFFFFE0];
	p0 =	slt.u32 s23, $0x1F8;
	v5 =	vsel vm2, v5, v10;
	v9 =	vsel vm0, v11, v9  }
0x114: {  	v7 =	vsel vm1, v8, v7;
	v8 =	vxor.u32 $0x3FF, v3;
	[tilespmem:v4+s15+$0x0] =	vst.idx.add.s32.msk $0xffff, v2;
	v4 =	vadd.s32 v1, v9  }
0x115: {  	v3 =	vsel vm3, v8, v3;
	v5 =	vadd.s32 v1, v5;
	v9 =	vld [tilespmem:s24+$0xFFFFFF90]  }
0x116: {  	v7 =	vadd.s32 v1, v7;
	v10 =	vadd.s32 v1, v3;
	v8 =	vld [tilespmem:s24+$0xFFFFFFA0];
	v3 =	vshra.s32 v6, $0x15  }
0x117: {  	vm0 =	vlt.s32 v6, $0x0;
	v11 =	vld [tilespmem:s24+$0xFFFFFFF0];
	v6 =	vxor.u32 $0x3FF, v3  }
0x118: {  	v13 =	vshra.s32 v12, $0x15;
	v14 =	vld [tilespmem:s24+$0x0];
	v6 =	vsel vm0, v6, v3  }
0x119: {  	vm0 =	vlt.s32 v12, $0x0;
	v3 =	vld [tilespmem:s24+$0xFFFFFFB0];
	v12 =	vxor.u32 $0x3FF, v13;
	v6 =	vadd.s32 v1, v6  }
0x11a: {  	v15 =	vshra.s32 v9, $0x15;
	v12 =	vsel vm0, v12, v13;
	[tilespmem:v5+s15+$0x0] =	vst.idx.add.s32.msk $0xffff, v2  }
0x11b: {  	vm0 =	vlt.s32 v9, $0x0;
	v5 =	vxor.u32 $0x3FF, v15;
	v9 =	vadd.s32 v1, v12;
	[tilespmem:v4+s15+$0x0] =	vst.idx.add.s32.msk $0xffff, v2  }
0x11c: {  	v4 =	vsel vm0, v5, v15;
	v12 =	vld [tilespmem:s24+$0xFFFFFFD0];
	vm1 =	vlt.s32 v11, $0x0;
	v11 =	vshra.s32 v11, $0x15  }
.Ltmp6:
0x11d: {  	v5 =	vadd.s32 v1, v4;
	v4 =	vxor.u32 $0x3FF, v11;
	vm0 =	vlt.s32 v14, $0x0;
	[tilespmem:v7+s15+$0x0] =	vst.idx.add.s32.msk $0xffff, v2;
	(pc) =	sbr.rel @p0 .LBB2_14-.Ltmp6, $4  }
0x11e: {  	v4 =	vsel vm1, v4, v11;
	[tilespmem:v10+s15+$0x0] =	vst.idx.add.s32.msk $0xffff, v2  }
0x11f: {  	v7 =	vshra.s32 v8, $0x15;
	v4 =	vadd.s32 v1, v4;
	[tilespmem:v6+s15+$0x0] =	vst.idx.add.s32.msk $0xffff, v2  }
0x120: {  	vm1 =	vlt.s32 v8, $0x0;
	v8 =	vxor.u32 $0x3FF, v7;
	[tilespmem:v9+s15+$0x0] =	vst.idx.add.s32.msk $0xffff, v2  }
0x121: {  	v9 =	vshra.s32 v14, $0x15;
	v6 =	vld [tilespmem:s24+$0xFFFFFFC0];
	vm2 =	vlt.s32 v12, $0x0;
	v10 =	vshra.s32 v12, $0x15;
	s24 =	sadd.s32 $0x100, s24  }
0x122: {  	v11 =	vxor.u32 $0x3FF, v10  }
0x123: {  	v7 =	vsel vm1, v8, v7;
	v10 =	vsel vm2, v11, v10  }
0x124: {  	v11 =	vxor.u32 $0x3FF, v9;
	vm2 =	vlt.s32 v3, $0x0;
	v3 =	vshra.s32 v3, $0x15  }
0x125: {  	v7 =	vadd.s32 v1, v7;
	v9 =	vsel vm0, v11, v9;
	v8 =	vxor.u32 $0x3FF, v3  }
0x126: {  	v10 =	vadd.s32 v1, v10;
	v3 =	vsel vm2, v8, v3;
	v8 =	vshra.s32 v6, $0x15  }
0x127: {  	v9 =	vadd.s32 v1, v9;
	vm0 =	vlt.s32 v6, $0x0;
	v6 =	vxor.u32 $0x3FF, v8  }
0x128: {  	[tilespmem:v5+s15+$0x0] =	vst.idx.add.s32.msk $0xffff, v2;
	v3 =	vadd.s32 v1, v3;
	v5 =	vsel vm0, v6, v8  }
0x129: {  	[tilespmem:v4+s15+$0x0] =	vst.idx.add.s32.msk $0xffff, v2;
	v4 =	vadd.s32 v1, v5  }
0x12a: {  	[tilespmem:v7+s15+$0x0] =	vst.idx.add.s32.msk $0xffff, v2  }
0x12b: {  	[tilespmem:v10+s15+$0x0] =	vst.idx.add.s32.msk $0xffff, v2  }
0x12c: {  	[tilespmem:v9+s15+$0x0] =	vst.idx.add.s32.msk $0xffff, v2  }
0x12d: {  	[tilespmem:v3+s15+$0x0] =	vst.idx.add.s32.msk $0xffff, v2  }
0x12e: {  	[tilespmem:v4+s15+$0x0] =	vst.idx.add.s32.msk $0xffff, v2  }
0x12f: {  	_ =	swait.ge [sflag:s16], $0x4000  }
0x130: {  	[sflag:s16] =	ssyncset.done $0x0  }
0x131: {  	s24 =	simm.s32 $0x4040;
	[sflag:s16] =	ssyncadd.s32 $0xFFFFC000  }
0x132: {  	v3 =	vld [tilespmem:s24+$0x10];
	_ =	sdelay $0x1  }
0x133: {  	v4 =	vld [tilespmem:s24+$0xFFFFFFC0];
	_ =	sdelay $0x1  }
0x134: {  	v5 =	vld [tilespmem:s24+$0x20]  }
0x135: {  	v6 =	vshra.s32 v3, $0x15  }
0x136: {  	v8 =	vld [tilespmem:s24+$0xFFFFFFD0];
	vm0 =	vlt.s32 v3, $0x0;
	v3 =	vxor.u32 $0x3FF, v6  }
0x137: {  	v9 =	vld [tilespmem:s24+$0x30];
	v3 =	vsel vm0, v3, v6;
	v6 =	vshra.s32 v4, $0x15  }
0x138: {  	v11 =	vld [tilespmem:s24+$0x0];
	vm0 =	vlt.s32 v4, $0x0;
	v10 =	vadd.s32 v1, v3;
	v3 =	vxor.u32 $0x3FF, v6  }
0x139: {  	v4 =	vshra.s32 v5, $0x15;
	v3 =	vsel vm0, v3, v6  }
0x13a: {  	vm1 =	vlt.s32 v5, $0x0;
	v6 =	vxor.u32 $0x3FF, v4;
	v5 =	vadd.s32 v1, v3;
	v3 =	vld [tilespmem:s24+$0xFFFFFFE0]  }
0x13b: {  	v4 =	vsel vm1, v6, v4  }
0x13c: {  	v7 =	vshra.s32 v8, $0x15;
	v4 =	vadd.s32 v1, v4  }
0x13d: {  	vm2 =	vlt.s32 v11, $0x0;
	vm0 =	vlt.s32 v9, $0x0;
	v9 =	vshra.s32 v9, $0x15;
	v6 =	vld [tilespmem:s24+$0xFFFFFFF0]  }
0x13e: {  	s23 =	simm.s32 $0x0;
	vm1 =	vlt.s32 v8, $0x0;
	v8 =	vxor.u32 $0x3FF, v7;
	s24 =	simm.s32 $0x4140;
	[tilespmem:v10+s15+$0x0] =	vst.idx.add.s32.msk $0xffff, v2;
	v10 =	vshra.s32 v11, $0x15  }
.LBB2_16:
0x13f: {  	s23 =	sadd.s32 $0x8, s23;
	[tilespmem:v5+s15+$0x0] =	vst.idx.add.s32.msk $0xffff, v2;
	vm3 =	vlt.s32 v3, $0x0;
	v5 =	vxor.u32 $0x3FF, v10;
	v11 =	vxor.u32 $0x3FF, v9  }
0x140: {  	v3 =	vshra.s32 v3, $0x15;
	v12 =	vld [tilespmem:s24+$0x10];
	p0 =	slt.u32 s23, $0x1F8;
	v5 =	vsel vm2, v5, v10;
	v9 =	vsel vm0, v11, v9  }
0x141: {  	v7 =	vsel vm1, v8, v7;
	v8 =	vxor.u32 $0x3FF, v3;
	[tilespmem:v4+s15+$0x0] =	vst.idx.add.s32.msk $0xffff, v2;
	v4 =	vadd.s32 v1, v9  }
0x142: {  	v3 =	vsel vm3, v8, v3;
	v5 =	vadd.s32 v1, v5;
	v9 =	vld [tilespmem:s24+$0xFFFFFFC0]  }
0x143: {  	v7 =	vadd.s32 v1, v7;
	v10 =	vadd.s32 v1, v3;
	v8 =	vld [tilespmem:s24+$0xFFFFFFD0];
	v3 =	vshra.s32 v6, $0x15  }
0x144: {  	vm0 =	vlt.s32 v6, $0x0;
	v11 =	vld [tilespmem:s24+$0x20];
	v6 =	vxor.u32 $0x3FF, v3  }
0x145: {  	v13 =	vshra.s32 v12, $0x15;
	v14 =	vld [tilespmem:s24+$0x30];
	v6 =	vsel vm0, v6, v3  }
0x146: {  	vm0 =	vlt.s32 v12, $0x0;
	v3 =	vld [tilespmem:s24+$0xFFFFFFE0];
	v12 =	vxor.u32 $0x3FF, v13;
	v6 =	vadd.s32 v1, v6  }
0x147: {  	v15 =	vshra.s32 v9, $0x15;
	v12 =	vsel vm0, v12, v13;
	[tilespmem:v5+s15+$0x0] =	vst.idx.add.s32.msk $0xffff, v2  }
0x148: {  	vm0 =	vlt.s32 v9, $0x0;
	v5 =	vxor.u32 $0x3FF, v15;
	v9 =	vadd.s32 v1, v12;
	[tilespmem:v4+s15+$0x0] =	vst.idx.add.s32.msk $0xffff, v2  }
0x149: {  	v4 =	vsel vm0, v5, v15;
	v12 =	vld [tilespmem:s24+$0x0];
	vm1 =	vlt.s32 v11, $0x0;
	v11 =	vshra.s32 v11, $0x15  }
.Ltmp7:
0x14a: {  	v5 =	vadd.s32 v1, v4;
	v4 =	vxor.u32 $0x3FF, v11;
	vm0 =	vlt.s32 v14, $0x0;
	[tilespmem:v7+s15+$0x0] =	vst.idx.add.s32.msk $0xffff, v2;
	(pc) =	sbr.rel @p0 .LBB2_16-.Ltmp7, $4  }
0x14b: {  	v4 =	vsel vm1, v4, v11;
	[tilespmem:v10+s15+$0x0] =	vst.idx.add.s32.msk $0xffff, v2  }
0x14c: {  	v7 =	vshra.s32 v8, $0x15;
	v4 =	vadd.s32 v1, v4;
	[tilespmem:v6+s15+$0x0] =	vst.idx.add.s32.msk $0xffff, v2  }
0x14d: {  	vm1 =	vlt.s32 v8, $0x0;
	v8 =	vxor.u32 $0x3FF, v7;
	[tilespmem:v9+s15+$0x0] =	vst.idx.add.s32.msk $0xffff, v2  }
0x14e: {  	v9 =	vshra.s32 v14, $0x15;
	v6 =	vld [tilespmem:s24+$0xFFFFFFF0];
	vm2 =	vlt.s32 v12, $0x0;
	v10 =	vshra.s32 v12, $0x15;
	s24 =	sadd.s32 $0x100, s24  }
0x14f: {  	v11 =	vxor.u32 $0x3FF, v10  }
0x150: {  	v7 =	vsel vm1, v8, v7;
	v10 =	vsel vm2, v11, v10  }
0x151: {  	v11 =	vxor.u32 $0x3FF, v9;
	vm2 =	vlt.s32 v3, $0x0;
	v3 =	vshra.s32 v3, $0x15  }
0x152: {  	v7 =	vadd.s32 v1, v7;
	v9 =	vsel vm0, v11, v9;
	v8 =	vxor.u32 $0x3FF, v3  }
0x153: {  	v10 =	vadd.s32 v1, v10;
	v3 =	vsel vm2, v8, v3;
	v8 =	vshra.s32 v6, $0x15  }
0x154: {  	v9 =	vadd.s32 v1, v9;
	vm0 =	vlt.s32 v6, $0x0;
	v6 =	vxor.u32 $0x3FF, v8  }
0x155: {  	[tilespmem:v5+s15+$0x0] =	vst.idx.add.s32.msk $0xffff, v2;
	v3 =	vadd.s32 v1, v3;
	v5 =	vsel vm0, v6, v8  }
0x156: {  	[tilespmem:v4+s15+$0x0] =	vst.idx.add.s32.msk $0xffff, v2;
	v4 =	vadd.s32 v1, v5  }
0x157: {  	[tilespmem:v7+s15+$0x0] =	vst.idx.add.s32.msk $0xffff, v2  }
0x158: {  	[tilespmem:v10+s15+$0x0] =	vst.idx.add.s32.msk $0xffff, v2  }
0x159: {  	[tilespmem:v9+s15+$0x0] =	vst.idx.add.s32.msk $0xffff, v2  }
0x15a: {  	[tilespmem:v3+s15+$0x0] =	vst.idx.add.s32.msk $0xffff, v2  }
0x15b: {  	s24 =	simm.s32 $0x40F0;
	[tilespmem:v4+s15+$0x0] =	vst.idx.add.s32.msk $0xffff, v2  }
0x15c: {  	v3 =	vld [tilespmem:s24+$0xFFFFFFE0];
	_ =	sdelay $0x1  }
0x15d: {  	v4 =	vld [tilespmem:s24+$0xFFFFFF90];
	_ =	sdelay $0x1  }
0x15e: {  	v5 =	vld [tilespmem:s24+$0xFFFFFFF0]  }
0x15f: {  	v6 =	vshra.s32 v3, $0x15  }
0x160: {  	v8 =	vld [tilespmem:s24+$0xFFFFFFA0];
	vm0 =	vlt.s32 v3, $0x0;
	v3 =	vxor.u32 $0x3FF, v6  }
0x161: {  	v10 =	vld [tilespmem:s24+$0x0];
	v3 =	vsel vm0, v3, v6;
	v6 =	vshra.s32 v4, $0x15  }
0x162: {  	v11 =	vld [tilespmem:s24+$0xFFFFFFD0];
	vm0 =	vlt.s32 v4, $0x0;
	v9 =	vadd.s32 v1, v3;
	v3 =	vxor.u32 $0x3FF, v6  }
0x163: {  	v4 =	vshra.s32 v5, $0x15;
	v3 =	vsel vm0, v3, v6  }
0x164: {  	vm1 =	vlt.s32 v5, $0x0;
	v6 =	vxor.u32 $0x3FF, v4;
	v5 =	vadd.s32 v1, v3;
	v3 =	vld [tilespmem:s24+$0xFFFFFFB0]  }
0x165: {  	v4 =	vsel vm1, v6, v4  }
0x166: {  	v7 =	vshra.s32 v8, $0x15;
	v4 =	vadd.s32 v1, v4  }
0x167: {  	vm2 =	vlt.s32 v11, $0x0;
	vm0 =	vlt.s32 v10, $0x0;
	v10 =	vshra.s32 v10, $0x15;
	v6 =	vld [tilespmem:s24+$0xFFFFFFC0]  }
0x168: {  	s23 =	simm.s32 $0x0;
	vm1 =	vlt.s32 v8, $0x0;
	v8 =	vxor.u32 $0x3FF, v7;
	s24 =	simm.s32 $0x41F0;
	[tilespmem:v9+s15+$0x0] =	vst.idx.add.s32.msk $0xffff, v2;
	v9 =	vshra.s32 v11, $0x15  }
.LBB2_18:
0x169: {  	s23 =	sadd.s32 $0x8, s23;
	[tilespmem:v5+s15+$0x0] =	vst.idx.add.s32.msk $0xffff, v2;
	vm3 =	vlt.s32 v3, $0x0;
	v5 =	vxor.u32 $0x3FF, v9;
	v11 =	vxor.u32 $0x3FF, v10  }
0x16a: {  	v3 =	vshra.s32 v3, $0x15;
	v12 =	vld [tilespmem:s24+$0xFFFFFFE0];
	p0 =	slt.u32 s23, $0x1F8;
	v5 =	vsel vm2, v5, v9;
	v9 =	vsel vm0, v11, v10  }
0x16b: {  	v7 =	vsel vm1, v8, v7;
	v8 =	vxor.u32 $0x3FF, v3;
	[tilespmem:v4+s15+$0x0] =	vst.idx.add.s32.msk $0xffff, v2;
	v4 =	vadd.s32 v1, v9  }
0x16c: {  	v3 =	vsel vm3, v8, v3;
	v5 =	vadd.s32 v1, v5;
	v9 =	vld [tilespmem:s24+$0xFFFFFF90]  }
0x16d: {  	v7 =	vadd.s32 v1, v7;
	v10 =	vadd.s32 v1, v3;
	v8 =	vld [tilespmem:s24+$0xFFFFFFA0];
	v3 =	vshra.s32 v6, $0x15  }
0x16e: {  	vm0 =	vlt.s32 v6, $0x0;
	v11 =	vld [tilespmem:s24+$0xFFFFFFF0];
	v6 =	vxor.u32 $0x3FF, v3  }
0x16f: {  	v13 =	vshra.s32 v12, $0x15;
	v14 =	vld [tilespmem:s24+$0x0];
	v6 =	vsel vm0, v6, v3  }
0x170: {  	vm0 =	vlt.s32 v12, $0x0;
	v3 =	vld [tilespmem:s24+$0xFFFFFFB0];
	v12 =	vxor.u32 $0x3FF, v13;
	v6 =	vadd.s32 v1, v6  }
0x171: {  	v15 =	vshra.s32 v9, $0x15;
	v12 =	vsel vm0, v12, v13;
	[tilespmem:v5+s15+$0x0] =	vst.idx.add.s32.msk $0xffff, v2  }
0x172: {  	vm0 =	vlt.s32 v9, $0x0;
	v5 =	vxor.u32 $0x3FF, v15;
	v9 =	vadd.s32 v1, v12;
	[tilespmem:v4+s15+$0x0] =	vst.idx.add.s32.msk $0xffff, v2  }
0x173: {  	v4 =	vsel vm0, v5, v15;
	v12 =	vld [tilespmem:s24+$0xFFFFFFD0];
	vm1 =	vlt.s32 v11, $0x0;
	v11 =	vshra.s32 v11, $0x15  }
.Ltmp8:
0x174: {  	v5 =	vadd.s32 v1, v4;
	v4 =	vxor.u32 $0x3FF, v11;
	vm0 =	vlt.s32 v14, $0x0;
	[tilespmem:v7+s15+$0x0] =	vst.idx.add.s32.msk $0xffff, v2;
	(pc) =	sbr.rel @p0 .LBB2_18-.Ltmp8, $4  }
0x175: {  	v4 =	vsel vm1, v4, v11;
	[tilespmem:v10+s15+$0x0] =	vst.idx.add.s32.msk $0xffff, v2  }
0x176: {  	v7 =	vshra.s32 v8, $0x15;
	v4 =	vadd.s32 v1, v4;
	[tilespmem:v6+s15+$0x0] =	vst.idx.add.s32.msk $0xffff, v2  }
0x177: {  	vm1 =	vlt.s32 v8, $0x0;
	v8 =	vxor.u32 $0x3FF, v7;
	[tilespmem:v9+s15+$0x0] =	vst.idx.add.s32.msk $0xffff, v2  }
0x178: {  	v10 =	vshra.s32 v14, $0x15;
	v6 =	vld [tilespmem:s24+$0xFFFFFFC0];
	vm2 =	vlt.s32 v12, $0x0;
	v9 =	vshra.s32 v12, $0x15;
	s24 =	sadd.s32 $0x100, s24  }
0x179: {  	_ = 	snop  }
0x17a: {  	vm3 =	vlt.s32 v3, $0x0;
	v11 =	vxor.u32 $0x3FF, v9;
	v12 =	vxor.u32 $0x3FF, v10  }
0x17b: {  	v3 =	vshra.s32 v3, $0x15;
	v7 =	vsel vm1, v8, v7;
	v9 =	vsel vm2, v11, v9  }
0x17c: {  	v10 =	vsel vm0, v12, v10;
	v8 =	vxor.u32 $0x3FF, v3;
	v7 =	vadd.s32 v1, v7  }
0x17d: {  	v9 =	vadd.s32 v1, v9;
	v3 =	vsel vm3, v8, v3;
	v8 =	vshra.s32 v6, $0x15  }
0x17e: {  	v10 =	vadd.s32 v1, v10;
	vm15 =	vlt.s32 v6, $0x0;
	v6 =	vxor.u32 $0x3FF, v8  }
0x17f: {  	[tilespmem:v5+s15+$0x0] =	vst.idx.add.s32.msk $0xffff, v2;
	v3 =	vadd.s32 v1, v3;
	v5 =	vsel vm15, v6, v8  }
0x180: {  	[tilespmem:v4+s15+$0x0] =	vst.idx.add.s32.msk $0xffff, v2;
	v4 =	vadd.s32 v1, v5  }
0x181: {  	[tilespmem:v7+s15+$0x0] =	vst.idx.add.s32.msk $0xffff, v2  }
0x182: {  	[tilespmem:v9+s15+$0x0] =	vst.idx.add.s32.msk $0xffff, v2  }
0x183: {  	[tilespmem:v10+s15+$0x0] =	vst.idx.add.s32.msk $0xffff, v2  }
0x184: {  	s23 =	simm.s32 $0x0;
	[tilespmem:v3+s15+$0x0] =	vst.idx.add.s32.msk $0xffff, v2  }
0x185: {  	s25 =	sand.u32 $0x7C0, s23;
	[tilespmem:v4+s15+$0x0] =	vst.idx.add.s32.msk $0xffff, v2  }
0x186: {  	v6 =	vld [tilespmem:s25+$0xF800]  }
0x187: {  	v5 =	vld [tilespmem:s25+$0xF000]  }
0x188: {  	v4 =	vld [tilespmem:s25+$0xE800]  }
0x189: {  	v3 =	vld [tilespmem:s25+$0xE000]  }
0x18a: {  	v7 =	vld [tilespmem:s25+$0xD800]  }
0x18b: {  	v8 =	vld [tilespmem:s25+$0xD000]  }
0x18c: {  	v9 =	vld [tilespmem:s25+$0xC800]  }
0x18d: {  	v10 =	vld [tilespmem:s25+$0xC000]  }
0x18e: {  	v11 =	vld [tilespmem:s25+$0xB800]  }
0x18f: {  	v62 =	vld [tilespmem:s25+$0xB000]  }
0x190: {  	v13 =	vld [tilespmem:s25+$0xA800]  }
0x191: {  	v14 =	vld [tilespmem:s25+$0xA000]  }
0x192: {  	v15 =	vld [tilespmem:s25+$0x9800]  }
0x193: {  	v16 =	vld [tilespmem:s25+$0x9000]  }
0x194: {  	s24 =	simm.s32 $0x0;
	v17 =	vld [tilespmem:s25+$0x8800]  }
0x195: {  	v18 =	vld [tilespmem:s24+$0x8030]  }
0x196: {  	v19 =	vld [tilespmem:s24+$0x8830]  }
0x197: {  	v20 =	vld [tilespmem:s24+$0x9030]  }
0x198: {  	v21 =	vld [tilespmem:s24+$0x9830]  }
0x199: {  	v22 =	vld [tilespmem:s24+$0xA030]  }
0x19a: {  	v23 =	vld [tilespmem:s24+$0xA830]  }
0x19b: {  	v24 =	vld [tilespmem:s24+$0xB030]  }
0x19c: {  	v25 =	vld [tilespmem:s24+$0xB830]  }
0x19d: {  	v26 =	vld [tilespmem:s24+$0xC030]  }
0x19e: {  	v27 =	vld [tilespmem:s24+$0xC830]  }
0x19f: {  	v28 =	vld [tilespmem:s24+$0xD030]  }
0x1a0: {  	v29 =	vld [tilespmem:s24+$0xD830]  }
0x1a1: {  	v30 =	vld [tilespmem:s24+$0xE030]  }
0x1a2: {  	v31 =	vld [tilespmem:s24+$0xE830]  }
0x1a3: {  	v32 =	vld [tilespmem:s24+$0xF030]  }
0x1a4: {  	v33 =	vld [tilespmem:s24+$0xF830]  }
0x1a5: {  	v34 =	vld [tilespmem:s24+$0x8000]  }
0x1a6: {  	v35 =	vld [tilespmem:s24+$0x8010]  }
0x1a7: {  	v36 =	vld [tilespmem:s24+$0x8810]  }
0x1a8: {  	v37 =	vld [tilespmem:s24+$0x8020]  }
0x1a9: {  	v38 =	vld [tilespmem:s24+$0x8820]  }
0x1aa: {  	v63 =	vld [tilespmem:s24+$0x9010]  }
0x1ab: {  	v39 =	vld [tilespmem:s24+$0x9020]  }
0x1ac: {  	v40 =	vld [tilespmem:s24+$0x9810]  }
0x1ad: {  	v41 =	vld [tilespmem:s24+$0x9820]  }
0x1ae: {  	v42 =	vld [tilespmem:s24+$0xA010]  }
0x1af: {  	v43 =	vld [tilespmem:s24+$0xA020]  }
0x1b0: {  	v44 =	vld [tilespmem:s24+$0xA810]  }
0x1b1: {  	v45 =	vld [tilespmem:s24+$0xA820]  }
0x1b2: {  	v46 =	vld [tilespmem:s24+$0xB010];
	v18 =	vadd.s32 v18, v19  }
0x1b3: {  	v47 =	vld [tilespmem:s24+$0xB020];
	v17 =	vadd.s32 v34, v17;
	v53 =	vadd.s32 v35, v36;
	v18 =	vadd.s32 v20, v18  }
0x1b4: {  	v48 =	vld [tilespmem:s24+$0xB810];
	v54 =	vadd.s32 v37, v38;
	v16 =	vadd.s32 v16, v17;
	v18 =	vadd.s32 v21, v18  }
0x1b5: {  	v49 =	vld [tilespmem:s24+$0xB820];
	v56 =	vadd.s32 v63, v53;
	v15 =	vadd.s32 v15, v16;
	v18 =	vadd.s32 v22, v18  }
0x1b6: {  	v50 =	vld [tilespmem:s24+$0xC010];
	v58 =	vadd.s32 v40, v56;
	v14 =	vadd.s32 v14, v15;
	v18 =	vadd.s32 v23, v18  }
0x1b7: {  	v51 =	vld [tilespmem:s24+$0xC020];
	v13 =	vadd.s32 v13, v14;
	v14 =	vadd.s32 v39, v54;
	v18 =	vadd.s32 v24, v18  }
0x1b8: {  	v52 =	vld [tilespmem:s24+$0xC810];
	v12 =	vadd.s32 v62, v13;
	v59 =	vadd.s32 v41, v14;
	v18 =	vadd.s32 v25, v18  }
0x1b9: {  	v55 =	vld [tilespmem:s24+$0xC820];
	v11 =	vadd.s32 v11, v12;
	v61 =	vadd.s32 v43, v59;
	v18 =	vadd.s32 v26, v18  }
0x1ba: {  	v57 =	vld [tilespmem:s24+$0xD010];
	v10 =	vadd.s32 v10, v11;
	v11 =	vadd.s32 v42, v58;
	v18 =	vadd.s32 v27, v18  }
0x1bb: {  	v60 =	vld [tilespmem:s24+$0xD020];
	v9 =	vadd.s32 v9, v10;
	v10 =	vadd.s32 v44, v11;
	v11 =	vadd.s32 v45, v61  }
0x1bc: {  	v63 =	vld [tilespmem:s24+$0xD820];
	v18 =	vadd.s32 v28, v18;
	v8 =	vadd.s32 v8, v9;
	v9 =	vadd.s32 v46, v10  }
0x1bd: {  	v62 =	vld [tilespmem:s24+$0xD810];
	v10 =	vadd.s32 v47, v11;
	v18 =	vadd.s32 v29, v18;
	v7 =	vadd.s32 v7, v8  }
0x1be: {  	v11 =	vld [tilespmem:s24+$0xE010];
	v8 =	vadd.s32 v48, v9;
	v9 =	vadd.s32 v49, v10;
	v18 =	vadd.s32 v30, v18  }
0x1bf: {  	v10 =	vld [tilespmem:s24+$0xE020];
	v7 =	vadd.s32 v3, v7;
	v8 =	vadd.s32 v50, v8;
	v9 =	vadd.s32 v51, v9  }
0x1c0: {  	v3 =	vld [tilespmem:s24+$0xE810];
	v18 =	vadd.s32 v31, v18;
	v7 =	vadd.s32 v4, v7;
	v8 =	vadd.s32 v52, v8  }
0x1c1: {  	v9 =	vadd.s32 v55, v9;
	v4 =	vld [tilespmem:s24+$0xE820];
	v18 =	vadd.s32 v32, v18;
	v7 =	vadd.s32 v5, v7  }
0x1c2: {  	v8 =	vadd.s32 v57, v8;
	v9 =	vadd.s32 v60, v9;
	v5 =	vld [tilespmem:s24+$0xF010];
	v18 =	vadd.s32 v33, v18  }
0x1c3: {  	v7 =	vadd.s32 v6, v7;
	v8 =	vadd.s32 v62, v8;
	v9 =	vadd.s32 v63, v9;
	v6 =	vld [tilespmem:s24+$0xF020];
	[tilespmem:s24+$0x10030] =	vst v18  }
0x1c4: {  	s26 =	simm.s32 $0x40;
	s25 =	simm.s32 $0x0;
	[tilespmem:s24+$0x10000] =	vst v7;
	v8 =	vadd.s32 v11, v8;
	v7 =	vld [tilespmem:s24+$0xF810];
	v9 =	vadd.s32 v10, v9  }
.LBB2_20:
0x1c5: {  	s28 =	sand.u32 $0x7C0, s26;
	v8 =	vadd.s32 v3, v8;
	v10 =	vld [tilespmem:s24+$0xF820]  }
0x1c6: {  	v3 =	vld [tilespmem:s28+$0xF800];
	v9 =	vadd.s32 v4, v9  }
0x1c7: {  	v4 =	vld [tilespmem:s28+$0xF000];
	v8 =	vadd.s32 v5, v8  }
0x1c8: {  	v5 =	vld [tilespmem:s28+$0xE800];
	v9 =	vadd.s32 v6, v9  }
0x1c9: {  	v6 =	vld [tilespmem:s28+$0xE000];
	v7 =	vadd.s32 v7, v8  }
0x1ca: {  	v8 =	vld [tilespmem:s28+$0xD800];
	[tilespmem:s24+$0x10010] =	vst v7;
	v7 =	vadd.s32 v10, v9  }
0x1cb: {  	v9 =	vld [tilespmem:s28+$0xD000];
	[tilespmem:s24+$0x10020] =	vst v7  }
0x1cc: {  	v7 =	vld [tilespmem:s28+$0xC800]  }
0x1cd: {  	v10 =	vld [tilespmem:s28+$0xC000]  }
0x1ce: {  	v11 =	vld [tilespmem:s28+$0xB800]  }
0x1cf: {  	v12 =	vld [tilespmem:s28+$0xB000]  }
0x1d0: {  	v13 =	vld [tilespmem:s28+$0xA800]  }
0x1d1: {  	v14 =	vld [tilespmem:s28+$0xA000]  }
0x1d2: {  	v15 =	vld [tilespmem:s28+$0x9800]  }
0x1d3: {  	s23 =	sadd.s32 $0x100, s23;
	v16 =	vld [tilespmem:s28+$0x9000]  }
0x1d4: {  	s24 =	sshra.s32 s23, $0x2;
	v17 =	vld [tilespmem:s28+$0x8800]  }
0x1d5: {  	s25 =	sadd.s32 $0x4, s25;
	v18 =	vld [tilespmem:s24+$0x8030]  }
0x1d6: {  	p0 =	slt.u32 s25, $0x7C;
	v19 =	vld [tilespmem:s24+$0x8830]  }
0x1d7: {  	v20 =	vld [tilespmem:s24+$0x9030]  }
0x1d8: {  	v21 =	vld [tilespmem:s24+$0x9830]  }
0x1d9: {  	v22 =	vld [tilespmem:s24+$0xA030]  }
0x1da: {  	v23 =	vld [tilespmem:s24+$0xA830]  }
0x1db: {  	v18 =	vadd.s32 v18, v19;
	v19 =	vld [tilespmem:s24+$0xB030]  }
0x1dc: {  	v18 =	vadd.s32 v20, v18;
	v20 =	vld [tilespmem:s24+$0xB830]  }
0x1dd: {  	v18 =	vadd.s32 v21, v18;
	v21 =	vld [tilespmem:s24+$0xC030]  }
0x1de: {  	v18 =	vadd.s32 v22, v18;
	v22 =	vld [tilespmem:s24+$0xC830]  }
0x1df: {  	v18 =	vadd.s32 v23, v18;
	v23 =	vld [tilespmem:s24+$0xD030]  }
0x1e0: {  	v18 =	vadd.s32 v19, v18;
	v19 =	vld [tilespmem:s24+$0xD830]  }
0x1e1: {  	v18 =	vadd.s32 v20, v18;
	v20 =	vld [tilespmem:s24+$0xE030]  }
0x1e2: {  	v18 =	vadd.s32 v21, v18;
	v21 =	vld [tilespmem:s24+$0xE830]  }
0x1e3: {  	v18 =	vadd.s32 v22, v18;
	v22 =	vld [tilespmem:s24+$0xF030]  }
0x1e4: {  	v18 =	vadd.s32 v23, v18;
	v23 =	vld [tilespmem:s24+$0xF830]  }
0x1e5: {  	v24 =	vld [tilespmem:s24+$0x8000];
	v18 =	vadd.s32 v19, v18  }
0x1e6: {  	v19 =	vld [tilespmem:s24+$0x8010];
	v18 =	vadd.s32 v20, v18  }
0x1e7: {  	v20 =	vld [tilespmem:s24+$0x8810];
	v18 =	vadd.s32 v21, v18  }
0x1e8: {  	v21 =	vld [tilespmem:s24+$0x8020];
	v18 =	vadd.s32 v22, v18  }
0x1e9: {  	v22 =	vld [tilespmem:s24+$0x8820];
	v18 =	vadd.s32 v23, v18  }
0x1ea: {  	v17 =	vadd.s32 v24, v17;
	v23 =	vld [tilespmem:s24+$0x9010];
	[tilespmem:s24+$0x10030] =	vst v18  }
0x1eb: {  	v16 =	vadd.s32 v16, v17;
	v17 =	vld [tilespmem:s24+$0x9020]  }
0x1ec: {  	v15 =	vadd.s32 v15, v16;
	v16 =	vadd.s32 v19, v20;
	v18 =	vld [tilespmem:s24+$0x9810]  }
0x1ed: {  	v14 =	vadd.s32 v14, v15;
	v15 =	vld [tilespmem:s24+$0x9820]  }
0x1ee: {  	v13 =	vadd.s32 v13, v14;
	v14 =	vld [tilespmem:s24+$0xA010];
	v19 =	vadd.s32 v21, v22  }
0x1ef: {  	v12 =	vadd.s32 v12, v13;
	v13 =	vadd.s32 v23, v16;
	v16 =	vld [tilespmem:s24+$0xA020]  }
0x1f0: {  	v11 =	vadd.s32 v11, v12;
	v12 =	vld [tilespmem:s24+$0xA810];
	v17 =	vadd.s32 v17, v19  }
0x1f1: {  	v10 =	vadd.s32 v10, v11;
	v11 =	vadd.s32 v18, v13;
	v13 =	vld [tilespmem:s24+$0xA820]  }
0x1f2: {  	v7 =	vadd.s32 v7, v10;
	v10 =	vld [tilespmem:s24+$0xB010];
	v15 =	vadd.s32 v15, v17  }
0x1f3: {  	v7 =	vadd.s32 v9, v7;
	v9 =	vadd.s32 v14, v11;
	v11 =	vld [tilespmem:s24+$0xB020]  }
0x1f4: {  	v7 =	vadd.s32 v8, v7;
	v8 =	vld [tilespmem:s24+$0xB810];
	v14 =	vadd.s32 v16, v15  }
0x1f5: {  	v6 =	vadd.s32 v6, v7;
	v7 =	vadd.s32 v12, v9;
	v9 =	vld [tilespmem:s24+$0xB820]  }
0x1f6: {  	v5 =	vadd.s32 v5, v6;
	v6 =	vld [tilespmem:s24+$0xC010];
	v12 =	vadd.s32 v13, v14  }
0x1f7: {  	v4 =	vadd.s32 v4, v5;
	v5 =	vadd.s32 v10, v7;
	v7 =	vld [tilespmem:s24+$0xC020]  }
0x1f8: {  	v3 =	vadd.s32 v3, v4;
	v4 =	vld [tilespmem:s24+$0xC810];
	v10 =	vadd.s32 v11, v12  }
0x1f9: {  	[tilespmem:s24+$0x10000] =	vst v3;
	v3 =	vadd.s32 v8, v5;
	v5 =	vld [tilespmem:s24+$0xC820]  }
0x1fa: {  	v8 =	vld [tilespmem:s24+$0xD010];
	v9 =	vadd.s32 v9, v10  }
0x1fb: {  	v3 =	vadd.s32 v6, v3;
	v6 =	vld [tilespmem:s24+$0xD020]  }
0x1fc: {  	v10 =	vld [tilespmem:s24+$0xD810];
	v7 =	vadd.s32 v7, v9  }
0x1fd: {  	v3 =	vadd.s32 v4, v3;
	v9 =	vld [tilespmem:s24+$0xD820]  }
0x1fe: {  	v11 =	vld [tilespmem:s24+$0xE010];
	v4 =	vadd.s32 v5, v7  }
0x1ff: {  	v5 =	vadd.s32 v8, v3;
	v12 =	vld [tilespmem:s24+$0xE020]  }
.Ltmp9:
0x200: {  	v3 =	vld [tilespmem:s24+$0xE810];
	v6 =	vadd.s32 v6, v4;
	(pc) =	sbr.rel @p0 .LBB2_20-.Ltmp9, $4  }
0x201: {  	v7 =	vadd.s32 v10, v5;
	v4 =	vld [tilespmem:s24+$0xE820]  }
0x202: {  	v5 =	vld [tilespmem:s24+$0xF010];
	v9 =	vadd.s32 v9, v6  }
0x203: {  	v8 =	vadd.s32 v11, v7;
	v6 =	vld [tilespmem:s24+$0xF020]  }
0x204: {  	s26 =	sadd.s32 $0x40, s26;
	v7 =	vld [tilespmem:s24+$0xF810];
	v9 =	vadd.s32 v12, v9  }
0x205: {  	v10 =	vld [tilespmem:s24+$0xF820];
	_ =	sdelay $0x1  }
0x206: {  	v3 =	vadd.s32 v3, v8  }
0x207: {  	v4 =	vadd.s32 v4, v9;
	v3 =	vadd.s32 v5, v3  }
0x208: {  	v4 =	vadd.s32 v6, v4;
	v3 =	vadd.s32 v7, v3  }
0x209: {  	[tilespmem:s24+$0x10010] =	vst v3;
	v3 =	vadd.s32 v10, v4  }
0x20a: {  	[tilespmem:s24+$0x10020] =	vst v3  }
0x20b: {  	[spmem:s8] =	stream.strided.scatter [tilespmem:s18], [sflag:$0x3], $0x800, s13, s17, $0x38;
	[tilespmem:$0x11880] =	vst v63  }
0x20c: {  	_ =	swait.ge [sflag:s19], $0x800  }
0x20d: {  	[sflag:s19] =	ssyncset.done $0x0  }
0x20e: {  	[sflag:s19] =	ssyncadd.s32 $0xFFFFF800  }
0x20f: {  	[bflag:$0x0] =	sbarrier.arrive $0xFFFF  }
0x210: {  	[tilespmem:s20], [sflag:$0x3] =	stream.strided.gather [spmem:s9], $0x800, s14, s13, $0x38;
	[tilespmem:$0x11880] =	vst v63  }
0x211: {  	_ =	swait.ge [sflag:s19], $0x800  }
0x212: {  	[sflag:s19] =	ssyncset.done $0x0  }
0x213: {  	s23 =	simm.s32 $0x0;
	p0 =	por $0x1, $0x1;
	[sflag:s19] =	ssyncadd.s32 $0xFFFFF800  }
.LBB2_22:
0x214: {  	v3 =	vld [tilespmem:s23+$0x10800]  }
0x215: {  	v4 =	vld [tilespmem:s23+$0x10880]  }
0x216: {  	v5 =	vld [tilespmem:s23+$0x10900]  }
0x217: {  	v6 =	vld [tilespmem:s23+$0x10980]  }
0x218: {  	v7 =	vld [tilespmem:s23+$0x10A00]  }
0x219: {  	v8 =	vld [tilespmem:s23+$0x10A80]  }
0x21a: {  	v9 =	vld [tilespmem:s23+$0x10B00]  }
0x21b: {  	v10 =	vld [tilespmem:s23+$0x10B80]  }
0x21c: {  	v11 =	vld [tilespmem:s23+$0x10C00]  }
0x21d: {  	v12 =	vld [tilespmem:s23+$0x10C80]  }
0x21e: {  	v13 =	vld [tilespmem:s23+$0x10D00]  }
0x21f: {  	v14 =	vld [tilespmem:s23+$0x10D80]  }
0x220: {  	v15 =	vld [tilespmem:s23+$0x10E00]  }
0x221: {  	v16 =	vld [tilespmem:s23+$0x10E80]  }
0x222: {  	v17 =	vld [tilespmem:s23+$0x10F00]  }
0x223: {  	v18 =	vld [tilespmem:s23+$0x10F80]  }
0x224: {  	v19 =	vld [tilespmem:s23+$0x10810]  }
0x225: {  	v20 =	vld [tilespmem:s23+$0x10890]  }
0x226: {  	v21 =	vld [tilespmem:s23+$0x10910]  }
0x227: {  	v22 =	vld [tilespmem:s23+$0x10990]  }
0x228: {  	v23 =	vld [tilespmem:s23+$0x10A10]  }
0x229: {  	v24 =	vld [tilespmem:s23+$0x10A90]  }
0x22a: {  	v25 =	vld [tilespmem:s23+$0x10B10]  }
0x22b: {  	v26 =	vld [tilespmem:s23+$0x10B90]  }
0x22c: {  	v27 =	vld [tilespmem:s23+$0x10C10]  }
0x22d: {  	v28 =	vld [tilespmem:s23+$0x10C90]  }
0x22e: {  	v29 =	vld [tilespmem:s23+$0x10D10]  }
0x22f: {  	v30 =	vld [tilespmem:s23+$0x10D90]  }
0x230: {  	v31 =	vld [tilespmem:s23+$0x10E10]  }
0x231: {  	v32 =	vld [tilespmem:s23+$0x10E90]  }
0x232: {  	v33 =	vld [tilespmem:s23+$0x10F10]  }
0x233: {  	v34 =	vld [tilespmem:s23+$0x10F90]  }
0x234: {  	v35 =	vld [tilespmem:s23+$0x10820]  }
0x235: {  	v36 =	vld [tilespmem:s23+$0x108A0]  }
0x236: {  	v37 =	vld [tilespmem:s23+$0x10920]  }
0x237: {  	v38 =	vld [tilespmem:s23+$0x109A0]  }
0x238: {  	v39 =	vld [tilespmem:s23+$0x10A20]  }
0x239: {  	v40 =	vld [tilespmem:s23+$0x10AA0]  }
0x23a: {  	v41 =	vld [tilespmem:s23+$0x10B20]  }
0x23b: {  	v57 =	vld [tilespmem:s23+$0x10BA0]  }
0x23c: {  	v58 =	vld [tilespmem:s23+$0x10C20];
	v3 =	vadd.s32 v3, v4  }
0x23d: {  	v59 =	vld [tilespmem:s23+$0x10CA0];
	v3 =	vadd.s32 v5, v3  }
0x23e: {  	v60 =	vld [tilespmem:s23+$0x10D20];
	v3 =	vadd.s32 v6, v3  }
0x23f: {  	v61 =	vld [tilespmem:s23+$0x10DA0];
	v3 =	vadd.s32 v7, v3  }
0x240: {  	v62 =	vld [tilespmem:s23+$0x10E20];
	v3 =	vadd.s32 v8, v3  }
0x241: {  	v63 =	vld [tilespmem:s23+$0x10FA0];
	v3 =	vadd.s32 v9, v3  }
0x242: {  	v42 =	vld [tilespmem:s23+$0x10830];
	v3 =	vadd.s32 v10, v3  }
0x243: {  	v43 =	vld [tilespmem:s23+$0x108B0];
	v3 =	vadd.s32 v11, v3  }
0x244: {  	v44 =	vld [tilespmem:s23+$0x10930];
	v3 =	vadd.s32 v12, v3  }
0x245: {  	v45 =	vld [tilespmem:s23+$0x109B0];
	v3 =	vadd.s32 v13, v3  }
0x246: {  	v47 =	vld [tilespmem:s23+$0x10A30];
	v3 =	vadd.s32 v14, v3  }
0x247: {  	v49 =	vld [tilespmem:s23+$0x10AB0];
	v3 =	vadd.s32 v15, v3  }
0x248: {  	v50 =	vld [tilespmem:s23+$0x10B30];
	v46 =	vadd.s32 v19, v20;
	v48 =	vadd.s32 v35, v36;
	v3 =	vadd.s32 v16, v3  }
0x249: {  	v51 =	vld [tilespmem:s23+$0x10BB0];
	v13 =	vadd.s32 v42, v43;
	v3 =	vadd.s32 v17, v3;
	v17 =	vadd.s32 v21, v46  }
0x24a: {  	v52 =	vld [tilespmem:s23+$0x10C30];
	v3 =	vadd.s32 v18, v3;
	v17 =	vadd.s32 v22, v17;
	v18 =	vadd.s32 v37, v48  }
0x24b: {  	v53 =	vld [tilespmem:s23+$0x10CB0];
	v13 =	vadd.s32 v44, v13;
	v17 =	vadd.s32 v23, v17;
	v18 =	vadd.s32 v38, v18  }
0x24c: {  	v54 =	vld [tilespmem:s23+$0x10D30];
	v13 =	vadd.s32 v45, v13;
	v17 =	vadd.s32 v24, v17;
	v18 =	vadd.s32 v39, v18  }
0x24d: {  	v55 =	vld [tilespmem:s23+$0x10DB0];
	v13 =	vadd.s32 v47, v13;
	v17 =	vadd.s32 v25, v17;
	v18 =	vadd.s32 v40, v18  }
0x24e: {  	v10 =	vld [tilespmem:s23+$0x10EA0];
	v13 =	vadd.s32 v49, v13;
	v17 =	vadd.s32 v26, v17;
	v18 =	vadd.s32 v41, v18  }
0x24f: {  	v11 =	vld [tilespmem:s23+$0x10F20];
	v13 =	vadd.s32 v50, v13;
	v17 =	vadd.s32 v27, v17;
	v4 =	vadd.s32 v57, v18  }
0x250: {  	v56 =	vadd.s32 v51, v13;
	v57 =	vld [tilespmem:s23+$0x10E30];
	v17 =	vadd.s32 v28, v17;
	v4 =	vadd.s32 v58, v4  }
0x251: {  	v5 =	vadd.s32 v52, v56;
	v58 =	vadd.s32 v29, v17;
	v4 =	vadd.s32 v59, v4;
	v59 =	vld [tilespmem:s23+$0x10EB0]  }
0x252: {  	v5 =	vadd.s32 v53, v5;
	v15 =	vadd.s32 v30, v58;
	v4 =	vadd.s32 v60, v4;
	v60 =	vld [tilespmem:s23+$0x10F30]  }
0x253: {  	v5 =	vadd.s32 v54, v5;
	v15 =	vadd.s32 v31, v15;
	v4 =	vadd.s32 v61, v4;
	v61 =	vld [tilespmem:s23+$0x10FB0]  }
0x254: {  	p1 =	por p0, p0;
	v5 =	vadd.s32 v55, v5;
	v15 =	vadd.s32 v32, v15;
	v4 =	vadd.s32 v62, v4  }
.Ltmp10:
0x255: {  	v5 =	vadd.s32 v57, v5;
	v62 =	vadd.s32 v33, v15;
	v4 =	vadd.s32 v10, v4;
	(pc) =	sbr.rel @p1 .LBB2_22-.Ltmp10, $4  }
0x256: {  	[tilespmem:s23+$0x11000] =	vst v3;
	v3 =	vadd.s32 v34, v62;
	v4 =	vadd.s32 v11, v4;
	v5 =	vadd.s32 v59, v5  }
0x257: {  	[tilespmem:s23+$0x11010] =	vst v3;
	v3 =	vadd.s32 v63, v4;
	v63 =	vadd.s32 v60, v5  }
0x258: {  	[tilespmem:s23+$0x11020] =	vst v3;
	v3 =	vadd.s32 v61, v63  }
0x259: {  	p0 =	por $0x0, $0x0;
	[tilespmem:s23+$0x11030] =	vst v3;
	s23 =	simm.s32 $0x40  }
0x25a: {  	s22 =	sadd.s32 $0x1, s22  }
0x25b: {  	p0 =	sne.s32 s22, s11  }
.Ltmp11:
0x25c: {  	_ = 	snop;
	(pc) =	sbr.rel @p0 .LBB2_1-.Ltmp11, $4  }
0x25d: {  	[hbm4b:s10+s2] =	stream.linear.scatter [tilespmem:s21], [sflag:$0x3], $0x80, $0x38;
	[tilespmem:$0x11880] =	vst v63  }
0x25e: {  	_ =	swait.ge [sflag:s19], $0x80  }
0x25f: {  	[sflag:s19] =	ssyncset.done $0x0  }
0x260: {  	[sflag:s19] =	ssyncadd.s32 $0xFFFFFF80  }
0x261: {  	_ =	sfence.sel $0x180000  }
0x262: {  	[bflag:$0x0] =	sbarrier.arrive $0xFFFF  }
0x263: {  	p0 =	sne.s32 s0, $0x0;
	_ =	strace $0x90000047  }
0x264: {  	s0 =	sadd.s32 @!p0 $0x100000, s1;
	[bflag:$0x2] =	sbarrier.arrive $0xFFFF  }
0x265: {  	[sflag:s0] =	ssyncadd.tile.s32 @!p0 $0x1;
	_ =	shalt  }
.Lfunc_end2:
_tile_overlayer_lowered:
.L_overlay_start_2:
0x266: {  	(tag) =	ssettag $0x2  }
0x267: {  	s0 =	rddreg [dreg:$0x0];
	s2 =	stileid.u32  }
0x268: {  	s1 =	rddreg [dreg:$0x1];
	p0 =	sne.s32 s2, $0x0  }
0x269: {  	s3 =	rddreg [dreg:$0x2];
	[bflag:$0x3] =	sbarrier.arrive $0xFFFF;
	s2 =	simm.s32 @!p0 $0x1C03  }
0x26a: {  	[timem:s3], [sflag:s2] =	dma.local @!p0 [hbm:s0], s1  }
0x26b: {  	s0 =	simm.s32 @!p0 $0x3  }
0x26c: {  	_ =	swait.ge @!p0 [sflag:s0], s1  }
0x26d: {  	s1 =	ssub.s32 @!p0 $0x0, s1;
	[sflag:s0] =	ssyncset.done @!p0 $0x0  }
0x26e: {  	[sflag:s0] =	ssyncadd.s32 @!p0 s1  }
0x26f: {  	[bflag:$0x3] =	sbarrier.arrive $0xFFFF  }
0x270: {  	_ =	shalt  }

// kernel: kernel.8.cloned.1.call-start
scs
__scs_entry_jumppad:
0x0: {  	(pc) =	sbr.rel $0x88, $3  }
0x1: {  	(tag) =	ssettag $0x0;
	lr =	simm.s32 $0x1  }
0x2: {  	[smem:$0x3FA0] =	sst lr;
	_ =	strace $0xD0000000  }
0x3: {  	_ = 	snop  }
0x4: {  	_ = 	snop  }
0x5: {  	_ = 	snop  }
0x6: {  	_ = 	snop  }
0x7: {  	_ = 	snop  }
__scs_overlays_trampoline_lowered:
0x8: {  	[smem:$0x3FAF] =	sst s0  }
0x9: {  	[smem:$0x3FB0] =	sst s1  }
0xa: {  	[smem:$0x3FB1] =	sst s2  }
0xb: {  	[smem:$0x3FB2] =	sst s3  }
0xc: {  	[smem:$0x3FB3] =	sst s4  }
0xd: {  	[smem:$0x3FB4] =	sst s5  }
0xe: {  	[smem:$0x3FB5] =	sst s6  }
0xf: {  	[smem:$0x3FB6] =	sst s7  }
0x10: {  	[smem:$0x3FB7] =	sst s8  }
0x11: {  	[smem:$0x3FB8] =	sst s9;
	s0 =	simm.s32 @!p0 $0x0  }
0x12: {  	s1 =	sld [smem:$0x3F9E];
	s0 =	simm.s32 @p0 $0x1  }
0x13: {  	[smem:$0x3FB9] =	sst s0;
	s0 =	simm.s32 @!p1 $0x0  }
0x14: {  	s2 =	sld [smem:$0x3F9D];
	s0 =	simm.s32 @p1 $0x1  }
0x15: {  	[smem:$0x3FBA] =	sst s0;
	s0 =	simm.s32 @!p2 $0x0  }
0x16: {  	s3 =	sld [smem:$0x3FDB];
	s0 =	simm.s32 @p2 $0x1  }
0x17: {  	s4 =	simm.s32 $0x1BF5;
	[smem:$0x3FBC] =	sst s0  }
0x18: {  	s0 =	sld [smem:$0x3F9F];
	_ =	swait.ge [sflag:s4], $0x0  }
0x19: {  	s7 =	sld [smem:$0x3FA0]  }
0x1a: {  	s8 =	sadd.s32 $0xFFFFE003, lr  }
0x1b: {  	s9 =	sadd.s32 $0xFFFFFEF7, lr;
	s5 =	simm.s32 $0xFFFFFFFF;
	p2 =	slt.u32 s8, $0xFFFFF086  }
0x1c: {  	p1 =	slt.u32 s9, $0xF7A;
	s5 =	simm.s32 @!p2 $0x0  }
0x1d: {  	s5 =	simm.s32 @p1 $0x1;
	p0 =	seq.s32 s7, s2  }
0x1e: {  	s7 =	smul.u32 @!p0 $0xF7A, s2;
	p2 =	seq.s32 @!p0 s5, $0x0  }
0x1f: {  	s9 =	smul.u32 $0xF7A, s1;
	s8 =	simm.s32 @!p0 $0x1BF5;
	p2 =	por !p2, p0  }
0x20: {  	[sflag:s8] =	ssyncset.s32 @!p0 $0xFFFFF086;
	s6 =	sadd.s32 @!p0 s3, s7;
	s7 =	simm.s32 @!p0 $0x108  }
0x21: {  	s3 =	sadd.s32 s3, s9;
	s6 =	sadd.s32 @!p0 $0x88, s6;
	s7 =	simm.s32 @p2 $0x1082  }
0x22: {  	[simem:s7], [sflag:s8] =	dma.local @!p0 [hbm:s6], $0xF7A  }
0x23: {  	s9 =	sor.u32 $0xD0000000, s2;
	s6 =	simm.s32 $0x108;
	_ =	swait.ge @!p0 [sflag:s8], $0x0  }
0x24: {  	s3 =	sadd.s32 $0x88, s3;
	s6 =	simm.s32 @!p1 $0x1082;
	[sflag:s4] =	ssyncset.s32 $0xFFFFF086  }
0x25: {  	[simem:s6], [sflag:s4] =	dma.local [hbm:s3], $0xF7A  }
0x26: {  	[smem:$0x3FA0] =	sst s1;
	(tag) =	ssettag s2;
	_ =	strace s9  }
0x27: {  	s1 =	sld [smem:$0x3FB0]  }
0x28: {  	s2 =	sld [smem:$0x3FB1]  }
0x29: {  	s4 =	sld [smem:$0x3FB3]  }
0x2a: {  	p0 =	seq.s32 s5, $0x0;
	s5 =	sld [smem:$0x3FB4]  }
0x2b: {  	s6 =	sld [smem:$0x3FB5]  }
0x2c: {  	s7 =	sld [smem:$0x3FB6]  }
0x2d: {  	s3 =	simm.s32 $0x108;
	s8 =	sld [smem:$0x3FB7]  }
0x2e: {  	s3 =	simm.s32 @!p0 $0x1082;
	s9 =	sld [smem:$0x3FB8]  }
0x2f: {  	lr =	sadd.s32 s0, s3;
	s0 =	sld [smem:$0x3FAF]  }
0x30: {  	s3 =	sld [smem:$0x3FB2]  }
0x31: {  	[smem:$0x3FBB] =	sst s10  }
0x32: {  	s10 =	sld [smem:$0x3FB9];
	_ =	sdelay $0x3  }
0x33: {  	p0 =	seq.s32 s10, $0x1;
	s10 =	sld [smem:$0x3FBB];
	_ =	sdelay $0x3  }
0x34: {  	[smem:$0x3FBB] =	sst s10  }
0x35: {  	s10 =	sld [smem:$0x3FBA];
	_ =	sdelay $0x3  }
0x36: {  	p1 =	seq.s32 s10, $0x1;
	s10 =	sld [smem:$0x3FBB];
	_ =	sdelay $0x3  }
0x37: {  	[smem:$0x3FBB] =	sst s10  }
0x38: {  	s10 =	sld [smem:$0x3FBC]  }
0x39: {  	_ = 	snop;
	(pc) =	sbr.ind lr, $3  }
0x3a: {  	_ = 	snop  }
0x3b: {  	_ = 	snop  }
0x3c: {  	p2 =	seq.s32 s10, $0x1;
	s10 =	sld [smem:$0x3FBB]  }
0x3d: {  	_ =	shalt  }
0x3e: {  	_ =	shalt  }
0x3f: {  	_ =	shalt  }
0x40: {  	_ =	shalt  }
0x41: {  	_ =	shalt  }
0x42: {  	_ =	shalt  }
0x43: {  	_ =	shalt  }
0x44: {  	_ =	shalt  }
0x45: {  	_ =	shalt  }
0x46: {  	_ =	shalt  }
0x47: {  	_ =	shalt  }
0x48: {  	_ =	shalt  }
0x49: {  	_ =	shalt  }
0x4a: {  	_ =	shalt  }
0x4b: {  	_ =	shalt  }
0x4c: {  	_ =	shalt  }
0x4d: {  	_ =	shalt  }
0x4e: {  	_ =	shalt  }
0x4f: {  	_ =	shalt  }
0x50: {  	_ =	shalt  }
0x51: {  	_ =	shalt  }
0x52: {  	_ =	shalt  }
0x53: {  	_ =	shalt  }
0x54: {  	_ =	shalt  }
0x55: {  	_ =	shalt  }
0x56: {  	_ =	shalt  }
0x57: {  	_ =	shalt  }
0x58: {  	_ =	shalt  }
0x59: {  	_ =	shalt  }
0x5a: {  	_ =	shalt  }
0x5b: {  	_ =	shalt  }
0x5c: {  	_ =	shalt  }
0x5d: {  	_ =	shalt  }
0x5e: {  	_ =	shalt  }
0x5f: {  	_ =	shalt  }
0x60: {  	_ =	shalt  }
0x61: {  	_ =	shalt  }
0x62: {  	_ =	shalt  }
0x63: {  	_ =	shalt  }
0x64: {  	_ =	shalt  }
0x65: {  	_ =	shalt  }
0x66: {  	_ =	shalt  }
0x67: {  	_ =	shalt  }
0x68: {  	_ =	shalt  }
0x69: {  	_ =	shalt  }
0x6a: {  	_ =	shalt  }
0x6b: {  	_ =	shalt  }
0x6c: {  	_ =	shalt  }
0x6d: {  	_ =	shalt  }
0x6e: {  	_ =	shalt  }
0x6f: {  	_ =	shalt  }
0x70: {  	_ =	shalt  }
0x71: {  	_ =	shalt  }
0x72: {  	_ =	shalt  }
0x73: {  	_ =	shalt  }
0x74: {  	_ =	shalt  }
0x75: {  	_ =	shalt  }
0x76: {  	_ =	shalt  }
0x77: {  	_ =	shalt  }
0x78: {  	_ =	shalt  }
0x79: {  	_ =	shalt  }
0x7a: {  	_ =	shalt  }
0x7b: {  	_ =	shalt  }
0x7c: {  	_ =	shalt  }
0x7d: {  	_ =	shalt  }
0x7e: {  	_ =	shalt  }
0x7f: {  	_ =	shalt  }
0x80: {  	_ =	shalt  }
0x81: {  	_ =	shalt  }
0x82: {  	_ =	shalt  }
0x83: {  	_ =	shalt  }
0x84: {  	_ =	shalt  }
0x85: {  	_ =	shalt  }
0x86: {  	_ =	shalt  }
0x87: {  	_ =	shalt  }
.Lfunc_end0:
.L_simem_size_0:
called_computation.1_lowered:
.L_overlay_start_0:
0x88: {  	s2 =	sld [smem:$0x3FD9]  }
0x89: {  	s3 =	sld [smem:$0x3FFE];
	_ =	sdelay $0x1  }
0x8a: {  	s1 =	srdreg.scid  }
0x8b: {  	s0 =	sand.u32 $0x1, s1  }
0x8c: {  	s17 =	sshll.u32 s0, $0xA;
	s2 =	sadd.s32 s3, s2  }
0x8d: {  	s2 =	sadd.s32 s2, s17  }
0x8e: {  	[smem:$0x3FC7] =	sst s2  }
0x8f: {  	_ = 	snop  }
0x90: {  	s2 =	sld [smem:$0x3FC9];
	(tm) =	ssettm $0x1  }
0x91: {  	s18 =	sld [smem:$0x3FFB];
	_ =	sdelay $0x3  }
0x92: {  	_ =	strace s18  }
0x93: {  	s3 =	sld [smem:$0x3FFC];
	_ =	sdelay $0x3  }
0x94: {  	_ =	strace s3  }
0x95: {  	s3 =	sld [smem:$0x3FFD];
	_ =	sdelay $0x3  }
0x96: {  	_ =	strace s3  }
0x97: {  	_ =	strace $0x8FFFFFFF  }
0x98: {  	s19 =	sld [smem:$0x3FDB];
	_ =	sdelay $0x1  }
0x99: {  	s4 =	simm.s32 $_scs_section_size  }
0x9a: {  	s5 =	simm.s32 $_size__tile_overlayer_lowered;
	s6 =	simm.s32 $_tile_overlayer_lowered  }
0x9b: {  	s22 =	simm.s32 $0x1BFF;
	s21 =	sshll.u32 s6, $0x1;
	s3 =	sadd.s32 s4, s19  }
0x9c: {  	s7 =	simm.s32 $0x0;
	s20 =	sshll.u32 s5, $0x1;
	s5 =	sadd.s32 s21, s3  }
0x9d: {  	[timem:s7], [sflag:s22] =	dma.local [hbm:s5], s20  }
0x9e: {  	_ =	swait.ge [sflag:s22], s20  }
0x9f: {  	s4 =	ssub.s32 $0x0, s20;
	[sflag:s22] =	ssyncset.done $0x0  }
0xa0: {  	[sflag:s22] =	ssyncadd.s32 s4;
	_ =	sdelay $0x1  }
0xa1: {  	s23 =	simm.s32 $0x1B8B  }
0xa2: {  	_ =	swait.ge [sflag:s23], $0x1  }
0xa3: {  	[sflag:s23] =	ssyncset.done $0x0  }
0xa4: {  	s25 =	simm.s32 $0x1B8E;
	s24 =	sld [smem:$0x3FFE];
	[sflag:s23] =	ssyncadd.s32 $0xFFFFFFFF  }
0xa5: {  	s26 =	simm.s32 $execute0_lowered;
	[smem:$0x3FD2] =	sst s25  }
0xa6: {  	s5 =	sshll.u32 s26, $0x1;
	_ =	strace $0x80000049;
	[dreg:$0x1] =	wrdreg $0xFFFFFFFF  }
0xa7: {  	s28 =	simm.s32 $_size_execute0_lowered;
	s3 =	sadd.s32 s3, s5;
	[dreg:$0x0] =	wrdreg $0x0  }
0xa8: {  	s5 =	sshll.u32 s28, $0x1;
	[dreg:$0x2] =	wrdreg s3  }
0xa9: {  	[dreg:$0x3] =	wrdreg s5  }
0xaa: {  	[dreg:$0x4] =	wrdreg $0xC0  }
0xab: {  	_ =	task [dreg:s7], $0x5FFFF  }
0xac: {  	[dreg:$0x1] =	wrdreg $0xFFFFFFFF  }
0xad: {  	[dreg:$0x0] =	wrdreg $0x60  }
0xae: {  	[dreg:$0x2] =	wrdreg s2  }
0xaf: {  	[dreg:$0x3] =	wrdreg s24  }
0xb0: {  	[dreg:$0x4] =	wrdreg $0x9  }
0xb1: {  	_ =	task.clear_ibuf [dreg:s7], $0x5FFFF;
	_ =	strace $0x90000049  }
0xb2: {  	s29 =	simm.s32 $0x9;
	_ =	strace $0x8000004B  }
0xb3: {  	_ =	swait.ge [sflag:s29], $0x1  }
0xb4: {  	[sflag:s29] =	ssyncadd.s32 $0xFFFFFFFF  }
0xb5: {  	_ =	strace $0x9000004B  }
0xb6: {  	_ =	sfence  }
0xb7: {  	s30 =	sld [smem:$0x0];
	_ =	sdelay $0x2  }
0xb8: {  	s31 =	sshll.u32 s1, $0xD;
	s1 =	sshrl.u32 s1, $0x2  }
0xb9: {  	s3 =	sand.u32 $0x4000, s31;
	s1 =	sadd.s32 s1, s30  }
0xba: {  	s0 =	sor.u32 s3, s0;
	s1 =	sshll.u32 s1, $0x11  }
0xbb: {  	s0 =	sor.u32 s1, s0  }
0xbc: {  	s0 =	sadd.s32 $0x8F2B, s0  }
0xbd: {  	[sflag:s0] =	ssyncadd.remote.s32 $0x1  }
0xbe: {  	_ =	sfence.sel $0xFFFF  }
0xbf: {  	[dreg:$0x0] =	wrdreg $0xFFFFFFFF;
	(pc) =	sbr.abs _section_cstart, $3  }
0xc0: {  	[dreg:$0x1] =	wrdreg $0xFFFFFFFF  }
0xc1: {  	_ =	task.clear_ibuf [dreg:s7], $0x2FFFF;
	_ =	strace $0x9FFFFFFF  }
0xc2: {  	(tm) =	ssettm $0x7FFFFFFF  }
0xc3: {  	_ =	shalt  }
tec
execute0_lowered:
.L_overlay_start_1:
0x0: {  	(tag) =	ssettag $0x1  }
0x1: {  	s0 =	rddreg [dreg:$0x0]  }
0x2: {  	s1 =	rddreg [dreg:$0x1];
	s2 =	srdreg.scid  }
0x3: {  	s7 =	stileid.u32;
	s9 =	simm.s32 $0x1;
	s13 =	simm.s32 $0x100  }
0x4: {  	s14 =	simm.s32 $0x400;
	s16 =	simm.s32 $0x3;
	s17 =	simm.s32 $0x4000  }
0x5: {  	s18 =	simm.s32 $0x8000;
	s19 =	simm.s32 $0x10100;
	s20 =	simm.s32 $0x2  }
0x6: {  	s21 =	simm.s32 $0x80;
	s24 =	simm.s32 $0x1A200;
	s25 =	simm.s32 $0x0  }
0x7: {  	s4 =	sand.u32 $0x1, s2;
	s2 =	simm.s32 $0x0;
	s6 =	sand.u32 $0x3, s7  }
0x8: {  	s3 =	sshll.u32 s4, $0x4;
	[smem:$0x7FF] =	sst s2;
	p1 =	sne.s32 s6, $0x0  }
0x9: {  	s6 =	sshll.u32 s6, $0x10;
	s4 =	ssub.s32 $0x2, s4;
	s3 =	sor.u32 s7, s3  }
0xa: {  	_ =	strace $0x8000004A;
	s7 =	sshll.u32 s7, $0x7;
	s31 =	sshrl.u32 s4, $0x1  }
0xb: {  	s5 =	sshrl.u32 s3, $0x3;
	p0 =	seq.s32 s3, $0x0;
	s7 =	sand.u32 $0x380, s7  }
0xc: {  	s10 =	sshrl.u32 s3, $0x2;
	s3 =	sadd.s32 $0x1400, s1;
	p0 =	por !p1, !p0  }
0xd: {  	s12 =	ssub.s32 s4, s31;
	s8 =	sshll.u32 s5, $0xE;
	p0 =	por !p0, !p0  }
0xe: {  	s5 =	sshll.u32 s5, $0xA;
	s8 =	sor.u32 s7, s8;
	s9 =	simm.s32 @!p0 $0x0  }
0xf: {  	s5 =	sor.u32 s7, s5;
	s8 =	sshrl.u32 s8, $0x3;
	s30 =	ssub.s32 s10, s9  }
0x10: {  	v0 =	vlaneseq.u32;
	s5 =	sshrl.u32 s5, $0x3;
	s11 =	sadd.s32 s8, s1;
	s8 =	sshll.u32 s30, $0x12  }
0x11: {  	v3 =	vmul.u32 $0xFFFFFFFF, v0;
	s12 =	smax.u32 s12, $0x1;
	s1 =	sadd.s32 s5, s1;
	s6 =	sor.u32 s6, s8  }
0x12: {  	v0 =	vmul.u32 $0x810, v0;
	s5 =	simm.s32 $0x1;
	s9 =	sadd.s32 $0x1600, s11;
	s6 =	sshrl.u32 s6, $0x3  }
0x13: {  	v1 =	vimm.s32 $0x0;
	v3 =	vadd.s32 $0xF, v3;
	s10 =	sadd.s32 $0x3600, s11;
	s11 =	sadd.s32 $0x5600, s1;
	s4 =	sadd.s32 s0, s6  }
0x14: {  	v2 =	vimm.f32 $0.0e+00;
	v5 =	vimm.s32 $0x1;
	v4 =	vadd.s32 $0x800, v0;
	[tilespmem:$0x1FFF0] =	vst v3;
	s6 =	sadd.s32 $0x20, s4;
	s7 =	sadd.s32 $0x40, s4;
	s8 =	sadd.s32 $0x60, s4  }
.LBB2_1:
0x15: {  	[tilespmem:s2], [sflag:$0x1] =	stream.strided.gather [hbm4b:s4+s13], $0x4000, s14, s13, $0x38;
	[tilespmem:$0x1A280] =	vst v63  }
0x16: {  	s0 =	simm.s32 $0x19200  }
0x17: {  	[tilespmem:s0], [sflag:$0x3] =	stream.linear.gather [hbm4b:s3+s2], $0x1000, $0x38;
	[tilespmem:$0x1A280] =	vst v63  }
0x18: {  	_ =	swait.ge [sflag:s16], $0x1000  }
0x19: {  	[sflag:s16] =	ssyncset.done $0x0  }
0x1a: {  	s31 =	simm.s32 $0x8040;
	[sflag:s16] =	ssyncadd.s32 $0xFFFFF000  }
0x1b: {  	[tilespmem:s31+$0x30] =	vst v1  }
0x1c: {  	[tilespmem:s31+$0xFFFFFFF0] =	vst v1  }
0x1d: {  	[tilespmem:s31+$0xFFFFFFC0] =	vst v1  }
0x1e: {  	[tilespmem:s31+$0xFFFFFFE0] =	vst v1  }
0x1f: {  	[tilespmem:s31+$0x10] =	vst v1  }
0x20: {  	[tilespmem:s31+$0x20] =	vst v1  }
0x21: {  	[tilespmem:s31+$0x0] =	vst v1  }
0x22: {  	s30 =	simm.s32 $0x10140;
	[tilespmem:s31+$0xFFFFFFD0] =	vst v1  }
0x23: {  	[tilespmem:s30+$0xFFFFFFC0] =	vst v2  }
0x24: {  	[tilespmem:s30+$0x30] =	vst v2  }
0x25: {  	[tilespmem:s30+$0x20] =	vst v2  }
0x26: {  	[tilespmem:s30+$0x10] =	vst v2  }
0x27: {  	[tilespmem:s30+$0xFFFFFFE0] =	vst v2  }
0x28: {  	s1 =	simm.s32 $0x0;
	s29 =	simm.s32 $0x7F;
	[tilespmem:s30+$0x0] =	vst v2  }
0x29: {  	s26 =	simm.s32 $0xFFFFFFFF;
	s15 =	simm.s32 $0x7F0;
	s0 =	simm.s32 $0xFE0;
	[tilespmem:s30+$0xFFFFFFF0] =	vst v2  }
.LBB2_2:
0x2a: {  	s1 =	sadd.s32 $0x8, s1;
	[tilespmem:s30+$0xFFFFFFD0] =	vst v2;
	s31 =	sadd.s32 $0x80, s31;
	s30 =	sadd.s32 $0x80, s30  }
0x2b: {  	[tilespmem:s31+$0x30] =	vst v1;
	p0 =	slt.u32 s1, $0x808  }
0x2c: {  	[tilespmem:s31+$0xFFFFFFF0] =	vst v1  }
0x2d: {  	[tilespmem:s31+$0xFFFFFFC0] =	vst v1  }
0x2e: {  	[tilespmem:s30+$0xFFFFFFC0] =	vst v2  }
0x2f: {  	[tilespmem:s30+$0x30] =	vst v2  }
0x30: {  	[tilespmem:s31+$0xFFFFFFE0] =	vst v1  }
0x31: {  	[tilespmem:s31+$0x10] =	vst v1  }
0x32: {  	[tilespmem:s31+$0x20] =	vst v1  }
0x33: {  	[tilespmem:s30+$0x20] =	vst v2  }
0x34: {  	[tilespmem:s30+$0x10] =	vst v2  }
.Ltmp0:
0x35: {  	[tilespmem:s30+$0xFFFFFFE0] =	vst v2;
	(pc) =	sbr.rel @p0 .LBB2_2-.Ltmp0, $4  }
0x36: {  	[tilespmem:s31+$0x0] =	vst v1  }
0x37: {  	[tilespmem:s30+$0x0] =	vst v2  }
0x38: {  	[tilespmem:s30+$0xFFFFFFF0] =	vst v2  }
0x39: {  	s28 =	simm.s32 $0x0;
	[tilespmem:s31+$0xFFFFFFD0] =	vst v1  }
0x3a: {  	s1 =	sand.u32 $0x70, s15;
	s0 =	sand.u32 $0xF00, s0  }
0x3b: {  	[tilespmem:s30+$0xFFFFFFD0] =	vst v2;
	s0 =	sor.u32 s1, s0  }
0x3c: {  	s1 =	sadd.s32 $0x19200, s0;
	v6 =	vld [tilespmem:s0+$0x19200]  }
0x3d: {  	v7 =	vld [tilespmem:s1+$0x80];
	_ =	sdelay $0x4  }
0x3e: {  	v6 =	vadd.s32 v6, v7  }
0x3f: {  	(xrf0) =	vadd.scan.msk.s32 $0xffff, v6;
	_ =	sdelay $0x1  }
0x40: {  	s15 =	simm.s32 $0xFC0;
	s22 =	simm.s32 $0x7D0;
	s1 =	simm.s32 $0x7E0  }
0x41: {  	s23 =	simm.s32 $0xFA0;
	s0 =	sand.u32 $0x70, s1;
	s1 =	sand.u32 $0xF00, s15  }
0x42: {  	s15 =	sand.u32 $0x70, s22;
	s0 =	sor.u32 s0, s1;
	s1 =	sand.u32 $0xF00, s23  }
0x43: {  	s30 =	sadd.s32 $0x19200, s0;
	v7 =	vld [tilespmem:s0+$0x19200];
	s0 =	sor.u32 s15, s1  }
0x44: {  	s22 =	simm.s32 $0x7C0;
	s23 =	simm.s32 $0xF80;
	v8 =	vld [tilespmem:s0+$0x19200];
	v6, _, _ =	vpop (xrf0)  }
0x45: {  	s15 =	sand.u32 $0x70, s22;
	s1 =	sand.u32 $0xF00, s23;
	(v2sf) =	vpush v6, $0xF;
	v6 =	vld [tilespmem:s30+$0x80];
	s30 =	sadd.s32 $0x19200, s0  }
0x46: {  	s0 =	sor.u32 s15, s1;
	v9 =	vld [tilespmem:s30+$0x80]  }
0x47: {  	s1 =	sadd.s32 $0x19200, s0;
	v10 =	vld [tilespmem:s0+$0x19200]  }
0x48: {  	v11 =	vld [tilespmem:s1+$0x80];
	_ =	sdelay $0x1  }
0x49: {  	v6 =	vadd.s32 v7, v6  }
0x4a: {  	s22 =	simm.s32 $0x7B0;
	s23 =	simm.s32 $0xF60;
	(xrf0) =	vadd.scan.msk.s32 $0xffff, v6  }
0x4b: {  	s0 =	sand.u32 $0x70, s22;
	s1 =	sand.u32 $0xF00, s23;
	v6 =	vadd.s32 v8, v9  }
0x4c: {  	s0 =	sor.u32 s0, s1;
	(xrf0) =	vadd.scan.msk.s32 $0xffff, v6;
	v6 =	vadd.s32 v10, v11  }
0x4d: {  	s1 =	sadd.s32 $0x19200, s0;
	v7 =	vld [tilespmem:s0+$0x19200];
	(xrf0) =	vadd.scan.msk.s32 $0xffff, v6  }
0x4e: {  	v8 =	vld [tilespmem:s1+$0x80];
	_ =	sdelay $0x1  }
0x4f: {  	v6, _, _ =	vpop (xrf0)  }
0x50: {  	(v2sf) =	vpush v6, $0xF  }
0x51: {  	v6, _, _ =	vpop (xrf0)  }
0x52: {  	v7 =	vadd.s32 v7, v8;
	v8, _, _ =	vpop (xrf0);
	s30 =	spop (v2sf);
	(v2sf) =	vpush v6, $0xF  }
0x53: {  	(v2sf) =	vpush v8, $0xF;
	_ =	sdelay $0x2  }
0x54: {  	s15 =	simm.s32 $0x7A0;
	s22 =	simm.s32 $0xF40  }
0x55: {  	s23 =	sand.u32 $0x70, s15;
	s1 =	sand.u32 $0xF00, s22  }
0x56: {  	s1 =	sor.u32 s23, s1  }
0x57: {  	s15 =	sadd.s32 $0x19200, s1;
	s30 =	sadd.s32 $0x0, s30  }
0x58: {  	p1 =	por $0x1, $0x1;
	s31 =	simm.s32 $0x0;
	(xrf0) =	vadd.scan.msk.s32 $0xffff, v7;
	v7 =	vld [tilespmem:s15+$0x80];
	p0 =	sgt.s32 s30, $0x51EA  }
0x59: {  	s0 =	simm.s32 $0x790;
	v6 =	vld [tilespmem:s1+$0x19200];
	s1 =	simm.s32 $0xF20;
	p1 =	por !p1, !p0  }
.LBB2_4:
0x5a: {  	s15 =	sand.u32 $0x70, s0  }
0x5b: {  	s22 =	sand.u32 $0xF00, s1;
	p1 =	por !p1, !p1;
	p0 =	sne.s32 s0, $0x0  }
.Ltmp1:
0x5c: {  	s0 =	sadd.s32 $0xFFFFFFF0, s0;
	s26 =	smov.u32 @p1 s29;
	(pc) =	sbr.rel @p0 .LBB2_4-.Ltmp1, $4  }
0x5d: {  	s15 =	sor.u32 s15, s22;
	s28 =	smov.u32 @p1 s31;
	s22 =	spop (v2sf)  }
0x5e: {  	s31 =	smov.u32 s30;
	s23 =	sadd.s32 $0x19200, s15;
	v3 =	vadd.s32 v6, v7;
	v6 =	vld [tilespmem:s15+$0x19200];
	s30 =	sadd.s32 s30, s22  }
0x5f: {  	p2 =	slt.s32 s26, $0x0;
	v7 =	vld [tilespmem:s23+$0x80];
	(xrf0) =	vadd.scan.msk.s32 $0xffff, v3;
	v8, _, _ =	vpop (xrf0);
	p1 =	sgt.s32 s30, $0x51EA  }
0x60: {  	s1 =	sadd.s32 $0xFFFFFFE0, s1;
	s29 =	sadd.s32 $0xFFFFFFFF, s29;
	(v2sf) =	vpush v8, $0xF;
	p1 =	por !p2, !p1  }
0x61: {  	_ =	sdelay $0x2  }
0x62: {  	v6 =	vadd.s32 v6, v7  }
0x63: {  	(xrf0) =	vadd.scan.msk.s32 $0xffff, v6;
	_ =	sdelay $0x1  }
0x64: {  	v6, _, _ =	vpop (xrf0)  }
0x65: {  	(v2sf) =	vpush v6, $0xF;
	_ =	sdelay $0x2  }
0x66: {  	p0 =	por !p1, !p1;
	s0 =	spop (v2sf);
	v6, _, _ =	vpop (xrf0)  }
0x67: {  	s26 =	smov.u32 @p0 s29;
	s0 =	sadd.s32 s30, s0;
	(v2sf) =	vpush v6, $0xF  }
0x68: {  	p3 =	sgt.s32 s0, $0x51EA;
	p2 =	slt.s32 s26, $0x0  }
0x69: {  	p1 =	por !p2, !p3  }
0x6a: {  	s15 =	sadd.s32 $0xFFFFFFFF, s29;
	s1 =	spop (v2sf);
	p1 =	por !p1, !p1  }
0x6b: {  	s1 =	sadd.s32 s0, s1;
	s26 =	smov.u32 @p1 s15  }
0x6c: {  	p4 =	sgt.s32 s1, $0x51EA;
	p3 =	slt.s32 s26, $0x0  }
0x6d: {  	p2 =	por !p3, !p4  }
0x6e: {  	s15 =	sadd.s32 $0xFFFFFFFF, s15;
	p2 =	por !p2, !p2;
	s22 =	spop (v2sf)  }
0x6f: {  	s26 =	smov.u32 @p2 s15;
	s22 =	sadd.s32 s1, s22  }
0x70: {  	p4 =	slt.s32 s26, $0x0;
	p5 =	sgt.s32 s22, $0x51EA  }
0x71: {  	p3 =	por !p4, !p5  }
0x72: {  	s15 =	sadd.s32 $0xFFFFFFFF, s15;
	p3 =	por !p3, !p3;
	s23 =	spop (v2sf)  }
0x73: {  	s26 =	smov.u32 @p3 s15;
	s23 =	sadd.s32 s22, s23  }
0x74: {  	p5 =	slt.s32 s26, $0x0;
	p6 =	sgt.s32 s23, $0x51EA  }
0x75: {  	p4 =	por !p5, !p6  }
0x76: {  	s15 =	sadd.s32 $0xFFFFFFFF, s15;
	p4 =	por !p4, !p4;
	s29 =	spop (v2sf)  }
0x77: {  	s26 =	smov.u32 @p4 s15;
	s29 =	sadd.s32 s23, s29  }
0x78: {  	p5 =	sgt.s32 s29, $0x51EA;
	p6 =	slt.s32 s26, $0x0  }
0x79: {  	p5 =	por !p6, !p5  }
0x7a: {  	s15 =	sadd.s32 $0xFFFFFFFF, s15;
	p5 =	por !p5, !p5  }
0x7b: {  	s26 =	smov.u32 @p5 s15  }
0x7c: {  	s15 =	sshll.u32 s26, $0x4;
	s29 =	sshll.u32 s26, $0x5  }
0x7d: {  	s15 =	sand.u32 $0x70, s15;
	s29 =	sand.u32 $0xFFFFFF00, s29  }
0x7e: {  	s15 =	sor.u32 s15, s29  }
0x7f: {  	v6 =	vld [tilespmem:s15+$0x19200];
	s15 =	sadd.s32 $0x19200, s15  }
0x80: {  	v7 =	vld [tilespmem:s15+$0x80]  }
0x81: {  	v3 =	vld [tilespmem:$0x1FFF0];
	_ =	sdelay $0x3  }
0x82: {  	v6 =	vadd.s32 v6, v7  }
0x83: {  	v6 =	vperm.xlane v6, v3;
	_ =	sdelay $0x1  }
0x84: {  	(xrf0) =	vadd.scan.msk.s32 $0xffff, v6;
	_ =	sdelay $0x3  }
0x85: {  	s28 =	smov.u32 @p0 s31  }
0x86: {  	s28 =	smov.u32 @p1 s30  }
0x87: {  	[tilespmem:s17], [sflag:$0x2] =	stream.strided.gather [hbm4b:s6+s13], $0x4000, s14, s13, $0x38;
	v6, _, _ =	vpop (xrf0);
	[tilespmem:$0x1A280] =	vst v63  }
0x88: {  	s28 =	smov.u32 @p2 s0;
	_ =	swait.ge [sflag:s5], $0x4000  }
0x89: {  	s28 =	smov.u32 @p3 s1;
	[sflag:s5] =	ssyncset.done $0x0  }
0x8a: {  	s28 =	smov.u32 @p4 s22;
	s29 =	simm.s32 $0x40;
	[sflag:s5] =	ssyncadd.s32 $0xFFFFC000  }
0x8b: {  	s28 =	smov.u32 @p5 s23;
	v7 =	vld [tilespmem:s29+$0x0]  }
0x8c: {  	v6 =	vadd.s32 s28, v6;
	v14 =	vld [tilespmem:s29+$0x20]  }
0x8d: {  	vm0 =	vgt.s32 v6, $0x51EA;
	v8 =	vld [tilespmem:s29+$0x10]  }
0x8e: {  	v6 =	vmctz.xlane vm0;
	v9 =	vld [tilespmem:s29+$0xFFFFFFD0]  }
0x8f: {  	s31 =	sshllo.u32 s26, $0x4  }
0x90: {  	v6 =	vsub.s32 s31, v6  }
0x91: {  	v6 =	vadd.s32 $0xFFFFFC00, v6;
	vm0 =	vlt.s32 v7, $0x0  }
0x92: {  	v11 =	vxor.u32 $0x7FFFFFFF, v7;
	vm1 =	vlt.s32 v14, $0x0;
	v12 =	vxor.u32 $0x7FFFFFFF, v14  }
0x93: {  	v10 =	vld [tilespmem:s29+$0xFFFFFFF0];
	vm3 =	vlt.s32 v8, $0x0;
	v13 =	vxor.u32 $0x7FFFFFFF, v8;
	vm2 =	vlt.s32 v9, $0x0  }
0x94: {  	v15 =	vsel vm1, v12, v14;
	v16 =	vsel vm0, v11, v7;
	v13 =	vsel vm3, v13, v8  }
0x95: {  	v18 =	vshra.s32 v15, $0x15;
	v15 =	vshrl.u32 v15, $0xA;
	v19 =	vshrl.u32 v16, $0xA  }
0x96: {  	v12 =	vld [tilespmem:s29+$0xFFFFFFE0];
	vm3 =	veq.s32 v18, v6;
	v19 =	vand.u32 $0x7FF, v19;
	v20 =	vand.u32 $0x7FF, v15  }
0x97: {  	v11 =	vld [tilespmem:s29+$0xFFFFFFC0];
	vm6 =	vge.s32 v18, v6;
	v15 =	vadd.s32 v0, v19;
	v19 =	vadd.s32 v0, v20  }
0x98: {  	vm4 =	vlt.s32 v10, $0x0;
	v21 =	vxor.u32 $0x7FFFFFFF, v10;
	v20 =	vsel vm3, v19, v4  }
0x99: {  	v24 =	vsel vm4, v21, v10;
	v17 =	vshra.s32 v13, $0x15;
	v13 =	vshrl.u32 v13, $0xA  }
0x9a: {  	v21 =	vshra.s32 v16, $0x15;
	vm0 =	veq.s32 v17, v6;
	vm1 =	vge.s32 v17, v6  }
0x9b: {  	v13 =	vand.u32 $0x7FF, v13;
	vm5 =	vlt.s32 v12, $0x0;
	v17 =	vxor.u32 $0x7FFFFFFF, v12  }
0x9c: {  	vm3 =	vlt.s32 v11, $0x0;
	v18 =	vxor.u32 $0x7FFFFFFF, v11;
	v17 =	vsel vm5, v17, v12  }
0x9d: {  	v22 =	vsel vm3, v18, v11;
	v23 =	vshra.s32 v17, $0x15;
	v17 =	vshrl.u32 v17, $0xA;
	[tilespmem:v20+s18+$0x0] =	vst.idx.add.s32.msk vm6, v5  }
0x9e: {  	v19 =	vshra.s32 v22, $0x15;
	v22 =	vshrl.u32 v22, $0xA;
	[tilespmem:v20+s19+$0x0] =	vst.idx.add.f32.msk vm6, v14;
	v14 =	vand.u32 $0x7FF, v17  }
0x9f: {  	v18 =	vxor.u32 $0x7FFFFFFF, v9;
	v22 =	vand.u32 $0x7FF, v22;
	v20 =	vadd.s32 v0, v14;
	v14 =	vld [tilespmem:s29+$0x30]  }
0xa0: {  	vm3 =	veq.s32 v19, v6;
	vm5 =	vge.s32 v23, v6;
	v22 =	vadd.s32 v0, v22  }
0xa1: {  	v16 =	vsel vm3, v22, v4;
	v22 =	vshra.s32 v24, $0x15;
	v24 =	vshrl.u32 v24, $0xA  }
0xa2: {  	vm3 =	veq.s32 v23, v6;
	v17 =	vand.u32 $0x7FF, v24;
	vm6 =	veq.s32 v22, v6  }
0xa3: {  	s28 =	simm.s32 $0x0;
	s29 =	simm.s32 $0x140;
	v17 =	vadd.s32 v0, v17;
	v20 =	vsel vm3, v20, v4;
	vm3 =	vge.s32 v21, v6  }
.LBB2_6:
0xa4: {  	v23 =	vld [tilespmem:s29+$0x0];
	s28 =	sadd.s32 $0x8, s28;
	vm4 =	vge.s32 v22, v6;
	vm7 =	veq.s32 v21, v6;
	vm8 =	vlt.s32 v14, $0x0;
	s26 =	simm.s32 $0xF0  }
0xa5: {  	vm9 =	vge.s32 v19, v6;
	v18 =	vsel vm2, v18, v9;
	v19 =	vxor.u32 $0x7FFFFFFF, v14;
	v21 =	vld [tilespmem:s29+$0xFFFFFFD0];
	p0 =	slt.u32 s28, $0x1F8  }
0xa6: {  	v22 =	vshra.s32 v18, $0x15;
	v18 =	vshrl.u32 v18, $0xA;
	v19 =	vsel vm8, v19, v14;
	v24 =	vld [tilespmem:s29+$0x20]  }
0xa7: {  	v18 =	vand.u32 $0x7FF, v18;
	v26 =	vshra.s32 v19, $0x15;
	v19 =	vshrl.u32 v19, $0xA;
	v25 =	vld [tilespmem:s29+$0x10]  }
0xa8: {  	v27 =	vsel vm7, v15, v4;
	v18 =	vadd.s32 v0, v18;
	v15 =	vand.u32 $0x7FF, v19;
	[tilespmem:v20+s18+$0x0] =	vst.idx.add.s32.msk vm5, v5  }
0xa9: {  	vm7 =	vge.s32 v22, v6;
	vm8 =	vge.s32 v26, v6;
	vm2 =	veq.s32 v26, v6;
	v19 =	vld [tilespmem:s29+$0xFFFFFFC0]  }
0xaa: {  	vm10 =	veq.s32 v22, v6;
	v15 =	vadd.s32 v0, v15;
	[tilespmem:v20+s19+$0x0] =	vst.idx.add.f32.msk vm5, v12;
	vm5 =	vmmov vm1  }
0xab: {  	v18 =	vsel vm10, v18, v4;
	vm1 =	vlt.s32 v23, $0x0;
	v20 =	vsel vm2, v15, v4;
	v12 =	vld [tilespmem:s29+$0xFFFFFFE0]  }
0xac: {  	v17 =	vsel vm6, v17, v4;
	v13 =	vadd.s32 v0, v13;
	v15 =	vxor.u32 $0x7FFFFFFF, v23;
	[tilespmem:v16+s18+$0x0] =	vst.idx.add.s32.msk vm9, v5  }
0xad: {  	v28 =	vsel vm0, v13, v4;
	vm2 =	vlt.s32 v24, $0x0;
	v26 =	vxor.u32 $0x7FFFFFFF, v24;
	v22 =	vld [tilespmem:s29+$0xFFFFFFF0]  }
0xae: {  	vm0 =	vlt.s32 v25, $0x0;
	v13 =	vxor.u32 $0x7FFFFFFF, v25;
	v26 =	vsel vm2, v26, v24;
	[tilespmem:v16+s19+$0x0] =	vst.idx.add.f32.msk vm9, v11;
	v11 =	vmovc v19  }
0xaf: {  	vm2 =	vlt.s32 v21, $0x0;
	v13 =	vsel vm0, v13, v25;
	v16 =	vsel vm1, v15, v23;
	[tilespmem:v27+s18+$0x0] =	vst.idx.add.s32.msk vm3, v5  }
0xb0: {  	v29 =	vshra.s32 v26, $0x15;
	v19 =	vshra.s32 v13, $0x15;
	v15 =	vshrl.u32 v26, $0xA;
	[tilespmem:v18+s18+$0x0] =	vst.idx.add.s32.msk vm7, v5  }
0xb1: {  	vm9 =	veq.s32 v29, v6;
	v26 =	vshrl.u32 v16, $0xA;
	vm0 =	veq.s32 v19, v6;
	[tilespmem:v17+s18+$0x0] =	vst.idx.add.s32.msk vm4, v5  }
0xb2: {  	v13 =	vshrl.u32 v13, $0xA;
	v30 =	vand.u32 $0x7FF, v15;
	v26 =	vand.u32 $0x7FF, v26;
	[tilespmem:v20+s18+$0x0] =	vst.idx.add.s32.msk vm8, v5  }
0xb3: {  	v15 =	vadd.s32 v0, v26;
	v26 =	vadd.s32 v0, v30;
	vm6 =	vlt.s32 v22, $0x0;
	[tilespmem:v20+s19+$0x0] =	vst.idx.add.f32.msk vm8, v14  }
0xb4: {  	vm1 =	vge.s32 v19, v6;
	vm10 =	vlt.s32 v12, $0x0;
	vm8 =	vge.s32 v29, v6;
	[tilespmem:v28+s18+$0x0] =	vst.idx.add.s32.msk vm5, v5  }
0xb5: {  	v13 =	vand.u32 $0x7FF, v13;
	v14 =	vxor.u32 $0x7FFFFFFF, v12;
	v20 =	vsel vm9, v26, v4;
	[tilespmem:v28+s19+$0x0] =	vst.idx.add.f32.msk vm5, v8;
	v8 =	vmovc v25  }
0xb6: {  	v19 =	vxor.u32 $0x7FFFFFFF, v11;
	vm5 =	vlt.s32 v11, $0x0;
	v25 =	vxor.u32 $0x7FFFFFFF, v22;
	[tilespmem:v18+s19+$0x0] =	vst.idx.add.f32.msk vm7, v9;
	v9 =	vmovc v21  }
0xb7: {  	v14 =	vsel vm10, v14, v12;
	v21 =	vsel vm5, v19, v11;
	v18 =	vxor.u32 $0x7FFFFFFF, v9;
	[tilespmem:v27+s19+$0x0] =	vst.idx.add.f32.msk vm3, v7  }
0xb8: {  	v26 =	vshra.s32 v14, $0x15;
	v19 =	vshra.s32 v21, $0x15;
	v21 =	vshrl.u32 v21, $0xA;
	v7 =	vmovc v23;
	[tilespmem:v17+s19+$0x0] =	vst.idx.add.f32.msk vm4, v10;
	v10 =	vmovc v22  }
0xb9: {  	v23 =	vshrl.u32 v14, $0xA;
	vm3 =	veq.s32 v19, v6;
	v17 =	vand.u32 $0x7FF, v21;
	v14 =	vld [tilespmem:s29+$0x30]  }
.Ltmp2:
0xba: {  	v21 =	vshra.s32 v16, $0x15;
	v17 =	vadd.s32 v0, v17;
	v25 =	vsel vm6, v25, v10;
	[tilespmem:v20+s18+$0x0] =	vst.idx.add.s32.msk vm8, v5;
	(pc) =	sbr.rel @p0 .LBB2_6-.Ltmp2, $4  }
0xbb: {  	v16 =	vsel vm3, v17, v4;
	v22 =	vshra.s32 v25, $0x15;
	v17 =	vshrl.u32 v25, $0xA;
	[tilespmem:v20+s19+$0x0] =	vst.idx.add.f32.msk vm8, v24  }
0xbc: {  	vm5 =	vge.s32 v26, v6;
	v20 =	vand.u32 $0x7FF, v23;
	v17 =	vand.u32 $0x7FF, v17  }
0xbd: {  	vm3 =	veq.s32 v26, v6;
	v20 =	vadd.s32 v0, v20;
	v17 =	vadd.s32 v0, v17  }
0xbe: {  	s29 =	sadd.s32 $0x100, s29;
	vm6 =	veq.s32 v22, v6;
	v20 =	vsel vm3, v20, v4;
	vm3 =	vge.s32 v21, v6  }
0xbf: {  	_ =	sdelay $0x1  }
0xc0: {  	v18 =	vsel vm2, v18, v9;
	vm2 =	vge.s32 v19, v6  }
0xc1: {  	vm4 =	vge.s32 v22, v6;
	vm7 =	veq.s32 v21, v6;
	vm8 =	vlt.s32 v14, $0x0  }
0xc2: {  	v21 =	vxor.u32 $0x7FFFFFFF, v14;
	v17 =	vsel vm6, v17, v4;
	v15 =	vsel vm7, v15, v4  }
0xc3: {  	[tilespmem:v20+s18+$0x0] =	vst.idx.add.s32.msk vm5, v5;
	v19 =	vshrl.u32 v18, $0xA;
	v21 =	vsel vm8, v21, v14;
	v18 =	vshra.s32 v18, $0x15  }
0xc4: {  	[tilespmem:v20+s19+$0x0] =	vst.idx.add.f32.msk vm5, v12;
	v19 =	vand.u32 $0x7FF, v19;
	v22 =	vshra.s32 v21, $0x15;
	v21 =	vshrl.u32 v21, $0xA  }
0xc5: {  	vm7 =	vge.s32 v18, v6;
	vm8 =	veq.s32 v18, v6;
	v19 =	vadd.s32 v0, v19  }
0xc6: {  	v21 =	vand.u32 $0x7FF, v21;
	vm9 =	vge.s32 v22, v6;
	vm10 =	veq.s32 v22, v6;
	[tilespmem:v16+s18+$0x0] =	vst.idx.add.s32.msk vm2, v5  }
0xc7: {  	v18 =	vsel vm8, v19, v4;
	v12 =	vadd.s32 v0, v21;
	[tilespmem:v15+s18+$0x0] =	vst.idx.add.s32.msk vm3, v5  }
0xc8: {  	v12 =	vsel vm10, v12, v4;
	[tilespmem:v17+s18+$0x0] =	vst.idx.add.s32.msk vm4, v5  }
0xc9: {  	[tilespmem:v16+s19+$0x0] =	vst.idx.add.f32.msk vm2, v11  }
0xca: {  	vm1 =	vmmov vm1;
	v13 =	vadd.s32 v0, v13;
	[tilespmem:v15+s19+$0x0] =	vst.idx.add.f32.msk vm3, v7  }
0xcb: {  	v11 =	vsel vm0, v13, v4;
	[tilespmem:v17+s19+$0x0] =	vst.idx.add.f32.msk vm4, v10  }
0xcc: {  	[tilespmem:v18+s18+$0x0] =	vst.idx.add.s32.msk vm7, v5  }
0xcd: {  	[tilespmem:v12+s18+$0x0] =	vst.idx.add.s32.msk vm9, v5  }
0xce: {  	[tilespmem:v18+s19+$0x0] =	vst.idx.add.f32.msk vm7, v9  }
0xcf: {  	[tilespmem:v12+s19+$0x0] =	vst.idx.add.f32.msk vm9, v14  }
0xd0: {  	[tilespmem:v11+s18+$0x0] =	vst.idx.add.s32.msk vm1, v5  }
0xd1: {  	[tilespmem:v11+s19+$0x0] =	vst.idx.add.f32.msk vm1, v8  }
0xd2: {  	v9 =	vld [tilespmem:s26+$0xFFFFFFD0]  }
0xd3: {  	v14 =	vld [tilespmem:s26+$0xFFFFFFF0]  }
0xd4: {  	v8 =	vld [tilespmem:s26+$0xFFFFFFE0]  }
0xd5: {  	v7 =	vld [tilespmem:s26+$0xFFFFFFA0];
	_ =	sdelay $0x2  }
0xd6: {  	vm0 =	vlt.s32 v9, $0x0  }
0xd7: {  	v11 =	vxor.u32 $0x7FFFFFFF, v9;
	vm1 =	vlt.s32 v14, $0x0;
	v12 =	vxor.u32 $0x7FFFFFFF, v14  }
0xd8: {  	v10 =	vld [tilespmem:s26+$0xFFFFFFC0];
	vm3 =	vlt.s32 v8, $0x0;
	v13 =	vxor.u32 $0x7FFFFFFF, v8;
	vm2 =	vlt.s32 v7, $0x0  }
0xd9: {  	v15 =	vsel vm1, v12, v14;
	v16 =	vsel vm0, v11, v9;
	v13 =	vsel vm3, v13, v8  }
0xda: {  	v18 =	vshra.s32 v15, $0x15;
	v15 =	vshrl.u32 v15, $0xA;
	v19 =	vshrl.u32 v16, $0xA  }
0xdb: {  	v12 =	vld [tilespmem:s26+$0xFFFFFFB0];
	vm3 =	veq.s32 v18, v6;
	v19 =	vand.u32 $0x7FF, v19;
	v20 =	vand.u32 $0x7FF, v15  }
0xdc: {  	v11 =	vld [tilespmem:s26+$0xFFFFFF90];
	vm6 =	vge.s32 v18, v6;
	v15 =	vadd.s32 v0, v19;
	v19 =	vadd.s32 v0, v20  }
0xdd: {  	vm4 =	vlt.s32 v10, $0x0;
	v21 =	vxor.u32 $0x7FFFFFFF, v10;
	v20 =	vsel vm3, v19, v4  }
0xde: {  	v24 =	vsel vm4, v21, v10;
	v17 =	vshra.s32 v13, $0x15;
	v13 =	vshrl.u32 v13, $0xA  }
0xdf: {  	v21 =	vshra.s32 v16, $0x15;
	vm0 =	veq.s32 v17, v6;
	vm1 =	vge.s32 v17, v6  }
0xe0: {  	v13 =	vand.u32 $0x7FF, v13;
	vm5 =	vlt.s32 v12, $0x0;
	v17 =	vxor.u32 $0x7FFFFFFF, v12  }
0xe1: {  	vm3 =	vlt.s32 v11, $0x0;
	v18 =	vxor.u32 $0x7FFFFFFF, v11;
	v17 =	vsel vm5, v17, v12  }
0xe2: {  	v22 =	vsel vm3, v18, v11;
	v23 =	vshra.s32 v17, $0x15;
	v17 =	vshrl.u32 v17, $0xA;
	[tilespmem:v20+s18+$0x0] =	vst.idx.add.s32.msk vm6, v5  }
0xe3: {  	v19 =	vshra.s32 v22, $0x15;
	v22 =	vshrl.u32 v22, $0xA;
	[tilespmem:v20+s19+$0x0] =	vst.idx.add.f32.msk vm6, v14;
	v14 =	vand.u32 $0x7FF, v17  }
0xe4: {  	v18 =	vxor.u32 $0x7FFFFFFF, v7;
	v22 =	vand.u32 $0x7FF, v22;
	v20 =	vadd.s32 v0, v14;
	v14 =	vld [tilespmem:s26+$0x0]  }
0xe5: {  	vm3 =	veq.s32 v19, v6;
	vm5 =	vge.s32 v23, v6;
	v22 =	vadd.s32 v0, v22  }
0xe6: {  	v16 =	vsel vm3, v22, v4;
	v22 =	vshra.s32 v24, $0x15;
	v24 =	vshrl.u32 v24, $0xA  }
0xe7: {  	vm3 =	veq.s32 v23, v6;
	v17 =	vand.u32 $0x7FF, v24;
	vm6 =	veq.s32 v22, v6  }
0xe8: {  	s28 =	simm.s32 $0x0;
	s26 =	simm.s32 $0x1F0;
	v17 =	vadd.s32 v0, v17;
	v20 =	vsel vm3, v20, v4;
	vm3 =	vge.s32 v21, v6  }
.LBB2_8:
0xe9: {  	v23 =	vld [tilespmem:s26+$0xFFFFFFD0];
	s28 =	sadd.s32 $0x8, s28;
	vm4 =	vge.s32 v22, v6;
	vm7 =	veq.s32 v21, v6;
	vm8 =	vlt.s32 v14, $0x0  }
0xea: {  	vm9 =	vge.s32 v19, v6;
	v18 =	vsel vm2, v18, v7;
	v19 =	vxor.u32 $0x7FFFFFFF, v14;
	v21 =	vld [tilespmem:s26+$0xFFFFFFA0];
	p0 =	slt.u32 s28, $0x1F8  }
0xeb: {  	v22 =	vshra.s32 v18, $0x15;
	v18 =	vshrl.u32 v18, $0xA;
	v19 =	vsel vm8, v19, v14;
	v24 =	vld [tilespmem:s26+$0xFFFFFFF0]  }
0xec: {  	v18 =	vand.u32 $0x7FF, v18;
	v26 =	vshra.s32 v19, $0x15;
	v19 =	vshrl.u32 v19, $0xA;
	v25 =	vld [tilespmem:s26+$0xFFFFFFE0]  }
0xed: {  	v27 =	vsel vm7, v15, v4;
	v18 =	vadd.s32 v0, v18;
	v15 =	vand.u32 $0x7FF, v19;
	[tilespmem:v20+s18+$0x0] =	vst.idx.add.s32.msk vm5, v5  }
0xee: {  	vm7 =	vge.s32 v22, v6;
	vm8 =	vge.s32 v26, v6;
	vm2 =	veq.s32 v26, v6;
	v19 =	vld [tilespmem:s26+$0xFFFFFF90]  }
0xef: {  	vm10 =	veq.s32 v22, v6;
	v15 =	vadd.s32 v0, v15;
	[tilespmem:v20+s19+$0x0] =	vst.idx.add.f32.msk vm5, v12;
	vm5 =	vmmov vm1  }
0xf0: {  	v18 =	vsel vm10, v18, v4;
	vm1 =	vlt.s32 v23, $0x0;
	v20 =	vsel vm2, v15, v4;
	v12 =	vld [tilespmem:s26+$0xFFFFFFB0]  }
0xf1: {  	v17 =	vsel vm6, v17, v4;
	v13 =	vadd.s32 v0, v13;
	v15 =	vxor.u32 $0x7FFFFFFF, v23;
	[tilespmem:v16+s18+$0x0] =	vst.idx.add.s32.msk vm9, v5  }
0xf2: {  	v28 =	vsel vm0, v13, v4;
	vm2 =	vlt.s32 v24, $0x0;
	v26 =	vxor.u32 $0x7FFFFFFF, v24;
	v22 =	vld [tilespmem:s26+$0xFFFFFFC0]  }
0xf3: {  	vm0 =	vlt.s32 v25, $0x0;
	v13 =	vxor.u32 $0x7FFFFFFF, v25;
	v26 =	vsel vm2, v26, v24;
	[tilespmem:v16+s19+$0x0] =	vst.idx.add.f32.msk vm9, v11;
	v11 =	vmovc v19  }
0xf4: {  	vm2 =	vlt.s32 v21, $0x0;
	v13 =	vsel vm0, v13, v25;
	v16 =	vsel vm1, v15, v23;
	[tilespmem:v27+s18+$0x0] =	vst.idx.add.s32.msk vm3, v5  }
0xf5: {  	v29 =	vshra.s32 v26, $0x15;
	v19 =	vshra.s32 v13, $0x15;
	v15 =	vshrl.u32 v26, $0xA;
	[tilespmem:v18+s18+$0x0] =	vst.idx.add.s32.msk vm7, v5  }
0xf6: {  	vm9 =	veq.s32 v29, v6;
	v26 =	vshrl.u32 v16, $0xA;
	vm0 =	veq.s32 v19, v6;
	[tilespmem:v17+s18+$0x0] =	vst.idx.add.s32.msk vm4, v5  }
0xf7: {  	v13 =	vshrl.u32 v13, $0xA;
	v30 =	vand.u32 $0x7FF, v15;
	v26 =	vand.u32 $0x7FF, v26;
	[tilespmem:v20+s18+$0x0] =	vst.idx.add.s32.msk vm8, v5  }
0xf8: {  	v15 =	vadd.s32 v0, v26;
	v26 =	vadd.s32 v0, v30;
	vm6 =	vlt.s32 v22, $0x0;
	[tilespmem:v20+s19+$0x0] =	vst.idx.add.f32.msk vm8, v14  }
0xf9: {  	vm1 =	vge.s32 v19, v6;
	vm10 =	vlt.s32 v12, $0x0;
	vm8 =	vge.s32 v29, v6;
	[tilespmem:v28+s18+$0x0] =	vst.idx.add.s32.msk vm5, v5  }
0xfa: {  	v13 =	vand.u32 $0x7FF, v13;
	v14 =	vxor.u32 $0x7FFFFFFF, v12;
	v20 =	vsel vm9, v26, v4;
	[tilespmem:v28+s19+$0x0] =	vst.idx.add.f32.msk vm5, v8;
	v8 =	vmovc v25  }
0xfb: {  	v19 =	vxor.u32 $0x7FFFFFFF, v11;
	vm5 =	vlt.s32 v11, $0x0;
	v25 =	vxor.u32 $0x7FFFFFFF, v22;
	[tilespmem:v18+s19+$0x0] =	vst.idx.add.f32.msk vm7, v7;
	v7 =	vmovc v21  }
0xfc: {  	v14 =	vsel vm10, v14, v12;
	v21 =	vsel vm5, v19, v11;
	v18 =	vxor.u32 $0x7FFFFFFF, v7;
	[tilespmem:v27+s19+$0x0] =	vst.idx.add.f32.msk vm3, v9  }
0xfd: {  	v26 =	vshra.s32 v14, $0x15;
	v19 =	vshra.s32 v21, $0x15;
	v21 =	vshrl.u32 v21, $0xA;
	v9 =	vmovc v23;
	[tilespmem:v17+s19+$0x0] =	vst.idx.add.f32.msk vm4, v10;
	v10 =	vmovc v22  }
0xfe: {  	v23 =	vshrl.u32 v14, $0xA;
	vm3 =	veq.s32 v19, v6;
	v17 =	vand.u32 $0x7FF, v21;
	v14 =	vld [tilespmem:s26+$0x0]  }
.Ltmp3:
0xff: {  	v21 =	vshra.s32 v16, $0x15;
	v17 =	vadd.s32 v0, v17;
	v25 =	vsel vm6, v25, v10;
	[tilespmem:v20+s18+$0x0] =	vst.idx.add.s32.msk vm8, v5;
	(pc) =	sbr.rel @p0 .LBB2_8-.Ltmp3, $4  }
0x100: {  	v16 =	vsel vm3, v17, v4;
	v22 =	vshra.s32 v25, $0x15;
	v17 =	vshrl.u32 v25, $0xA;
	[tilespmem:v20+s19+$0x0] =	vst.idx.add.f32.msk vm8, v24  }
0x101: {  	vm5 =	vge.s32 v26, v6;
	v20 =	vand.u32 $0x7FF, v23;
	v17 =	vand.u32 $0x7FF, v17  }
0x102: {  	vm3 =	veq.s32 v26, v6;
	v20 =	vadd.s32 v0, v20;
	v17 =	vadd.s32 v0, v17  }
0x103: {  	s26 =	sadd.s32 $0x100, s26;
	vm6 =	veq.s32 v22, v6;
	v20 =	vsel vm3, v20, v4;
	vm3 =	vge.s32 v21, v6  }
0x104: {  	_ =	sdelay $0x1  }
0x105: {  	v18 =	vsel vm2, v18, v7;
	vm2 =	vge.s32 v19, v6  }
0x106: {  	vm4 =	vge.s32 v22, v6;
	vm7 =	veq.s32 v21, v6;
	vm8 =	vlt.s32 v14, $0x0  }
0x107: {  	v21 =	vxor.u32 $0x7FFFFFFF, v14;
	v17 =	vsel vm6, v17, v4;
	v15 =	vsel vm7, v15, v4  }
0x108: {  	[tilespmem:v20+s18+$0x0] =	vst.idx.add.s32.msk vm5, v5;
	v19 =	vshrl.u32 v18, $0xA;
	v21 =	vsel vm8, v21, v14;
	v18 =	vshra.s32 v18, $0x15  }
0x109: {  	[tilespmem:v20+s19+$0x0] =	vst.idx.add.f32.msk vm5, v12;
	v19 =	vand.u32 $0x7FF, v19;
	v22 =	vshra.s32 v21, $0x15;
	v21 =	vshrl.u32 v21, $0xA  }
0x10a: {  	vm7 =	vge.s32 v18, v6;
	vm8 =	veq.s32 v18, v6;
	v19 =	vadd.s32 v0, v19  }
0x10b: {  	v21 =	vand.u32 $0x7FF, v21;
	vm9 =	vge.s32 v22, v6;
	vm10 =	veq.s32 v22, v6;
	[tilespmem:v16+s18+$0x0] =	vst.idx.add.s32.msk vm2, v5  }
0x10c: {  	v18 =	vsel vm8, v19, v4;
	v12 =	vadd.s32 v0, v21;
	[tilespmem:v15+s18+$0x0] =	vst.idx.add.s32.msk vm3, v5  }
0x10d: {  	v12 =	vsel vm10, v12, v4;
	[tilespmem:v17+s18+$0x0] =	vst.idx.add.s32.msk vm4, v5  }
0x10e: {  	[tilespmem:v16+s19+$0x0] =	vst.idx.add.f32.msk vm2, v11  }
0x10f: {  	vm1 =	vmmov vm1;
	v13 =	vadd.s32 v0, v13;
	[tilespmem:v15+s19+$0x0] =	vst.idx.add.f32.msk vm3, v9  }
0x110: {  	v11 =	vsel vm0, v13, v4;
	[tilespmem:v17+s19+$0x0] =	vst.idx.add.f32.msk vm4, v10  }
0x111: {  	[tilespmem:v18+s18+$0x0] =	vst.idx.add.s32.msk vm7, v5  }
0x112: {  	[tilespmem:v12+s18+$0x0] =	vst.idx.add.s32.msk vm9, v5  }
0x113: {  	[tilespmem:v18+s19+$0x0] =	vst.idx.add.f32.msk vm7, v7  }
0x114: {  	[tilespmem:v12+s19+$0x0] =	vst.idx.add.f32.msk vm9, v14  }
0x115: {  	[tilespmem:v11+s18+$0x0] =	vst.idx.add.s32.msk vm1, v5  }
0x116: {  	[tilespmem:v11+s19+$0x0] =	vst.idx.add.f32.msk vm1, v8  }
0x117: {  	[tilespmem:s2], [sflag:$0x1] =	stream.strided.gather [hbm4b:s7+s13], $0x4000, s14, s13, $0x38;
	[tilespmem:$0x1A280] =	vst v63  }
0x118: {  	_ =	swait.ge [sflag:s20], $0x4000  }
0x119: {  	[sflag:s20] =	ssyncset.done $0x0  }
0x11a: {  	s26 =	simm.s32 $0x4040;
	[sflag:s20] =	ssyncadd.s32 $0xFFFFC000  }
0x11b: {  	v9 =	vld [tilespmem:s26+$0x0]  }
0x11c: {  	v14 =	vld [tilespmem:s26+$0x20]  }
0x11d: {  	v8 =	vld [tilespmem:s26+$0x10]  }
0x11e: {  	v7 =	vld [tilespmem:s26+$0xFFFFFFD0];
	_ =	sdelay $0x2  }
0x11f: {  	vm0 =	vlt.s32 v9, $0x0  }
0x120: {  	v11 =	vxor.u32 $0x7FFFFFFF, v9;
	vm1 =	vlt.s32 v14, $0x0;
	v12 =	vxor.u32 $0x7FFFFFFF, v14  }
0x121: {  	v10 =	vld [tilespmem:s26+$0xFFFFFFF0];
	vm3 =	vlt.s32 v8, $0x0;
	v13 =	vxor.u32 $0x7FFFFFFF, v8;
	vm2 =	vlt.s32 v7, $0x0  }
0x122: {  	v15 =	vsel vm1, v12, v14;
	v16 =	vsel vm0, v11, v9;
	v13 =	vsel vm3, v13, v8  }
0x123: {  	v18 =	vshra.s32 v15, $0x15;
	v15 =	vshrl.u32 v15, $0xA;
	v19 =	vshrl.u32 v16, $0xA  }
0x124: {  	v12 =	vld [tilespmem:s26+$0xFFFFFFE0];
	vm3 =	veq.s32 v18, v6;
	v19 =	vand.u32 $0x7FF, v19;
	v20 =	vand.u32 $0x7FF, v15  }
0x125: {  	v11 =	vld [tilespmem:s26+$0xFFFFFFC0];
	vm6 =	vge.s32 v18, v6;
	v15 =	vadd.s32 v0, v19;
	v19 =	vadd.s32 v0, v20  }
0x126: {  	vm4 =	vlt.s32 v10, $0x0;
	v21 =	vxor.u32 $0x7FFFFFFF, v10;
	v20 =	vsel vm3, v19, v4  }
0x127: {  	v24 =	vsel vm4, v21, v10;
	v17 =	vshra.s32 v13, $0x15;
	v13 =	vshrl.u32 v13, $0xA  }
0x128: {  	v21 =	vshra.s32 v16, $0x15;
	vm0 =	veq.s32 v17, v6;
	vm1 =	vge.s32 v17, v6  }
0x129: {  	v13 =	vand.u32 $0x7FF, v13;
	vm5 =	vlt.s32 v12, $0x0;
	v17 =	vxor.u32 $0x7FFFFFFF, v12  }
0x12a: {  	vm3 =	vlt.s32 v11, $0x0;
	v18 =	vxor.u32 $0x7FFFFFFF, v11;
	v17 =	vsel vm5, v17, v12  }
0x12b: {  	v22 =	vsel vm3, v18, v11;
	v23 =	vshra.s32 v17, $0x15;
	v17 =	vshrl.u32 v17, $0xA;
	[tilespmem:v20+s18+$0x0] =	vst.idx.add.s32.msk vm6, v5  }
0x12c: {  	v19 =	vshra.s32 v22, $0x15;
	v22 =	vshrl.u32 v22, $0xA;
	[tilespmem:v20+s19+$0x0] =	vst.idx.add.f32.msk vm6, v14;
	v14 =	vand.u32 $0x7FF, v17  }
0x12d: {  	v18 =	vxor.u32 $0x7FFFFFFF, v7;
	v22 =	vand.u32 $0x7FF, v22;
	v20 =	vadd.s32 v0, v14;
	v14 =	vld [tilespmem:s26+$0x30]  }
0x12e: {  	vm3 =	veq.s32 v19, v6;
	vm5 =	vge.s32 v23, v6;
	v22 =	vadd.s32 v0, v22  }
0x12f: {  	v16 =	vsel vm3, v22, v4;
	v22 =	vshra.s32 v24, $0x15;
	v24 =	vshrl.u32 v24, $0xA  }
0x130: {  	vm3 =	veq.s32 v23, v6;
	v17 =	vand.u32 $0x7FF, v24;
	vm6 =	veq.s32 v22, v6  }
0x131: {  	s28 =	simm.s32 $0x0;
	s29 =	simm.s32 $0x4140;
	v17 =	vadd.s32 v0, v17;
	v20 =	vsel vm3, v20, v4;
	vm3 =	vge.s32 v21, v6  }
.LBB2_10:
0x132: {  	v23 =	vld [tilespmem:s29+$0x0];
	s28 =	sadd.s32 $0x8, s28;
	vm4 =	vge.s32 v22, v6;
	vm7 =	veq.s32 v21, v6;
	vm8 =	vlt.s32 v14, $0x0;
	s26 =	simm.s32 $0x40F0  }
0x133: {  	vm9 =	vge.s32 v19, v6;
	v18 =	vsel vm2, v18, v7;
	v19 =	vxor.u32 $0x7FFFFFFF, v14;
	v21 =	vld [tilespmem:s29+$0xFFFFFFD0];
	p0 =	slt.u32 s28, $0x1F8  }
0x134: {  	v22 =	vshra.s32 v18, $0x15;
	v18 =	vshrl.u32 v18, $0xA;
	v19 =	vsel vm8, v19, v14;
	v24 =	vld [tilespmem:s29+$0x20]  }
0x135: {  	v18 =	vand.u32 $0x7FF, v18;
	v26 =	vshra.s32 v19, $0x15;
	v19 =	vshrl.u32 v19, $0xA;
	v25 =	vld [tilespmem:s29+$0x10]  }
0x136: {  	v27 =	vsel vm7, v15, v4;
	v18 =	vadd.s32 v0, v18;
	v15 =	vand.u32 $0x7FF, v19;
	[tilespmem:v20+s18+$0x0] =	vst.idx.add.s32.msk vm5, v5  }
0x137: {  	vm7 =	vge.s32 v22, v6;
	vm8 =	vge.s32 v26, v6;
	vm2 =	veq.s32 v26, v6;
	v19 =	vld [tilespmem:s29+$0xFFFFFFC0]  }
0x138: {  	vm10 =	veq.s32 v22, v6;
	v15 =	vadd.s32 v0, v15;
	[tilespmem:v20+s19+$0x0] =	vst.idx.add.f32.msk vm5, v12;
	vm5 =	vmmov vm1  }
0x139: {  	v18 =	vsel vm10, v18, v4;
	vm1 =	vlt.s32 v23, $0x0;
	v20 =	vsel vm2, v15, v4;
	v12 =	vld [tilespmem:s29+$0xFFFFFFE0]  }
0x13a: {  	v17 =	vsel vm6, v17, v4;
	v13 =	vadd.s32 v0, v13;
	v15 =	vxor.u32 $0x7FFFFFFF, v23;
	[tilespmem:v16+s18+$0x0] =	vst.idx.add.s32.msk vm9, v5  }
0x13b: {  	v28 =	vsel vm0, v13, v4;
	vm2 =	vlt.s32 v24, $0x0;
	v26 =	vxor.u32 $0x7FFFFFFF, v24;
	v22 =	vld [tilespmem:s29+$0xFFFFFFF0]  }
0x13c: {  	vm0 =	vlt.s32 v25, $0x0;
	v13 =	vxor.u32 $0x7FFFFFFF, v25;
	v26 =	vsel vm2, v26, v24;
	[tilespmem:v16+s19+$0x0] =	vst.idx.add.f32.msk vm9, v11;
	v11 =	vmovc v19  }
0x13d: {  	vm2 =	vlt.s32 v21, $0x0;
	v13 =	vsel vm0, v13, v25;
	v16 =	vsel vm1, v15, v23;
	[tilespmem:v27+s18+$0x0] =	vst.idx.add.s32.msk vm3, v5  }
0x13e: {  	v29 =	vshra.s32 v26, $0x15;
	v19 =	vshra.s32 v13, $0x15;
	v15 =	vshrl.u32 v26, $0xA;
	[tilespmem:v18+s18+$0x0] =	vst.idx.add.s32.msk vm7, v5  }
0x13f: {  	vm9 =	veq.s32 v29, v6;
	v26 =	vshrl.u32 v16, $0xA;
	vm0 =	veq.s32 v19, v6;
	[tilespmem:v17+s18+$0x0] =	vst.idx.add.s32.msk vm4, v5  }
0x140: {  	v13 =	vshrl.u32 v13, $0xA;
	v30 =	vand.u32 $0x7FF, v15;
	v26 =	vand.u32 $0x7FF, v26;
	[tilespmem:v20+s18+$0x0] =	vst.idx.add.s32.msk vm8, v5  }
0x141: {  	v15 =	vadd.s32 v0, v26;
	v26 =	vadd.s32 v0, v30;
	vm6 =	vlt.s32 v22, $0x0;
	[tilespmem:v20+s19+$0x0] =	vst.idx.add.f32.msk vm8, v14  }
0x142: {  	vm1 =	vge.s32 v19, v6;
	vm10 =	vlt.s32 v12, $0x0;
	vm8 =	vge.s32 v29, v6;
	[tilespmem:v28+s18+$0x0] =	vst.idx.add.s32.msk vm5, v5  }
0x143: {  	v13 =	vand.u32 $0x7FF, v13;
	v14 =	vxor.u32 $0x7FFFFFFF, v12;
	v20 =	vsel vm9, v26, v4;
	[tilespmem:v28+s19+$0x0] =	vst.idx.add.f32.msk vm5, v8;
	v8 =	vmovc v25  }
0x144: {  	v19 =	vxor.u32 $0x7FFFFFFF, v11;
	vm5 =	vlt.s32 v11, $0x0;
	v25 =	vxor.u32 $0x7FFFFFFF, v22;
	[tilespmem:v18+s19+$0x0] =	vst.idx.add.f32.msk vm7, v7;
	v7 =	vmovc v21  }
0x145: {  	v14 =	vsel vm10, v14, v12;
	v21 =	vsel vm5, v19, v11;
	v18 =	vxor.u32 $0x7FFFFFFF, v7;
	[tilespmem:v27+s19+$0x0] =	vst.idx.add.f32.msk vm3, v9  }
0x146: {  	v26 =	vshra.s32 v14, $0x15;
	v19 =	vshra.s32 v21, $0x15;
	v21 =	vshrl.u32 v21, $0xA;
	v9 =	vmovc v23;
	[tilespmem:v17+s19+$0x0] =	vst.idx.add.f32.msk vm4, v10;
	v10 =	vmovc v22  }
0x147: {  	v23 =	vshrl.u32 v14, $0xA;
	vm3 =	veq.s32 v19, v6;
	v17 =	vand.u32 $0x7FF, v21;
	v14 =	vld [tilespmem:s29+$0x30]  }
.Ltmp4:
0x148: {  	v21 =	vshra.s32 v16, $0x15;
	v17 =	vadd.s32 v0, v17;
	v25 =	vsel vm6, v25, v10;
	[tilespmem:v20+s18+$0x0] =	vst.idx.add.s32.msk vm8, v5;
	(pc) =	sbr.rel @p0 .LBB2_10-.Ltmp4, $4  }
0x149: {  	v16 =	vsel vm3, v17, v4;
	v22 =	vshra.s32 v25, $0x15;
	v17 =	vshrl.u32 v25, $0xA;
	[tilespmem:v20+s19+$0x0] =	vst.idx.add.f32.msk vm8, v24  }
0x14a: {  	vm5 =	vge.s32 v26, v6;
	v20 =	vand.u32 $0x7FF, v23;
	v17 =	vand.u32 $0x7FF, v17  }
0x14b: {  	vm3 =	veq.s32 v26, v6;
	v20 =	vadd.s32 v0, v20;
	v17 =	vadd.s32 v0, v17  }
0x14c: {  	s29 =	sadd.s32 $0x100, s29;
	vm6 =	veq.s32 v22, v6;
	v20 =	vsel vm3, v20, v4;
	vm3 =	vge.s32 v21, v6  }
0x14d: {  	_ =	sdelay $0x1  }
0x14e: {  	v18 =	vsel vm2, v18, v7;
	vm2 =	vge.s32 v19, v6  }
0x14f: {  	vm4 =	vge.s32 v22, v6;
	vm7 =	veq.s32 v21, v6;
	vm8 =	vlt.s32 v14, $0x0  }
0x150: {  	v21 =	vxor.u32 $0x7FFFFFFF, v14;
	v17 =	vsel vm6, v17, v4;
	v15 =	vsel vm7, v15, v4  }
0x151: {  	[tilespmem:v20+s18+$0x0] =	vst.idx.add.s32.msk vm5, v5;
	v19 =	vshrl.u32 v18, $0xA;
	v21 =	vsel vm8, v21, v14;
	v18 =	vshra.s32 v18, $0x15  }
0x152: {  	[tilespmem:v20+s19+$0x0] =	vst.idx.add.f32.msk vm5, v12;
	v19 =	vand.u32 $0x7FF, v19;
	v22 =	vshra.s32 v21, $0x15;
	v21 =	vshrl.u32 v21, $0xA  }
0x153: {  	vm7 =	vge.s32 v18, v6;
	vm8 =	veq.s32 v18, v6;
	v19 =	vadd.s32 v0, v19  }
0x154: {  	v21 =	vand.u32 $0x7FF, v21;
	vm9 =	vge.s32 v22, v6;
	vm10 =	veq.s32 v22, v6;
	[tilespmem:v16+s18+$0x0] =	vst.idx.add.s32.msk vm2, v5  }
0x155: {  	v18 =	vsel vm8, v19, v4;
	v12 =	vadd.s32 v0, v21;
	[tilespmem:v15+s18+$0x0] =	vst.idx.add.s32.msk vm3, v5  }
0x156: {  	v12 =	vsel vm10, v12, v4;
	[tilespmem:v17+s18+$0x0] =	vst.idx.add.s32.msk vm4, v5  }
0x157: {  	[tilespmem:v16+s19+$0x0] =	vst.idx.add.f32.msk vm2, v11  }
0x158: {  	vm1 =	vmmov vm1;
	v13 =	vadd.s32 v0, v13;
	[tilespmem:v15+s19+$0x0] =	vst.idx.add.f32.msk vm3, v9  }
0x159: {  	v11 =	vsel vm0, v13, v4;
	[tilespmem:v17+s19+$0x0] =	vst.idx.add.f32.msk vm4, v10  }
0x15a: {  	[tilespmem:v18+s18+$0x0] =	vst.idx.add.s32.msk vm7, v5  }
0x15b: {  	[tilespmem:v12+s18+$0x0] =	vst.idx.add.s32.msk vm9, v5  }
0x15c: {  	[tilespmem:v18+s19+$0x0] =	vst.idx.add.f32.msk vm7, v7  }
0x15d: {  	[tilespmem:v12+s19+$0x0] =	vst.idx.add.f32.msk vm9, v14  }
0x15e: {  	[tilespmem:v11+s18+$0x0] =	vst.idx.add.s32.msk vm1, v5  }
0x15f: {  	[tilespmem:v11+s19+$0x0] =	vst.idx.add.f32.msk vm1, v8  }
0x160: {  	v9 =	vld [tilespmem:s26+$0xFFFFFFD0]  }
0x161: {  	v14 =	vld [tilespmem:s26+$0xFFFFFFF0]  }
0x162: {  	v8 =	vld [tilespmem:s26+$0xFFFFFFE0]  }
0x163: {  	v7 =	vld [tilespmem:s26+$0xFFFFFFA0];
	_ =	sdelay $0x2  }
0x164: {  	vm0 =	vlt.s32 v9, $0x0  }
0x165: {  	v11 =	vxor.u32 $0x7FFFFFFF, v9;
	vm1 =	vlt.s32 v14, $0x0;
	v12 =	vxor.u32 $0x7FFFFFFF, v14  }
0x166: {  	v10 =	vld [tilespmem:s26+$0xFFFFFFC0];
	vm3 =	vlt.s32 v8, $0x0;
	v13 =	vxor.u32 $0x7FFFFFFF, v8;
	vm2 =	vlt.s32 v7, $0x0  }
0x167: {  	v15 =	vsel vm1, v12, v14;
	v16 =	vsel vm0, v11, v9;
	v13 =	vsel vm3, v13, v8  }
0x168: {  	v18 =	vshra.s32 v15, $0x15;
	v15 =	vshrl.u32 v15, $0xA;
	v19 =	vshrl.u32 v16, $0xA  }
0x169: {  	v12 =	vld [tilespmem:s26+$0xFFFFFFB0];
	vm3 =	veq.s32 v18, v6;
	v19 =	vand.u32 $0x7FF, v19;
	v20 =	vand.u32 $0x7FF, v15  }
0x16a: {  	v11 =	vld [tilespmem:s26+$0xFFFFFF90];
	vm6 =	vge.s32 v18, v6;
	v15 =	vadd.s32 v0, v19;
	v19 =	vadd.s32 v0, v20  }
0x16b: {  	vm4 =	vlt.s32 v10, $0x0;
	v21 =	vxor.u32 $0x7FFFFFFF, v10;
	v20 =	vsel vm3, v19, v4  }
0x16c: {  	v24 =	vsel vm4, v21, v10;
	v17 =	vshra.s32 v13, $0x15;
	v13 =	vshrl.u32 v13, $0xA  }
0x16d: {  	v21 =	vshra.s32 v16, $0x15;
	vm0 =	veq.s32 v17, v6;
	vm1 =	vge.s32 v17, v6  }
0x16e: {  	v13 =	vand.u32 $0x7FF, v13;
	vm5 =	vlt.s32 v12, $0x0;
	v17 =	vxor.u32 $0x7FFFFFFF, v12  }
0x16f: {  	vm3 =	vlt.s32 v11, $0x0;
	v18 =	vxor.u32 $0x7FFFFFFF, v11;
	v17 =	vsel vm5, v17, v12  }
0x170: {  	v22 =	vsel vm3, v18, v11;
	v23 =	vshra.s32 v17, $0x15;
	v17 =	vshrl.u32 v17, $0xA;
	[tilespmem:v20+s18+$0x0] =	vst.idx.add.s32.msk vm6, v5  }
0x171: {  	v19 =	vshra.s32 v22, $0x15;
	v22 =	vshrl.u32 v22, $0xA;
	[tilespmem:v20+s19+$0x0] =	vst.idx.add.f32.msk vm6, v14;
	v14 =	vand.u32 $0x7FF, v17  }
0x172: {  	v18 =	vxor.u32 $0x7FFFFFFF, v7;
	v22 =	vand.u32 $0x7FF, v22;
	v20 =	vadd.s32 v0, v14;
	v14 =	vld [tilespmem:s26+$0x0]  }
0x173: {  	vm3 =	veq.s32 v19, v6;
	vm5 =	vge.s32 v23, v6;
	v22 =	vadd.s32 v0, v22  }
0x174: {  	v16 =	vsel vm3, v22, v4;
	v22 =	vshra.s32 v24, $0x15;
	v24 =	vshrl.u32 v24, $0xA  }
0x175: {  	vm3 =	veq.s32 v23, v6;
	v17 =	vand.u32 $0x7FF, v24;
	vm6 =	veq.s32 v22, v6  }
0x176: {  	s28 =	simm.s32 $0x0;
	s26 =	simm.s32 $0x41F0;
	v17 =	vadd.s32 v0, v17;
	v20 =	vsel vm3, v20, v4;
	vm3 =	vge.s32 v21, v6  }
.LBB2_12:
0x177: {  	v23 =	vld [tilespmem:s26+$0xFFFFFFD0];
	s28 =	sadd.s32 $0x8, s28;
	vm4 =	vge.s32 v22, v6;
	vm7 =	veq.s32 v21, v6;
	vm8 =	vlt.s32 v14, $0x0  }
0x178: {  	vm9 =	vge.s32 v19, v6;
	v18 =	vsel vm2, v18, v7;
	v19 =	vxor.u32 $0x7FFFFFFF, v14;
	v21 =	vld [tilespmem:s26+$0xFFFFFFA0];
	p0 =	slt.u32 s28, $0x1F8  }
0x179: {  	v22 =	vshra.s32 v18, $0x15;
	v18 =	vshrl.u32 v18, $0xA;
	v19 =	vsel vm8, v19, v14;
	v24 =	vld [tilespmem:s26+$0xFFFFFFF0]  }
0x17a: {  	v18 =	vand.u32 $0x7FF, v18;
	v26 =	vshra.s32 v19, $0x15;
	v19 =	vshrl.u32 v19, $0xA;
	v25 =	vld [tilespmem:s26+$0xFFFFFFE0]  }
0x17b: {  	v27 =	vsel vm7, v15, v4;
	v18 =	vadd.s32 v0, v18;
	v15 =	vand.u32 $0x7FF, v19;
	[tilespmem:v20+s18+$0x0] =	vst.idx.add.s32.msk vm5, v5  }
0x17c: {  	vm7 =	vge.s32 v22, v6;
	vm8 =	vge.s32 v26, v6;
	vm2 =	veq.s32 v26, v6;
	v19 =	vld [tilespmem:s26+$0xFFFFFF90]  }
0x17d: {  	vm10 =	veq.s32 v22, v6;
	v15 =	vadd.s32 v0, v15;
	[tilespmem:v20+s19+$0x0] =	vst.idx.add.f32.msk vm5, v12;
	vm5 =	vmmov vm1  }
0x17e: {  	v18 =	vsel vm10, v18, v4;
	vm1 =	vlt.s32 v23, $0x0;
	v20 =	vsel vm2, v15, v4;
	v12 =	vld [tilespmem:s26+$0xFFFFFFB0]  }
0x17f: {  	v17 =	vsel vm6, v17, v4;
	v13 =	vadd.s32 v0, v13;
	v15 =	vxor.u32 $0x7FFFFFFF, v23;
	[tilespmem:v16+s18+$0x0] =	vst.idx.add.s32.msk vm9, v5  }
0x180: {  	v28 =	vsel vm0, v13, v4;
	vm2 =	vlt.s32 v24, $0x0;
	v26 =	vxor.u32 $0x7FFFFFFF, v24;
	v22 =	vld [tilespmem:s26+$0xFFFFFFC0]  }
0x181: {  	vm0 =	vlt.s32 v25, $0x0;
	v13 =	vxor.u32 $0x7FFFFFFF, v25;
	v26 =	vsel vm2, v26, v24;
	[tilespmem:v16+s19+$0x0] =	vst.idx.add.f32.msk vm9, v11;
	v11 =	vmovc v19  }
0x182: {  	vm2 =	vlt.s32 v21, $0x0;
	v13 =	vsel vm0, v13, v25;
	v16 =	vsel vm1, v15, v23;
	[tilespmem:v27+s18+$0x0] =	vst.idx.add.s32.msk vm3, v5  }
0x183: {  	v29 =	vshra.s32 v26, $0x15;
	v19 =	vshra.s32 v13, $0x15;
	v15 =	vshrl.u32 v26, $0xA;
	[tilespmem:v18+s18+$0x0] =	vst.idx.add.s32.msk vm7, v5  }
0x184: {  	vm9 =	veq.s32 v29, v6;
	v26 =	vshrl.u32 v16, $0xA;
	vm0 =	veq.s32 v19, v6;
	[tilespmem:v17+s18+$0x0] =	vst.idx.add.s32.msk vm4, v5  }
0x185: {  	v13 =	vshrl.u32 v13, $0xA;
	v30 =	vand.u32 $0x7FF, v15;
	v26 =	vand.u32 $0x7FF, v26;
	[tilespmem:v20+s18+$0x0] =	vst.idx.add.s32.msk vm8, v5  }
0x186: {  	v15 =	vadd.s32 v0, v26;
	v26 =	vadd.s32 v0, v30;
	vm6 =	vlt.s32 v22, $0x0;
	[tilespmem:v20+s19+$0x0] =	vst.idx.add.f32.msk vm8, v14  }
0x187: {  	vm1 =	vge.s32 v19, v6;
	vm10 =	vlt.s32 v12, $0x0;
	vm8 =	vge.s32 v29, v6;
	[tilespmem:v28+s18+$0x0] =	vst.idx.add.s32.msk vm5, v5  }
0x188: {  	v13 =	vand.u32 $0x7FF, v13;
	v14 =	vxor.u32 $0x7FFFFFFF, v12;
	v20 =	vsel vm9, v26, v4;
	[tilespmem:v28+s19+$0x0] =	vst.idx.add.f32.msk vm5, v8;
	v8 =	vmovc v25  }
0x189: {  	v19 =	vxor.u32 $0x7FFFFFFF, v11;
	vm5 =	vlt.s32 v11, $0x0;
	v25 =	vxor.u32 $0x7FFFFFFF, v22;
	[tilespmem:v18+s19+$0x0] =	vst.idx.add.f32.msk vm7, v7;
	v7 =	vmovc v21  }
0x18a: {  	v14 =	vsel vm10, v14, v12;
	v21 =	vsel vm5, v19, v11;
	v18 =	vxor.u32 $0x7FFFFFFF, v7;
	[tilespmem:v27+s19+$0x0] =	vst.idx.add.f32.msk vm3, v9  }
0x18b: {  	v26 =	vshra.s32 v14, $0x15;
	v19 =	vshra.s32 v21, $0x15;
	v21 =	vshrl.u32 v21, $0xA;
	v9 =	vmovc v23;
	[tilespmem:v17+s19+$0x0] =	vst.idx.add.f32.msk vm4, v10;
	v10 =	vmovc v22  }
0x18c: {  	v23 =	vshrl.u32 v14, $0xA;
	vm3 =	veq.s32 v19, v6;
	v17 =	vand.u32 $0x7FF, v21;
	v14 =	vld [tilespmem:s26+$0x0]  }
.Ltmp5:
0x18d: {  	v21 =	vshra.s32 v16, $0x15;
	v17 =	vadd.s32 v0, v17;
	v25 =	vsel vm6, v25, v10;
	[tilespmem:v20+s18+$0x0] =	vst.idx.add.s32.msk vm8, v5;
	(pc) =	sbr.rel @p0 .LBB2_12-.Ltmp5, $4  }
0x18e: {  	v16 =	vsel vm3, v17, v4;
	v22 =	vshra.s32 v25, $0x15;
	v17 =	vshrl.u32 v25, $0xA;
	[tilespmem:v20+s19+$0x0] =	vst.idx.add.f32.msk vm8, v24  }
0x18f: {  	vm5 =	vge.s32 v26, v6;
	v20 =	vand.u32 $0x7FF, v23;
	v17 =	vand.u32 $0x7FF, v17  }
0x190: {  	vm3 =	veq.s32 v26, v6;
	v20 =	vadd.s32 v0, v20;
	v17 =	vadd.s32 v0, v17  }
0x191: {  	s26 =	sadd.s32 $0x100, s26;
	vm6 =	veq.s32 v22, v6;
	v20 =	vsel vm3, v20, v4;
	vm3 =	vge.s32 v21, v6  }
0x192: {  	_ =	sdelay $0x1  }
0x193: {  	v18 =	vsel vm2, v18, v7;
	vm2 =	vge.s32 v19, v6  }
0x194: {  	vm4 =	vge.s32 v22, v6;
	vm7 =	veq.s32 v21, v6;
	vm8 =	vlt.s32 v14, $0x0  }
0x195: {  	v21 =	vxor.u32 $0x7FFFFFFF, v14;
	v17 =	vsel vm6, v17, v4;
	v15 =	vsel vm7, v15, v4  }
0x196: {  	[tilespmem:v20+s18+$0x0] =	vst.idx.add.s32.msk vm5, v5;
	v19 =	vshrl.u32 v18, $0xA;
	v21 =	vsel vm8, v21, v14;
	v18 =	vshra.s32 v18, $0x15  }
0x197: {  	[tilespmem:v20+s19+$0x0] =	vst.idx.add.f32.msk vm5, v12;
	v19 =	vand.u32 $0x7FF, v19;
	v22 =	vshra.s32 v21, $0x15;
	v21 =	vshrl.u32 v21, $0xA  }
0x198: {  	vm7 =	vge.s32 v18, v6;
	vm8 =	veq.s32 v18, v6;
	v19 =	vadd.s32 v0, v19  }
0x199: {  	v21 =	vand.u32 $0x7FF, v21;
	vm9 =	vge.s32 v22, v6;
	vm10 =	veq.s32 v22, v6;
	[tilespmem:v16+s18+$0x0] =	vst.idx.add.s32.msk vm2, v5  }
0x19a: {  	v18 =	vsel vm8, v19, v4;
	v12 =	vadd.s32 v0, v21;
	[tilespmem:v15+s18+$0x0] =	vst.idx.add.s32.msk vm3, v5  }
0x19b: {  	v12 =	vsel vm10, v12, v4;
	[tilespmem:v17+s18+$0x0] =	vst.idx.add.s32.msk vm4, v5  }
0x19c: {  	[tilespmem:v16+s19+$0x0] =	vst.idx.add.f32.msk vm2, v11  }
0x19d: {  	vm1 =	vmmov vm1;
	v13 =	vadd.s32 v0, v13;
	[tilespmem:v15+s19+$0x0] =	vst.idx.add.f32.msk vm3, v9  }
0x19e: {  	v11 =	vsel vm0, v13, v4;
	[tilespmem:v17+s19+$0x0] =	vst.idx.add.f32.msk vm4, v10  }
0x19f: {  	[tilespmem:v18+s18+$0x0] =	vst.idx.add.s32.msk vm7, v5  }
0x1a0: {  	[tilespmem:v12+s18+$0x0] =	vst.idx.add.s32.msk vm9, v5  }
0x1a1: {  	[tilespmem:v18+s19+$0x0] =	vst.idx.add.f32.msk vm7, v7  }
0x1a2: {  	[tilespmem:v12+s19+$0x0] =	vst.idx.add.f32.msk vm9, v14  }
0x1a3: {  	[tilespmem:v11+s18+$0x0] =	vst.idx.add.s32.msk vm1, v5  }
0x1a4: {  	[tilespmem:v11+s19+$0x0] =	vst.idx.add.f32.msk vm1, v8  }
0x1a5: {  	[tilespmem:s17], [sflag:$0x2] =	stream.strided.gather [hbm4b:s8+s13], $0x4000, s14, s13, $0x38;
	[tilespmem:$0x1A280] =	vst v63  }
0x1a6: {  	_ =	swait.ge [sflag:s5], $0x4000  }
0x1a7: {  	[sflag:s5] =	ssyncset.done $0x0  }
0x1a8: {  	s28 =	simm.s32 $0x40;
	[sflag:s5] =	ssyncadd.s32 $0xFFFFC000  }
0x1a9: {  	v9 =	vld [tilespmem:s28+$0x0]  }
0x1aa: {  	v14 =	vld [tilespmem:s28+$0x20]  }
0x1ab: {  	v8 =	vld [tilespmem:s28+$0x10]  }
0x1ac: {  	v7 =	vld [tilespmem:s28+$0xFFFFFFD0];
	_ =	sdelay $0x2  }
0x1ad: {  	vm0 =	vlt.s32 v9, $0x0  }
0x1ae: {  	v11 =	vxor.u32 $0x7FFFFFFF, v9;
	vm1 =	vlt.s32 v14, $0x0;
	v12 =	vxor.u32 $0x7FFFFFFF, v14  }
0x1af: {  	v10 =	vld [tilespmem:s28+$0xFFFFFFF0];
	vm3 =	vlt.s32 v8, $0x0;
	v13 =	vxor.u32 $0x7FFFFFFF, v8;
	vm2 =	vlt.s32 v7, $0x0  }
0x1b0: {  	v15 =	vsel vm1, v12, v14;
	v16 =	vsel vm0, v11, v9;
	v13 =	vsel vm3, v13, v8  }
0x1b1: {  	v18 =	vshra.s32 v15, $0x15;
	v15 =	vshrl.u32 v15, $0xA;
	v19 =	vshrl.u32 v16, $0xA  }
0x1b2: {  	v12 =	vld [tilespmem:s28+$0xFFFFFFE0];
	vm3 =	veq.s32 v18, v6;
	v19 =	vand.u32 $0x7FF, v19;
	v20 =	vand.u32 $0x7FF, v15  }
0x1b3: {  	v11 =	vld [tilespmem:s28+$0xFFFFFFC0];
	vm6 =	vge.s32 v18, v6;
	v15 =	vadd.s32 v0, v19;
	v19 =	vadd.s32 v0, v20  }
0x1b4: {  	vm4 =	vlt.s32 v10, $0x0;
	v21 =	vxor.u32 $0x7FFFFFFF, v10;
	v20 =	vsel vm3, v19, v4  }
0x1b5: {  	v24 =	vsel vm4, v21, v10;
	v17 =	vshra.s32 v13, $0x15;
	v13 =	vshrl.u32 v13, $0xA  }
0x1b6: {  	v21 =	vshra.s32 v16, $0x15;
	vm0 =	veq.s32 v17, v6;
	vm1 =	vge.s32 v17, v6  }
0x1b7: {  	v13 =	vand.u32 $0x7FF, v13;
	vm5 =	vlt.s32 v12, $0x0;
	v17 =	vxor.u32 $0x7FFFFFFF, v12  }
0x1b8: {  	vm3 =	vlt.s32 v11, $0x0;
	v18 =	vxor.u32 $0x7FFFFFFF, v11;
	v17 =	vsel vm5, v17, v12  }
0x1b9: {  	v22 =	vsel vm3, v18, v11;
	v23 =	vshra.s32 v17, $0x15;
	v17 =	vshrl.u32 v17, $0xA;
	[tilespmem:v20+s18+$0x0] =	vst.idx.add.s32.msk vm6, v5  }
0x1ba: {  	v19 =	vshra.s32 v22, $0x15;
	v22 =	vshrl.u32 v22, $0xA;
	[tilespmem:v20+s19+$0x0] =	vst.idx.add.f32.msk vm6, v14;
	v14 =	vand.u32 $0x7FF, v17  }
0x1bb: {  	v18 =	vxor.u32 $0x7FFFFFFF, v7;
	v22 =	vand.u32 $0x7FF, v22;
	v20 =	vadd.s32 v0, v14;
	v14 =	vld [tilespmem:s28+$0x30]  }
0x1bc: {  	vm3 =	veq.s32 v19, v6;
	vm5 =	vge.s32 v23, v6;
	v22 =	vadd.s32 v0, v22  }
0x1bd: {  	v16 =	vsel vm3, v22, v4;
	v22 =	vshra.s32 v24, $0x15;
	v24 =	vshrl.u32 v24, $0xA  }
0x1be: {  	vm3 =	veq.s32 v23, v6;
	v17 =	vand.u32 $0x7FF, v24;
	vm6 =	veq.s32 v22, v6  }
0x1bf: {  	s26 =	simm.s32 $0x0;
	s28 =	simm.s32 $0x140;
	v17 =	vadd.s32 v0, v17;
	v20 =	vsel vm3, v20, v4;
	vm3 =	vge.s32 v21, v6  }
.LBB2_14:
0x1c0: {  	v23 =	vld [tilespmem:s28+$0x0];
	s26 =	sadd.s32 $0x8, s26;
	vm4 =	vge.s32 v22, v6;
	vm7 =	veq.s32 v21, v6;
	vm8 =	vlt.s32 v14, $0x0  }
0x1c1: {  	vm9 =	vge.s32 v19, v6;
	v18 =	vsel vm2, v18, v7;
	v19 =	vxor.u32 $0x7FFFFFFF, v14;
	v21 =	vld [tilespmem:s28+$0xFFFFFFD0];
	p0 =	slt.u32 s26, $0x1F8  }
0x1c2: {  	v22 =	vshra.s32 v18, $0x15;
	v18 =	vshrl.u32 v18, $0xA;
	v19 =	vsel vm8, v19, v14;
	v24 =	vld [tilespmem:s28+$0x20]  }
0x1c3: {  	v18 =	vand.u32 $0x7FF, v18;
	v26 =	vshra.s32 v19, $0x15;
	v19 =	vshrl.u32 v19, $0xA;
	v25 =	vld [tilespmem:s28+$0x10]  }
0x1c4: {  	v27 =	vsel vm7, v15, v4;
	v18 =	vadd.s32 v0, v18;
	v15 =	vand.u32 $0x7FF, v19;
	[tilespmem:v20+s18+$0x0] =	vst.idx.add.s32.msk vm5, v5  }
0x1c5: {  	vm7 =	vge.s32 v22, v6;
	vm8 =	vge.s32 v26, v6;
	vm2 =	veq.s32 v26, v6;
	v19 =	vld [tilespmem:s28+$0xFFFFFFC0]  }
0x1c6: {  	vm10 =	veq.s32 v22, v6;
	v15 =	vadd.s32 v0, v15;
	[tilespmem:v20+s19+$0x0] =	vst.idx.add.f32.msk vm5, v12;
	vm5 =	vmmov vm1  }
0x1c7: {  	v18 =	vsel vm10, v18, v4;
	vm1 =	vlt.s32 v23, $0x0;
	v20 =	vsel vm2, v15, v4;
	v12 =	vld [tilespmem:s28+$0xFFFFFFE0]  }
0x1c8: {  	v17 =	vsel vm6, v17, v4;
	v13 =	vadd.s32 v0, v13;
	v15 =	vxor.u32 $0x7FFFFFFF, v23;
	[tilespmem:v16+s18+$0x0] =	vst.idx.add.s32.msk vm9, v5  }
0x1c9: {  	v28 =	vsel vm0, v13, v4;
	vm2 =	vlt.s32 v24, $0x0;
	v26 =	vxor.u32 $0x7FFFFFFF, v24;
	v22 =	vld [tilespmem:s28+$0xFFFFFFF0]  }
0x1ca: {  	vm0 =	vlt.s32 v25, $0x0;
	v13 =	vxor.u32 $0x7FFFFFFF, v25;
	v26 =	vsel vm2, v26, v24;
	[tilespmem:v16+s19+$0x0] =	vst.idx.add.f32.msk vm9, v11;
	v11 =	vmovc v19  }
0x1cb: {  	vm2 =	vlt.s32 v21, $0x0;
	v13 =	vsel vm0, v13, v25;
	v16 =	vsel vm1, v15, v23;
	[tilespmem:v27+s18+$0x0] =	vst.idx.add.s32.msk vm3, v5  }
0x1cc: {  	v29 =	vshra.s32 v26, $0x15;
	v19 =	vshra.s32 v13, $0x15;
	v15 =	vshrl.u32 v26, $0xA;
	[tilespmem:v18+s18+$0x0] =	vst.idx.add.s32.msk vm7, v5  }
0x1cd: {  	vm9 =	veq.s32 v29, v6;
	v26 =	vshrl.u32 v16, $0xA;
	vm0 =	veq.s32 v19, v6;
	[tilespmem:v17+s18+$0x0] =	vst.idx.add.s32.msk vm4, v5  }
0x1ce: {  	v13 =	vshrl.u32 v13, $0xA;
	v30 =	vand.u32 $0x7FF, v15;
	v26 =	vand.u32 $0x7FF, v26;
	[tilespmem:v20+s18+$0x0] =	vst.idx.add.s32.msk vm8, v5  }
0x1cf: {  	v15 =	vadd.s32 v0, v26;
	v26 =	vadd.s32 v0, v30;
	vm6 =	vlt.s32 v22, $0x0;
	[tilespmem:v20+s19+$0x0] =	vst.idx.add.f32.msk vm8, v14  }
0x1d0: {  	vm1 =	vge.s32 v19, v6;
	vm10 =	vlt.s32 v12, $0x0;
	vm8 =	vge.s32 v29, v6;
	[tilespmem:v28+s18+$0x0] =	vst.idx.add.s32.msk vm5, v5  }
0x1d1: {  	v13 =	vand.u32 $0x7FF, v13;
	v14 =	vxor.u32 $0x7FFFFFFF, v12;
	v20 =	vsel vm9, v26, v4;
	[tilespmem:v28+s19+$0x0] =	vst.idx.add.f32.msk vm5, v8;
	v8 =	vmovc v25  }
0x1d2: {  	v19 =	vxor.u32 $0x7FFFFFFF, v11;
	vm5 =	vlt.s32 v11, $0x0;
	v25 =	vxor.u32 $0x7FFFFFFF, v22;
	[tilespmem:v18+s19+$0x0] =	vst.idx.add.f32.msk vm7, v7;
	v7 =	vmovc v21  }
0x1d3: {  	v14 =	vsel vm10, v14, v12;
	v21 =	vsel vm5, v19, v11;
	v18 =	vxor.u32 $0x7FFFFFFF, v7;
	[tilespmem:v27+s19+$0x0] =	vst.idx.add.f32.msk vm3, v9  }
0x1d4: {  	v26 =	vshra.s32 v14, $0x15;
	v19 =	vshra.s32 v21, $0x15;
	v21 =	vshrl.u32 v21, $0xA;
	v9 =	vmovc v23;
	[tilespmem:v17+s19+$0x0] =	vst.idx.add.f32.msk vm4, v10;
	v10 =	vmovc v22  }
0x1d5: {  	v23 =	vshrl.u32 v14, $0xA;
	vm3 =	veq.s32 v19, v6;
	v17 =	vand.u32 $0x7FF, v21;
	v14 =	vld [tilespmem:s28+$0x30]  }
.Ltmp6:
0x1d6: {  	v21 =	vshra.s32 v16, $0x15;
	v17 =	vadd.s32 v0, v17;
	v25 =	vsel vm6, v25, v10;
	[tilespmem:v20+s18+$0x0] =	vst.idx.add.s32.msk vm8, v5;
	(pc) =	sbr.rel @p0 .LBB2_14-.Ltmp6, $4  }
0x1d7: {  	v16 =	vsel vm3, v17, v4;
	v22 =	vshra.s32 v25, $0x15;
	v17 =	vshrl.u32 v25, $0xA;
	[tilespmem:v20+s19+$0x0] =	vst.idx.add.f32.msk vm8, v24  }
0x1d8: {  	vm5 =	vge.s32 v26, v6;
	v20 =	vand.u32 $0x7FF, v23;
	v17 =	vand.u32 $0x7FF, v17  }
0x1d9: {  	vm3 =	veq.s32 v26, v6;
	v20 =	vadd.s32 v0, v20;
	v17 =	vadd.s32 v0, v17  }
0x1da: {  	s28 =	sadd.s32 $0x100, s28;
	vm6 =	veq.s32 v22, v6;
	v20 =	vsel vm3, v20, v4;
	vm3 =	vge.s32 v21, v6  }
0x1db: {  	_ =	sdelay $0x1  }
0x1dc: {  	v18 =	vsel vm2, v18, v7;
	vm2 =	vge.s32 v19, v6  }
0x1dd: {  	vm4 =	vge.s32 v22, v6;
	vm7 =	veq.s32 v21, v6;
	vm8 =	vlt.s32 v14, $0x0  }
0x1de: {  	v21 =	vxor.u32 $0x7FFFFFFF, v14;
	v17 =	vsel vm6, v17, v4;
	v15 =	vsel vm7, v15, v4  }
0x1df: {  	[tilespmem:v20+s18+$0x0] =	vst.idx.add.s32.msk vm5, v5;
	v19 =	vshrl.u32 v18, $0xA;
	v21 =	vsel vm8, v21, v14;
	v18 =	vshra.s32 v18, $0x15  }
0x1e0: {  	[tilespmem:v20+s19+$0x0] =	vst.idx.add.f32.msk vm5, v12;
	v19 =	vand.u32 $0x7FF, v19;
	v22 =	vshra.s32 v21, $0x15;
	v21 =	vshrl.u32 v21, $0xA  }
0x1e1: {  	vm7 =	vge.s32 v18, v6;
	vm8 =	veq.s32 v18, v6;
	v19 =	vadd.s32 v0, v19  }
0x1e2: {  	v21 =	vand.u32 $0x7FF, v21;
	vm9 =	vge.s32 v22, v6;
	vm10 =	veq.s32 v22, v6;
	[tilespmem:v16+s18+$0x0] =	vst.idx.add.s32.msk vm2, v5  }
0x1e3: {  	v18 =	vsel vm8, v19, v4;
	v12 =	vadd.s32 v0, v21;
	[tilespmem:v15+s18+$0x0] =	vst.idx.add.s32.msk vm3, v5  }
0x1e4: {  	v12 =	vsel vm10, v12, v4;
	[tilespmem:v17+s18+$0x0] =	vst.idx.add.s32.msk vm4, v5  }
0x1e5: {  	[tilespmem:v16+s19+$0x0] =	vst.idx.add.f32.msk vm2, v11  }
0x1e6: {  	vm1 =	vmmov vm1;
	v13 =	vadd.s32 v0, v13;
	[tilespmem:v15+s19+$0x0] =	vst.idx.add.f32.msk vm3, v9  }
0x1e7: {  	v11 =	vsel vm0, v13, v4;
	[tilespmem:v17+s19+$0x0] =	vst.idx.add.f32.msk vm4, v10  }
0x1e8: {  	[tilespmem:v18+s18+$0x0] =	vst.idx.add.s32.msk vm7, v5  }
0x1e9: {  	[tilespmem:v12+s18+$0x0] =	vst.idx.add.s32.msk vm9, v5  }
0x1ea: {  	[tilespmem:v18+s19+$0x0] =	vst.idx.add.f32.msk vm7, v7  }
0x1eb: {  	[tilespmem:v12+s19+$0x0] =	vst.idx.add.f32.msk vm9, v14  }
0x1ec: {  	[tilespmem:v11+s18+$0x0] =	vst.idx.add.s32.msk vm1, v5  }
0x1ed: {  	s28 =	simm.s32 $0xF0;
	[tilespmem:v11+s19+$0x0] =	vst.idx.add.f32.msk vm1, v8  }
0x1ee: {  	v9 =	vld [tilespmem:s28+$0xFFFFFFD0]  }
0x1ef: {  	v14 =	vld [tilespmem:s28+$0xFFFFFFF0]  }
0x1f0: {  	v8 =	vld [tilespmem:s28+$0xFFFFFFE0]  }
0x1f1: {  	v7 =	vld [tilespmem:s28+$0xFFFFFFA0];
	_ =	sdelay $0x2  }
0x1f2: {  	vm0 =	vlt.s32 v9, $0x0  }
0x1f3: {  	v11 =	vxor.u32 $0x7FFFFFFF, v9;
	vm1 =	vlt.s32 v14, $0x0;
	v12 =	vxor.u32 $0x7FFFFFFF, v14  }
0x1f4: {  	v10 =	vld [tilespmem:s28+$0xFFFFFFC0];
	vm3 =	vlt.s32 v8, $0x0;
	v13 =	vxor.u32 $0x7FFFFFFF, v8;
	vm2 =	vlt.s32 v7, $0x0  }
0x1f5: {  	v15 =	vsel vm1, v12, v14;
	v16 =	vsel vm0, v11, v9;
	v13 =	vsel vm3, v13, v8  }
0x1f6: {  	v18 =	vshra.s32 v15, $0x15;
	v15 =	vshrl.u32 v15, $0xA;
	v19 =	vshrl.u32 v16, $0xA  }
0x1f7: {  	v12 =	vld [tilespmem:s28+$0xFFFFFFB0];
	vm3 =	veq.s32 v18, v6;
	v19 =	vand.u32 $0x7FF, v19;
	v20 =	vand.u32 $0x7FF, v15  }
0x1f8: {  	v11 =	vld [tilespmem:s28+$0xFFFFFF90];
	vm6 =	vge.s32 v18, v6;
	v15 =	vadd.s32 v0, v19;
	v19 =	vadd.s32 v0, v20  }
0x1f9: {  	vm4 =	vlt.s32 v10, $0x0;
	v21 =	vxor.u32 $0x7FFFFFFF, v10;
	v20 =	vsel vm3, v19, v4  }
0x1fa: {  	v24 =	vsel vm4, v21, v10;
	v17 =	vshra.s32 v13, $0x15;
	v13 =	vshrl.u32 v13, $0xA  }
0x1fb: {  	v21 =	vshra.s32 v16, $0x15;
	vm0 =	veq.s32 v17, v6;
	vm1 =	vge.s32 v17, v6  }
0x1fc: {  	v13 =	vand.u32 $0x7FF, v13;
	vm5 =	vlt.s32 v12, $0x0;
	v17 =	vxor.u32 $0x7FFFFFFF, v12  }
0x1fd: {  	vm3 =	vlt.s32 v11, $0x0;
	v18 =	vxor.u32 $0x7FFFFFFF, v11;
	v17 =	vsel vm5, v17, v12  }
0x1fe: {  	v22 =	vsel vm3, v18, v11;
	v23 =	vshra.s32 v17, $0x15;
	v17 =	vshrl.u32 v17, $0xA;
	[tilespmem:v20+s18+$0x0] =	vst.idx.add.s32.msk vm6, v5  }
0x1ff: {  	v19 =	vshra.s32 v22, $0x15;
	v22 =	vshrl.u32 v22, $0xA;
	[tilespmem:v20+s19+$0x0] =	vst.idx.add.f32.msk vm6, v14;
	v14 =	vand.u32 $0x7FF, v17  }
0x200: {  	v18 =	vxor.u32 $0x7FFFFFFF, v7;
	v22 =	vand.u32 $0x7FF, v22;
	v20 =	vadd.s32 v0, v14;
	v14 =	vld [tilespmem:s28+$0x0]  }
0x201: {  	vm3 =	veq.s32 v19, v6;
	vm5 =	vge.s32 v23, v6;
	v22 =	vadd.s32 v0, v22  }
0x202: {  	v16 =	vsel vm3, v22, v4;
	v22 =	vshra.s32 v24, $0x15;
	v24 =	vshrl.u32 v24, $0xA  }
0x203: {  	vm3 =	veq.s32 v23, v6;
	v17 =	vand.u32 $0x7FF, v24;
	vm6 =	veq.s32 v22, v6  }
0x204: {  	s26 =	simm.s32 $0x0;
	s28 =	simm.s32 $0x1F0;
	v17 =	vadd.s32 v0, v17;
	v20 =	vsel vm3, v20, v4;
	vm3 =	vge.s32 v21, v6  }
.LBB2_16:
0x205: {  	v23 =	vld [tilespmem:s28+$0xFFFFFFD0];
	s26 =	sadd.s32 $0x8, s26;
	vm4 =	vge.s32 v22, v6;
	vm7 =	veq.s32 v21, v6;
	vm8 =	vlt.s32 v14, $0x0  }
0x206: {  	vm9 =	vge.s32 v19, v6;
	v18 =	vsel vm2, v18, v7;
	v19 =	vxor.u32 $0x7FFFFFFF, v14;
	v21 =	vld [tilespmem:s28+$0xFFFFFFA0];
	p0 =	slt.u32 s26, $0x1F8  }
0x207: {  	v22 =	vshra.s32 v18, $0x15;
	v18 =	vshrl.u32 v18, $0xA;
	v19 =	vsel vm8, v19, v14;
	v24 =	vld [tilespmem:s28+$0xFFFFFFF0]  }
0x208: {  	v18 =	vand.u32 $0x7FF, v18;
	v26 =	vshra.s32 v19, $0x15;
	v19 =	vshrl.u32 v19, $0xA;
	v25 =	vld [tilespmem:s28+$0xFFFFFFE0]  }
0x209: {  	v27 =	vsel vm7, v15, v4;
	v18 =	vadd.s32 v0, v18;
	v15 =	vand.u32 $0x7FF, v19;
	[tilespmem:v20+s18+$0x0] =	vst.idx.add.s32.msk vm5, v5  }
0x20a: {  	vm7 =	vge.s32 v22, v6;
	vm8 =	vge.s32 v26, v6;
	vm2 =	veq.s32 v26, v6;
	v19 =	vld [tilespmem:s28+$0xFFFFFF90]  }
0x20b: {  	vm10 =	veq.s32 v22, v6;
	v15 =	vadd.s32 v0, v15;
	[tilespmem:v20+s19+$0x0] =	vst.idx.add.f32.msk vm5, v12;
	vm5 =	vmmov vm1  }
0x20c: {  	v18 =	vsel vm10, v18, v4;
	vm1 =	vlt.s32 v23, $0x0;
	v20 =	vsel vm2, v15, v4;
	v12 =	vld [tilespmem:s28+$0xFFFFFFB0]  }
0x20d: {  	v17 =	vsel vm6, v17, v4;
	v13 =	vadd.s32 v0, v13;
	v15 =	vxor.u32 $0x7FFFFFFF, v23;
	[tilespmem:v16+s18+$0x0] =	vst.idx.add.s32.msk vm9, v5  }
0x20e: {  	v28 =	vsel vm0, v13, v4;
	vm2 =	vlt.s32 v24, $0x0;
	v26 =	vxor.u32 $0x7FFFFFFF, v24;
	v22 =	vld [tilespmem:s28+$0xFFFFFFC0]  }
0x20f: {  	vm0 =	vlt.s32 v25, $0x0;
	v13 =	vxor.u32 $0x7FFFFFFF, v25;
	v26 =	vsel vm2, v26, v24;
	[tilespmem:v16+s19+$0x0] =	vst.idx.add.f32.msk vm9, v11;
	v11 =	vmovc v19  }
0x210: {  	vm2 =	vlt.s32 v21, $0x0;
	v13 =	vsel vm0, v13, v25;
	v16 =	vsel vm1, v15, v23;
	[tilespmem:v27+s18+$0x0] =	vst.idx.add.s32.msk vm3, v5  }
0x211: {  	v29 =	vshra.s32 v26, $0x15;
	v19 =	vshra.s32 v13, $0x15;
	v15 =	vshrl.u32 v26, $0xA;
	[tilespmem:v18+s18+$0x0] =	vst.idx.add.s32.msk vm7, v5  }
0x212: {  	vm9 =	veq.s32 v29, v6;
	v26 =	vshrl.u32 v16, $0xA;
	vm0 =	veq.s32 v19, v6;
	[tilespmem:v17+s18+$0x0] =	vst.idx.add.s32.msk vm4, v5  }
0x213: {  	v13 =	vshrl.u32 v13, $0xA;
	v30 =	vand.u32 $0x7FF, v15;
	v26 =	vand.u32 $0x7FF, v26;
	[tilespmem:v20+s18+$0x0] =	vst.idx.add.s32.msk vm8, v5  }
0x214: {  	v15 =	vadd.s32 v0, v26;
	v26 =	vadd.s32 v0, v30;
	vm6 =	vlt.s32 v22, $0x0;
	[tilespmem:v20+s19+$0x0] =	vst.idx.add.f32.msk vm8, v14  }
0x215: {  	vm1 =	vge.s32 v19, v6;
	vm10 =	vlt.s32 v12, $0x0;
	vm8 =	vge.s32 v29, v6;
	[tilespmem:v28+s18+$0x0] =	vst.idx.add.s32.msk vm5, v5  }
0x216: {  	v13 =	vand.u32 $0x7FF, v13;
	v14 =	vxor.u32 $0x7FFFFFFF, v12;
	v20 =	vsel vm9, v26, v4;
	[tilespmem:v28+s19+$0x0] =	vst.idx.add.f32.msk vm5, v8;
	v8 =	vmovc v25  }
0x217: {  	v19 =	vxor.u32 $0x7FFFFFFF, v11;
	vm5 =	vlt.s32 v11, $0x0;
	v25 =	vxor.u32 $0x7FFFFFFF, v22;
	[tilespmem:v18+s19+$0x0] =	vst.idx.add.f32.msk vm7, v7;
	v7 =	vmovc v21  }
0x218: {  	v14 =	vsel vm10, v14, v12;
	v21 =	vsel vm5, v19, v11;
	v18 =	vxor.u32 $0x7FFFFFFF, v7;
	[tilespmem:v27+s19+$0x0] =	vst.idx.add.f32.msk vm3, v9  }
0x219: {  	v26 =	vshra.s32 v14, $0x15;
	v19 =	vshra.s32 v21, $0x15;
	v21 =	vshrl.u32 v21, $0xA;
	v9 =	vmovc v23;
	[tilespmem:v17+s19+$0x0] =	vst.idx.add.f32.msk vm4, v10;
	v10 =	vmovc v22  }
0x21a: {  	v23 =	vshrl.u32 v14, $0xA;
	vm3 =	veq.s32 v19, v6;
	v17 =	vand.u32 $0x7FF, v21;
	v14 =	vld [tilespmem:s28+$0x0]  }
.Ltmp7:
0x21b: {  	v21 =	vshra.s32 v16, $0x15;
	v17 =	vadd.s32 v0, v17;
	v25 =	vsel vm6, v25, v10;
	[tilespmem:v20+s18+$0x0] =	vst.idx.add.s32.msk vm8, v5;
	(pc) =	sbr.rel @p0 .LBB2_16-.Ltmp7, $4  }
0x21c: {  	v16 =	vsel vm3, v17, v4;
	v22 =	vshra.s32 v25, $0x15;
	v17 =	vshrl.u32 v25, $0xA;
	[tilespmem:v20+s19+$0x0] =	vst.idx.add.f32.msk vm8, v24  }
0x21d: {  	vm5 =	vge.s32 v26, v6;
	v20 =	vand.u32 $0x7FF, v23;
	v17 =	vand.u32 $0x7FF, v17  }
0x21e: {  	vm3 =	veq.s32 v26, v6;
	v20 =	vadd.s32 v0, v20;
	v17 =	vadd.s32 v0, v17  }
0x21f: {  	s28 =	sadd.s32 $0x100, s28;
	vm6 =	veq.s32 v22, v6;
	v20 =	vsel vm3, v20, v4;
	vm3 =	vge.s32 v21, v6  }
0x220: {  	_ =	sdelay $0x1  }
0x221: {  	v18 =	vsel vm2, v18, v7;
	vm2 =	vge.s32 v19, v6  }
0x222: {  	vm4 =	vge.s32 v22, v6;
	vm7 =	veq.s32 v21, v6;
	vm8 =	vlt.s32 v14, $0x0  }
0x223: {  	v21 =	vxor.u32 $0x7FFFFFFF, v14;
	v17 =	vsel vm6, v17, v4;
	v15 =	vsel vm7, v15, v4  }
0x224: {  	[tilespmem:v20+s18+$0x0] =	vst.idx.add.s32.msk vm5, v5;
	v19 =	vshrl.u32 v18, $0xA;
	v21 =	vsel vm8, v21, v14;
	v18 =	vshra.s32 v18, $0x15  }
0x225: {  	[tilespmem:v20+s19+$0x0] =	vst.idx.add.f32.msk vm5, v12;
	v19 =	vand.u32 $0x7FF, v19;
	v22 =	vshra.s32 v21, $0x15;
	v21 =	vshrl.u32 v21, $0xA  }
0x226: {  	vm7 =	vge.s32 v18, v6;
	vm8 =	veq.s32 v18, v6;
	v19 =	vadd.s32 v0, v19  }
0x227: {  	v21 =	vand.u32 $0x7FF, v21;
	vm9 =	vge.s32 v22, v6;
	vm10 =	veq.s32 v22, v6;
	[tilespmem:v16+s18+$0x0] =	vst.idx.add.s32.msk vm2, v5  }
0x228: {  	v18 =	vsel vm8, v19, v4;
	v12 =	vadd.s32 v0, v21;
	[tilespmem:v15+s18+$0x0] =	vst.idx.add.s32.msk vm3, v5  }
0x229: {  	v12 =	vsel vm10, v12, v4;
	[tilespmem:v17+s18+$0x0] =	vst.idx.add.s32.msk vm4, v5  }
0x22a: {  	[tilespmem:v16+s19+$0x0] =	vst.idx.add.f32.msk vm2, v11  }
0x22b: {  	vm1 =	vmmov vm1;
	v13 =	vadd.s32 v0, v13;
	[tilespmem:v15+s19+$0x0] =	vst.idx.add.f32.msk vm3, v9  }
0x22c: {  	v11 =	vsel vm0, v13, v4;
	[tilespmem:v17+s19+$0x0] =	vst.idx.add.f32.msk vm4, v10  }
0x22d: {  	[tilespmem:v18+s18+$0x0] =	vst.idx.add.s32.msk vm7, v5  }
0x22e: {  	[tilespmem:v12+s18+$0x0] =	vst.idx.add.s32.msk vm9, v5  }
0x22f: {  	[tilespmem:v18+s19+$0x0] =	vst.idx.add.f32.msk vm7, v7  }
0x230: {  	[tilespmem:v12+s19+$0x0] =	vst.idx.add.f32.msk vm9, v14  }
0x231: {  	[tilespmem:v11+s18+$0x0] =	vst.idx.add.s32.msk vm1, v5  }
0x232: {  	[tilespmem:v11+s19+$0x0] =	vst.idx.add.f32.msk vm1, v8  }
0x233: {  	_ =	swait.ge [sflag:s20], $0x4000  }
0x234: {  	[sflag:s20] =	ssyncset.done $0x0  }
0x235: {  	s28 =	simm.s32 $0x4040;
	[sflag:s20] =	ssyncadd.s32 $0xFFFFC000  }
0x236: {  	v9 =	vld [tilespmem:s28+$0x0]  }
0x237: {  	v14 =	vld [tilespmem:s28+$0x20]  }
0x238: {  	v8 =	vld [tilespmem:s28+$0x10]  }
0x239: {  	v7 =	vld [tilespmem:s28+$0xFFFFFFD0];
	_ =	sdelay $0x2  }
0x23a: {  	vm0 =	vlt.s32 v9, $0x0  }
0x23b: {  	v11 =	vxor.u32 $0x7FFFFFFF, v9;
	vm1 =	vlt.s32 v14, $0x0;
	v12 =	vxor.u32 $0x7FFFFFFF, v14  }
0x23c: {  	v10 =	vld [tilespmem:s28+$0xFFFFFFF0];
	vm3 =	vlt.s32 v8, $0x0;
	v13 =	vxor.u32 $0x7FFFFFFF, v8;
	vm2 =	vlt.s32 v7, $0x0  }
0x23d: {  	v15 =	vsel vm1, v12, v14;
	v16 =	vsel vm0, v11, v9;
	v13 =	vsel vm3, v13, v8  }
0x23e: {  	v18 =	vshra.s32 v15, $0x15;
	v15 =	vshrl.u32 v15, $0xA;
	v19 =	vshrl.u32 v16, $0xA  }
0x23f: {  	v12 =	vld [tilespmem:s28+$0xFFFFFFE0];
	vm3 =	veq.s32 v18, v6;
	v19 =	vand.u32 $0x7FF, v19;
	v20 =	vand.u32 $0x7FF, v15  }
0x240: {  	v11 =	vld [tilespmem:s28+$0xFFFFFFC0];
	vm6 =	vge.s32 v18, v6;
	v15 =	vadd.s32 v0, v19;
	v19 =	vadd.s32 v0, v20  }
0x241: {  	vm4 =	vlt.s32 v10, $0x0;
	v21 =	vxor.u32 $0x7FFFFFFF, v10;
	v20 =	vsel vm3, v19, v4  }
0x242: {  	v24 =	vsel vm4, v21, v10;
	v17 =	vshra.s32 v13, $0x15;
	v13 =	vshrl.u32 v13, $0xA  }
0x243: {  	v21 =	vshra.s32 v16, $0x15;
	vm0 =	veq.s32 v17, v6;
	vm1 =	vge.s32 v17, v6  }
0x244: {  	v13 =	vand.u32 $0x7FF, v13;
	vm5 =	vlt.s32 v12, $0x0;
	v17 =	vxor.u32 $0x7FFFFFFF, v12  }
0x245: {  	vm3 =	vlt.s32 v11, $0x0;
	v18 =	vxor.u32 $0x7FFFFFFF, v11;
	v17 =	vsel vm5, v17, v12  }
0x246: {  	v22 =	vsel vm3, v18, v11;
	v23 =	vshra.s32 v17, $0x15;
	v17 =	vshrl.u32 v17, $0xA;
	[tilespmem:v20+s18+$0x0] =	vst.idx.add.s32.msk vm6, v5  }
0x247: {  	v19 =	vshra.s32 v22, $0x15;
	v22 =	vshrl.u32 v22, $0xA;
	[tilespmem:v20+s19+$0x0] =	vst.idx.add.f32.msk vm6, v14;
	v14 =	vand.u32 $0x7FF, v17  }
0x248: {  	v18 =	vxor.u32 $0x7FFFFFFF, v7;
	v22 =	vand.u32 $0x7FF, v22;
	v20 =	vadd.s32 v0, v14;
	v14 =	vld [tilespmem:s28+$0x30]  }
0x249: {  	vm3 =	veq.s32 v19, v6;
	vm5 =	vge.s32 v23, v6;
	v22 =	vadd.s32 v0, v22  }
0x24a: {  	v16 =	vsel vm3, v22, v4;
	v22 =	vshra.s32 v24, $0x15;
	v24 =	vshrl.u32 v24, $0xA  }
0x24b: {  	vm3 =	veq.s32 v23, v6;
	v17 =	vand.u32 $0x7FF, v24;
	vm6 =	veq.s32 v22, v6  }
0x24c: {  	s26 =	simm.s32 $0x0;
	s28 =	simm.s32 $0x4140;
	v17 =	vadd.s32 v0, v17;
	v20 =	vsel vm3, v20, v4;
	vm3 =	vge.s32 v21, v6  }
.LBB2_18:
0x24d: {  	v23 =	vld [tilespmem:s28+$0x0];
	s26 =	sadd.s32 $0x8, s26;
	vm4 =	vge.s32 v22, v6;
	vm7 =	veq.s32 v21, v6;
	vm8 =	vlt.s32 v14, $0x0  }
0x24e: {  	vm9 =	vge.s32 v19, v6;
	v18 =	vsel vm2, v18, v7;
	v19 =	vxor.u32 $0x7FFFFFFF, v14;
	v21 =	vld [tilespmem:s28+$0xFFFFFFD0];
	p0 =	slt.u32 s26, $0x1F8  }
0x24f: {  	v22 =	vshra.s32 v18, $0x15;
	v18 =	vshrl.u32 v18, $0xA;
	v19 =	vsel vm8, v19, v14;
	v24 =	vld [tilespmem:s28+$0x20]  }
0x250: {  	v18 =	vand.u32 $0x7FF, v18;
	v26 =	vshra.s32 v19, $0x15;
	v19 =	vshrl.u32 v19, $0xA;
	v25 =	vld [tilespmem:s28+$0x10]  }
0x251: {  	v27 =	vsel vm7, v15, v4;
	v18 =	vadd.s32 v0, v18;
	v15 =	vand.u32 $0x7FF, v19;
	[tilespmem:v20+s18+$0x0] =	vst.idx.add.s32.msk vm5, v5  }
0x252: {  	vm7 =	vge.s32 v22, v6;
	vm8 =	vge.s32 v26, v6;
	vm2 =	veq.s32 v26, v6;
	v19 =	vld [tilespmem:s28+$0xFFFFFFC0]  }
0x253: {  	vm10 =	veq.s32 v22, v6;
	v15 =	vadd.s32 v0, v15;
	[tilespmem:v20+s19+$0x0] =	vst.idx.add.f32.msk vm5, v12;
	vm5 =	vmmov vm1  }
0x254: {  	v18 =	vsel vm10, v18, v4;
	vm1 =	vlt.s32 v23, $0x0;
	v20 =	vsel vm2, v15, v4;
	v12 =	vld [tilespmem:s28+$0xFFFFFFE0]  }
0x255: {  	v17 =	vsel vm6, v17, v4;
	v13 =	vadd.s32 v0, v13;
	v15 =	vxor.u32 $0x7FFFFFFF, v23;
	[tilespmem:v16+s18+$0x0] =	vst.idx.add.s32.msk vm9, v5  }
0x256: {  	v28 =	vsel vm0, v13, v4;
	vm2 =	vlt.s32 v24, $0x0;
	v26 =	vxor.u32 $0x7FFFFFFF, v24;
	v22 =	vld [tilespmem:s28+$0xFFFFFFF0]  }
0x257: {  	vm0 =	vlt.s32 v25, $0x0;
	v13 =	vxor.u32 $0x7FFFFFFF, v25;
	v26 =	vsel vm2, v26, v24;
	[tilespmem:v16+s19+$0x0] =	vst.idx.add.f32.msk vm9, v11;
	v11 =	vmovc v19  }
0x258: {  	vm2 =	vlt.s32 v21, $0x0;
	v13 =	vsel vm0, v13, v25;
	v16 =	vsel vm1, v15, v23;
	[tilespmem:v27+s18+$0x0] =	vst.idx.add.s32.msk vm3, v5  }
0x259: {  	v29 =	vshra.s32 v26, $0x15;
	v19 =	vshra.s32 v13, $0x15;
	v15 =	vshrl.u32 v26, $0xA;
	[tilespmem:v18+s18+$0x0] =	vst.idx.add.s32.msk vm7, v5  }
0x25a: {  	vm9 =	veq.s32 v29, v6;
	v26 =	vshrl.u32 v16, $0xA;
	vm0 =	veq.s32 v19, v6;
	[tilespmem:v17+s18+$0x0] =	vst.idx.add.s32.msk vm4, v5  }
0x25b: {  	v13 =	vshrl.u32 v13, $0xA;
	v30 =	vand.u32 $0x7FF, v15;
	v26 =	vand.u32 $0x7FF, v26;
	[tilespmem:v20+s18+$0x0] =	vst.idx.add.s32.msk vm8, v5  }
0x25c: {  	v15 =	vadd.s32 v0, v26;
	v26 =	vadd.s32 v0, v30;
	vm6 =	vlt.s32 v22, $0x0;
	[tilespmem:v20+s19+$0x0] =	vst.idx.add.f32.msk vm8, v14  }
0x25d: {  	vm1 =	vge.s32 v19, v6;
	vm10 =	vlt.s32 v12, $0x0;
	vm8 =	vge.s32 v29, v6;
	[tilespmem:v28+s18+$0x0] =	vst.idx.add.s32.msk vm5, v5  }
0x25e: {  	v13 =	vand.u32 $0x7FF, v13;
	v14 =	vxor.u32 $0x7FFFFFFF, v12;
	v20 =	vsel vm9, v26, v4;
	[tilespmem:v28+s19+$0x0] =	vst.idx.add.f32.msk vm5, v8;
	v8 =	vmovc v25  }
0x25f: {  	v19 =	vxor.u32 $0x7FFFFFFF, v11;
	vm5 =	vlt.s32 v11, $0x0;
	v25 =	vxor.u32 $0x7FFFFFFF, v22;
	[tilespmem:v18+s19+$0x0] =	vst.idx.add.f32.msk vm7, v7;
	v7 =	vmovc v21  }
0x260: {  	v14 =	vsel vm10, v14, v12;
	v21 =	vsel vm5, v19, v11;
	v18 =	vxor.u32 $0x7FFFFFFF, v7;
	[tilespmem:v27+s19+$0x0] =	vst.idx.add.f32.msk vm3, v9  }
0x261: {  	v26 =	vshra.s32 v14, $0x15;
	v19 =	vshra.s32 v21, $0x15;
	v21 =	vshrl.u32 v21, $0xA;
	v9 =	vmovc v23;
	[tilespmem:v17+s19+$0x0] =	vst.idx.add.f32.msk vm4, v10;
	v10 =	vmovc v22  }
0x262: {  	v23 =	vshrl.u32 v14, $0xA;
	vm3 =	veq.s32 v19, v6;
	v17 =	vand.u32 $0x7FF, v21;
	v14 =	vld [tilespmem:s28+$0x30]  }
.Ltmp8:
0x263: {  	v21 =	vshra.s32 v16, $0x15;
	v17 =	vadd.s32 v0, v17;
	v25 =	vsel vm6, v25, v10;
	[tilespmem:v20+s18+$0x0] =	vst.idx.add.s32.msk vm8, v5;
	(pc) =	sbr.rel @p0 .LBB2_18-.Ltmp8, $4  }
0x264: {  	v16 =	vsel vm3, v17, v4;
	v22 =	vshra.s32 v25, $0x15;
	v17 =	vshrl.u32 v25, $0xA;
	[tilespmem:v20+s19+$0x0] =	vst.idx.add.f32.msk vm8, v24  }
0x265: {  	vm5 =	vge.s32 v26, v6;
	v20 =	vand.u32 $0x7FF, v23;
	v17 =	vand.u32 $0x7FF, v17  }
0x266: {  	vm3 =	veq.s32 v26, v6;
	v20 =	vadd.s32 v0, v20;
	v17 =	vadd.s32 v0, v17  }
0x267: {  	s28 =	sadd.s32 $0x100, s28;
	vm6 =	veq.s32 v22, v6;
	v20 =	vsel vm3, v20, v4;
	vm3 =	vge.s32 v21, v6  }
0x268: {  	_ =	sdelay $0x1  }
0x269: {  	v18 =	vsel vm2, v18, v7;
	vm2 =	vge.s32 v19, v6  }
0x26a: {  	vm4 =	vge.s32 v22, v6;
	vm7 =	veq.s32 v21, v6;
	vm8 =	vlt.s32 v14, $0x0  }
0x26b: {  	v21 =	vxor.u32 $0x7FFFFFFF, v14;
	v17 =	vsel vm6, v17, v4;
	v15 =	vsel vm7, v15, v4  }
0x26c: {  	[tilespmem:v20+s18+$0x0] =	vst.idx.add.s32.msk vm5, v5;
	v19 =	vshrl.u32 v18, $0xA;
	v21 =	vsel vm8, v21, v14;
	v18 =	vshra.s32 v18, $0x15  }
0x26d: {  	[tilespmem:v20+s19+$0x0] =	vst.idx.add.f32.msk vm5, v12;
	v19 =	vand.u32 $0x7FF, v19;
	v22 =	vshra.s32 v21, $0x15;
	v21 =	vshrl.u32 v21, $0xA  }
0x26e: {  	vm7 =	vge.s32 v18, v6;
	vm8 =	veq.s32 v18, v6;
	v19 =	vadd.s32 v0, v19  }
0x26f: {  	v21 =	vand.u32 $0x7FF, v21;
	vm9 =	vge.s32 v22, v6;
	vm10 =	veq.s32 v22, v6;
	[tilespmem:v16+s18+$0x0] =	vst.idx.add.s32.msk vm2, v5  }
0x270: {  	v18 =	vsel vm8, v19, v4;
	v12 =	vadd.s32 v0, v21;
	[tilespmem:v15+s18+$0x0] =	vst.idx.add.s32.msk vm3, v5  }
0x271: {  	v12 =	vsel vm10, v12, v4;
	[tilespmem:v17+s18+$0x0] =	vst.idx.add.s32.msk vm4, v5  }
0x272: {  	[tilespmem:v16+s19+$0x0] =	vst.idx.add.f32.msk vm2, v11  }
0x273: {  	vm1 =	vmmov vm1;
	v13 =	vadd.s32 v0, v13;
	[tilespmem:v15+s19+$0x0] =	vst.idx.add.f32.msk vm3, v9  }
0x274: {  	v11 =	vsel vm0, v13, v4;
	[tilespmem:v17+s19+$0x0] =	vst.idx.add.f32.msk vm4, v10  }
0x275: {  	[tilespmem:v18+s18+$0x0] =	vst.idx.add.s32.msk vm7, v5  }
0x276: {  	[tilespmem:v12+s18+$0x0] =	vst.idx.add.s32.msk vm9, v5  }
0x277: {  	[tilespmem:v18+s19+$0x0] =	vst.idx.add.f32.msk vm7, v7  }
0x278: {  	[tilespmem:v12+s19+$0x0] =	vst.idx.add.f32.msk vm9, v14  }
0x279: {  	[tilespmem:v11+s18+$0x0] =	vst.idx.add.s32.msk vm1, v5  }
0x27a: {  	s28 =	simm.s32 $0x40F0;
	[tilespmem:v11+s19+$0x0] =	vst.idx.add.f32.msk vm1, v8  }
0x27b: {  	v9 =	vld [tilespmem:s28+$0xFFFFFFD0]  }
0x27c: {  	v14 =	vld [tilespmem:s28+$0xFFFFFFF0]  }
0x27d: {  	v8 =	vld [tilespmem:s28+$0xFFFFFFE0]  }
0x27e: {  	v7 =	vld [tilespmem:s28+$0xFFFFFFA0];
	_ =	sdelay $0x2  }
0x27f: {  	vm0 =	vlt.s32 v9, $0x0  }
0x280: {  	v11 =	vxor.u32 $0x7FFFFFFF, v9;
	vm1 =	vlt.s32 v14, $0x0;
	v12 =	vxor.u32 $0x7FFFFFFF, v14  }
0x281: {  	v10 =	vld [tilespmem:s28+$0xFFFFFFC0];
	vm3 =	vlt.s32 v8, $0x0;
	v13 =	vxor.u32 $0x7FFFFFFF, v8;
	vm2 =	vlt.s32 v7, $0x0  }
0x282: {  	v15 =	vsel vm1, v12, v14;
	v16 =	vsel vm0, v11, v9;
	v13 =	vsel vm3, v13, v8  }
0x283: {  	v18 =	vshra.s32 v15, $0x15;
	v15 =	vshrl.u32 v15, $0xA;
	v19 =	vshrl.u32 v16, $0xA  }
0x284: {  	v12 =	vld [tilespmem:s28+$0xFFFFFFB0];
	vm3 =	veq.s32 v18, v6;
	v19 =	vand.u32 $0x7FF, v19;
	v20 =	vand.u32 $0x7FF, v15  }
0x285: {  	v11 =	vld [tilespmem:s28+$0xFFFFFF90];
	vm6 =	vge.s32 v18, v6;
	v15 =	vadd.s32 v0, v19;
	v19 =	vadd.s32 v0, v20  }
0x286: {  	vm4 =	vlt.s32 v10, $0x0;
	v21 =	vxor.u32 $0x7FFFFFFF, v10;
	v20 =	vsel vm3, v19, v4  }
0x287: {  	v24 =	vsel vm4, v21, v10;
	v17 =	vshra.s32 v13, $0x15;
	v13 =	vshrl.u32 v13, $0xA  }
0x288: {  	v21 =	vshra.s32 v16, $0x15;
	vm0 =	veq.s32 v17, v6;
	vm1 =	vge.s32 v17, v6  }
0x289: {  	v13 =	vand.u32 $0x7FF, v13;
	vm5 =	vlt.s32 v12, $0x0;
	v17 =	vxor.u32 $0x7FFFFFFF, v12  }
0x28a: {  	vm3 =	vlt.s32 v11, $0x0;
	v18 =	vxor.u32 $0x7FFFFFFF, v11;
	v17 =	vsel vm5, v17, v12  }
0x28b: {  	v22 =	vsel vm3, v18, v11;
	v23 =	vshra.s32 v17, $0x15;
	v17 =	vshrl.u32 v17, $0xA;
	[tilespmem:v20+s18+$0x0] =	vst.idx.add.s32.msk vm6, v5  }
0x28c: {  	v19 =	vshra.s32 v22, $0x15;
	v22 =	vshrl.u32 v22, $0xA;
	[tilespmem:v20+s19+$0x0] =	vst.idx.add.f32.msk vm6, v14;
	v14 =	vand.u32 $0x7FF, v17  }
0x28d: {  	v18 =	vxor.u32 $0x7FFFFFFF, v7;
	v22 =	vand.u32 $0x7FF, v22;
	v20 =	vadd.s32 v0, v14;
	v14 =	vld [tilespmem:s28+$0x0]  }
0x28e: {  	vm3 =	veq.s32 v19, v6;
	vm5 =	vge.s32 v23, v6;
	v22 =	vadd.s32 v0, v22  }
0x28f: {  	v16 =	vsel vm3, v22, v4;
	v22 =	vshra.s32 v24, $0x15;
	v24 =	vshrl.u32 v24, $0xA  }
0x290: {  	vm3 =	veq.s32 v23, v6;
	v17 =	vand.u32 $0x7FF, v24;
	vm6 =	veq.s32 v22, v6  }
0x291: {  	s26 =	simm.s32 $0x0;
	s28 =	simm.s32 $0x41F0;
	v17 =	vadd.s32 v0, v17;
	v20 =	vsel vm3, v20, v4;
	vm3 =	vge.s32 v21, v6  }
.LBB2_20:
0x292: {  	v23 =	vld [tilespmem:s28+$0xFFFFFFD0];
	s26 =	sadd.s32 $0x8, s26;
	vm4 =	vge.s32 v22, v6;
	vm7 =	veq.s32 v21, v6;
	vm8 =	vlt.s32 v14, $0x0  }
0x293: {  	vm9 =	vge.s32 v19, v6;
	v18 =	vsel vm2, v18, v7;
	v19 =	vxor.u32 $0x7FFFFFFF, v14;
	v21 =	vld [tilespmem:s28+$0xFFFFFFA0];
	p0 =	slt.u32 s26, $0x1F8  }
0x294: {  	v22 =	vshra.s32 v18, $0x15;
	v18 =	vshrl.u32 v18, $0xA;
	v19 =	vsel vm8, v19, v14;
	v24 =	vld [tilespmem:s28+$0xFFFFFFF0]  }
0x295: {  	v18 =	vand.u32 $0x7FF, v18;
	v26 =	vshra.s32 v19, $0x15;
	v19 =	vshrl.u32 v19, $0xA;
	v25 =	vld [tilespmem:s28+$0xFFFFFFE0]  }
0x296: {  	v27 =	vsel vm7, v15, v4;
	v18 =	vadd.s32 v0, v18;
	v15 =	vand.u32 $0x7FF, v19;
	[tilespmem:v20+s18+$0x0] =	vst.idx.add.s32.msk vm5, v5  }
0x297: {  	vm7 =	vge.s32 v22, v6;
	vm8 =	vge.s32 v26, v6;
	vm2 =	veq.s32 v26, v6;
	v19 =	vld [tilespmem:s28+$0xFFFFFF90]  }
0x298: {  	vm10 =	veq.s32 v22, v6;
	v15 =	vadd.s32 v0, v15;
	[tilespmem:v20+s19+$0x0] =	vst.idx.add.f32.msk vm5, v12;
	vm5 =	vmmov vm1  }
0x299: {  	v18 =	vsel vm10, v18, v4;
	vm1 =	vlt.s32 v23, $0x0;
	v20 =	vsel vm2, v15, v4;
	v12 =	vld [tilespmem:s28+$0xFFFFFFB0]  }
0x29a: {  	v17 =	vsel vm6, v17, v4;
	v13 =	vadd.s32 v0, v13;
	v15 =	vxor.u32 $0x7FFFFFFF, v23;
	[tilespmem:v16+s18+$0x0] =	vst.idx.add.s32.msk vm9, v5  }
0x29b: {  	v28 =	vsel vm0, v13, v4;
	vm2 =	vlt.s32 v24, $0x0;
	v26 =	vxor.u32 $0x7FFFFFFF, v24;
	v22 =	vld [tilespmem:s28+$0xFFFFFFC0]  }
0x29c: {  	vm0 =	vlt.s32 v25, $0x0;
	v13 =	vxor.u32 $0x7FFFFFFF, v25;
	v26 =	vsel vm2, v26, v24;
	[tilespmem:v16+s19+$0x0] =	vst.idx.add.f32.msk vm9, v11;
	v11 =	vmovc v19  }
0x29d: {  	vm2 =	vlt.s32 v21, $0x0;
	v13 =	vsel vm0, v13, v25;
	v16 =	vsel vm1, v15, v23;
	[tilespmem:v27+s18+$0x0] =	vst.idx.add.s32.msk vm3, v5  }
0x29e: {  	v29 =	vshra.s32 v26, $0x15;
	v19 =	vshra.s32 v13, $0x15;
	v15 =	vshrl.u32 v26, $0xA;
	[tilespmem:v18+s18+$0x0] =	vst.idx.add.s32.msk vm7, v5  }
0x29f: {  	vm9 =	veq.s32 v29, v6;
	v26 =	vshrl.u32 v16, $0xA;
	vm0 =	veq.s32 v19, v6;
	[tilespmem:v17+s18+$0x0] =	vst.idx.add.s32.msk vm4, v5  }
0x2a0: {  	v13 =	vshrl.u32 v13, $0xA;
	v30 =	vand.u32 $0x7FF, v15;
	v26 =	vand.u32 $0x7FF, v26;
	[tilespmem:v20+s18+$0x0] =	vst.idx.add.s32.msk vm8, v5  }
0x2a1: {  	v15 =	vadd.s32 v0, v26;
	v26 =	vadd.s32 v0, v30;
	vm6 =	vlt.s32 v22, $0x0;
	[tilespmem:v20+s19+$0x0] =	vst.idx.add.f32.msk vm8, v14  }
0x2a2: {  	vm1 =	vge.s32 v19, v6;
	vm10 =	vlt.s32 v12, $0x0;
	vm8 =	vge.s32 v29, v6;
	[tilespmem:v28+s18+$0x0] =	vst.idx.add.s32.msk vm5, v5  }
0x2a3: {  	v13 =	vand.u32 $0x7FF, v13;
	v14 =	vxor.u32 $0x7FFFFFFF, v12;
	v20 =	vsel vm9, v26, v4;
	[tilespmem:v28+s19+$0x0] =	vst.idx.add.f32.msk vm5, v8;
	v8 =	vmovc v25  }
0x2a4: {  	v19 =	vxor.u32 $0x7FFFFFFF, v11;
	vm5 =	vlt.s32 v11, $0x0;
	v25 =	vxor.u32 $0x7FFFFFFF, v22;
	[tilespmem:v18+s19+$0x0] =	vst.idx.add.f32.msk vm7, v7;
	v7 =	vmovc v21  }
0x2a5: {  	v14 =	vsel vm10, v14, v12;
	v21 =	vsel vm5, v19, v11;
	v18 =	vxor.u32 $0x7FFFFFFF, v7;
	[tilespmem:v27+s19+$0x0] =	vst.idx.add.f32.msk vm3, v9  }
0x2a6: {  	v26 =	vshra.s32 v14, $0x15;
	v19 =	vshra.s32 v21, $0x15;
	v21 =	vshrl.u32 v21, $0xA;
	v9 =	vmovc v23;
	[tilespmem:v17+s19+$0x0] =	vst.idx.add.f32.msk vm4, v10;
	v10 =	vmovc v22  }
0x2a7: {  	v23 =	vshrl.u32 v14, $0xA;
	vm3 =	veq.s32 v19, v6;
	v17 =	vand.u32 $0x7FF, v21;
	v14 =	vld [tilespmem:s28+$0x0]  }
.Ltmp9:
0x2a8: {  	v21 =	vshra.s32 v16, $0x15;
	v17 =	vadd.s32 v0, v17;
	v25 =	vsel vm6, v25, v10;
	[tilespmem:v20+s18+$0x0] =	vst.idx.add.s32.msk vm8, v5;
	(pc) =	sbr.rel @p0 .LBB2_20-.Ltmp9, $4  }
0x2a9: {  	v16 =	vsel vm3, v17, v4;
	v22 =	vshra.s32 v25, $0x15;
	v17 =	vshrl.u32 v25, $0xA;
	[tilespmem:v20+s19+$0x0] =	vst.idx.add.f32.msk vm8, v24  }
0x2aa: {  	vm5 =	vge.s32 v26, v6;
	v20 =	vand.u32 $0x7FF, v23;
	v17 =	vand.u32 $0x7FF, v17  }
0x2ab: {  	vm3 =	veq.s32 v26, v6;
	v20 =	vadd.s32 v0, v20;
	v17 =	vadd.s32 v0, v17  }
0x2ac: {  	s28 =	sadd.s32 $0x100, s28;
	vm6 =	veq.s32 v22, v6;
	v20 =	vsel vm3, v20, v4;
	vm3 =	vge.s32 v21, v6  }
0x2ad: {  	_ =	sdelay $0x1  }
0x2ae: {  	vm4 =	vge.s32 v22, v6;
	vm13 =	vge.s32 v19, v6  }
0x2af: {  	vm7 =	veq.s32 v21, v6;
	vm8 =	vlt.s32 v14, $0x0;
	v18 =	vsel vm2, v18, v7  }
0x2b0: {  	v39 =	vxor.u32 $0x7FFFFFFF, v14;
	v17 =	vsel vm6, v17, v4;
	v15 =	vsel vm7, v15, v4  }
0x2b1: {  	[tilespmem:v20+s18+$0x0] =	vst.idx.add.s32.msk vm5, v5;
	v19 =	vshrl.u32 v18, $0xA;
	v21 =	vsel vm8, v39, v14;
	v18 =	vshra.s32 v18, $0x15  }
0x2b2: {  	[tilespmem:v20+s19+$0x0] =	vst.idx.add.f32.msk vm5, v12;
	v19 =	vand.u32 $0x7FF, v19;
	v40 =	vshra.s32 v21, $0x15;
	v21 =	vshrl.u32 v21, $0xA  }
0x2b3: {  	vm14 =	vge.s32 v18, v6;
	vm15 =	veq.s32 v18, v6;
	v19 =	vadd.s32 v0, v19  }
0x2b4: {  	v21 =	vand.u32 $0x7FF, v21;
	vm9 =	vge.s32 v40, v6;
	vm10 =	veq.s32 v40, v6;
	[tilespmem:v16+s18+$0x0] =	vst.idx.add.s32.msk vm13, v5  }
0x2b5: {  	v6 =	vsel vm15, v19, v4;
	v12 =	vadd.s32 v0, v21;
	[tilespmem:v15+s18+$0x0] =	vst.idx.add.s32.msk vm3, v5  }
0x2b6: {  	v12 =	vsel vm10, v12, v4;
	[tilespmem:v17+s18+$0x0] =	vst.idx.add.s32.msk vm4, v5  }
0x2b7: {  	[tilespmem:v16+s19+$0x0] =	vst.idx.add.f32.msk vm13, v11  }
0x2b8: {  	vm1 =	vmmov vm1;
	v13 =	vadd.s32 v0, v13;
	[tilespmem:v15+s19+$0x0] =	vst.idx.add.f32.msk vm3, v9  }
0x2b9: {  	v11 =	vsel vm0, v13, v4;
	[tilespmem:v17+s19+$0x0] =	vst.idx.add.f32.msk vm4, v10  }
0x2ba: {  	[tilespmem:v6+s18+$0x0] =	vst.idx.add.s32.msk vm14, v5  }
0x2bb: {  	[tilespmem:v12+s18+$0x0] =	vst.idx.add.s32.msk vm9, v5  }
0x2bc: {  	[tilespmem:v6+s19+$0x0] =	vst.idx.add.f32.msk vm14, v7  }
0x2bd: {  	[tilespmem:v12+s19+$0x0] =	vst.idx.add.f32.msk vm9, v14  }
0x2be: {  	[tilespmem:v11+s18+$0x0] =	vst.idx.add.s32.msk vm1, v5  }
0x2bf: {  	[tilespmem:v11+s19+$0x0] =	vst.idx.add.f32.msk vm1, v8  }
0x2c0: {  	v6 =	vld.idx.msk [tilespmem:v4+s19+$0x0], $0xffff;
	_ =	sdelay $0x4  }
0x2c1: {  	s26 =	simm.s32 $0x0;
	[tilespmem:$0x1A200] =	vst v6  }
0x2c2: {  	v6 =	vld [tilespmem:s26+$0x10130]  }
0x2c3: {  	v7 =	vld [tilespmem:s26+$0x10940]  }
0x2c4: {  	v8 =	vld [tilespmem:s26+$0x10100]  }
0x2c5: {  	v3 =	vld [tilespmem:s26+$0x10920]  }
0x2c6: {  	v9 =	vld [tilespmem:s26+$0x11150]  }
0x2c7: {  	v12 =	vld [tilespmem:s26+$0x10910]  }
0x2c8: {  	v11 =	vld [tilespmem:s26+$0x11960]  }
0x2c9: {  	v20 =	vld [tilespmem:s26+$0x10110]  }
0x2ca: {  	v13 =	vld [tilespmem:s26+$0x12170];
	[tilespmem:$0x1FEE0] =	vst v3  }
0x2cb: {  	v3 =	vld [tilespmem:s26+$0x10120];
	_ =	sdelay $0x2  }
0x2cc: {  	s28 =	simm.s32 $0x0  }
0x2cd: {  	s29 =	sand.u32 $0x7C0, s28  }
0x2ce: {  	v15 =	vld [tilespmem:s29+$0x12980];
	[tilespmem:$0x1FEF0] =	vst v3  }
0x2cf: {  	v3 =	vld [tilespmem:s26+$0x10930];
	_ =	sdelay $0x4  }
0x2d0: {  	v17 =	vld [tilespmem:s26+$0x13190];
	[tilespmem:$0x1FF00] =	vst v3  }
0x2d1: {  	v3 =	vld [tilespmem:s26+$0x11120];
	_ =	sdelay $0x4  }
0x2d2: {  	v19 =	vld [tilespmem:s26+$0x139A0];
	[tilespmem:$0x1FF10] =	vst v3  }
0x2d3: {  	v3 =	vld [tilespmem:s26+$0x11130];
	_ =	sdelay $0x4  }
0x2d4: {  	v41 =	vld [tilespmem:s26+$0x141B0];
	[tilespmem:$0x1FF20] =	vst v3  }
0x2d5: {  	v3 =	vld [tilespmem:s26+$0x11140];
	_ =	sdelay $0x4  }
0x2d6: {  	v23 =	vld [tilespmem:s26+$0x149C0];
	[tilespmem:$0x1FF30] =	vst v3  }
0x2d7: {  	v3 =	vld [tilespmem:s26+$0x11930];
	_ =	sdelay $0x4  }
0x2d8: {  	v25 =	vld [tilespmem:s26+$0x151D0];
	[tilespmem:$0x1FF40] =	vst v3  }
0x2d9: {  	v3 =	vld [tilespmem:s26+$0x11940];
	_ =	sdelay $0x4  }
0x2da: {  	v26 =	vld [tilespmem:s26+$0x159E0];
	[tilespmem:$0x1FF50] =	vst v3  }
0x2db: {  	v3 =	vld [tilespmem:s26+$0x11950]  }
0x2dc: {  	v6 =	vadd.f32 v7, v6;
	_ =	sdelay $0x1  }
0x2dd: {  	v6 =	vadd.f32 v9, v6;
	_ =	sdelay $0x1  }
0x2de: {  	v6 =	vadd.f32 v11, v6;
	v27 =	vld [tilespmem:s26+$0x161F0];
	[tilespmem:$0x1FF60] =	vst v3  }
0x2df: {  	v28 =	vld [tilespmem:s29+$0x16A00]  }
0x2e0: {  	v6 =	vadd.f32 v13, v6;
	v13 =	vld [tilespmem:s26+$0x12140]  }
0x2e1: {  	v29 =	vld [tilespmem:s26+$0x17210]  }
0x2e2: {  	v6 =	vadd.f32 v15, v6;
	v15 =	vld [tilespmem:s26+$0x12150]  }
0x2e3: {  	v30 =	vld [tilespmem:s26+$0x17A20]  }
0x2e4: {  	v3 =	vld [tilespmem:s29+$0xE900]  }
0x2e5: {  	v6 =	vadd.f32 v17, v6;
	v17 =	vld [tilespmem:s26+$0x12160]  }
0x2e6: {  	v31 =	vld [tilespmem:s26+$0x12950]  }
0x2e7: {  	v6 =	vadd.f32 v19, v6;
	v19 =	vld [tilespmem:s26+$0x12960]  }
0x2e8: {  	v32 =	vld [tilespmem:s26+$0x12970]  }
0x2e9: {  	v33 =	vld [tilespmem:s26+$0x13160];
	[tilespmem:$0x1FFE0] =	vst v3  }
0x2ea: {  	v3 =	vld [tilespmem:s29+$0xA880];
	_ =	sdelay $0x2  }
0x2eb: {  	v21 =	vadd.f32 v41, v6;
	_ =	sdelay $0x1  }
0x2ec: {  	v21 =	vadd.f32 v23, v21;
	[tilespmem:$0x1FF70] =	vst v3  }
0x2ed: {  	v34 =	vld [tilespmem:s26+$0x13170]  }
0x2ee: {  	v21 =	vadd.f32 v25, v21;
	v25 =	vld [tilespmem:s29+$0x13180]  }
0x2ef: {  	v35 =	vld [tilespmem:s26+$0x13970]  }
0x2f0: {  	v21 =	vadd.f32 v26, v21;
	v26 =	vld [tilespmem:s29+$0x13980]  }
0x2f1: {  	v36 =	vld [tilespmem:s26+$0x13990]  }
0x2f2: {  	v21 =	vadd.f32 v27, v21;
	v27 =	vld [tilespmem:s29+$0x14180]  }
0x2f3: {  	v37 =	vld [tilespmem:s26+$0x14190]  }
0x2f4: {  	v21 =	vadd.f32 v28, v21;
	v28 =	vld [tilespmem:s26+$0x141A0]  }
0x2f5: {  	v38 =	vld [tilespmem:s26+$0x8000]  }
0x2f6: {  	v21 =	vadd.f32 v29, v21;
	v29 =	vld [tilespmem:s26+$0x8810]  }
0x2f7: {  	v39 =	vld [tilespmem:s26+$0x8010]  }
0x2f8: {  	v21 =	vadd.f32 v30, v21;
	v30 =	vld [tilespmem:s26+$0x8820]  }
0x2f9: {  	v40 =	vld [tilespmem:s26+$0x8020]  }
0x2fa: {  	[tilespmem:s26+$0x18A30] =	vst v21;
	v21 =	vld [tilespmem:s26+$0x8830]  }
0x2fb: {  	v41 =	vld [tilespmem:s26+$0x8030]  }
0x2fc: {  	v42 =	vld [tilespmem:s26+$0x8840]  }
0x2fd: {  	v43 =	vld [tilespmem:s26+$0x9020]  }
0x2fe: {  	v44 =	vld [tilespmem:s26+$0x14990]  }
0x2ff: {  	v45 =	vld [tilespmem:s26+$0x9030]  }
0x300: {  	v46 =	vld [tilespmem:s26+$0x149A0]  }
0x301: {  	v47 =	vld [tilespmem:s26+$0x9040]  }
0x302: {  	v48 =	vld [tilespmem:s26+$0x149B0]  }
0x303: {  	v49 =	vld [tilespmem:s26+$0x9050]  }
0x304: {  	v50 =	vld [tilespmem:s26+$0x9830]  }
0x305: {  	v51 =	vld [tilespmem:s26+$0x9840]  }
0x306: {  	v52 =	vld [tilespmem:s26+$0x9850]  }
0x307: {  	v53 =	vld [tilespmem:s26+$0x9860]  }
0x308: {  	v54 =	vld [tilespmem:s26+$0xA040]  }
0x309: {  	v55 =	vld [tilespmem:s26+$0x151A0]  }
0x30a: {  	v56 =	vld [tilespmem:s26+$0xA050]  }
0x30b: {  	v57 =	vld [tilespmem:s26+$0x151B0]  }
0x30c: {  	v58 =	vld [tilespmem:s26+$0xA060]  }
0x30d: {  	v59 =	vld [tilespmem:s26+$0x151C0]  }
0x30e: {  	v60 =	vld [tilespmem:s26+$0xA070]  }
0x30f: {  	v61 =	vld [tilespmem:s26+$0xA850]  }
0x310: {  	v62 =	vld [tilespmem:s26+$0xA860]  }
0x311: {  	v63 =	vld [tilespmem:s26+$0xA870]  }
0x312: {  	v10 =	vld [tilespmem:s26+$0xB060]  }
0x313: {  	v14 =	vld [tilespmem:s26+$0x159B0]  }
0x314: {  	v3 =	vld [tilespmem:s26+$0xB870]  }
0x315: {  	v16 =	vld [tilespmem:s26+$0xB070]  }
0x316: {  	v11 =	vld [tilespmem:s26+$0x159C0]  }
0x317: {  	v23 =	vld [tilespmem:s29+$0xB080]  }
0x318: {  	v24 =	vld [tilespmem:s26+$0x159D0]  }
0x319: {  	v22 =	vld [tilespmem:s26+$0xB090];
	[tilespmem:$0x1FF80] =	vst v3  }
0x31a: {  	v3 =	vld [tilespmem:s29+$0xB880];
	_ =	sdelay $0x4  }
0x31b: {  	[tilespmem:$0x1FF90] =	vst v3  }
0x31c: {  	v3 =	vld [tilespmem:s26+$0xB890];
	_ =	sdelay $0x4  }
0x31d: {  	[tilespmem:$0x1FFA0] =	vst v3  }
0x31e: {  	v3 =	vld [tilespmem:s26+$0xB8A0];
	_ =	sdelay $0x4  }
0x31f: {  	[tilespmem:$0x1FFB0] =	vst v3  }
0x320: {  	v3 =	vld [tilespmem:s29+$0xC080];
	_ =	sdelay $0x2  }
0x321: {  	v7 =	vld [tilespmem:$0x1FEF0]  }
0x322: {  	v9 =	vld [tilespmem:$0x1FF40]  }
0x323: {  	v29 =	vadd.s32 v38, v29;
	[tilespmem:$0x1FFC0] =	vst v3;
	v3 =	vadd.f32 v12, v8;
	v8 =	vld [tilespmem:$0x1FF00]  }
0x324: {  	v21 =	vadd.s32 v40, v21;
	v29 =	vadd.s32 v43, v29;
	v6 =	vld [tilespmem:s26+$0x161C0]  }
0x325: {  	v18 =	vld [tilespmem:$0x1FF50];
	v21 =	vadd.s32 v47, v21;
	v29 =	vadd.s32 v50, v29  }
0x326: {  	v21 =	vadd.s32 v52, v21;
	v29 =	vadd.s32 v54, v29;
	v54 =	vld [tilespmem:$0x1FF90]  }
0x327: {  	v21 =	vadd.s32 v58, v21;
	v58 =	vld [tilespmem:$0x1FFC0]  }
0x328: {  	v7 =	vadd.f32 v8, v7;
	v8 =	vld [tilespmem:$0x1FF10]  }
0x329: {  	[tilespmem:$0x1FFD0] =	vst v6;
	v6 =	vld [tilespmem:$0x1FEE0]  }
0x32a: {  	v30 =	vadd.s32 v39, v30;
	v12 =	vld [tilespmem:s26+$0x161D0]  }
0x32b: {  	v30 =	vadd.s32 v45, v30;
	v45 =	vld [tilespmem:s26+$0xD8E0]  }
0x32c: {  	v47 =	vld [tilespmem:s26+$0x171E0]  }
0x32d: {  	v50 =	vld [tilespmem:s26+$0x171F0]  }
0x32e: {  	v30 =	vadd.s32 v51, v30;
	v52 =	vld [tilespmem:s29+$0x17200]  }
0x32f: {  	v30 =	vadd.s32 v56, v30;
	v56 =	vld [tilespmem:s26+$0xE0F0]  }
0x330: {  	v3 =	vadd.f32 v8, v3;
	v8 =	vld [tilespmem:$0x1FF20]  }
0x331: {  	v29 =	vadd.s32 v61, v29;
	v61 =	vld [tilespmem:s29+$0xF100]  }
0x332: {  	v6 =	vadd.f32 v6, v20;
	v20 =	vld [tilespmem:s26+$0xC090];
	v3 =	vadd.f32 v9, v3  }
0x333: {  	v9 =	vld [tilespmem:s26+$0x161E0]  }
0x334: {  	v3 =	vadd.f32 v13, v3;
	v13 =	vld [tilespmem:s26+$0xC890]  }
0x335: {  	v6 =	vadd.f32 v8, v6;
	v8 =	vld [tilespmem:$0x1FF30]  }
0x336: {  	v3 =	vadd.f32 v31, v3;
	v31 =	vld [tilespmem:s26+$0xD0A0]  }
0x337: {  	v6 =	vadd.f32 v18, v6;
	v18 =	vld [tilespmem:$0x1FF60]  }
0x338: {  	v3 =	vadd.f32 v33, v3;
	v33 =	vld [tilespmem:s26+$0xD0D0]  }
0x339: {  	v6 =	vadd.f32 v15, v6;
	v15 =	vld [tilespmem:s26+$0xC8A0]  }
0x33a: {  	v7 =	vadd.f32 v8, v7;
	v8 =	vld [tilespmem:s26+$0xC0A0]  }
0x33b: {  	v3 =	vadd.f32 v35, v3;
	v35 =	vld [tilespmem:s26+$0xD8B0]  }
0x33c: {  	v6 =	vadd.f32 v19, v6;
	v19 =	vld [tilespmem:s26+$0xC8C0]  }
0x33d: {  	v7 =	vadd.f32 v18, v7;
	v18 =	vld [tilespmem:s26+$0xC0B0]  }
0x33e: {  	v42 =	vadd.s32 v41, v42;
	v3 =	vadd.f32 v27, v3;
	v27 =	vld [tilespmem:s26+$0xD0C0]  }
0x33f: {  	v6 =	vadd.f32 v34, v6;
	v34 =	vadd.s32 v49, v42;
	v49 =	vld [tilespmem:s26+$0xE0D0]  }
0x340: {  	v7 =	vadd.f32 v17, v7;
	v17 =	vld [tilespmem:s26+$0xC8B0]  }
0x341: {  	v3 =	vadd.f32 v44, v3;
	v44 =	vld [tilespmem:s26+$0xD8D0]  }
0x342: {  	v34 =	vadd.s32 v53, v34;
	v53 =	vld [tilespmem:$0x1FF80]  }
0x343: {  	v6 =	vadd.f32 v26, v6;
	v26 =	vld [tilespmem:s26+$0x169E0];
	v7 =	vadd.f32 v32, v7  }
0x344: {  	v34 =	vadd.s32 v60, v34;
	v60 =	vld [tilespmem:s26+$0xE8D0]  }
0x345: {  	v32 =	vld [tilespmem:s26+$0xD0B0];
	v7 =	vadd.f32 v25, v7  }
0x346: {  	v3 =	vadd.f32 v55, v3;
	v55 =	vld [tilespmem:$0x1FFA0];
	v6 =	vadd.f32 v37, v6  }
0x347: {  	v25 =	vld [tilespmem:s26+$0x169D0];
	v7 =	vadd.f32 v36, v7  }
0x348: {  	v30 =	vadd.s32 v62, v30;
	v21 =	vadd.s32 v63, v21;
	v6 =	vadd.f32 v46, v6;
	v46 =	vld [tilespmem:s26+$0xE0C0]  }
0x349: {  	v10 =	vadd.s32 v10, v29;
	v3 =	vadd.f32 v14, v3;
	v36 =	vld [tilespmem:s26+$0xD8C0];
	v7 =	vadd.f32 v28, v7  }
0x34a: {  	v14 =	vadd.s32 v16, v30;
	v10 =	vadd.s32 v53, v10;
	v6 =	vadd.f32 v57, v6;
	v57 =	vld [tilespmem:$0x1FFB0]  }
0x34b: {  	v16 =	vadd.s32 v23, v21;
	v10 =	vadd.s32 v58, v10;
	v7 =	vadd.f32 v48, v7;
	v48 =	vld [tilespmem:$0x1FF70]  }
0x34c: {  	v14 =	vadd.s32 v54, v14;
	v16 =	vadd.s32 v55, v16;
	v10 =	vadd.s32 v13, v10;
	v13 =	vld [tilespmem:s26+$0xE8F0]  }
0x34d: {  	v8 =	vadd.s32 v8, v16;
	v6 =	vadd.f32 v11, v6;
	v7 =	vadd.f32 v59, v7;
	v59 =	vld [tilespmem:$0x1FFD0]  }
0x34e: {  	v14 =	vadd.s32 v20, v14;
	v28 =	vld [tilespmem:s26+$0x169F0];
	v10 =	vadd.s32 v31, v10;
	v8 =	vadd.s32 v17, v8  }
0x34f: {  	v16 =	vld [tilespmem:s26+$0xE8E0];
	v10 =	vadd.s32 v35, v10;
	v8 =	vadd.s32 v27, v8;
	v6 =	vadd.f32 v12, v6  }
0x350: {  	v11 =	vld [tilespmem:s26+$0xE0E0];
	v12 =	vadd.s32 v15, v14;
	v8 =	vadd.s32 v44, v8;
	v34 =	vadd.s32 v48, v34  }
0x351: {  	v17 =	vld [tilespmem:s26+$0xF0F0];
	v12 =	vadd.s32 v32, v12;
	v7 =	vadd.f32 v24, v7;
	v51 =	vadd.s32 v22, v34  }
0x352: {  	v15 =	vld [tilespmem:s26+$0x179F0];
	v12 =	vadd.s32 v36, v12;
	v21 =	vadd.s32 v57, v51;
	v3 =	vadd.f32 v59, v3  }
0x353: {  	v62 =	vadd.s32 v49, v12;
	v12 =	vld [tilespmem:$0x1FFE0];
	v7 =	vadd.f32 v9, v7;
	v9 =	vadd.s32 v18, v21  }
0x354: {  	v6 =	vadd.f32 v26, v6;
	v18 =	vld [tilespmem:s29+$0x17A00];
	v9 =	vadd.s32 v19, v9;
	v3 =	vadd.f32 v25, v3  }
0x355: {  	v14 =	vld [tilespmem:s26+$0xF0E0];
	v11 =	vadd.s32 v11, v8;
	v7 =	vadd.f32 v28, v7;
	v9 =	vadd.s32 v33, v9  }
0x356: {  	v19 =	vadd.s32 v46, v10;
	v10 =	vld [tilespmem:s26+$0x17A10];
	v9 =	vadd.s32 v45, v9;
	v3 =	vadd.f32 v47, v3  }
0x357: {  	v8 =	vld [tilespmem:s26+$0xF110];
	v63 =	vadd.f32 v50, v6;
	v7 =	vadd.f32 v52, v7;
	v6 =	vadd.s32 v56, v9  }
0x358: {  	v9 =	vadd.s32 v60, v19;
	v6 =	vadd.s32 v12, v6;
	v3 =	vadd.f32 v15, v3;
	v12 =	vld [tilespmem:s26+$0xF8F0]  }
0x359: {  	v19 =	vadd.s32 v13, v11;
	v13 =	vld [tilespmem:s29+$0xF900];
	v15 =	vadd.s32 v16, v62;
	v16 =	vadd.f32 v18, v63  }
0x35a: {  	s30 =	simm.s32 $0x100;
	s29 =	simm.s32 $0x0;
	v9 =	vadd.s32 v14, v9;
	v14 =	vadd.s32 v61, v19;
	v11 =	vadd.s32 v17, v15;
	v15 =	vld [tilespmem:s26+$0xF910];
	[tilespmem:s26+$0x18A00] =	vst v3  }
.LBB2_22:
0x35b: {  	s0 =	sshra.s32 s30, $0x2;
	[tilespmem:s26+$0x18A10] =	vst v16;
	v3 =	vadd.f32 v10, v7;
	v7 =	vld [tilespmem:s26+$0xF920]  }
0x35c: {  	s29 =	sadd.s32 $0x4, s29;
	v10 =	vld [tilespmem:s0+$0x10130];
	v6 =	vadd.s32 v8, v6  }
0x35d: {  	p0 =	slt.u32 s29, $0x7C;
	v8 =	vld [tilespmem:s0+$0x10940];
	v9 =	vadd.s32 v12, v9;
	[tilespmem:s26+$0x18A20] =	vst v3  }
0x35e: {  	v3 =	vld [tilespmem:s0+$0x10100];
	[tilespmem:s26+$0x18200] =	vst v9;
	v9 =	vadd.s32 v13, v11  }
0x35f: {  	v11 =	vld [tilespmem:s0+$0x11150];
	[tilespmem:s26+$0x18210] =	vst v9;
	v9 =	vadd.s32 v15, v14  }
0x360: {  	v12 =	vld [tilespmem:s0+$0x10910];
	[tilespmem:s26+$0x18220] =	vst v9;
	v6 =	vadd.s32 v7, v6  }
0x361: {  	v7 =	vld [tilespmem:s0+$0x11960];
	[tilespmem:s26+$0x18230] =	vst v6;
	s26 =	smov.u32 s0  }
0x362: {  	v6 =	vld [tilespmem:s26+$0x10110];
	v8 =	vadd.f32 v8, v10  }
0x363: {  	s28 =	sadd.s32 $0x40, s28;
	v9 =	vld [tilespmem:s26+$0x12170]  }
0x364: {  	s31 =	sand.u32 $0x7C0, s28;
	v10 =	vld [tilespmem:s26+$0x10920];
	v8 =	vadd.f32 v11, v8  }
0x365: {  	v3 =	vadd.f32 v12, v3;
	v11 =	vld [tilespmem:s31+$0x12980]  }
0x366: {  	v12 =	vld [tilespmem:s26+$0x10120];
	v7 =	vadd.f32 v7, v8  }
0x367: {  	v8 =	vld [tilespmem:s26+$0x13190]  }
0x368: {  	v13 =	vld [tilespmem:s26+$0x10930];
	v7 =	vadd.f32 v9, v7  }
0x369: {  	v6 =	vadd.f32 v10, v6;
	v9 =	vld [tilespmem:s26+$0x139A0]  }
0x36a: {  	v10 =	vld [tilespmem:s26+$0x11120];
	v7 =	vadd.f32 v11, v7  }
0x36b: {  	v11 =	vld [tilespmem:s26+$0x141B0]  }
0x36c: {  	v14 =	vld [tilespmem:s26+$0x11130];
	v7 =	vadd.f32 v8, v7  }
0x36d: {  	v8 =	vadd.f32 v13, v12;
	v12 =	vld [tilespmem:s26+$0x149C0]  }
0x36e: {  	v13 =	vld [tilespmem:s26+$0x11140];
	v7 =	vadd.f32 v9, v7  }
0x36f: {  	v3 =	vadd.f32 v10, v3;
	v9 =	vld [tilespmem:s26+$0x151D0]  }
0x370: {  	v10 =	vld [tilespmem:s26+$0x11930];
	v7 =	vadd.f32 v11, v7  }
0x371: {  	v6 =	vadd.f32 v14, v6;
	v11 =	vld [tilespmem:s26+$0x159E0]  }
0x372: {  	v14 =	vld [tilespmem:s26+$0x11940];
	v7 =	vadd.f32 v12, v7  }
0x373: {  	v8 =	vadd.f32 v13, v8;
	v12 =	vld [tilespmem:s26+$0x161F0]  }
0x374: {  	v13 =	vld [tilespmem:s26+$0x11950];
	v7 =	vadd.f32 v9, v7  }
0x375: {  	v3 =	vadd.f32 v10, v3;
	v9 =	vld [tilespmem:s31+$0x16A00]  }
0x376: {  	v10 =	vld [tilespmem:s26+$0x12140];
	v7 =	vadd.f32 v11, v7  }
0x377: {  	v6 =	vadd.f32 v14, v6;
	v11 =	vld [tilespmem:s26+$0x17210]  }
0x378: {  	v14 =	vld [tilespmem:s26+$0x12150];
	v7 =	vadd.f32 v12, v7  }
0x379: {  	v8 =	vadd.f32 v13, v8;
	v12 =	vld [tilespmem:s26+$0x17A20]  }
0x37a: {  	v13 =	vld [tilespmem:s26+$0x12160];
	v7 =	vadd.f32 v9, v7  }
0x37b: {  	v3 =	vadd.f32 v10, v3;
	v9 =	vld [tilespmem:s26+$0x12950]  }
0x37c: {  	v10 =	vld [tilespmem:s26+$0x12960];
	v7 =	vadd.f32 v11, v7  }
0x37d: {  	v11 =	vadd.f32 v14, v6;
	v14 =	vld [tilespmem:s26+$0x12970]  }
0x37e: {  	v15 =	vld [tilespmem:s26+$0x13160];
	v7 =	vadd.f32 v12, v7  }
0x37f: {  	v8 =	vadd.f32 v13, v8;
	v6 =	vld [tilespmem:s31+$0xE900]  }
0x380: {  	v3 =	vadd.f32 v9, v3;
	v9 =	vld [tilespmem:s31+$0xA880];
	[tilespmem:s26+$0x18A30] =	vst v7  }
0x381: {  	v7 =	vadd.f32 v10, v11;
	v10 =	vld [tilespmem:s26+$0x13170]  }
0x382: {  	v8 =	vadd.f32 v14, v8;
	v11 =	vld [tilespmem:s31+$0x13180]  }
0x383: {  	v3 =	vadd.f32 v15, v3;
	v12 =	vld [tilespmem:s26+$0x13970]  }
0x384: {  	v13 =	vld [tilespmem:s31+$0x13980]  }
0x385: {  	v14 =	vld [tilespmem:s26+$0x13990]  }
0x386: {  	v15 =	vld [tilespmem:s31+$0x14180];
	v7 =	vadd.f32 v10, v7  }
0x387: {  	v10 =	vld [tilespmem:s26+$0x14190];
	v8 =	vadd.f32 v11, v8  }
0x388: {  	v3 =	vadd.f32 v12, v3;
	v11 =	vld [tilespmem:s26+$0x141A0]  }
0x389: {  	v12 =	vld [tilespmem:s26+$0x8000];
	v7 =	vadd.f32 v13, v7  }
0x38a: {  	v13 =	vld [tilespmem:s26+$0x8810];
	v8 =	vadd.f32 v14, v8  }
0x38b: {  	v3 =	vadd.f32 v15, v3;
	v14 =	vld [tilespmem:s26+$0x8010]  }
0x38c: {  	v15 =	vld [tilespmem:s26+$0x8820];
	v7 =	vadd.f32 v10, v7  }
0x38d: {  	v10 =	vld [tilespmem:s26+$0x8020];
	v8 =	vadd.f32 v11, v8  }
0x38e: {  	v11 =	vld [tilespmem:s26+$0x8830]  }
0x38f: {  	v12 =	vadd.s32 v12, v13;
	v13 =	vld [tilespmem:s26+$0x8030]  }
0x390: {  	v16 =	vld [tilespmem:s26+$0x8840]  }
0x391: {  	v17 =	vld [tilespmem:s26+$0x9020];
	v14 =	vadd.s32 v14, v15  }
0x392: {  	v15 =	vld [tilespmem:s26+$0x14990]  }
0x393: {  	v18 =	vld [tilespmem:s26+$0x9030];
	v10 =	vadd.s32 v10, v11  }
0x394: {  	v11 =	vld [tilespmem:s26+$0x149A0]  }
0x395: {  	v19 =	vld [tilespmem:s26+$0x9040];
	v13 =	vadd.s32 v13, v16  }
0x396: {  	v12 =	vadd.s32 v17, v12;
	v16 =	vld [tilespmem:s26+$0x149B0]  }
0x397: {  	v3 =	vadd.f32 v15, v3;
	v15 =	vld [tilespmem:s26+$0x9050]  }
0x398: {  	v17 =	vld [tilespmem:s26+$0x9830];
	v14 =	vadd.s32 v18, v14  }
0x399: {  	v18 =	vld [tilespmem:s26+$0x9840];
	v7 =	vadd.f32 v11, v7  }
0x39a: {  	v10 =	vadd.s32 v19, v10;
	v11 =	vld [tilespmem:s26+$0x9850]  }
0x39b: {  	v8 =	vadd.f32 v16, v8;
	v16 =	vld [tilespmem:s26+$0x9860]  }
0x39c: {  	v19 =	vld [tilespmem:s26+$0xA040];
	v13 =	vadd.s32 v15, v13  }
0x39d: {  	v12 =	vadd.s32 v17, v12;
	v15 =	vld [tilespmem:s26+$0x151A0]  }
0x39e: {  	v14 =	vadd.s32 v18, v14;
	v17 =	vld [tilespmem:s26+$0xA050]  }
0x39f: {  	v18 =	vld [tilespmem:s26+$0x151B0];
	v10 =	vadd.s32 v11, v10  }
0x3a0: {  	v11 =	vld [tilespmem:s26+$0xA060];
	v13 =	vadd.s32 v16, v13  }
0x3a1: {  	v12 =	vadd.s32 v19, v12;
	v16 =	vld [tilespmem:s26+$0x151C0]  }
0x3a2: {  	v3 =	vadd.f32 v15, v3;
	v15 =	vld [tilespmem:s26+$0xA070]  }
0x3a3: {  	v19 =	vld [tilespmem:s26+$0xA850];
	v14 =	vadd.s32 v17, v14  }
0x3a4: {  	v17 =	vld [tilespmem:s26+$0xA860];
	v7 =	vadd.f32 v18, v7  }
0x3a5: {  	v10 =	vadd.s32 v11, v10;
	v11 =	vld [tilespmem:s26+$0xA870]  }
0x3a6: {  	v18 =	vld [tilespmem:s26+$0xB060];
	v8 =	vadd.f32 v16, v8  }
0x3a7: {  	v16 =	vld [tilespmem:s26+$0x159B0];
	v13 =	vadd.s32 v15, v13  }
0x3a8: {  	v12 =	vadd.s32 v19, v12;
	v15 =	vld [tilespmem:s26+$0xB070];
	v9 =	vadd.s32 v9, v13  }
0x3a9: {  	v13 =	vadd.s32 v17, v14;
	v14 =	vld [tilespmem:s26+$0x159C0]  }
0x3aa: {  	v10 =	vadd.s32 v11, v10;
	v11 =	vld [tilespmem:s31+$0xB080]  }
0x3ab: {  	v12 =	vadd.s32 v18, v12;
	v17 =	vld [tilespmem:s26+$0x159D0]  }
0x3ac: {  	v3 =	vadd.f32 v16, v3;
	v16 =	vld [tilespmem:s26+$0xB090]  }
0x3ad: {  	v18 =	vld [tilespmem:s26+$0xB870];
	v13 =	vadd.s32 v15, v13  }
0x3ae: {  	v15 =	vld [tilespmem:s31+$0xB880];
	v7 =	vadd.f32 v14, v7  }
0x3af: {  	v10 =	vadd.s32 v11, v10;
	v11 =	vld [tilespmem:s26+$0xB890]  }
0x3b0: {  	v8 =	vadd.f32 v17, v8;
	v14 =	vld [tilespmem:s26+$0xB8A0]  }
0x3b1: {  	v17 =	vld [tilespmem:s31+$0xC080];
	v9 =	vadd.s32 v16, v9  }
0x3b2: {  	v12 =	vadd.s32 v18, v12;
	v16 =	vld [tilespmem:s26+$0x161C0]  }
0x3b3: {  	v13 =	vadd.s32 v15, v13;
	v15 =	vld [tilespmem:s26+$0xC090]  }
0x3b4: {  	v18 =	vld [tilespmem:s26+$0x161D0];
	v10 =	vadd.s32 v11, v10  }
0x3b5: {  	v11 =	vld [tilespmem:s26+$0xC0A0];
	v9 =	vadd.s32 v14, v9  }
0x3b6: {  	v12 =	vadd.s32 v17, v12;
	v14 =	vld [tilespmem:s26+$0x161E0]  }
0x3b7: {  	v3 =	vadd.f32 v16, v3;
	v16 =	vld [tilespmem:s26+$0xC0B0]  }
0x3b8: {  	v17 =	vld [tilespmem:s26+$0xC890];
	v13 =	vadd.s32 v15, v13  }
0x3b9: {  	v15 =	vld [tilespmem:s26+$0xC8A0];
	v7 =	vadd.f32 v18, v7  }
0x3ba: {  	v10 =	vadd.s32 v11, v10;
	v11 =	vld [tilespmem:s26+$0xC8B0]  }
0x3bb: {  	v8 =	vadd.f32 v14, v8;
	v14 =	vld [tilespmem:s26+$0xC8C0]  }
0x3bc: {  	v18 =	vld [tilespmem:s26+$0xD0A0];
	v9 =	vadd.s32 v16, v9  }
0x3bd: {  	v12 =	vadd.s32 v17, v12;
	v16 =	vld [tilespmem:s26+$0x169D0]  }
0x3be: {  	v13 =	vadd.s32 v15, v13;
	v15 =	vld [tilespmem:s26+$0xD0B0]  }
0x3bf: {  	v17 =	vld [tilespmem:s26+$0x169E0];
	v10 =	vadd.s32 v11, v10  }
0x3c0: {  	v11 =	vld [tilespmem:s26+$0xD0C0];
	v9 =	vadd.s32 v14, v9  }
0x3c1: {  	v12 =	vadd.s32 v18, v12;
	v14 =	vld [tilespmem:s26+$0x169F0]  }
0x3c2: {  	v3 =	vadd.f32 v16, v3;
	v16 =	vld [tilespmem:s26+$0xD0D0]  }
0x3c3: {  	v18 =	vld [tilespmem:s26+$0xD8B0];
	v13 =	vadd.s32 v15, v13  }
0x3c4: {  	v15 =	vld [tilespmem:s26+$0xD8C0];
	v7 =	vadd.f32 v17, v7  }
0x3c5: {  	v10 =	vadd.s32 v11, v10;
	v11 =	vld [tilespmem:s26+$0xD8D0]  }
0x3c6: {  	v8 =	vadd.f32 v14, v8;
	v14 =	vld [tilespmem:s26+$0xD8E0]  }
0x3c7: {  	v17 =	vld [tilespmem:s26+$0xE0C0];
	v9 =	vadd.s32 v16, v9  }
0x3c8: {  	v12 =	vadd.s32 v18, v12;
	v16 =	vld [tilespmem:s26+$0x171E0]  }
0x3c9: {  	v13 =	vadd.s32 v15, v13;
	v15 =	vld [tilespmem:s26+$0xE0D0]  }
0x3ca: {  	v18 =	vld [tilespmem:s26+$0x171F0];
	v10 =	vadd.s32 v11, v10  }
0x3cb: {  	v11 =	vld [tilespmem:s26+$0xE0E0];
	v9 =	vadd.s32 v14, v9  }
0x3cc: {  	v12 =	vadd.s32 v17, v12;
	v14 =	vld [tilespmem:s31+$0x17200]  }
0x3cd: {  	v3 =	vadd.f32 v16, v3;
	v16 =	vld [tilespmem:s26+$0xE0F0]  }
0x3ce: {  	v17 =	vld [tilespmem:s26+$0xE8D0];
	v13 =	vadd.s32 v15, v13  }
0x3cf: {  	v15 =	vld [tilespmem:s26+$0xE8E0];
	v18 =	vadd.f32 v18, v7  }
0x3d0: {  	v10 =	vadd.s32 v11, v10;
	v11 =	vld [tilespmem:s26+$0xE8F0]  }
0x3d1: {  	v19 =	vld [tilespmem:s26+$0xF0E0];
	v7 =	vadd.f32 v14, v8  }
0x3d2: {  	v8 =	vld [tilespmem:s26+$0x179F0];
	v9 =	vadd.s32 v16, v9  }
0x3d3: {  	v12 =	vadd.s32 v17, v12;
	v14 =	vld [tilespmem:s26+$0xF0F0];
	v6 =	vadd.s32 v6, v9  }
0x3d4: {  	v13 =	vadd.s32 v15, v13;
	v15 =	vld [tilespmem:s31+$0x17A00]  }
0x3d5: {  	v17 =	vadd.s32 v11, v10;
	v20 =	vld [tilespmem:s31+$0xF100]  }
.Ltmp10:
0x3d6: {  	v9 =	vadd.s32 v19, v12;
	v10 =	vld [tilespmem:s26+$0x17A10];
	(pc) =	sbr.rel @p0 .LBB2_22-.Ltmp10, $4  }
0x3d7: {  	v3 =	vadd.f32 v8, v3;
	v8 =	vld [tilespmem:s26+$0xF110]  }
0x3d8: {  	v12 =	vld [tilespmem:s26+$0xF8F0];
	v11 =	vadd.s32 v14, v13  }
0x3d9: {  	[tilespmem:s26+$0x18A00] =	vst v3;
	v13 =	vld [tilespmem:s31+$0xF900];
	v16 =	vadd.f32 v15, v18  }
0x3da: {  	s30 =	sadd.s32 $0x100, s30;
	v14 =	vadd.s32 v20, v17;
	v15 =	vld [tilespmem:s26+$0xF910]  }
0x3db: {  	v3 =	vadd.f32 v10, v7;
	v7 =	vld [tilespmem:s26+$0xF920]  }
0x3dc: {  	[tilespmem:s26+$0x18A10] =	vst v16  }
0x3dd: {  	v9 =	vadd.s32 v12, v9;
	[tilespmem:s26+$0x18A20] =	vst v3  }
0x3de: {  	[tilespmem:s26+$0x18200] =	vst v9;
	v3 =	vadd.s32 v13, v11  }
0x3df: {  	v6 =	vadd.s32 v8, v6;
	[tilespmem:s26+$0x18210] =	vst v3;
	v3 =	vadd.s32 v15, v14  }
0x3e0: {  	[tilespmem:s26+$0x18220] =	vst v3;
	v3 =	vadd.s32 v7, v6  }
0x3e1: {  	s0 =	simm.s32 $0x18200;
	[tilespmem:s26+$0x18230] =	vst v3  }
0x3e2: {  	[hbm4b:s9+s21] =	stream.strided.scatter [tilespmem:s0], [sflag:$0x3], $0x800, s14, s21, $0x38;
	[tilespmem:$0x1A280] =	vst v63  }
0x3e3: {  	_ =	swait.ge [sflag:s16], $0x800  }
0x3e4: {  	[sflag:s16] =	ssyncset.done $0x0  }
0x3e5: {  	s31 =	simm.s32 $0x18A00;
	[sflag:s16] =	ssyncadd.s32 $0xFFFFF800  }
0x3e6: {  	[hbm4b:s10+s21] =	stream.strided.scatter [tilespmem:s31], [sflag:$0x3], $0x800, s14, s21, $0x38;
	[tilespmem:$0x1A280] =	vst v63  }
0x3e7: {  	s25 =	sadd.s32 $0x1, s25;
	_ =	swait.ge [sflag:s16], $0x800  }
0x3e8: {  	p0 =	sne.s32 s25, s12;
	[sflag:s16] =	ssyncset.done $0x0  }
.Ltmp11:
0x3e9: {  	[sflag:s16] =	ssyncadd.s32 $0xFFFFF800;
	(pc) =	sbr.rel @p0 .LBB2_1-.Ltmp11, $4  }
0x3ea: {  	[hbm4b:s11+s2] =	stream.linear.scatter [tilespmem:s24], [sflag:$0x3], $0x80, $0x38;
	[tilespmem:$0x1A280] =	vst v63  }
0x3eb: {  	_ =	swait.ge [sflag:s16], $0x80  }
0x3ec: {  	[sflag:s16] =	ssyncset.done $0x0  }
0x3ed: {  	[sflag:s16] =	ssyncadd.s32 $0xFFFFFF80  }
0x3ee: {  	_ =	sfence.sel $0x180000  }
0x3ef: {  	[bflag:$0x0] =	sbarrier.arrive $0xFFFF  }
0x3f0: {  	_ =	strace $0x9000004A  }
0x3f1: {  	s0 =	stileid.u32;
	[bflag:$0x2] =	sbarrier.arrive $0xFFFF  }
0x3f2: {  	p0 =	sne.s32 s0, $0x0;
	s0 =	rddreg [dreg:$0x2]  }
0x3f3: {  	s0 =	sadd.s32 @!p0 $0x100000, s0  }
0x3f4: {  	[sflag:s0] =	ssyncadd.tile.s32 @!p0 $0x1;
	_ =	shalt  }
.Lfunc_end2:
_tile_overlayer_lowered:
.L_overlay_start_2:
0x3f5: {  	(tag) =	ssettag $0x2  }
0x3f6: {  	s0 =	rddreg [dreg:$0x0];
	s2 =	stileid.u32  }
0x3f7: {  	s1 =	rddreg [dreg:$0x1];
	p0 =	sne.s32 s2, $0x0  }
0x3f8: {  	s3 =	rddreg [dreg:$0x2];
	[bflag:$0x3] =	sbarrier.arrive $0xFFFF;
	s2 =	simm.s32 @!p0 $0x1C03  }
0x3f9: {  	[timem:s3], [sflag:s2] =	dma.local @!p0 [hbm:s0], s1  }
0x3fa: {  	s0 =	simm.s32 @!p0 $0x3  }
0x3fb: {  	_ =	swait.ge @!p0 [sflag:s0], s1  }
0x3fc: {  	s1 =	ssub.s32 @!p0 $0x0, s1;
	[sflag:s0] =	ssyncset.done @!p0 $0x0  }
0x3fd: {  	[sflag:s0] =	ssyncadd.s32 @!p0 s1  }
0x3fe: {  	[bflag:$0x3] =	sbarrier.arrive $0xFFFF  }
0x3ff: {  	_ =	shalt  }

</sc_bundles>
